<compile_context>
chip_gen: v7x
topology: tpu7x:2x2x1
jax: 0.10.2.dev20260603
libtpu: 0.0.44.dev20260713+nightly
codegen_flags: <defaults>
</compile_context>

<pallas_src>
import functools

import jax
import jax.numpy as jnp
from jax import lax
from jax.experimental import pallas as pl
from jax.experimental.pallas import tpu as pltpu
from jax.experimental.pallas import tpu_sc as plsc

_B, _T = 4, 16
_F = _B * _T
_HW = 384 * 384
_NW = 32
_FPW = _F // _NW
_LANES = 16
_RPC = 24
_UNROLL = 2
_TCR = 216
_CSC = (384 - _TCR) // _RPC


def _sc_body(frames_hbm, out_hbm, r0, g0, b0, r1, g1, b1, row_v,
             sem0, sem1):
    wid = lax.axis_index("s") * 2 + lax.axis_index("c")
    f0 = wid * _FPW
    sems = (sem0, sem1)
    bufs = ((r0, g0, b0), (r1, g1, b1))
    copies = [None, None]

    def start(k, j):
        f, c = divmod(k, _CSC)
        copies[j] = [
            pltpu.async_copy(
                frames_hbm.at[f0 + f, ch, pl.ds(_TCR + c * _RPC, _RPC), :],
                bufs[j][ch],
                sems[j],
            )
            for ch in range(3)
        ]

    def wait(j):
        for cp in copies[j]:
            cp.wait()

    lane = lax.iota(jnp.int32, _LANES)

    def accum_chunk(j, acc):
        def row_it(row, carry):
            def it(i, carry):
                sr, sg, sb, cnt = carry
                for u in range(_UNROLL):
                    off = (i * _UNROLL + u) * _LANES
                    r = bufs[j][0][row, pl.ds(off, _LANES)]
                    g = bufs[j][1][row, pl.ds(off, _LANES)]
                    b = bufs[j][2][row, pl.ds(off, _LANES)]
                    thr = jnp.maximum(jnp.maximum(g + jnp.float32(0.1), b),
                                      jnp.float32(0.4))
                    m = (r > thr) & (g > 0.28) & (b > 0.2)
                    sr = jnp.where(m, sr + r, sr)
                    sg = jnp.where(m, sg + g, sg)
                    sb = jnp.where(m, sb + b, sb)
                    cnt = jnp.where(m, cnt + jnp.float32(1.0), cnt)
                return (sr, sg, sb, cnt)

            return lax.fori_loop(0, 384 // (_LANES * _UNROLL), it, carry)

        return lax.fori_loop(0, _RPC, row_it, acc)

    def lanesum(v):
        for shift in (8, 4, 2, 1):
            v = v + v.at[lane ^ shift].get(mode="promise_in_bounds")
        return v

    zeros = jnp.zeros((_LANES,), jnp.float32)
    total = _FPW * _CSC
    start(0, 0)
    partials = []
    for f in range(_FPW):
        acc = (zeros, zeros, zeros, zeros)
        for c in range(_CSC):
            k = f * _CSC + c
            if k + 1 < total:
                start(k + 1, (k + 1) % 2)
            wait(k % 2)
            acc = accum_chunk(k % 2, acc)
        partials.extend(lanesum(v) for v in acc)

    row = jnp.zeros((_LANES,), jnp.float32)
    for f in range(_FPW):
        for ci in range(4):
            row = jnp.where(lane == (f * 8 + ci), partials[f * 4 + ci], row)
    row_v[...] = row
    pltpu.sync_copy(row_v, out_hbm.at[pl.ds(wid * _LANES, _LANES)])


_sc_call = functools.partial(
    pl.kernel,
    out_type=jax.ShapeDtypeStruct((_NW * _LANES,), jnp.float32),
    mesh=plsc.VectorSubcoreMesh(core_axis_name="c", subcore_axis_name="s"),
    scratch_types=[
        pltpu.VMEM((_RPC, 384), jnp.float32),
        pltpu.VMEM((_RPC, 384), jnp.float32),
        pltpu.VMEM((_RPC, 384), jnp.float32),
        pltpu.VMEM((_RPC, 384), jnp.float32),
        pltpu.VMEM((_RPC, 384), jnp.float32),
        pltpu.VMEM((_RPC, 384), jnp.float32),
        pltpu.VMEM((_LANES,), jnp.float32),
        pltpu.SemaphoreType.DMA,
        pltpu.SemaphoreType.DMA,
    ],
    compiler_params=pltpu.CompilerParams(use_tc_tiling_on_sc=True),
)(_sc_body)


def _tc_body(x_ref, o_ref):
    r = x_ref[0, 0]
    g = x_ref[0, 1]
    b = x_ref[0, 2]
    thr = jnp.maximum(jnp.maximum(g + jnp.float32(0.1), b), jnp.float32(0.4))
    m = (r > thr) & (g > 0.28) & (b > 0.2)
    zero = jnp.float32(0.0)
    one = jnp.float32(1.0)
    parts = []
    for v in (r, g, b, one):
        s = jnp.sum(jnp.where(m, v, zero).reshape(_TCR // 8, 8, 384),
                    axis=0)
        parts.append(s[:, :128] + s[:, 128:256] + s[:, 256:])
    o_ref[0] = jnp.stack(parts, axis=0)


_TCF = 4


def _tc_multi(x_ref, o_ref):
    for f in range(_TCF):
        _tc_body(x_ref.at[pl.ds(f, 1)], o_ref.at[pl.ds(f, 1)])


_tc_call = pl.pallas_call(
    _tc_multi,
    grid=(_F // _TCF,),
    in_specs=[pl.BlockSpec((_TCF, 3, _TCR, 384),
                           lambda i: (i, 0, 0, 0))],
    out_specs=pl.BlockSpec((_TCF, 4, 8, 128), lambda i: (i, 0, 0, 0)),
    out_shape=jax.ShapeDtypeStruct((_F, 4, 8, 128), jnp.float32),
)


def kernel(frames):
    x4 = frames.reshape(_F, 3, 384, 384)
    sc_part = _sc_call(x4)
    tc_part = _tc_call(x4)
    sc4 = sc_part.reshape(_NW, _FPW, 8)[:, :, :4].reshape(_F, 4)
    tot = sc4 + tc_part.sum(axis=(2, 3))
    sums, cnt = tot[:, :3], tot[:, 3:4]
    means = sums / jnp.maximum(cnt, 1.0)
    default = jnp.array([0.5, 0.4, 0.35], dtype=frames.dtype)
    out = jnp.where(cnt > 0, means, default)
    return out.reshape(_B, _T, 3)

# --- scband reference (transcript-rebuilt; emitter-appended) ---
"""Pipeline reference for scband-skin-color-analyzer-72584947302624 (READ-ONLY COPY).

The authoritative reference and input builder live on the scoring server;
editing this copy changes nothing except your own understanding.
"""

import jax, jax.numpy as jnp
import numpy as np


def setup_inputs(seed: int = 0) -> dict:
    key = jax.random.key(seed)
    frames = jax.random.uniform(key, (4, 16, 3, 384, 384), dtype=jnp.float32)
    return {"frames": frames}


def _detect_skin(frames):
    # torch: if frames.max() > 1.0: frames = frames / 255.0 (local to detect_skin only)
    scale = jnp.where(jnp.max(frames) > 1.0, 1.0 / 255.0, 1.0)
    f = frames * scale
    r = f[..., 0, :, :].astype(jnp.float32)
    g = f[..., 1, :, :].astype(jnp.float32)
    b = f[..., 2, :, :].astype(jnp.float32)
    skin_mask = (r > 0.4) & (g > 0.28) & (b > 0.2) & (r > g) & (r > b)
    diff_mask = jnp.abs(r - g) > 0.1
    return skin_mask & diff_mask  # [B, T, H, W] bool


def reference(frames):
    # mask computed under no_grad in torch -> stop_gradient here
    mask = jax.lax.stop_gradient(_detect_skin(frames)).astype(frames.dtype)  # [B,T,H,W]
    counts = jnp.sum(mask, axis=(-2, -1))  # [B, T]
    # masked per-channel sums over spatial dims (segment reduce per frame)
    sums = jnp.sum(frames * mask[:, :, None, :, :], axis=(-2, -1))  # [B, T, 3]
    safe_counts = jnp.maximum(counts, 1.0)
    means = sums / safe_counts[..., None]
    default = jnp.array([0.5, 0.4, 0.35], dtype=frames.dtype)
    out = jnp.where((counts > 0)[..., None], means, default)
    return out  # [B, T, 3]

if __name__ == "__main__":
    import jax
    _d = setup_inputs()
    print(jax.jit(kernel)(*tuple(_d.values())))

</pallas_src>

<mosaic_0001>
#map = affine_map<(d0, d1) -> (0, 0, 0, 0)>
#map1 = affine_map<(d0, d1) -> (0)>
module attributes {stable_mosaic.version = 14 : i64} {
  func.func @_sc_body(%arg0: i32, %arg1: i32, %arg2: memref<64x3x384x384xf32, #tpu.memory_space<hbm>>, %arg3: memref<512xf32, #tpu.memory_space<hbm>>, %arg4: memref<24x384xf32, #tpu.memory_space<vmem>>, %arg5: memref<24x384xf32, #tpu.memory_space<vmem>>, %arg6: memref<24x384xf32, #tpu.memory_space<vmem>>, %arg7: memref<24x384xf32, #tpu.memory_space<vmem>>, %arg8: memref<24x384xf32, #tpu.memory_space<vmem>>, %arg9: memref<24x384xf32, #tpu.memory_space<vmem>>, %arg10: memref<16xf32, #tpu.memory_space<vmem>>, %arg11: memref<!tpu.dma_semaphore, #tpu.memory_space<semaphore_mem>>, %arg12: memref<!tpu.dma_semaphore, #tpu.memory_space<semaphore_mem>>) attributes {dimension_semantics = [#tpu.dimension_semantics<core_parallel>, #tpu.dimension_semantics<subcore_parallel>], iteration_bounds = array<i64: 2, 16>, scalar_prefetch = 0 : i64, scratch_operands = 9 : i64, tpu.core_type = #tpu.core_type<sc_vector_subcore>, window_params = [{transform_indices = #map}, {transform_indices = #map1}]} {
    %mul3A = arith.constant 2 : i32
    %mul3A_0 = arith.muli %arg1, %mul3A : i32
    %add3A = arith.addi %mul3A_0, %arg0 : i32
    %mul3A_1 = arith.constant 2 : i32
    %mul3A_2 = arith.muli %add3A, %mul3A_1 : i32
    %iota3A = tpu.iota {dimensions = array<i32: 0>} : vector<16xi32>
    %broadcast_in_dim3A = arith.constant 0.000000e+00 : f32
    %broadcast_in_dim3A_3 = vector.broadcast %broadcast_in_dim3A : f32 to vector<16xf32>
    %add3A_4 = arith.constant 0 : i32
    %add3A_5 = arith.addi %mul3A_2, %add3A_4 : i32
    %dma_start3A = arith.constant 0 : i32
    %dma_start3A_6 = arith.constant 216 : i32
    %dma_start3A_7 = arith.constant 0 : i32
    %dma_start3A_8 = tpu.memref_slice %arg2[%add3A_5, %dma_start3A, %dma_start3A_6, %dma_start3A_7] : memref<64x3x384x384xf32, #tpu.memory_space<hbm>> -> memref<1x1x24x384xf32, #tpu.memory_space<hbm>>
    %dma_start3A_9 = tpu.memref_squeeze %dma_start3A_8 : memref<1x1x24x384xf32, #tpu.memory_space<hbm>> -> memref<24x384xf32, #tpu.memory_space<hbm>>
    %dma_start3A_10 = arith.constant 216 : i32
    %dma_start3A_11 = arith.constant 0 : i32
    %dma_start3A_12 = tpu.memref_slice %arg2[%add3A_5, %dma_start3A, %dma_start3A_10, %dma_start3A_11] : memref<64x3x384x384xf32, #tpu.memory_space<hbm>> -> memref<1x1x24x384xf32, #tpu.memory_space<hbm>>
    %dma_start3A_13 = tpu.memref_squeeze %dma_start3A_12 : memref<1x1x24x384xf32, #tpu.memory_space<hbm>> -> memref<24x384xf32, #tpu.memory_space<hbm>>
    tpu.enqueue_dma source(%dma_start3A_13 : memref<24x384xf32, #tpu.memory_space<hbm>>) target(%arg4 : memref<24x384xf32, #tpu.memory_space<vmem>>) target_semaphore(%arg11 : memref<!tpu.dma_semaphore, #tpu.memory_space<semaphore_mem>>)
    %add3A_14 = arith.constant 0 : i32
    %add3A_15 = arith.addi %mul3A_2, %add3A_14 : i32
    %dma_start3A_16 = arith.constant 1 : i32
    %dma_start3A_17 = arith.constant 216 : i32
    %dma_start3A_18 = arith.constant 0 : i32
    %dma_start3A_19 = tpu.memref_slice %arg2[%add3A_15, %dma_start3A_16, %dma_start3A_17, %dma_start3A_18] : memref<64x3x384x384xf32, #tpu.memory_space<hbm>> -> memref<1x1x24x384xf32, #tpu.memory_space<hbm>>
    %dma_start3A_20 = tpu.memref_squeeze %dma_start3A_19 : memref<1x1x24x384xf32, #tpu.memory_space<hbm>> -> memref<24x384xf32, #tpu.memory_space<hbm>>
    %dma_start3A_21 = arith.constant 216 : i32
    %dma_start3A_22 = arith.constant 0 : i32
    %dma_start3A_23 = tpu.memref_slice %arg2[%add3A_15, %dma_start3A_16, %dma_start3A_21, %dma_start3A_22] : memref<64x3x384x384xf32, #tpu.memory_space<hbm>> -> memref<1x1x24x384xf32, #tpu.memory_space<hbm>>
    %dma_start3A_24 = tpu.memref_squeeze %dma_start3A_23 : memref<1x1x24x384xf32, #tpu.memory_space<hbm>> -> memref<24x384xf32, #tpu.memory_space<hbm>>
    tpu.enqueue_dma source(%dma_start3A_24 : memref<24x384xf32, #tpu.memory_space<hbm>>) target(%arg5 : memref<24x384xf32, #tpu.memory_space<vmem>>) target_semaphore(%arg11 : memref<!tpu.dma_semaphore, #tpu.memory_space<semaphore_mem>>)
    %add3A_25 = arith.constant 0 : i32
    %add3A_26 = arith.addi %mul3A_2, %add3A_25 : i32
    %dma_start3A_27 = arith.constant 2 : i32
    %dma_start3A_28 = arith.constant 216 : i32
    %dma_start3A_29 = arith.constant 0 : i32
    %dma_start3A_30 = tpu.memref_slice %arg2[%add3A_26, %dma_start3A_27, %dma_start3A_28, %dma_start3A_29] : memref<64x3x384x384xf32, #tpu.memory_space<hbm>> -> memref<1x1x24x384xf32, #tpu.memory_space<hbm>>
    %dma_start3A_31 = tpu.memref_squeeze %dma_start3A_30 : memref<1x1x24x384xf32, #tpu.memory_space<hbm>> -> memref<24x384xf32, #tpu.memory_space<hbm>>
    %dma_start3A_32 = arith.constant 216 : i32
    %dma_start3A_33 = arith.constant 0 : i32
    %dma_start3A_34 = tpu.memref_slice %arg2[%add3A_26, %dma_start3A_27, %dma_start3A_32, %dma_start3A_33] : memref<64x3x384x384xf32, #tpu.memory_space<hbm>> -> memref<1x1x24x384xf32, #tpu.memory_space<hbm>>
    %dma_start3A_35 = tpu.memref_squeeze %dma_start3A_34 : memref<1x1x24x384xf32, #tpu.memory_space<hbm>> -> memref<24x384xf32, #tpu.memory_space<hbm>>
    tpu.enqueue_dma source(%dma_start3A_35 : memref<24x384xf32, #tpu.memory_space<hbm>>) target(%arg6 : memref<24x384xf32, #tpu.memory_space<vmem>>) target_semaphore(%arg11 : memref<!tpu.dma_semaphore, #tpu.memory_space<semaphore_mem>>)
    %add3A_36 = arith.constant 0 : i32
    %add3A_37 = arith.addi %mul3A_2, %add3A_36 : i32
    %dma_start3A_38 = arith.constant 0 : i32
    %dma_start3A_39 = arith.constant 240 : i32
    %dma_start3A_40 = arith.constant 0 : i32
    %dma_start3A_41 = tpu.memref_slice %arg2[%add3A_37, %dma_start3A_38, %dma_start3A_39, %dma_start3A_40] : memref<64x3x384x384xf32, #tpu.memory_space<hbm>> -> memref<1x1x24x384xf32, #tpu.memory_space<hbm>>
    %dma_start3A_42 = tpu.memref_squeeze %dma_start3A_41 : memref<1x1x24x384xf32, #tpu.memory_space<hbm>> -> memref<24x384xf32, #tpu.memory_space<hbm>>
    %dma_start3A_43 = arith.constant 240 : i32
    %dma_start3A_44 = arith.constant 0 : i32
    %dma_start3A_45 = tpu.memref_slice %arg2[%add3A_37, %dma_start3A_38, %dma_start3A_43, %dma_start3A_44] : memref<64x3x384x384xf32, #tpu.memory_space<hbm>> -> memref<1x1x24x384xf32, #tpu.memory_space<hbm>>
    %dma_start3A_46 = tpu.memref_squeeze %dma_start3A_45 : memref<1x1x24x384xf32, #tpu.memory_space<hbm>> -> memref<24x384xf32, #tpu.memory_space<hbm>>
    tpu.enqueue_dma source(%dma_start3A_46 : memref<24x384xf32, #tpu.memory_space<hbm>>) target(%arg7 : memref<24x384xf32, #tpu.memory_space<vmem>>) target_semaphore(%arg12 : memref<!tpu.dma_semaphore, #tpu.memory_space<semaphore_mem>>)
    %add3A_47 = arith.constant 0 : i32
    %add3A_48 = arith.addi %mul3A_2, %add3A_47 : i32
    %dma_start3A_49 = arith.constant 1 : i32
    %dma_start3A_50 = arith.constant 240 : i32
    %dma_start3A_51 = arith.constant 0 : i32
    %dma_start3A_52 = tpu.memref_slice %arg2[%add3A_48, %dma_start3A_49, %dma_start3A_50, %dma_start3A_51] : memref<64x3x384x384xf32, #tpu.memory_space<hbm>> -> memref<1x1x24x384xf32, #tpu.memory_space<hbm>>
    %dma_start3A_53 = tpu.memref_squeeze %dma_start3A_52 : memref<1x1x24x384xf32, #tpu.memory_space<hbm>> -> memref<24x384xf32, #tpu.memory_space<hbm>>
    %dma_start3A_54 = arith.constant 240 : i32
    %dma_start3A_55 = arith.constant 0 : i32
    %dma_start3A_56 = tpu.memref_slice %arg2[%add3A_48, %dma_start3A_49, %dma_start3A_54, %dma_start3A_55] : memref<64x3x384x384xf32, #tpu.memory_space<hbm>> -> memref<1x1x24x384xf32, #tpu.memory_space<hbm>>
    %dma_start3A_57 = tpu.memref_squeeze %dma_start3A_56 : memref<1x1x24x384xf32, #tpu.memory_space<hbm>> -> memref<24x384xf32, #tpu.memory_space<hbm>>
    tpu.enqueue_dma source(%dma_start3A_57 : memref<24x384xf32, #tpu.memory_space<hbm>>) target(%arg8 : memref<24x384xf32, #tpu.memory_space<vmem>>) target_semaphore(%arg12 : memref<!tpu.dma_semaphore, #tpu.memory_space<semaphore_mem>>)
    %add3A_58 = arith.constant 0 : i32
    %add3A_59 = arith.addi %mul3A_2, %add3A_58 : i32
    %dma_start3A_60 = arith.constant 2 : i32
    %dma_start3A_61 = arith.constant 240 : i32
    %dma_start3A_62 = arith.constant 0 : i32
    %dma_start3A_63 = tpu.memref_slice %arg2[%add3A_59, %dma_start3A_60, %dma_start3A_61, %dma_start3A_62] : memref<64x3x384x384xf32, #tpu.memory_space<hbm>> -> memref<1x1x24x384xf32, #tpu.memory_space<hbm>>
    %dma_start3A_64 = tpu.memref_squeeze %dma_start3A_63 : memref<1x1x24x384xf32, #tpu.memory_space<hbm>> -> memref<24x384xf32, #tpu.memory_space<hbm>>
    %dma_start3A_65 = arith.constant 240 : i32
    %dma_start3A_66 = arith.constant 0 : i32
    %dma_start3A_67 = tpu.memref_slice %arg2[%add3A_59, %dma_start3A_60, %dma_start3A_65, %dma_start3A_66] : memref<64x3x384x384xf32, #tpu.memory_space<hbm>> -> memref<1x1x24x384xf32, #tpu.memory_space<hbm>>
    %dma_start3A_68 = tpu.memref_squeeze %dma_start3A_67 : memref<1x1x24x384xf32, #tpu.memory_space<hbm>> -> memref<24x384xf32, #tpu.memory_space<hbm>>
    tpu.enqueue_dma source(%dma_start3A_68 : memref<24x384xf32, #tpu.memory_space<hbm>>) target(%arg9 : memref<24x384xf32, #tpu.memory_space<vmem>>) target_semaphore(%arg12 : memref<!tpu.dma_semaphore, #tpu.memory_space<semaphore_mem>>)
    %dma_wait3A = arith.constant 0 : i32
    %dma_wait3A_69 = arith.constant 216 : i32
    %dma_wait3A_70 = arith.constant 0 : i32
    %dma_wait3A_71 = tpu.memref_slice %arg2[%add3A_5, %dma_wait3A, %dma_wait3A_69, %dma_wait3A_70] : memref<64x3x384x384xf32, #tpu.memory_space<hbm>> -> memref<1x1x24x384xf32, #tpu.memory_space<hbm>>
    %dma_wait3A_72 = tpu.memref_squeeze %dma_wait3A_71 : memref<1x1x24x384xf32, #tpu.memory_space<hbm>> -> memref<24x384xf32, #tpu.memory_space<hbm>>
    %dma_wait3A_73 = arith.constant 216 : i32
    %dma_wait3A_74 = arith.constant 0 : i32
    %dma_wait3A_75 = tpu.memref_slice %arg2[%add3A_5, %dma_wait3A, %dma_wait3A_73, %dma_wait3A_74] : memref<64x3x384x384xf32, #tpu.memory_space<hbm>> -> memref<1x1x24x384xf32, #tpu.memory_space<hbm>>
    %dma_wait3A_76 = tpu.memref_squeeze %dma_wait3A_75 : memref<1x1x24x384xf32, #tpu.memory_space<hbm>> -> memref<24x384xf32, #tpu.memory_space<hbm>>
    tpu.wait_dma2 semaphore(%arg11 : memref<!tpu.dma_semaphore, #tpu.memory_space<semaphore_mem>>) src(%dma_wait3A_76 : memref<24x384xf32, #tpu.memory_space<hbm>>) dst(%arg4 : memref<24x384xf32, #tpu.memory_space<vmem>>)
    %dma_wait3A_77 = arith.constant 1 : i32
    %dma_wait3A_78 = arith.constant 216 : i32
    %dma_wait3A_79 = arith.constant 0 : i32
    %dma_wait3A_80 = tpu.memref_slice %arg2[%add3A_15, %dma_wait3A_77, %dma_wait3A_78, %dma_wait3A_79] : memref<64x3x384x384xf32, #tpu.memory_space<hbm>> -> memref<1x1x24x384xf32, #tpu.memory_space<hbm>>
    %dma_wait3A_81 = tpu.memref_squeeze %dma_wait3A_80 : memref<1x1x24x384xf32, #tpu.memory_space<hbm>> -> memref<24x384xf32, #tpu.memory_space<hbm>>
    %dma_wait3A_82 = arith.constant 216 : i32
    %dma_wait3A_83 = arith.constant 0 : i32
    %dma_wait3A_84 = tpu.memref_slice %arg2[%add3A_15, %dma_wait3A_77, %dma_wait3A_82, %dma_wait3A_83] : memref<64x3x384x384xf32, #tpu.memory_space<hbm>> -> memref<1x1x24x384xf32, #tpu.memory_space<hbm>>
    %dma_wait3A_85 = tpu.memref_squeeze %dma_wait3A_84 : memref<1x1x24x384xf32, #tpu.memory_space<hbm>> -> memref<24x384xf32, #tpu.memory_space<hbm>>
    tpu.wait_dma2 semaphore(%arg11 : memref<!tpu.dma_semaphore, #tpu.memory_space<semaphore_mem>>) src(%dma_wait3A_85 : memref<24x384xf32, #tpu.memory_space<hbm>>) dst(%arg5 : memref<24x384xf32, #tpu.memory_space<vmem>>)
    %dma_wait3A_86 = arith.constant 2 : i32
    %dma_wait3A_87 = arith.constant 216 : i32
    %dma_wait3A_88 = arith.constant 0 : i32
    %dma_wait3A_89 = tpu.memref_slice %arg2[%add3A_26, %dma_wait3A_86, %dma_wait3A_87, %dma_wait3A_88] : memref<64x3x384x384xf32, #tpu.memory_space<hbm>> -> memref<1x1x24x384xf32, #tpu.memory_space<hbm>>
    %dma_wait3A_90 = tpu.memref_squeeze %dma_wait3A_89 : memref<1x1x24x384xf32, #tpu.memory_space<hbm>> -> memref<24x384xf32, #tpu.memory_space<hbm>>
    %dma_wait3A_91 = arith.constant 216 : i32
    %dma_wait3A_92 = arith.constant 0 : i32
    %dma_wait3A_93 = tpu.memref_slice %arg2[%add3A_26, %dma_wait3A_86, %dma_wait3A_91, %dma_wait3A_92] : memref<64x3x384x384xf32, #tpu.memory_space<hbm>> -> memref<1x1x24x384xf32, #tpu.memory_space<hbm>>
    %dma_wait3A_94 = tpu.memref_squeeze %dma_wait3A_93 : memref<1x1x24x384xf32, #tpu.memory_space<hbm>> -> memref<24x384xf32, #tpu.memory_space<hbm>>
    tpu.wait_dma2 semaphore(%arg11 : memref<!tpu.dma_semaphore, #tpu.memory_space<semaphore_mem>>) src(%dma_wait3A_94 : memref<24x384xf32, #tpu.memory_space<hbm>>) dst(%arg6 : memref<24x384xf32, #tpu.memory_space<vmem>>)
    %scan3A = arith.constant 0 : i32
    %scan3A_95 = arith.constant 24 : i32
    %scan3A_96 = arith.addi %scan3A, %scan3A_95 : i32
    %scan3A_97 = arith.constant 1 : i32
    %scan3A_98:4 = scf.for %scan3A_1407 = %scan3A to %scan3A_96 step %scan3A_97 iter_args(%scan3A_1408 = %broadcast_in_dim3A_3, %scan3A_1409 = %broadcast_in_dim3A_3, %scan3A_1410 = %broadcast_in_dim3A_3, %scan3A_1411 = %broadcast_in_dim3A_3) -> (vector<16xf32>, vector<16xf32>, vector<16xf32>, vector<16xf32>)  : i32 {
      %scan3A_1412 = arith.constant 0 : i32
      %scan3A_1413 = arith.constant 12 : i32
      %scan3A_1414 = arith.addi %scan3A_1412, %scan3A_1413 : i32
      %scan3A_1415 = arith.constant 1 : i32
      %scan3A_1416:4 = scf.for %scan3A_1418 = %scan3A_1412 to %scan3A_1414 step %scan3A_1415 iter_args(%scan3A_1419 = %scan3A_1408, %scan3A_1420 = %scan3A_1409, %scan3A_1421 = %scan3A_1410, %scan3A_1422 = %scan3A_1411) -> (vector<16xf32>, vector<16xf32>, vector<16xf32>, vector<16xf32>)  : i32 {
        %mul3A_1423 = arith.constant 2 : i32
        %mul3A_1424 = arith.muli %scan3A_1418, %mul3A_1423 : i32
        %add3A_1425 = arith.constant 0 : i32
        %add3A_1426 = arith.addi %mul3A_1424, %add3A_1425 : i32
        %mul3A_1427 = arith.constant 16 : i32
        %mul3A_1428 = arith.muli %add3A_1426, %mul3A_1427 : i32
        %get3A = arith.index_cast %scan3A_1407 : i32 to index
        %get3A_1429 = arith.index_cast %mul3A_1428 : i32 to index
        %get3A_1430 = tpu.vector_load %arg4[%get3A, %get3A_1429] {strides = array<i32>} : memref<24x384xf32, #tpu.memory_space<vmem>>, vector<1x16xf32>,
        %get3A_1431 = vector.shape_cast %get3A_1430 : vector<1x16xf32> to vector<16xf32>
        %get3A_1432 = arith.index_cast %scan3A_1407 : i32 to index
        %get3A_1433 = arith.index_cast %mul3A_1428 : i32 to index
        %get3A_1434 = tpu.vector_load %arg5[%get3A_1432, %get3A_1433] {strides = array<i32>} : memref<24x384xf32, #tpu.memory_space<vmem>>, vector<1x16xf32>,
        %get3A_1435 = vector.shape_cast %get3A_1434 : vector<1x16xf32> to vector<16xf32>
        %get3A_1436 = arith.index_cast %scan3A_1407 : i32 to index
        %get3A_1437 = arith.index_cast %mul3A_1428 : i32 to index
        %get3A_1438 = tpu.vector_load %arg6[%get3A_1436, %get3A_1437] {strides = array<i32>} : memref<24x384xf32, #tpu.memory_space<vmem>>, vector<1x16xf32>,
        %get3A_1439 = vector.shape_cast %get3A_1438 : vector<1x16xf32> to vector<16xf32>
        %add3A_1440 = arith.constant 1.000000e-01 : f32
        %add3A_1441 = vector.broadcast %add3A_1440 : f32 to vector<16xf32>
        %add3A_1442 = arith.addf %get3A_1435, %add3A_1441 : vector<16xf32>
        %max3A = arith.maximumf %add3A_1442, %get3A_1439 : vector<16xf32>
        %max3A_1443 = arith.constant 4.000000e-01 : f32
        %max3A_1444 = vector.broadcast %max3A_1443 : f32 to vector<16xf32>
        %max3A_1445 = arith.maximumf %max3A, %max3A_1444 : vector<16xf32>
        %gt3A = arith.cmpf ogt, %get3A_1431, %max3A_1445 : vector<16xf32>
        %gt3A_1446 = arith.constant 2.800000e-01 : f32
        %gt3A_1447 = vector.broadcast %gt3A_1446 : f32 to vector<16xf32>
        %gt3A_1448 = arith.cmpf ogt, %get3A_1435, %gt3A_1447 : vector<16xf32>
        %and3A = arith.andi %gt3A, %gt3A_1448 : vector<16xi1>
        %gt3A_1449 = arith.constant 2.000000e-01 : f32
        %gt3A_1450 = vector.broadcast %gt3A_1449 : f32 to vector<16xf32>
        %gt3A_1451 = arith.cmpf ogt, %get3A_1439, %gt3A_1450 : vector<16xf32>
        %and3A_1452 = arith.andi %and3A, %gt3A_1451 : vector<16xi1>
        %add3A_1453 = arith.addf %scan3A_1419, %get3A_1431 : vector<16xf32>
        %select_n3A_1454 = arith.select %and3A_1452, %add3A_1453, %scan3A_1419 : vector<16xi1>, vector<16xf32>
        %add3A_1455 = arith.addf %scan3A_1420, %get3A_1435 : vector<16xf32>
        %select_n3A_1456 = arith.select %and3A_1452, %add3A_1455, %scan3A_1420 : vector<16xi1>, vector<16xf32>
        %add3A_1457 = arith.addf %scan3A_1421, %get3A_1439 : vector<16xf32>
        %select_n3A_1458 = arith.select %and3A_1452, %add3A_1457, %scan3A_1421 : vector<16xi1>, vector<16xf32>
        %add3A_1459 = arith.constant 1.000000e+00 : f32
        %add3A_1460 = vector.broadcast %add3A_1459 : f32 to vector<16xf32>
        %add3A_1461 = arith.addf %scan3A_1422, %add3A_1460 : vector<16xf32>
        %select_n3A_1462 = arith.select %and3A_1452, %add3A_1461, %scan3A_1422 : vector<16xi1>, vector<16xf32>
        %mul3A_1463 = arith.constant 2 : i32
        %mul3A_1464 = arith.muli %scan3A_1418, %mul3A_1463 : i32
        %add3A_1465 = arith.constant 1 : i32
        %add3A_1466 = arith.addi %mul3A_1464, %add3A_1465 : i32
        %mul3A_1467 = arith.constant 16 : i32
        %mul3A_1468 = arith.muli %add3A_1466, %mul3A_1467 : i32
        %get3A_1469 = arith.index_cast %scan3A_1407 : i32 to index
        %get3A_1470 = arith.index_cast %mul3A_1468 : i32 to index
        %get3A_1471 = tpu.vector_load %arg4[%get3A_1469, %get3A_1470] {strides = array<i32>} : memref<24x384xf32, #tpu.memory_space<vmem>>, vector<1x16xf32>,
        %get3A_1472 = vector.shape_cast %get3A_1471 : vector<1x16xf32> to vector<16xf32>
        %get3A_1473 = arith.index_cast %scan3A_1407 : i32 to index
        %get3A_1474 = arith.index_cast %mul3A_1468 : i32 to index
        %get3A_1475 = tpu.vector_load %arg5[%get3A_1473, %get3A_1474] {strides = array<i32>} : memref<24x384xf32, #tpu.memory_space<vmem>>, vector<1x16xf32>,
        %get3A_1476 = vector.shape_cast %get3A_1475 : vector<1x16xf32> to vector<16xf32>
        %get3A_1477 = arith.index_cast %scan3A_1407 : i32 to index
        %get3A_1478 = arith.index_cast %mul3A_1468 : i32 to index
        %get3A_1479 = tpu.vector_load %arg6[%get3A_1477, %get3A_1478] {strides = array<i32>} : memref<24x384xf32, #tpu.memory_space<vmem>>, vector<1x16xf32>,
        %get3A_1480 = vector.shape_cast %get3A_1479 : vector<1x16xf32> to vector<16xf32>
        %add3A_1481 = arith.constant 1.000000e-01 : f32
        %add3A_1482 = vector.broadcast %add3A_1481 : f32 to vector<16xf32>
        %add3A_1483 = arith.addf %get3A_1476, %add3A_1482 : vector<16xf32>
        %max3A_1484 = arith.maximumf %add3A_1483, %get3A_1480 : vector<16xf32>
        %max3A_1485 = arith.constant 4.000000e-01 : f32
        %max3A_1486 = vector.broadcast %max3A_1485 : f32 to vector<16xf32>
        %max3A_1487 = arith.maximumf %max3A_1484, %max3A_1486 : vector<16xf32>
        %gt3A_1488 = arith.cmpf ogt, %get3A_1472, %max3A_1487 : vector<16xf32>
        %gt3A_1489 = arith.constant 2.800000e-01 : f32
        %gt3A_1490 = vector.broadcast %gt3A_1489 : f32 to vector<16xf32>
        %gt3A_1491 = arith.cmpf ogt, %get3A_1476, %gt3A_1490 : vector<16xf32>
        %and3A_1492 = arith.andi %gt3A_1488, %gt3A_1491 : vector<16xi1>
        %gt3A_1493 = arith.constant 2.000000e-01 : f32
        %gt3A_1494 = vector.broadcast %gt3A_1493 : f32 to vector<16xf32>
        %gt3A_1495 = arith.cmpf ogt, %get3A_1480, %gt3A_1494 : vector<16xf32>
        %and3A_1496 = arith.andi %and3A_1492, %gt3A_1495 : vector<16xi1>
        %add3A_1497 = arith.addf %select_n3A_1454, %get3A_1472 : vector<16xf32>
        %select_n3A_1498 = arith.select %and3A_1496, %add3A_1497, %select_n3A_1454 : vector<16xi1>, vector<16xf32>
        %add3A_1499 = arith.addf %select_n3A_1456, %get3A_1476 : vector<16xf32>
        %select_n3A_1500 = arith.select %and3A_1496, %add3A_1499, %select_n3A_1456 : vector<16xi1>, vector<16xf32>
        %add3A_1501 = arith.addf %select_n3A_1458, %get3A_1480 : vector<16xf32>
        %select_n3A_1502 = arith.select %and3A_1496, %add3A_1501, %select_n3A_1458 : vector<16xi1>, vector<16xf32>
        %add3A_1503 = arith.constant 1.000000e+00 : f32
        %add3A_1504 = vector.broadcast %add3A_1503 : f32 to vector<16xf32>
        %add3A_1505 = arith.addf %select_n3A_1462, %add3A_1504 : vector<16xf32>
        %select_n3A_1506 = arith.select %and3A_1496, %add3A_1505, %select_n3A_1462 : vector<16xi1>, vector<16xf32>
        scf.yield %select_n3A_1498, %select_n3A_1500, %select_n3A_1502, %select_n3A_1506 : vector<16xf32>, vector<16xf32>, vector<16xf32>, vector<16xf32>
      }
      %scan3A_1417 = arith.constant 12 : i32
      scf.yield %scan3A_1416#0, %scan3A_1416#1, %scan3A_1416#2, %scan3A_1416#3 : vector<16xf32>, vector<16xf32>, vector<16xf32>, vector<16xf32>
    }
    %scan3A_99 = arith.constant 24 : i32
    %add3A_100 = arith.constant 0 : i32
    %add3A_101 = arith.addi %mul3A_2, %add3A_100 : i32
    %dma_start3A_102 = arith.constant 0 : i32
    %dma_start3A_103 = arith.constant 264 : i32
    %dma_start3A_104 = arith.constant 0 : i32
    %dma_start3A_105 = tpu.memref_slice %arg2[%add3A_101, %dma_start3A_102, %dma_start3A_103, %dma_start3A_104] : memref<64x3x384x384xf32, #tpu.memory_space<hbm>> -> memref<1x1x24x384xf32, #tpu.memory_space<hbm>>
    %dma_start3A_106 = tpu.memref_squeeze %dma_start3A_105 : memref<1x1x24x384xf32, #tpu.memory_space<hbm>> -> memref<24x384xf32, #tpu.memory_space<hbm>>
    %dma_start3A_107 = arith.constant 264 : i32
    %dma_start3A_108 = arith.constant 0 : i32
    %dma_start3A_109 = tpu.memref_slice %arg2[%add3A_101, %dma_start3A_102, %dma_start3A_107, %dma_start3A_108] : memref<64x3x384x384xf32, #tpu.memory_space<hbm>> -> memref<1x1x24x384xf32, #tpu.memory_space<hbm>>
    %dma_start3A_110 = tpu.memref_squeeze %dma_start3A_109 : memref<1x1x24x384xf32, #tpu.memory_space<hbm>> -> memref<24x384xf32, #tpu.memory_space<hbm>>
    tpu.enqueue_dma source(%dma_start3A_110 : memref<24x384xf32, #tpu.memory_space<hbm>>) target(%arg4 : memref<24x384xf32, #tpu.memory_space<vmem>>) target_semaphore(%arg11 : memref<!tpu.dma_semaphore, #tpu.memory_space<semaphore_mem>>)
    %add3A_111 = arith.constant 0 : i32
    %add3A_112 = arith.addi %mul3A_2, %add3A_111 : i32
    %dma_start3A_113 = arith.constant 1 : i32
    %dma_start3A_114 = arith.constant 264 : i32
    %dma_start3A_115 = arith.constant 0 : i32
    %dma_start3A_116 = tpu.memref_slice %arg2[%add3A_112, %dma_start3A_113, %dma_start3A_114, %dma_start3A_115] : memref<64x3x384x384xf32, #tpu.memory_space<hbm>> -> memref<1x1x24x384xf32, #tpu.memory_space<hbm>>
    %dma_start3A_117 = tpu.memref_squeeze %dma_start3A_116 : memref<1x1x24x384xf32, #tpu.memory_space<hbm>> -> memref<24x384xf32, #tpu.memory_space<hbm>>
    %dma_start3A_118 = arith.constant 264 : i32
    %dma_start3A_119 = arith.constant 0 : i32
    %dma_start3A_120 = tpu.memref_slice %arg2[%add3A_112, %dma_start3A_113, %dma_start3A_118, %dma_start3A_119] : memref<64x3x384x384xf32, #tpu.memory_space<hbm>> -> memref<1x1x24x384xf32, #tpu.memory_space<hbm>>
    %dma_start3A_121 = tpu.memref_squeeze %dma_start3A_120 : memref<1x1x24x384xf32, #tpu.memory_space<hbm>> -> memref<24x384xf32, #tpu.memory_space<hbm>>
    tpu.enqueue_dma source(%dma_start3A_121 : memref<24x384xf32, #tpu.memory_space<hbm>>) target(%arg5 : memref<24x384xf32, #tpu.memory_space<vmem>>) target_semaphore(%arg11 : memref<!tpu.dma_semaphore, #tpu.memory_space<semaphore_mem>>)
    %add3A_122 = arith.constant 0 : i32
    %add3A_123 = arith.addi %mul3A_2, %add3A_122 : i32
    %dma_start3A_124 = arith.constant 2 : i32
    %dma_start3A_125 = arith.constant 264 : i32
    %dma_start3A_126 = arith.constant 0 : i32
    %dma_start3A_127 = tpu.memref_slice %arg2[%add3A_123, %dma_start3A_124, %dma_start3A_125, %dma_start3A_126] : memref<64x3x384x384xf32, #tpu.memory_space<hbm>> -> memref<1x1x24x384xf32, #tpu.memory_space<hbm>>
    %dma_start3A_128 = tpu.memref_squeeze %dma_start3A_127 : memref<1x1x24x384xf32, #tpu.memory_space<hbm>> -> memref<24x384xf32, #tpu.memory_space<hbm>>
    %dma_start3A_129 = arith.constant 264 : i32
    %dma_start3A_130 = arith.constant 0 : i32
    %dma_start3A_131 = tpu.memref_slice %arg2[%add3A_123, %dma_start3A_124, %dma_start3A_129, %dma_start3A_130] : memref<64x3x384x384xf32, #tpu.memory_space<hbm>> -> memref<1x1x24x384xf32, #tpu.memory_space<hbm>>
    %dma_start3A_132 = tpu.memref_squeeze %dma_start3A_131 : memref<1x1x24x384xf32, #tpu.memory_space<hbm>> -> memref<24x384xf32, #tpu.memory_space<hbm>>
    tpu.enqueue_dma source(%dma_start3A_132 : memref<24x384xf32, #tpu.memory_space<hbm>>) target(%arg6 : memref<24x384xf32, #tpu.memory_space<vmem>>) target_semaphore(%arg11 : memref<!tpu.dma_semaphore, #tpu.memory_space<semaphore_mem>>)
    %dma_wait3A_133 = arith.constant 0 : i32
    %dma_wait3A_134 = arith.constant 240 : i32
    %dma_wait3A_135 = arith.constant 0 : i32
    %dma_wait3A_136 = tpu.memref_slice %arg2[%add3A_37, %dma_wait3A_133, %dma_wait3A_134, %dma_wait3A_135] : memref<64x3x384x384xf32, #tpu.memory_space<hbm>> -> memref<1x1x24x384xf32, #tpu.memory_space<hbm>>
    %dma_wait3A_137 = tpu.memref_squeeze %dma_wait3A_136 : memref<1x1x24x384xf32, #tpu.memory_space<hbm>> -> memref<24x384xf32, #tpu.memory_space<hbm>>
    %dma_wait3A_138 = arith.constant 240 : i32
    %dma_wait3A_139 = arith.constant 0 : i32
    %dma_wait3A_140 = tpu.memref_slice %arg2[%add3A_37, %dma_wait3A_133, %dma_wait3A_138, %dma_wait3A_139] : memref<64x3x384x384xf32, #tpu.memory_space<hbm>> -> memref<1x1x24x384xf32, #tpu.memory_space<hbm>>
    %dma_wait3A_141 = tpu.memref_squeeze %dma_wait3A_140 : memref<1x1x24x384xf32, #tpu.memory_space<hbm>> -> memref<24x384xf32, #tpu.memory_space<hbm>>
    tpu.wait_dma2 semaphore(%arg12 : memref<!tpu.dma_semaphore, #tpu.memory_space<semaphore_mem>>) src(%dma_wait3A_141 : memref<24x384xf32, #tpu.memory_space<hbm>>) dst(%arg7 : memref<24x384xf32, #tpu.memory_space<vmem>>)
    %dma_wait3A_142 = arith.constant 1 : i32
    %dma_wait3A_143 = arith.constant 240 : i32
    %dma_wait3A_144 = arith.constant 0 : i32
    %dma_wait3A_145 = tpu.memref_slice %arg2[%add3A_48, %dma_wait3A_142, %dma_wait3A_143, %dma_wait3A_144] : memref<64x3x384x384xf32, #tpu.memory_space<hbm>> -> memref<1x1x24x384xf32, #tpu.memory_space<hbm>>
    %dma_wait3A_146 = tpu.memref_squeeze %dma_wait3A_145 : memref<1x1x24x384xf32, #tpu.memory_space<hbm>> -> memref<24x384xf32, #tpu.memory_space<hbm>>
    %dma_wait3A_147 = arith.constant 240 : i32
    %dma_wait3A_148 = arith.constant 0 : i32
    %dma_wait3A_149 = tpu.memref_slice %arg2[%add3A_48, %dma_wait3A_142, %dma_wait3A_147, %dma_wait3A_148] : memref<64x3x384x384xf32, #tpu.memory_space<hbm>> -> memref<1x1x24x384xf32, #tpu.memory_space<hbm>>
    %dma_wait3A_150 = tpu.memref_squeeze %dma_wait3A_149 : memref<1x1x24x384xf32, #tpu.memory_space<hbm>> -> memref<24x384xf32, #tpu.memory_space<hbm>>
    tpu.wait_dma2 semaphore(%arg12 : memref<!tpu.dma_semaphore, #tpu.memory_space<semaphore_mem>>) src(%dma_wait3A_150 : memref<24x384xf32, #tpu.memory_space<hbm>>) dst(%arg8 : memref<24x384xf32, #tpu.memory_space<vmem>>)
    %dma_wait3A_151 = arith.constant 2 : i32
    %dma_wait3A_152 = arith.constant 240 : i32
    %dma_wait3A_153 = arith.constant 0 : i32
    %dma_wait3A_154 = tpu.memref_slice %arg2[%add3A_59, %dma_wait3A_151, %dma_wait3A_152, %dma_wait3A_153] : memref<64x3x384x384xf32, #tpu.memory_space<hbm>> -> memref<1x1x24x384xf32, #tpu.memory_space<hbm>>
    %dma_wait3A_155 = tpu.memref_squeeze %dma_wait3A_154 : memref<1x1x24x384xf32, #tpu.memory_space<hbm>> -> memref<24x384xf32, #tpu.memory_space<hbm>>
    %dma_wait3A_156 = arith.constant 240 : i32
    %dma_wait3A_157 = arith.constant 0 : i32
    %dma_wait3A_158 = tpu.memref_slice %arg2[%add3A_59, %dma_wait3A_151, %dma_wait3A_156, %dma_wait3A_157] : memref<64x3x384x384xf32, #tpu.memory_space<hbm>> -> memref<1x1x24x384xf32, #tpu.memory_space<hbm>>
    %dma_wait3A_159 = tpu.memref_squeeze %dma_wait3A_158 : memref<1x1x24x384xf32, #tpu.memory_space<hbm>> -> memref<24x384xf32, #tpu.memory_space<hbm>>
    tpu.wait_dma2 semaphore(%arg12 : memref<!tpu.dma_semaphore, #tpu.memory_space<semaphore_mem>>) src(%dma_wait3A_159 : memref<24x384xf32, #tpu.memory_space<hbm>>) dst(%arg9 : memref<24x384xf32, #tpu.memory_space<vmem>>)
    %scan3A_160 = arith.constant 0 : i32
    %scan3A_161 = arith.constant 24 : i32
    %scan3A_162 = arith.addi %scan3A_160, %scan3A_161 : i32
    %scan3A_163 = arith.constant 1 : i32
    %scan3A_164:4 = scf.for %scan3A_1407 = %scan3A_160 to %scan3A_162 step %scan3A_163 iter_args(%scan3A_1408 = %scan3A_98#0, %scan3A_1409 = %scan3A_98#1, %scan3A_1410 = %scan3A_98#2, %scan3A_1411 = %scan3A_98#3) -> (vector<16xf32>, vector<16xf32>, vector<16xf32>, vector<16xf32>)  : i32 {
      %scan3A_1412 = arith.constant 0 : i32
      %scan3A_1413 = arith.constant 12 : i32
      %scan3A_1414 = arith.addi %scan3A_1412, %scan3A_1413 : i32
      %scan3A_1415 = arith.constant 1 : i32
      %scan3A_1416:4 = scf.for %scan3A_1418 = %scan3A_1412 to %scan3A_1414 step %scan3A_1415 iter_args(%scan3A_1419 = %scan3A_1408, %scan3A_1420 = %scan3A_1409, %scan3A_1421 = %scan3A_1410, %scan3A_1422 = %scan3A_1411) -> (vector<16xf32>, vector<16xf32>, vector<16xf32>, vector<16xf32>)  : i32 {
        %mul3A_1423 = arith.constant 2 : i32
        %mul3A_1424 = arith.muli %scan3A_1418, %mul3A_1423 : i32
        %add3A_1425 = arith.constant 0 : i32
        %add3A_1426 = arith.addi %mul3A_1424, %add3A_1425 : i32
        %mul3A_1427 = arith.constant 16 : i32
        %mul3A_1428 = arith.muli %add3A_1426, %mul3A_1427 : i32
        %get3A = arith.index_cast %scan3A_1407 : i32 to index
        %get3A_1429 = arith.index_cast %mul3A_1428 : i32 to index
        %get3A_1430 = tpu.vector_load %arg7[%get3A, %get3A_1429] {strides = array<i32>} : memref<24x384xf32, #tpu.memory_space<vmem>>, vector<1x16xf32>,
        %get3A_1431 = vector.shape_cast %get3A_1430 : vector<1x16xf32> to vector<16xf32>
        %get3A_1432 = arith.index_cast %scan3A_1407 : i32 to index
        %get3A_1433 = arith.index_cast %mul3A_1428 : i32 to index
        %get3A_1434 = tpu.vector_load %arg8[%get3A_1432, %get3A_1433] {strides = array<i32>} : memref<24x384xf32, #tpu.memory_space<vmem>>, vector<1x16xf32>,
        %get3A_1435 = vector.shape_cast %get3A_1434 : vector<1x16xf32> to vector<16xf32>
        %get3A_1436 = arith.index_cast %scan3A_1407 : i32 to index
        %get3A_1437 = arith.index_cast %mul3A_1428 : i32 to index
        %get3A_1438 = tpu.vector_load %arg9[%get3A_1436, %get3A_1437] {strides = array<i32>} : memref<24x384xf32, #tpu.memory_space<vmem>>, vector<1x16xf32>,
        %get3A_1439 = vector.shape_cast %get3A_1438 : vector<1x16xf32> to vector<16xf32>
        %add3A_1440 = arith.constant 1.000000e-01 : f32
        %add3A_1441 = vector.broadcast %add3A_1440 : f32 to vector<16xf32>
        %add3A_1442 = arith.addf %get3A_1435, %add3A_1441 : vector<16xf32>
        %max3A = arith.maximumf %add3A_1442, %get3A_1439 : vector<16xf32>
        %max3A_1443 = arith.constant 4.000000e-01 : f32
        %max3A_1444 = vector.broadcast %max3A_1443 : f32 to vector<16xf32>
        %max3A_1445 = arith.maximumf %max3A, %max3A_1444 : vector<16xf32>
        %gt3A = arith.cmpf ogt, %get3A_1431, %max3A_1445 : vector<16xf32>
        %gt3A_1446 = arith.constant 2.800000e-01 : f32
        %gt3A_1447 = vector.broadcast %gt3A_1446 : f32 to vector<16xf32>
        %gt3A_1448 = arith.cmpf ogt, %get3A_1435, %gt3A_1447 : vector<16xf32>
        %and3A = arith.andi %gt3A, %gt3A_1448 : vector<16xi1>
        %gt3A_1449 = arith.constant 2.000000e-01 : f32
        %gt3A_1450 = vector.broadcast %gt3A_1449 : f32 to vector<16xf32>
        %gt3A_1451 = arith.cmpf ogt, %get3A_1439, %gt3A_1450 : vector<16xf32>
        %and3A_1452 = arith.andi %and3A, %gt3A_1451 : vector<16xi1>
        %add3A_1453 = arith.addf %scan3A_1419, %get3A_1431 : vector<16xf32>
        %select_n3A_1454 = arith.select %and3A_1452, %add3A_1453, %scan3A_1419 : vector<16xi1>, vector<16xf32>
        %add3A_1455 = arith.addf %scan3A_1420, %get3A_1435 : vector<16xf32>
        %select_n3A_1456 = arith.select %and3A_1452, %add3A_1455, %scan3A_1420 : vector<16xi1>, vector<16xf32>
        %add3A_1457 = arith.addf %scan3A_1421, %get3A_1439 : vector<16xf32>
        %select_n3A_1458 = arith.select %and3A_1452, %add3A_1457, %scan3A_1421 : vector<16xi1>, vector<16xf32>
        %add3A_1459 = arith.constant 1.000000e+00 : f32
        %add3A_1460 = vector.broadcast %add3A_1459 : f32 to vector<16xf32>
        %add3A_1461 = arith.addf %scan3A_1422, %add3A_1460 : vector<16xf32>
        %select_n3A_1462 = arith.select %and3A_1452, %add3A_1461, %scan3A_1422 : vector<16xi1>, vector<16xf32>
        %mul3A_1463 = arith.constant 2 : i32
        %mul3A_1464 = arith.muli %scan3A_1418, %mul3A_1463 : i32
        %add3A_1465 = arith.constant 1 : i32
        %add3A_1466 = arith.addi %mul3A_1464, %add3A_1465 : i32
        %mul3A_1467 = arith.constant 16 : i32
        %mul3A_1468 = arith.muli %add3A_1466, %mul3A_1467 : i32
        %get3A_1469 = arith.index_cast %scan3A_1407 : i32 to index
        %get3A_1470 = arith.index_cast %mul3A_1468 : i32 to index
        %get3A_1471 = tpu.vector_load %arg7[%get3A_1469, %get3A_1470] {strides = array<i32>} : memref<24x384xf32, #tpu.memory_space<vmem>>, vector<1x16xf32>,
        %get3A_1472 = vector.shape_cast %get3A_1471 : vector<1x16xf32> to vector<16xf32>
        %get3A_1473 = arith.index_cast %scan3A_1407 : i32 to index
        %get3A_1474 = arith.index_cast %mul3A_1468 : i32 to index
        %get3A_1475 = tpu.vector_load %arg8[%get3A_1473, %get3A_1474] {strides = array<i32>} : memref<24x384xf32, #tpu.memory_space<vmem>>, vector<1x16xf32>,
        %get3A_1476 = vector.shape_cast %get3A_1475 : vector<1x16xf32> to vector<16xf32>
        %get3A_1477 = arith.index_cast %scan3A_1407 : i32 to index
        %get3A_1478 = arith.index_cast %mul3A_1468 : i32 to index
        %get3A_1479 = tpu.vector_load %arg9[%get3A_1477, %get3A_1478] {strides = array<i32>} : memref<24x384xf32, #tpu.memory_space<vmem>>, vector<1x16xf32>,
        %get3A_1480 = vector.shape_cast %get3A_1479 : vector<1x16xf32> to vector<16xf32>
        %add3A_1481 = arith.constant 1.000000e-01 : f32
        %add3A_1482 = vector.broadcast %add3A_1481 : f32 to vector<16xf32>
        %add3A_1483 = arith.addf %get3A_1476, %add3A_1482 : vector<16xf32>
        %max3A_1484 = arith.maximumf %add3A_1483, %get3A_1480 : vector<16xf32>
        %max3A_1485 = arith.constant 4.000000e-01 : f32
        %max3A_1486 = vector.broadcast %max3A_1485 : f32 to vector<16xf32>
        %max3A_1487 = arith.maximumf %max3A_1484, %max3A_1486 : vector<16xf32>
        %gt3A_1488 = arith.cmpf ogt, %get3A_1472, %max3A_1487 : vector<16xf32>
        %gt3A_1489 = arith.constant 2.800000e-01 : f32
        %gt3A_1490 = vector.broadcast %gt3A_1489 : f32 to vector<16xf32>
        %gt3A_1491 = arith.cmpf ogt, %get3A_1476, %gt3A_1490 : vector<16xf32>
        %and3A_1492 = arith.andi %gt3A_1488, %gt3A_1491 : vector<16xi1>
        %gt3A_1493 = arith.constant 2.000000e-01 : f32
        %gt3A_1494 = vector.broadcast %gt3A_1493 : f32 to vector<16xf32>
        %gt3A_1495 = arith.cmpf ogt, %get3A_1480, %gt3A_1494 : vector<16xf32>
        %and3A_1496 = arith.andi %and3A_1492, %gt3A_1495 : vector<16xi1>
        %add3A_1497 = arith.addf %select_n3A_1454, %get3A_1472 : vector<16xf32>
        %select_n3A_1498 = arith.select %and3A_1496, %add3A_1497, %select_n3A_1454 : vector<16xi1>, vector<16xf32>
        %add3A_1499 = arith.addf %select_n3A_1456, %get3A_1476 : vector<16xf32>
        %select_n3A_1500 = arith.select %and3A_1496, %add3A_1499, %select_n3A_1456 : vector<16xi1>, vector<16xf32>
        %add3A_1501 = arith.addf %select_n3A_1458, %get3A_1480 : vector<16xf32>
        %select_n3A_1502 = arith.select %and3A_1496, %add3A_1501, %select_n3A_1458 : vector<16xi1>, vector<16xf32>
        %add3A_1503 = arith.constant 1.000000e+00 : f32
        %add3A_1504 = vector.broadcast %add3A_1503 : f32 to vector<16xf32>
        %add3A_1505 = arith.addf %select_n3A_1462, %add3A_1504 : vector<16xf32>
        %select_n3A_1506 = arith.select %and3A_1496, %add3A_1505, %select_n3A_1462 : vector<16xi1>, vector<16xf32>
        scf.yield %select_n3A_1498, %select_n3A_1500, %select_n3A_1502, %select_n3A_1506 : vector<16xf32>, vector<16xf32>, vector<16xf32>, vector<16xf32>
      }
      %scan3A_1417 = arith.constant 12 : i32
      scf.yield %scan3A_1416#0, %scan3A_1416#1, %scan3A_1416#2, %scan3A_1416#3 : vector<16xf32>, vector<16xf32>, vector<16xf32>, vector<16xf32>
    }
    %scan3A_165 = arith.constant 24 : i32
    %add3A_166 = arith.constant 0 : i32
    %add3A_167 = arith.addi %mul3A_2, %add3A_166 : i32
    %dma_start3A_168 = arith.constant 0 : i32
    %dma_start3A_169 = arith.constant 288 : i32
    %dma_start3A_170 = arith.constant 0 : i32
    %dma_start3A_171 = tpu.memref_slice %arg2[%add3A_167, %dma_start3A_168, %dma_start3A_169, %dma_start3A_170] : memref<64x3x384x384xf32, #tpu.memory_space<hbm>> -> memref<1x1x24x384xf32, #tpu.memory_space<hbm>>
    %dma_start3A_172 = tpu.memref_squeeze %dma_start3A_171 : memref<1x1x24x384xf32, #tpu.memory_space<hbm>> -> memref<24x384xf32, #tpu.memory_space<hbm>>
    %dma_start3A_173 = arith.constant 288 : i32
    %dma_start3A_174 = arith.constant 0 : i32
    %dma_start3A_175 = tpu.memref_slice %arg2[%add3A_167, %dma_start3A_168, %dma_start3A_173, %dma_start3A_174] : memref<64x3x384x384xf32, #tpu.memory_space<hbm>> -> memref<1x1x24x384xf32, #tpu.memory_space<hbm>>
    %dma_start3A_176 = tpu.memref_squeeze %dma_start3A_175 : memref<1x1x24x384xf32, #tpu.memory_space<hbm>> -> memref<24x384xf32, #tpu.memory_space<hbm>>
    tpu.enqueue_dma source(%dma_start3A_176 : memref<24x384xf32, #tpu.memory_space<hbm>>) target(%arg7 : memref<24x384xf32, #tpu.memory_space<vmem>>) target_semaphore(%arg12 : memref<!tpu.dma_semaphore, #tpu.memory_space<semaphore_mem>>)
    %add3A_177 = arith.constant 0 : i32
    %add3A_178 = arith.addi %mul3A_2, %add3A_177 : i32
    %dma_start3A_179 = arith.constant 1 : i32
    %dma_start3A_180 = arith.constant 288 : i32
    %dma_start3A_181 = arith.constant 0 : i32
    %dma_start3A_182 = tpu.memref_slice %arg2[%add3A_178, %dma_start3A_179, %dma_start3A_180, %dma_start3A_181] : memref<64x3x384x384xf32, #tpu.memory_space<hbm>> -> memref<1x1x24x384xf32, #tpu.memory_space<hbm>>
    %dma_start3A_183 = tpu.memref_squeeze %dma_start3A_182 : memref<1x1x24x384xf32, #tpu.memory_space<hbm>> -> memref<24x384xf32, #tpu.memory_space<hbm>>
    %dma_start3A_184 = arith.constant 288 : i32
    %dma_start3A_185 = arith.constant 0 : i32
    %dma_start3A_186 = tpu.memref_slice %arg2[%add3A_178, %dma_start3A_179, %dma_start3A_184, %dma_start3A_185] : memref<64x3x384x384xf32, #tpu.memory_space<hbm>> -> memref<1x1x24x384xf32, #tpu.memory_space<hbm>>
    %dma_start3A_187 = tpu.memref_squeeze %dma_start3A_186 : memref<1x1x24x384xf32, #tpu.memory_space<hbm>> -> memref<24x384xf32, #tpu.memory_space<hbm>>
    tpu.enqueue_dma source(%dma_start3A_187 : memref<24x384xf32, #tpu.memory_space<hbm>>) target(%arg8 : memref<24x384xf32, #tpu.memory_space<vmem>>) target_semaphore(%arg12 : memref<!tpu.dma_semaphore, #tpu.memory_space<semaphore_mem>>)
    %add3A_188 = arith.constant 0 : i32
    %add3A_189 = arith.addi %mul3A_2, %add3A_188 : i32
    %dma_start3A_190 = arith.constant 2 : i32
    %dma_start3A_191 = arith.constant 288 : i32
    %dma_start3A_192 = arith.constant 0 : i32
    %dma_start3A_193 = tpu.memref_slice %arg2[%add3A_189, %dma_start3A_190, %dma_start3A_191, %dma_start3A_192] : memref<64x3x384x384xf32, #tpu.memory_space<hbm>> -> memref<1x1x24x384xf32, #tpu.memory_space<hbm>>
    %dma_start3A_194 = tpu.memref_squeeze %dma_start3A_193 : memref<1x1x24x384xf32, #tpu.memory_space<hbm>> -> memref<24x384xf32, #tpu.memory_space<hbm>>
    %dma_start3A_195 = arith.constant 288 : i32
    %dma_start3A_196 = arith.constant 0 : i32
    %dma_start3A_197 = tpu.memref_slice %arg2[%add3A_189, %dma_start3A_190, %dma_start3A_195, %dma_start3A_196] : memref<64x3x384x384xf32, #tpu.memory_space<hbm>> -> memref<1x1x24x384xf32, #tpu.memory_space<hbm>>
    %dma_start3A_198 = tpu.memref_squeeze %dma_start3A_197 : memref<1x1x24x384xf32, #tpu.memory_space<hbm>> -> memref<24x384xf32, #tpu.memory_space<hbm>>
    tpu.enqueue_dma source(%dma_start3A_198 : memref<24x384xf32, #tpu.memory_space<hbm>>) target(%arg9 : memref<24x384xf32, #tpu.memory_space<vmem>>) target_semaphore(%arg12 : memref<!tpu.dma_semaphore, #tpu.memory_space<semaphore_mem>>)
    %dma_wait3A_199 = arith.constant 0 : i32
    %dma_wait3A_200 = arith.constant 264 : i32
    %dma_wait3A_201 = arith.constant 0 : i32
    %dma_wait3A_202 = tpu.memref_slice %arg2[%add3A_101, %dma_wait3A_199, %dma_wait3A_200, %dma_wait3A_201] : memref<64x3x384x384xf32, #tpu.memory_space<hbm>> -> memref<1x1x24x384xf32, #tpu.memory_space<hbm>>
    %dma_wait3A_203 = tpu.memref_squeeze %dma_wait3A_202 : memref<1x1x24x384xf32, #tpu.memory_space<hbm>> -> memref<24x384xf32, #tpu.memory_space<hbm>>
    %dma_wait3A_204 = arith.constant 264 : i32
    %dma_wait3A_205 = arith.constant 0 : i32
    %dma_wait3A_206 = tpu.memref_slice %arg2[%add3A_101, %dma_wait3A_199, %dma_wait3A_204, %dma_wait3A_205] : memref<64x3x384x384xf32, #tpu.memory_space<hbm>> -> memref<1x1x24x384xf32, #tpu.memory_space<hbm>>
    %dma_wait3A_207 = tpu.memref_squeeze %dma_wait3A_206 : memref<1x1x24x384xf32, #tpu.memory_space<hbm>> -> memref<24x384xf32, #tpu.memory_space<hbm>>
    tpu.wait_dma2 semaphore(%arg11 : memref<!tpu.dma_semaphore, #tpu.memory_space<semaphore_mem>>) src(%dma_wait3A_207 : memref<24x384xf32, #tpu.memory_space<hbm>>) dst(%arg4 : memref<24x384xf32, #tpu.memory_space<vmem>>)
    %dma_wait3A_208 = arith.constant 1 : i32
    %dma_wait3A_209 = arith.constant 264 : i32
    %dma_wait3A_210 = arith.constant 0 : i32
    %dma_wait3A_211 = tpu.memref_slice %arg2[%add3A_112, %dma_wait3A_208, %dma_wait3A_209, %dma_wait3A_210] : memref<64x3x384x384xf32, #tpu.memory_space<hbm>> -> memref<1x1x24x384xf32, #tpu.memory_space<hbm>>
    %dma_wait3A_212 = tpu.memref_squeeze %dma_wait3A_211 : memref<1x1x24x384xf32, #tpu.memory_space<hbm>> -> memref<24x384xf32, #tpu.memory_space<hbm>>
    %dma_wait3A_213 = arith.constant 264 : i32
    %dma_wait3A_214 = arith.constant 0 : i32
    %dma_wait3A_215 = tpu.memref_slice %arg2[%add3A_112, %dma_wait3A_208, %dma_wait3A_213, %dma_wait3A_214] : memref<64x3x384x384xf32, #tpu.memory_space<hbm>> -> memref<1x1x24x384xf32, #tpu.memory_space<hbm>>
    %dma_wait3A_216 = tpu.memref_squeeze %dma_wait3A_215 : memref<1x1x24x384xf32, #tpu.memory_space<hbm>> -> memref<24x384xf32, #tpu.memory_space<hbm>>
    tpu.wait_dma2 semaphore(%arg11 : memref<!tpu.dma_semaphore, #tpu.memory_space<semaphore_mem>>) src(%dma_wait3A_216 : memref<24x384xf32, #tpu.memory_space<hbm>>) dst(%arg5 : memref<24x384xf32, #tpu.memory_space<vmem>>)
    %dma_wait3A_217 = arith.constant 2 : i32
    %dma_wait3A_218 = arith.constant 264 : i32
    %dma_wait3A_219 = arith.constant 0 : i32
    %dma_wait3A_220 = tpu.memref_slice %arg2[%add3A_123, %dma_wait3A_217, %dma_wait3A_218, %dma_wait3A_219] : memref<64x3x384x384xf32, #tpu.memory_space<hbm>> -> memref<1x1x24x384xf32, #tpu.memory_space<hbm>>
    %dma_wait3A_221 = tpu.memref_squeeze %dma_wait3A_220 : memref<1x1x24x384xf32, #tpu.memory_space<hbm>> -> memref<24x384xf32, #tpu.memory_space<hbm>>
    %dma_wait3A_222 = arith.constant 264 : i32
    %dma_wait3A_223 = arith.constant 0 : i32
    %dma_wait3A_224 = tpu.memref_slice %arg2[%add3A_123, %dma_wait3A_217, %dma_wait3A_222, %dma_wait3A_223] : memref<64x3x384x384xf32, #tpu.memory_space<hbm>> -> memref<1x1x24x384xf32, #tpu.memory_space<hbm>>
    %dma_wait3A_225 = tpu.memref_squeeze %dma_wait3A_224 : memref<1x1x24x384xf32, #tpu.memory_space<hbm>> -> memref<24x384xf32, #tpu.memory_space<hbm>>
    tpu.wait_dma2 semaphore(%arg11 : memref<!tpu.dma_semaphore, #tpu.memory_space<semaphore_mem>>) src(%dma_wait3A_225 : memref<24x384xf32, #tpu.memory_space<hbm>>) dst(%arg6 : memref<24x384xf32, #tpu.memory_space<vmem>>)
    %scan3A_226 = arith.constant 0 : i32
    %scan3A_227 = arith.constant 24 : i32
    %scan3A_228 = arith.addi %scan3A_226, %scan3A_227 : i32
    %scan3A_229 = arith.constant 1 : i32
    %scan3A_230:4 = scf.for %scan3A_1407 = %scan3A_226 to %scan3A_228 step %scan3A_229 iter_args(%scan3A_1408 = %scan3A_164#0, %scan3A_1409 = %scan3A_164#1, %scan3A_1410 = %scan3A_164#2, %scan3A_1411 = %scan3A_164#3) -> (vector<16xf32>, vector<16xf32>, vector<16xf32>, vector<16xf32>)  : i32 {
      %scan3A_1412 = arith.constant 0 : i32
      %scan3A_1413 = arith.constant 12 : i32
      %scan3A_1414 = arith.addi %scan3A_1412, %scan3A_1413 : i32
      %scan3A_1415 = arith.constant 1 : i32
      %scan3A_1416:4 = scf.for %scan3A_1418 = %scan3A_1412 to %scan3A_1414 step %scan3A_1415 iter_args(%scan3A_1419 = %scan3A_1408, %scan3A_1420 = %scan3A_1409, %scan3A_1421 = %scan3A_1410, %scan3A_1422 = %scan3A_1411) -> (vector<16xf32>, vector<16xf32>, vector<16xf32>, vector<16xf32>)  : i32 {
        %mul3A_1423 = arith.constant 2 : i32
        %mul3A_1424 = arith.muli %scan3A_1418, %mul3A_1423 : i32
        %add3A_1425 = arith.constant 0 : i32
        %add3A_1426 = arith.addi %mul3A_1424, %add3A_1425 : i32
        %mul3A_1427 = arith.constant 16 : i32
        %mul3A_1428 = arith.muli %add3A_1426, %mul3A_1427 : i32
        %get3A = arith.index_cast %scan3A_1407 : i32 to index
        %get3A_1429 = arith.index_cast %mul3A_1428 : i32 to index
        %get3A_1430 = tpu.vector_load %arg4[%get3A, %get3A_1429] {strides = array<i32>} : memref<24x384xf32, #tpu.memory_space<vmem>>, vector<1x16xf32>,
        %get3A_1431 = vector.shape_cast %get3A_1430 : vector<1x16xf32> to vector<16xf32>
        %get3A_1432 = arith.index_cast %scan3A_1407 : i32 to index
        %get3A_1433 = arith.index_cast %mul3A_1428 : i32 to index
        %get3A_1434 = tpu.vector_load %arg5[%get3A_1432, %get3A_1433] {strides = array<i32>} : memref<24x384xf32, #tpu.memory_space<vmem>>, vector<1x16xf32>,
        %get3A_1435 = vector.shape_cast %get3A_1434 : vector<1x16xf32> to vector<16xf32>
        %get3A_1436 = arith.index_cast %scan3A_1407 : i32 to index
        %get3A_1437 = arith.index_cast %mul3A_1428 : i32 to index
        %get3A_1438 = tpu.vector_load %arg6[%get3A_1436, %get3A_1437] {strides = array<i32>} : memref<24x384xf32, #tpu.memory_space<vmem>>, vector<1x16xf32>,
        %get3A_1439 = vector.shape_cast %get3A_1438 : vector<1x16xf32> to vector<16xf32>
        %add3A_1440 = arith.constant 1.000000e-01 : f32
        %add3A_1441 = vector.broadcast %add3A_1440 : f32 to vector<16xf32>
        %add3A_1442 = arith.addf %get3A_1435, %add3A_1441 : vector<16xf32>
        %max3A = arith.maximumf %add3A_1442, %get3A_1439 : vector<16xf32>
        %max3A_1443 = arith.constant 4.000000e-01 : f32
        %max3A_1444 = vector.broadcast %max3A_1443 : f32 to vector<16xf32>
        %max3A_1445 = arith.maximumf %max3A, %max3A_1444 : vector<16xf32>
        %gt3A = arith.cmpf ogt, %get3A_1431, %max3A_1445 : vector<16xf32>
        %gt3A_1446 = arith.constant 2.800000e-01 : f32
        %gt3A_1447 = vector.broadcast %gt3A_1446 : f32 to vector<16xf32>
        %gt3A_1448 = arith.cmpf ogt, %get3A_1435, %gt3A_1447 : vector<16xf32>
        %and3A = arith.andi %gt3A, %gt3A_1448 : vector<16xi1>
        %gt3A_1449 = arith.constant 2.000000e-01 : f32
        %gt3A_1450 = vector.broadcast %gt3A_1449 : f32 to vector<16xf32>
        %gt3A_1451 = arith.cmpf ogt, %get3A_1439, %gt3A_1450 : vector<16xf32>
        %and3A_1452 = arith.andi %and3A, %gt3A_1451 : vector<16xi1>
        %add3A_1453 = arith.addf %scan3A_1419, %get3A_1431 : vector<16xf32>
        %select_n3A_1454 = arith.select %and3A_1452, %add3A_1453, %scan3A_1419 : vector<16xi1>, vector<16xf32>
        %add3A_1455 = arith.addf %scan3A_1420, %get3A_1435 : vector<16xf32>
        %select_n3A_1456 = arith.select %and3A_1452, %add3A_1455, %scan3A_1420 : vector<16xi1>, vector<16xf32>
        %add3A_1457 = arith.addf %scan3A_1421, %get3A_1439 : vector<16xf32>
        %select_n3A_1458 = arith.select %and3A_1452, %add3A_1457, %scan3A_1421 : vector<16xi1>, vector<16xf32>
        %add3A_1459 = arith.constant 1.000000e+00 : f32
        %add3A_1460 = vector.broadcast %add3A_1459 : f32 to vector<16xf32>
        %add3A_1461 = arith.addf %scan3A_1422, %add3A_1460 : vector<16xf32>
        %select_n3A_1462 = arith.select %and3A_1452, %add3A_1461, %scan3A_1422 : vector<16xi1>, vector<16xf32>
        %mul3A_1463 = arith.constant 2 : i32
        %mul3A_1464 = arith.muli %scan3A_1418, %mul3A_1463 : i32
        %add3A_1465 = arith.constant 1 : i32
        %add3A_1466 = arith.addi %mul3A_1464, %add3A_1465 : i32
        %mul3A_1467 = arith.constant 16 : i32
        %mul3A_1468 = arith.muli %add3A_1466, %mul3A_1467 : i32
        %get3A_1469 = arith.index_cast %scan3A_1407 : i32 to index
        %get3A_1470 = arith.index_cast %mul3A_1468 : i32 to index
        %get3A_1471 = tpu.vector_load %arg4[%get3A_1469, %get3A_1470] {strides = array<i32>} : memref<24x384xf32, #tpu.memory_space<vmem>>, vector<1x16xf32>,
        %get3A_1472 = vector.shape_cast %get3A_1471 : vector<1x16xf32> to vector<16xf32>
        %get3A_1473 = arith.index_cast %scan3A_1407 : i32 to index
        %get3A_1474 = arith.index_cast %mul3A_1468 : i32 to index
        %get3A_1475 = tpu.vector_load %arg5[%get3A_1473, %get3A_1474] {strides = array<i32>} : memref<24x384xf32, #tpu.memory_space<vmem>>, vector<1x16xf32>,
        %get3A_1476 = vector.shape_cast %get3A_1475 : vector<1x16xf32> to vector<16xf32>
        %get3A_1477 = arith.index_cast %scan3A_1407 : i32 to index
        %get3A_1478 = arith.index_cast %mul3A_1468 : i32 to index
        %get3A_1479 = tpu.vector_load %arg6[%get3A_1477, %get3A_1478] {strides = array<i32>} : memref<24x384xf32, #tpu.memory_space<vmem>>, vector<1x16xf32>,
        %get3A_1480 = vector.shape_cast %get3A_1479 : vector<1x16xf32> to vector<16xf32>
        %add3A_1481 = arith.constant 1.000000e-01 : f32
        %add3A_1482 = vector.broadcast %add3A_1481 : f32 to vector<16xf32>
        %add3A_1483 = arith.addf %get3A_1476, %add3A_1482 : vector<16xf32>
        %max3A_1484 = arith.maximumf %add3A_1483, %get3A_1480 : vector<16xf32>
        %max3A_1485 = arith.constant 4.000000e-01 : f32
        %max3A_1486 = vector.broadcast %max3A_1485 : f32 to vector<16xf32>
        %max3A_1487 = arith.maximumf %max3A_1484, %max3A_1486 : vector<16xf32>
        %gt3A_1488 = arith.cmpf ogt, %get3A_1472, %max3A_1487 : vector<16xf32>
        %gt3A_1489 = arith.constant 2.800000e-01 : f32
        %gt3A_1490 = vector.broadcast %gt3A_1489 : f32 to vector<16xf32>
        %gt3A_1491 = arith.cmpf ogt, %get3A_1476, %gt3A_1490 : vector<16xf32>
        %and3A_1492 = arith.andi %gt3A_1488, %gt3A_1491 : vector<16xi1>
        %gt3A_1493 = arith.constant 2.000000e-01 : f32
        %gt3A_1494 = vector.broadcast %gt3A_1493 : f32 to vector<16xf32>
        %gt3A_1495 = arith.cmpf ogt, %get3A_1480, %gt3A_1494 : vector<16xf32>
        %and3A_1496 = arith.andi %and3A_1492, %gt3A_1495 : vector<16xi1>
        %add3A_1497 = arith.addf %select_n3A_1454, %get3A_1472 : vector<16xf32>
        %select_n3A_1498 = arith.select %and3A_1496, %add3A_1497, %select_n3A_1454 : vector<16xi1>, vector<16xf32>
        %add3A_1499 = arith.addf %select_n3A_1456, %get3A_1476 : vector<16xf32>
        %select_n3A_1500 = arith.select %and3A_1496, %add3A_1499, %select_n3A_1456 : vector<16xi1>, vector<16xf32>
        %add3A_1501 = arith.addf %select_n3A_1458, %get3A_1480 : vector<16xf32>
        %select_n3A_1502 = arith.select %and3A_1496, %add3A_1501, %select_n3A_1458 : vector<16xi1>, vector<16xf32>
        %add3A_1503 = arith.constant 1.000000e+00 : f32
        %add3A_1504 = vector.broadcast %add3A_1503 : f32 to vector<16xf32>
        %add3A_1505 = arith.addf %select_n3A_1462, %add3A_1504 : vector<16xf32>
        %select_n3A_1506 = arith.select %and3A_1496, %add3A_1505, %select_n3A_1462 : vector<16xi1>, vector<16xf32>
        scf.yield %select_n3A_1498, %select_n3A_1500, %select_n3A_1502, %select_n3A_1506 : vector<16xf32>, vector<16xf32>, vector<16xf32>, vector<16xf32>
      }
      %scan3A_1417 = arith.constant 12 : i32
      scf.yield %scan3A_1416#0, %scan3A_1416#1, %scan3A_1416#2, %scan3A_1416#3 : vector<16xf32>, vector<16xf32>, vector<16xf32>, vector<16xf32>
    }
    %scan3A_231 = arith.constant 24 : i32
    %add3A_232 = arith.constant 0 : i32
    %add3A_233 = arith.addi %mul3A_2, %add3A_232 : i32
    %dma_start3A_234 = arith.constant 0 : i32
    %dma_start3A_235 = arith.constant 312 : i32
    %dma_start3A_236 = arith.constant 0 : i32
    %dma_start3A_237 = tpu.memref_slice %arg2[%add3A_233, %dma_start3A_234, %dma_start3A_235, %dma_start3A_236] : memref<64x3x384x384xf32, #tpu.memory_space<hbm>> -> memref<1x1x24x384xf32, #tpu.memory_space<hbm>>
    %dma_start3A_238 = tpu.memref_squeeze %dma_start3A_237 : memref<1x1x24x384xf32, #tpu.memory_space<hbm>> -> memref<24x384xf32, #tpu.memory_space<hbm>>
    %dma_start3A_239 = arith.constant 312 : i32
    %dma_start3A_240 = arith.constant 0 : i32
    %dma_start3A_241 = tpu.memref_slice %arg2[%add3A_233, %dma_start3A_234, %dma_start3A_239, %dma_start3A_240] : memref<64x3x384x384xf32, #tpu.memory_space<hbm>> -> memref<1x1x24x384xf32, #tpu.memory_space<hbm>>
    %dma_start3A_242 = tpu.memref_squeeze %dma_start3A_241 : memref<1x1x24x384xf32, #tpu.memory_space<hbm>> -> memref<24x384xf32, #tpu.memory_space<hbm>>
    tpu.enqueue_dma source(%dma_start3A_242 : memref<24x384xf32, #tpu.memory_space<hbm>>) target(%arg4 : memref<24x384xf32, #tpu.memory_space<vmem>>) target_semaphore(%arg11 : memref<!tpu.dma_semaphore, #tpu.memory_space<semaphore_mem>>)
    %add3A_243 = arith.constant 0 : i32
    %add3A_244 = arith.addi %mul3A_2, %add3A_243 : i32
    %dma_start3A_245 = arith.constant 1 : i32
    %dma_start3A_246 = arith.constant 312 : i32
    %dma_start3A_247 = arith.constant 0 : i32
    %dma_start3A_248 = tpu.memref_slice %arg2[%add3A_244, %dma_start3A_245, %dma_start3A_246, %dma_start3A_247] : memref<64x3x384x384xf32, #tpu.memory_space<hbm>> -> memref<1x1x24x384xf32, #tpu.memory_space<hbm>>
    %dma_start3A_249 = tpu.memref_squeeze %dma_start3A_248 : memref<1x1x24x384xf32, #tpu.memory_space<hbm>> -> memref<24x384xf32, #tpu.memory_space<hbm>>
    %dma_start3A_250 = arith.constant 312 : i32
    %dma_start3A_251 = arith.constant 0 : i32
    %dma_start3A_252 = tpu.memref_slice %arg2[%add3A_244, %dma_start3A_245, %dma_start3A_250, %dma_start3A_251] : memref<64x3x384x384xf32, #tpu.memory_space<hbm>> -> memref<1x1x24x384xf32, #tpu.memory_space<hbm>>
    %dma_start3A_253 = tpu.memref_squeeze %dma_start3A_252 : memref<1x1x24x384xf32, #tpu.memory_space<hbm>> -> memref<24x384xf32, #tpu.memory_space<hbm>>
    tpu.enqueue_dma source(%dma_start3A_253 : memref<24x384xf32, #tpu.memory_space<hbm>>) target(%arg5 : memref<24x384xf32, #tpu.memory_space<vmem>>) target_semaphore(%arg11 : memref<!tpu.dma_semaphore, #tpu.memory_space<semaphore_mem>>)
    %add3A_254 = arith.constant 0 : i32
    %add3A_255 = arith.addi %mul3A_2, %add3A_254 : i32
    %dma_start3A_256 = arith.constant 2 : i32
    %dma_start3A_257 = arith.constant 312 : i32
    %dma_start3A_258 = arith.constant 0 : i32
    %dma_start3A_259 = tpu.memref_slice %arg2[%add3A_255, %dma_start3A_256, %dma_start3A_257, %dma_start3A_258] : memref<64x3x384x384xf32, #tpu.memory_space<hbm>> -> memref<1x1x24x384xf32, #tpu.memory_space<hbm>>
    %dma_start3A_260 = tpu.memref_squeeze %dma_start3A_259 : memref<1x1x24x384xf32, #tpu.memory_space<hbm>> -> memref<24x384xf32, #tpu.memory_space<hbm>>
    %dma_start3A_261 = arith.constant 312 : i32
    %dma_start3A_262 = arith.constant 0 : i32
    %dma_start3A_263 = tpu.memref_slice %arg2[%add3A_255, %dma_start3A_256, %dma_start3A_261, %dma_start3A_262] : memref<64x3x384x384xf32, #tpu.memory_space<hbm>> -> memref<1x1x24x384xf32, #tpu.memory_space<hbm>>
    %dma_start3A_264 = tpu.memref_squeeze %dma_start3A_263 : memref<1x1x24x384xf32, #tpu.memory_space<hbm>> -> memref<24x384xf32, #tpu.memory_space<hbm>>
    tpu.enqueue_dma source(%dma_start3A_264 : memref<24x384xf32, #tpu.memory_space<hbm>>) target(%arg6 : memref<24x384xf32, #tpu.memory_space<vmem>>) target_semaphore(%arg11 : memref<!tpu.dma_semaphore, #tpu.memory_space<semaphore_mem>>)
    %dma_wait3A_265 = arith.constant 0 : i32
    %dma_wait3A_266 = arith.constant 288 : i32
    %dma_wait3A_267 = arith.constant 0 : i32
    %dma_wait3A_268 = tpu.memref_slice %arg2[%add3A_167, %dma_wait3A_265, %dma_wait3A_266, %dma_wait3A_267] : memref<64x3x384x384xf32, #tpu.memory_space<hbm>> -> memref<1x1x24x384xf32, #tpu.memory_space<hbm>>
    %dma_wait3A_269 = tpu.memref_squeeze %dma_wait3A_268 : memref<1x1x24x384xf32, #tpu.memory_space<hbm>> -> memref<24x384xf32, #tpu.memory_space<hbm>>
    %dma_wait3A_270 = arith.constant 288 : i32
    %dma_wait3A_271 = arith.constant 0 : i32
    %dma_wait3A_272 = tpu.memref_slice %arg2[%add3A_167, %dma_wait3A_265, %dma_wait3A_270, %dma_wait3A_271] : memref<64x3x384x384xf32, #tpu.memory_space<hbm>> -> memref<1x1x24x384xf32, #tpu.memory_space<hbm>>
    %dma_wait3A_273 = tpu.memref_squeeze %dma_wait3A_272 : memref<1x1x24x384xf32, #tpu.memory_space<hbm>> -> memref<24x384xf32, #tpu.memory_space<hbm>>
    tpu.wait_dma2 semaphore(%arg12 : memref<!tpu.dma_semaphore, #tpu.memory_space<semaphore_mem>>) src(%dma_wait3A_273 : memref<24x384xf32, #tpu.memory_space<hbm>>) dst(%arg7 : memref<24x384xf32, #tpu.memory_space<vmem>>)
    %dma_wait3A_274 = arith.constant 1 : i32
    %dma_wait3A_275 = arith.constant 288 : i32
    %dma_wait3A_276 = arith.constant 0 : i32
    %dma_wait3A_277 = tpu.memref_slice %arg2[%add3A_178, %dma_wait3A_274, %dma_wait3A_275, %dma_wait3A_276] : memref<64x3x384x384xf32, #tpu.memory_space<hbm>> -> memref<1x1x24x384xf32, #tpu.memory_space<hbm>>
    %dma_wait3A_278 = tpu.memref_squeeze %dma_wait3A_277 : memref<1x1x24x384xf32, #tpu.memory_space<hbm>> -> memref<24x384xf32, #tpu.memory_space<hbm>>
    %dma_wait3A_279 = arith.constant 288 : i32
    %dma_wait3A_280 = arith.constant 0 : i32
    %dma_wait3A_281 = tpu.memref_slice %arg2[%add3A_178, %dma_wait3A_274, %dma_wait3A_279, %dma_wait3A_280] : memref<64x3x384x384xf32, #tpu.memory_space<hbm>> -> memref<1x1x24x384xf32, #tpu.memory_space<hbm>>
    %dma_wait3A_282 = tpu.memref_squeeze %dma_wait3A_281 : memref<1x1x24x384xf32, #tpu.memory_space<hbm>> -> memref<24x384xf32, #tpu.memory_space<hbm>>
    tpu.wait_dma2 semaphore(%arg12 : memref<!tpu.dma_semaphore, #tpu.memory_space<semaphore_mem>>) src(%dma_wait3A_282 : memref<24x384xf32, #tpu.memory_space<hbm>>) dst(%arg8 : memref<24x384xf32, #tpu.memory_space<vmem>>)
    %dma_wait3A_283 = arith.constant 2 : i32
    %dma_wait3A_284 = arith.constant 288 : i32
    %dma_wait3A_285 = arith.constant 0 : i32
    %dma_wait3A_286 = tpu.memref_slice %arg2[%add3A_189, %dma_wait3A_283, %dma_wait3A_284, %dma_wait3A_285] : memref<64x3x384x384xf32, #tpu.memory_space<hbm>> -> memref<1x1x24x384xf32, #tpu.memory_space<hbm>>
    %dma_wait3A_287 = tpu.memref_squeeze %dma_wait3A_286 : memref<1x1x24x384xf32, #tpu.memory_space<hbm>> -> memref<24x384xf32, #tpu.memory_space<hbm>>
    %dma_wait3A_288 = arith.constant 288 : i32
    %dma_wait3A_289 = arith.constant 0 : i32
    %dma_wait3A_290 = tpu.memref_slice %arg2[%add3A_189, %dma_wait3A_283, %dma_wait3A_288, %dma_wait3A_289] : memref<64x3x384x384xf32, #tpu.memory_space<hbm>> -> memref<1x1x24x384xf32, #tpu.memory_space<hbm>>
    %dma_wait3A_291 = tpu.memref_squeeze %dma_wait3A_290 : memref<1x1x24x384xf32, #tpu.memory_space<hbm>> -> memref<24x384xf32, #tpu.memory_space<hbm>>
    tpu.wait_dma2 semaphore(%arg12 : memref<!tpu.dma_semaphore, #tpu.memory_space<semaphore_mem>>) src(%dma_wait3A_291 : memref<24x384xf32, #tpu.memory_space<hbm>>) dst(%arg9 : memref<24x384xf32, #tpu.memory_space<vmem>>)
    %scan3A_292 = arith.constant 0 : i32
    %scan3A_293 = arith.constant 24 : i32
    %scan3A_294 = arith.addi %scan3A_292, %scan3A_293 : i32
    %scan3A_295 = arith.constant 1 : i32
    %scan3A_296:4 = scf.for %scan3A_1407 = %scan3A_292 to %scan3A_294 step %scan3A_295 iter_args(%scan3A_1408 = %scan3A_230#0, %scan3A_1409 = %scan3A_230#1, %scan3A_1410 = %scan3A_230#2, %scan3A_1411 = %scan3A_230#3) -> (vector<16xf32>, vector<16xf32>, vector<16xf32>, vector<16xf32>)  : i32 {
      %scan3A_1412 = arith.constant 0 : i32
      %scan3A_1413 = arith.constant 12 : i32
      %scan3A_1414 = arith.addi %scan3A_1412, %scan3A_1413 : i32
      %scan3A_1415 = arith.constant 1 : i32
      %scan3A_1416:4 = scf.for %scan3A_1418 = %scan3A_1412 to %scan3A_1414 step %scan3A_1415 iter_args(%scan3A_1419 = %scan3A_1408, %scan3A_1420 = %scan3A_1409, %scan3A_1421 = %scan3A_1410, %scan3A_1422 = %scan3A_1411) -> (vector<16xf32>, vector<16xf32>, vector<16xf32>, vector<16xf32>)  : i32 {
        %mul3A_1423 = arith.constant 2 : i32
        %mul3A_1424 = arith.muli %scan3A_1418, %mul3A_1423 : i32
        %add3A_1425 = arith.constant 0 : i32
        %add3A_1426 = arith.addi %mul3A_1424, %add3A_1425 : i32
        %mul3A_1427 = arith.constant 16 : i32
        %mul3A_1428 = arith.muli %add3A_1426, %mul3A_1427 : i32
        %get3A = arith.index_cast %scan3A_1407 : i32 to index
        %get3A_1429 = arith.index_cast %mul3A_1428 : i32 to index
        %get3A_1430 = tpu.vector_load %arg7[%get3A, %get3A_1429] {strides = array<i32>} : memref<24x384xf32, #tpu.memory_space<vmem>>, vector<1x16xf32>,
        %get3A_1431 = vector.shape_cast %get3A_1430 : vector<1x16xf32> to vector<16xf32>
        %get3A_1432 = arith.index_cast %scan3A_1407 : i32 to index
        %get3A_1433 = arith.index_cast %mul3A_1428 : i32 to index
        %get3A_1434 = tpu.vector_load %arg8[%get3A_1432, %get3A_1433] {strides = array<i32>} : memref<24x384xf32, #tpu.memory_space<vmem>>, vector<1x16xf32>,
        %get3A_1435 = vector.shape_cast %get3A_1434 : vector<1x16xf32> to vector<16xf32>
        %get3A_1436 = arith.index_cast %scan3A_1407 : i32 to index
        %get3A_1437 = arith.index_cast %mul3A_1428 : i32 to index
        %get3A_1438 = tpu.vector_load %arg9[%get3A_1436, %get3A_1437] {strides = array<i32>} : memref<24x384xf32, #tpu.memory_space<vmem>>, vector<1x16xf32>,
        %get3A_1439 = vector.shape_cast %get3A_1438 : vector<1x16xf32> to vector<16xf32>
        %add3A_1440 = arith.constant 1.000000e-01 : f32
        %add3A_1441 = vector.broadcast %add3A_1440 : f32 to vector<16xf32>
        %add3A_1442 = arith.addf %get3A_1435, %add3A_1441 : vector<16xf32>
        %max3A = arith.maximumf %add3A_1442, %get3A_1439 : vector<16xf32>
        %max3A_1443 = arith.constant 4.000000e-01 : f32
        %max3A_1444 = vector.broadcast %max3A_1443 : f32 to vector<16xf32>
        %max3A_1445 = arith.maximumf %max3A, %max3A_1444 : vector<16xf32>
        %gt3A = arith.cmpf ogt, %get3A_1431, %max3A_1445 : vector<16xf32>
        %gt3A_1446 = arith.constant 2.800000e-01 : f32
        %gt3A_1447 = vector.broadcast %gt3A_1446 : f32 to vector<16xf32>
        %gt3A_1448 = arith.cmpf ogt, %get3A_1435, %gt3A_1447 : vector<16xf32>
        %and3A = arith.andi %gt3A, %gt3A_1448 : vector<16xi1>
        %gt3A_1449 = arith.constant 2.000000e-01 : f32
        %gt3A_1450 = vector.broadcast %gt3A_1449 : f32 to vector<16xf32>
        %gt3A_1451 = arith.cmpf ogt, %get3A_1439, %gt3A_1450 : vector<16xf32>
        %and3A_1452 = arith.andi %and3A, %gt3A_1451 : vector<16xi1>
        %add3A_1453 = arith.addf %scan3A_1419, %get3A_1431 : vector<16xf32>
        %select_n3A_1454 = arith.select %and3A_1452, %add3A_1453, %scan3A_1419 : vector<16xi1>, vector<16xf32>
        %add3A_1455 = arith.addf %scan3A_1420, %get3A_1435 : vector<16xf32>
        %select_n3A_1456 = arith.select %and3A_1452, %add3A_1455, %scan3A_1420 : vector<16xi1>, vector<16xf32>
        %add3A_1457 = arith.addf %scan3A_1421, %get3A_1439 : vector<16xf32>
        %select_n3A_1458 = arith.select %and3A_1452, %add3A_1457, %scan3A_1421 : vector<16xi1>, vector<16xf32>
        %add3A_1459 = arith.constant 1.000000e+00 : f32
        %add3A_1460 = vector.broadcast %add3A_1459 : f32 to vector<16xf32>
        %add3A_1461 = arith.addf %scan3A_1422, %add3A_1460 : vector<16xf32>
        %select_n3A_1462 = arith.select %and3A_1452, %add3A_1461, %scan3A_1422 : vector<16xi1>, vector<16xf32>
        %mul3A_1463 = arith.constant 2 : i32
        %mul3A_1464 = arith.muli %scan3A_1418, %mul3A_1463 : i32
        %add3A_1465 = arith.constant 1 : i32
        %add3A_1466 = arith.addi %mul3A_1464, %add3A_1465 : i32
        %mul3A_1467 = arith.constant 16 : i32
        %mul3A_1468 = arith.muli %add3A_1466, %mul3A_1467 : i32
        %get3A_1469 = arith.index_cast %scan3A_1407 : i32 to index
        %get3A_1470 = arith.index_cast %mul3A_1468 : i32 to index
        %get3A_1471 = tpu.vector_load %arg7[%get3A_1469, %get3A_1470] {strides = array<i32>} : memref<24x384xf32, #tpu.memory_space<vmem>>, vector<1x16xf32>,
        %get3A_1472 = vector.shape_cast %get3A_1471 : vector<1x16xf32> to vector<16xf32>
        %get3A_1473 = arith.index_cast %scan3A_1407 : i32 to index
        %get3A_1474 = arith.index_cast %mul3A_1468 : i32 to index
        %get3A_1475 = tpu.vector_load %arg8[%get3A_1473, %get3A_1474] {strides = array<i32>} : memref<24x384xf32, #tpu.memory_space<vmem>>, vector<1x16xf32>,
        %get3A_1476 = vector.shape_cast %get3A_1475 : vector<1x16xf32> to vector<16xf32>
        %get3A_1477 = arith.index_cast %scan3A_1407 : i32 to index
        %get3A_1478 = arith.index_cast %mul3A_1468 : i32 to index
        %get3A_1479 = tpu.vector_load %arg9[%get3A_1477, %get3A_1478] {strides = array<i32>} : memref<24x384xf32, #tpu.memory_space<vmem>>, vector<1x16xf32>,
        %get3A_1480 = vector.shape_cast %get3A_1479 : vector<1x16xf32> to vector<16xf32>
        %add3A_1481 = arith.constant 1.000000e-01 : f32
        %add3A_1482 = vector.broadcast %add3A_1481 : f32 to vector<16xf32>
        %add3A_1483 = arith.addf %get3A_1476, %add3A_1482 : vector<16xf32>
        %max3A_1484 = arith.maximumf %add3A_1483, %get3A_1480 : vector<16xf32>
        %max3A_1485 = arith.constant 4.000000e-01 : f32
        %max3A_1486 = vector.broadcast %max3A_1485 : f32 to vector<16xf32>
        %max3A_1487 = arith.maximumf %max3A_1484, %max3A_1486 : vector<16xf32>
        %gt3A_1488 = arith.cmpf ogt, %get3A_1472, %max3A_1487 : vector<16xf32>
        %gt3A_1489 = arith.constant 2.800000e-01 : f32
        %gt3A_1490 = vector.broadcast %gt3A_1489 : f32 to vector<16xf32>
        %gt3A_1491 = arith.cmpf ogt, %get3A_1476, %gt3A_1490 : vector<16xf32>
        %and3A_1492 = arith.andi %gt3A_1488, %gt3A_1491 : vector<16xi1>
        %gt3A_1493 = arith.constant 2.000000e-01 : f32
        %gt3A_1494 = vector.broadcast %gt3A_1493 : f32 to vector<16xf32>
        %gt3A_1495 = arith.cmpf ogt, %get3A_1480, %gt3A_1494 : vector<16xf32>
        %and3A_1496 = arith.andi %and3A_1492, %gt3A_1495 : vector<16xi1>
        %add3A_1497 = arith.addf %select_n3A_1454, %get3A_1472 : vector<16xf32>
        %select_n3A_1498 = arith.select %and3A_1496, %add3A_1497, %select_n3A_1454 : vector<16xi1>, vector<16xf32>
        %add3A_1499 = arith.addf %select_n3A_1456, %get3A_1476 : vector<16xf32>
        %select_n3A_1500 = arith.select %and3A_1496, %add3A_1499, %select_n3A_1456 : vector<16xi1>, vector<16xf32>
        %add3A_1501 = arith.addf %select_n3A_1458, %get3A_1480 : vector<16xf32>
        %select_n3A_1502 = arith.select %and3A_1496, %add3A_1501, %select_n3A_1458 : vector<16xi1>, vector<16xf32>
        %add3A_1503 = arith.constant 1.000000e+00 : f32
        %add3A_1504 = vector.broadcast %add3A_1503 : f32 to vector<16xf32>
        %add3A_1505 = arith.addf %select_n3A_1462, %add3A_1504 : vector<16xf32>
        %select_n3A_1506 = arith.select %and3A_1496, %add3A_1505, %select_n3A_1462 : vector<16xi1>, vector<16xf32>
        scf.yield %select_n3A_1498, %select_n3A_1500, %select_n3A_1502, %select_n3A_1506 : vector<16xf32>, vector<16xf32>, vector<16xf32>, vector<16xf32>
      }
      %scan3A_1417 = arith.constant 12 : i32
      scf.yield %scan3A_1416#0, %scan3A_1416#1, %scan3A_1416#2, %scan3A_1416#3 : vector<16xf32>, vector<16xf32>, vector<16xf32>, vector<16xf32>
    }
    %scan3A_297 = arith.constant 24 : i32
    %add3A_298 = arith.constant 0 : i32
    %add3A_299 = arith.addi %mul3A_2, %add3A_298 : i32
    %dma_start3A_300 = arith.constant 0 : i32
    %dma_start3A_301 = arith.constant 336 : i32
    %dma_start3A_302 = arith.constant 0 : i32
    %dma_start3A_303 = tpu.memref_slice %arg2[%add3A_299, %dma_start3A_300, %dma_start3A_301, %dma_start3A_302] : memref<64x3x384x384xf32, #tpu.memory_space<hbm>> -> memref<1x1x24x384xf32, #tpu.memory_space<hbm>>
    %dma_start3A_304 = tpu.memref_squeeze %dma_start3A_303 : memref<1x1x24x384xf32, #tpu.memory_space<hbm>> -> memref<24x384xf32, #tpu.memory_space<hbm>>
    %dma_start3A_305 = arith.constant 336 : i32
    %dma_start3A_306 = arith.constant 0 : i32
    %dma_start3A_307 = tpu.memref_slice %arg2[%add3A_299, %dma_start3A_300, %dma_start3A_305, %dma_start3A_306] : memref<64x3x384x384xf32, #tpu.memory_space<hbm>> -> memref<1x1x24x384xf32, #tpu.memory_space<hbm>>
    %dma_start3A_308 = tpu.memref_squeeze %dma_start3A_307 : memref<1x1x24x384xf32, #tpu.memory_space<hbm>> -> memref<24x384xf32, #tpu.memory_space<hbm>>
    tpu.enqueue_dma source(%dma_start3A_308 : memref<24x384xf32, #tpu.memory_space<hbm>>) target(%arg7 : memref<24x384xf32, #tpu.memory_space<vmem>>) target_semaphore(%arg12 : memref<!tpu.dma_semaphore, #tpu.memory_space<semaphore_mem>>)
    %add3A_309 = arith.constant 0 : i32
    %add3A_310 = arith.addi %mul3A_2, %add3A_309 : i32
    %dma_start3A_311 = arith.constant 1 : i32
    %dma_start3A_312 = arith.constant 336 : i32
    %dma_start3A_313 = arith.constant 0 : i32
    %dma_start3A_314 = tpu.memref_slice %arg2[%add3A_310, %dma_start3A_311, %dma_start3A_312, %dma_start3A_313] : memref<64x3x384x384xf32, #tpu.memory_space<hbm>> -> memref<1x1x24x384xf32, #tpu.memory_space<hbm>>
    %dma_start3A_315 = tpu.memref_squeeze %dma_start3A_314 : memref<1x1x24x384xf32, #tpu.memory_space<hbm>> -> memref<24x384xf32, #tpu.memory_space<hbm>>
    %dma_start3A_316 = arith.constant 336 : i32
    %dma_start3A_317 = arith.constant 0 : i32
    %dma_start3A_318 = tpu.memref_slice %arg2[%add3A_310, %dma_start3A_311, %dma_start3A_316, %dma_start3A_317] : memref<64x3x384x384xf32, #tpu.memory_space<hbm>> -> memref<1x1x24x384xf32, #tpu.memory_space<hbm>>
    %dma_start3A_319 = tpu.memref_squeeze %dma_start3A_318 : memref<1x1x24x384xf32, #tpu.memory_space<hbm>> -> memref<24x384xf32, #tpu.memory_space<hbm>>
    tpu.enqueue_dma source(%dma_start3A_319 : memref<24x384xf32, #tpu.memory_space<hbm>>) target(%arg8 : memref<24x384xf32, #tpu.memory_space<vmem>>) target_semaphore(%arg12 : memref<!tpu.dma_semaphore, #tpu.memory_space<semaphore_mem>>)
    %add3A_320 = arith.constant 0 : i32
    %add3A_321 = arith.addi %mul3A_2, %add3A_320 : i32
    %dma_start3A_322 = arith.constant 2 : i32
    %dma_start3A_323 = arith.constant 336 : i32
    %dma_start3A_324 = arith.constant 0 : i32
    %dma_start3A_325 = tpu.memref_slice %arg2[%add3A_321, %dma_start3A_322, %dma_start3A_323, %dma_start3A_324] : memref<64x3x384x384xf32, #tpu.memory_space<hbm>> -> memref<1x1x24x384xf32, #tpu.memory_space<hbm>>
    %dma_start3A_326 = tpu.memref_squeeze %dma_start3A_325 : memref<1x1x24x384xf32, #tpu.memory_space<hbm>> -> memref<24x384xf32, #tpu.memory_space<hbm>>
    %dma_start3A_327 = arith.constant 336 : i32
    %dma_start3A_328 = arith.constant 0 : i32
    %dma_start3A_329 = tpu.memref_slice %arg2[%add3A_321, %dma_start3A_322, %dma_start3A_327, %dma_start3A_328] : memref<64x3x384x384xf32, #tpu.memory_space<hbm>> -> memref<1x1x24x384xf32, #tpu.memory_space<hbm>>
    %dma_start3A_330 = tpu.memref_squeeze %dma_start3A_329 : memref<1x1x24x384xf32, #tpu.memory_space<hbm>> -> memref<24x384xf32, #tpu.memory_space<hbm>>
    tpu.enqueue_dma source(%dma_start3A_330 : memref<24x384xf32, #tpu.memory_space<hbm>>) target(%arg9 : memref<24x384xf32, #tpu.memory_space<vmem>>) target_semaphore(%arg12 : memref<!tpu.dma_semaphore, #tpu.memory_space<semaphore_mem>>)
    %dma_wait3A_331 = arith.constant 0 : i32
    %dma_wait3A_332 = arith.constant 312 : i32
    %dma_wait3A_333 = arith.constant 0 : i32
    %dma_wait3A_334 = tpu.memref_slice %arg2[%add3A_233, %dma_wait3A_331, %dma_wait3A_332, %dma_wait3A_333] : memref<64x3x384x384xf32, #tpu.memory_space<hbm>> -> memref<1x1x24x384xf32, #tpu.memory_space<hbm>>
    %dma_wait3A_335 = tpu.memref_squeeze %dma_wait3A_334 : memref<1x1x24x384xf32, #tpu.memory_space<hbm>> -> memref<24x384xf32, #tpu.memory_space<hbm>>
    %dma_wait3A_336 = arith.constant 312 : i32
    %dma_wait3A_337 = arith.constant 0 : i32
    %dma_wait3A_338 = tpu.memref_slice %arg2[%add3A_233, %dma_wait3A_331, %dma_wait3A_336, %dma_wait3A_337] : memref<64x3x384x384xf32, #tpu.memory_space<hbm>> -> memref<1x1x24x384xf32, #tpu.memory_space<hbm>>
    %dma_wait3A_339 = tpu.memref_squeeze %dma_wait3A_338 : memref<1x1x24x384xf32, #tpu.memory_space<hbm>> -> memref<24x384xf32, #tpu.memory_space<hbm>>
    tpu.wait_dma2 semaphore(%arg11 : memref<!tpu.dma_semaphore, #tpu.memory_space<semaphore_mem>>) src(%dma_wait3A_339 : memref<24x384xf32, #tpu.memory_space<hbm>>) dst(%arg4 : memref<24x384xf32, #tpu.memory_space<vmem>>)
    %dma_wait3A_340 = arith.constant 1 : i32
    %dma_wait3A_341 = arith.constant 312 : i32
    %dma_wait3A_342 = arith.constant 0 : i32
    %dma_wait3A_343 = tpu.memref_slice %arg2[%add3A_244, %dma_wait3A_340, %dma_wait3A_341, %dma_wait3A_342] : memref<64x3x384x384xf32, #tpu.memory_space<hbm>> -> memref<1x1x24x384xf32, #tpu.memory_space<hbm>>
    %dma_wait3A_344 = tpu.memref_squeeze %dma_wait3A_343 : memref<1x1x24x384xf32, #tpu.memory_space<hbm>> -> memref<24x384xf32, #tpu.memory_space<hbm>>
    %dma_wait3A_345 = arith.constant 312 : i32
    %dma_wait3A_346 = arith.constant 0 : i32
    %dma_wait3A_347 = tpu.memref_slice %arg2[%add3A_244, %dma_wait3A_340, %dma_wait3A_345, %dma_wait3A_346] : memref<64x3x384x384xf32, #tpu.memory_space<hbm>> -> memref<1x1x24x384xf32, #tpu.memory_space<hbm>>
    %dma_wait3A_348 = tpu.memref_squeeze %dma_wait3A_347 : memref<1x1x24x384xf32, #tpu.memory_space<hbm>> -> memref<24x384xf32, #tpu.memory_space<hbm>>
    tpu.wait_dma2 semaphore(%arg11 : memref<!tpu.dma_semaphore, #tpu.memory_space<semaphore_mem>>) src(%dma_wait3A_348 : memref<24x384xf32, #tpu.memory_space<hbm>>) dst(%arg5 : memref<24x384xf32, #tpu.memory_space<vmem>>)
    %dma_wait3A_349 = arith.constant 2 : i32
    %dma_wait3A_350 = arith.constant 312 : i32
    %dma_wait3A_351 = arith.constant 0 : i32
    %dma_wait3A_352 = tpu.memref_slice %arg2[%add3A_255, %dma_wait3A_349, %dma_wait3A_350, %dma_wait3A_351] : memref<64x3x384x384xf32, #tpu.memory_space<hbm>> -> memref<1x1x24x384xf32, #tpu.memory_space<hbm>>
    %dma_wait3A_353 = tpu.memref_squeeze %dma_wait3A_352 : memref<1x1x24x384xf32, #tpu.memory_space<hbm>> -> memref<24x384xf32, #tpu.memory_space<hbm>>
    %dma_wait3A_354 = arith.constant 312 : i32
    %dma_wait3A_355 = arith.constant 0 : i32
    %dma_wait3A_356 = tpu.memref_slice %arg2[%add3A_255, %dma_wait3A_349, %dma_wait3A_354, %dma_wait3A_355] : memref<64x3x384x384xf32, #tpu.memory_space<hbm>> -> memref<1x1x24x384xf32, #tpu.memory_space<hbm>>
    %dma_wait3A_357 = tpu.memref_squeeze %dma_wait3A_356 : memref<1x1x24x384xf32, #tpu.memory_space<hbm>> -> memref<24x384xf32, #tpu.memory_space<hbm>>
    tpu.wait_dma2 semaphore(%arg11 : memref<!tpu.dma_semaphore, #tpu.memory_space<semaphore_mem>>) src(%dma_wait3A_357 : memref<24x384xf32, #tpu.memory_space<hbm>>) dst(%arg6 : memref<24x384xf32, #tpu.memory_space<vmem>>)
    %scan3A_358 = arith.constant 0 : i32
    %scan3A_359 = arith.constant 24 : i32
    %scan3A_360 = arith.addi %scan3A_358, %scan3A_359 : i32
    %scan3A_361 = arith.constant 1 : i32
    %scan3A_362:4 = scf.for %scan3A_1407 = %scan3A_358 to %scan3A_360 step %scan3A_361 iter_args(%scan3A_1408 = %scan3A_296#0, %scan3A_1409 = %scan3A_296#1, %scan3A_1410 = %scan3A_296#2, %scan3A_1411 = %scan3A_296#3) -> (vector<16xf32>, vector<16xf32>, vector<16xf32>, vector<16xf32>)  : i32 {
      %scan3A_1412 = arith.constant 0 : i32
      %scan3A_1413 = arith.constant 12 : i32
      %scan3A_1414 = arith.addi %scan3A_1412, %scan3A_1413 : i32
      %scan3A_1415 = arith.constant 1 : i32
      %scan3A_1416:4 = scf.for %scan3A_1418 = %scan3A_1412 to %scan3A_1414 step %scan3A_1415 iter_args(%scan3A_1419 = %scan3A_1408, %scan3A_1420 = %scan3A_1409, %scan3A_1421 = %scan3A_1410, %scan3A_1422 = %scan3A_1411) -> (vector<16xf32>, vector<16xf32>, vector<16xf32>, vector<16xf32>)  : i32 {
        %mul3A_1423 = arith.constant 2 : i32
        %mul3A_1424 = arith.muli %scan3A_1418, %mul3A_1423 : i32
        %add3A_1425 = arith.constant 0 : i32
        %add3A_1426 = arith.addi %mul3A_1424, %add3A_1425 : i32
        %mul3A_1427 = arith.constant 16 : i32
        %mul3A_1428 = arith.muli %add3A_1426, %mul3A_1427 : i32
        %get3A = arith.index_cast %scan3A_1407 : i32 to index
        %get3A_1429 = arith.index_cast %mul3A_1428 : i32 to index
        %get3A_1430 = tpu.vector_load %arg4[%get3A, %get3A_1429] {strides = array<i32>} : memref<24x384xf32, #tpu.memory_space<vmem>>, vector<1x16xf32>,
        %get3A_1431 = vector.shape_cast %get3A_1430 : vector<1x16xf32> to vector<16xf32>
        %get3A_1432 = arith.index_cast %scan3A_1407 : i32 to index
        %get3A_1433 = arith.index_cast %mul3A_1428 : i32 to index
        %get3A_1434 = tpu.vector_load %arg5[%get3A_1432, %get3A_1433] {strides = array<i32>} : memref<24x384xf32, #tpu.memory_space<vmem>>, vector<1x16xf32>,
        %get3A_1435 = vector.shape_cast %get3A_1434 : vector<1x16xf32> to vector<16xf32>
        %get3A_1436 = arith.index_cast %scan3A_1407 : i32 to index
        %get3A_1437 = arith.index_cast %mul3A_1428 : i32 to index
        %get3A_1438 = tpu.vector_load %arg6[%get3A_1436, %get3A_1437] {strides = array<i32>} : memref<24x384xf32, #tpu.memory_space<vmem>>, vector<1x16xf32>,
        %get3A_1439 = vector.shape_cast %get3A_1438 : vector<1x16xf32> to vector<16xf32>
        %add3A_1440 = arith.constant 1.000000e-01 : f32
        %add3A_1441 = vector.broadcast %add3A_1440 : f32 to vector<16xf32>
        %add3A_1442 = arith.addf %get3A_1435, %add3A_1441 : vector<16xf32>
        %max3A = arith.maximumf %add3A_1442, %get3A_1439 : vector<16xf32>
        %max3A_1443 = arith.constant 4.000000e-01 : f32
        %max3A_1444 = vector.broadcast %max3A_1443 : f32 to vector<16xf32>
        %max3A_1445 = arith.maximumf %max3A, %max3A_1444 : vector<16xf32>
        %gt3A = arith.cmpf ogt, %get3A_1431, %max3A_1445 : vector<16xf32>
        %gt3A_1446 = arith.constant 2.800000e-01 : f32
        %gt3A_1447 = vector.broadcast %gt3A_1446 : f32 to vector<16xf32>
        %gt3A_1448 = arith.cmpf ogt, %get3A_1435, %gt3A_1447 : vector<16xf32>
        %and3A = arith.andi %gt3A, %gt3A_1448 : vector<16xi1>
        %gt3A_1449 = arith.constant 2.000000e-01 : f32
        %gt3A_1450 = vector.broadcast %gt3A_1449 : f32 to vector<16xf32>
        %gt3A_1451 = arith.cmpf ogt, %get3A_1439, %gt3A_1450 : vector<16xf32>
        %and3A_1452 = arith.andi %and3A, %gt3A_1451 : vector<16xi1>
        %add3A_1453 = arith.addf %scan3A_1419, %get3A_1431 : vector<16xf32>
        %select_n3A_1454 = arith.select %and3A_1452, %add3A_1453, %scan3A_1419 : vector<16xi1>, vector<16xf32>
        %add3A_1455 = arith.addf %scan3A_1420, %get3A_1435 : vector<16xf32>
        %select_n3A_1456 = arith.select %and3A_1452, %add3A_1455, %scan3A_1420 : vector<16xi1>, vector<16xf32>
        %add3A_1457 = arith.addf %scan3A_1421, %get3A_1439 : vector<16xf32>
        %select_n3A_1458 = arith.select %and3A_1452, %add3A_1457, %scan3A_1421 : vector<16xi1>, vector<16xf32>
        %add3A_1459 = arith.constant 1.000000e+00 : f32
        %add3A_1460 = vector.broadcast %add3A_1459 : f32 to vector<16xf32>
        %add3A_1461 = arith.addf %scan3A_1422, %add3A_1460 : vector<16xf32>
        %select_n3A_1462 = arith.select %and3A_1452, %add3A_1461, %scan3A_1422 : vector<16xi1>, vector<16xf32>
        %mul3A_1463 = arith.constant 2 : i32
        %mul3A_1464 = arith.muli %scan3A_1418, %mul3A_1463 : i32
        %add3A_1465 = arith.constant 1 : i32
        %add3A_1466 = arith.addi %mul3A_1464, %add3A_1465 : i32
        %mul3A_1467 = arith.constant 16 : i32
        %mul3A_1468 = arith.muli %add3A_1466, %mul3A_1467 : i32
        %get3A_1469 = arith.index_cast %scan3A_1407 : i32 to index
        %get3A_1470 = arith.index_cast %mul3A_1468 : i32 to index
        %get3A_1471 = tpu.vector_load %arg4[%get3A_1469, %get3A_1470] {strides = array<i32>} : memref<24x384xf32, #tpu.memory_space<vmem>>, vector<1x16xf32>,
        %get3A_1472 = vector.shape_cast %get3A_1471 : vector<1x16xf32> to vector<16xf32>
        %get3A_1473 = arith.index_cast %scan3A_1407 : i32 to index
        %get3A_1474 = arith.index_cast %mul3A_1468 : i32 to index
        %get3A_1475 = tpu.vector_load %arg5[%get3A_1473, %get3A_1474] {strides = array<i32>} : memref<24x384xf32, #tpu.memory_space<vmem>>, vector<1x16xf32>,
        %get3A_1476 = vector.shape_cast %get3A_1475 : vector<1x16xf32> to vector<16xf32>
        %get3A_1477 = arith.index_cast %scan3A_1407 : i32 to index
        %get3A_1478 = arith.index_cast %mul3A_1468 : i32 to index
        %get3A_1479 = tpu.vector_load %arg6[%get3A_1477, %get3A_1478] {strides = array<i32>} : memref<24x384xf32, #tpu.memory_space<vmem>>, vector<1x16xf32>,
        %get3A_1480 = vector.shape_cast %get3A_1479 : vector<1x16xf32> to vector<16xf32>
        %add3A_1481 = arith.constant 1.000000e-01 : f32
        %add3A_1482 = vector.broadcast %add3A_1481 : f32 to vector<16xf32>
        %add3A_1483 = arith.addf %get3A_1476, %add3A_1482 : vector<16xf32>
        %max3A_1484 = arith.maximumf %add3A_1483, %get3A_1480 : vector<16xf32>
        %max3A_1485 = arith.constant 4.000000e-01 : f32
        %max3A_1486 = vector.broadcast %max3A_1485 : f32 to vector<16xf32>
        %max3A_1487 = arith.maximumf %max3A_1484, %max3A_1486 : vector<16xf32>
        %gt3A_1488 = arith.cmpf ogt, %get3A_1472, %max3A_1487 : vector<16xf32>
        %gt3A_1489 = arith.constant 2.800000e-01 : f32
        %gt3A_1490 = vector.broadcast %gt3A_1489 : f32 to vector<16xf32>
        %gt3A_1491 = arith.cmpf ogt, %get3A_1476, %gt3A_1490 : vector<16xf32>
        %and3A_1492 = arith.andi %gt3A_1488, %gt3A_1491 : vector<16xi1>
        %gt3A_1493 = arith.constant 2.000000e-01 : f32
        %gt3A_1494 = vector.broadcast %gt3A_1493 : f32 to vector<16xf32>
        %gt3A_1495 = arith.cmpf ogt, %get3A_1480, %gt3A_1494 : vector<16xf32>
        %and3A_1496 = arith.andi %and3A_1492, %gt3A_1495 : vector<16xi1>
        %add3A_1497 = arith.addf %select_n3A_1454, %get3A_1472 : vector<16xf32>
        %select_n3A_1498 = arith.select %and3A_1496, %add3A_1497, %select_n3A_1454 : vector<16xi1>, vector<16xf32>
        %add3A_1499 = arith.addf %select_n3A_1456, %get3A_1476 : vector<16xf32>
        %select_n3A_1500 = arith.select %and3A_1496, %add3A_1499, %select_n3A_1456 : vector<16xi1>, vector<16xf32>
        %add3A_1501 = arith.addf %select_n3A_1458, %get3A_1480 : vector<16xf32>
        %select_n3A_1502 = arith.select %and3A_1496, %add3A_1501, %select_n3A_1458 : vector<16xi1>, vector<16xf32>
        %add3A_1503 = arith.constant 1.000000e+00 : f32
        %add3A_1504 = vector.broadcast %add3A_1503 : f32 to vector<16xf32>
        %add3A_1505 = arith.addf %select_n3A_1462, %add3A_1504 : vector<16xf32>
        %select_n3A_1506 = arith.select %and3A_1496, %add3A_1505, %select_n3A_1462 : vector<16xi1>, vector<16xf32>
        scf.yield %select_n3A_1498, %select_n3A_1500, %select_n3A_1502, %select_n3A_1506 : vector<16xf32>, vector<16xf32>, vector<16xf32>, vector<16xf32>
      }
      %scan3A_1417 = arith.constant 12 : i32
      scf.yield %scan3A_1416#0, %scan3A_1416#1, %scan3A_1416#2, %scan3A_1416#3 : vector<16xf32>, vector<16xf32>, vector<16xf32>, vector<16xf32>
    }
    %scan3A_363 = arith.constant 24 : i32
    %add3A_364 = arith.constant 0 : i32
    %add3A_365 = arith.addi %mul3A_2, %add3A_364 : i32
    %dma_start3A_366 = arith.constant 0 : i32
    %dma_start3A_367 = arith.constant 360 : i32
    %dma_start3A_368 = arith.constant 0 : i32
    %dma_start3A_369 = tpu.memref_slice %arg2[%add3A_365, %dma_start3A_366, %dma_start3A_367, %dma_start3A_368] : memref<64x3x384x384xf32, #tpu.memory_space<hbm>> -> memref<1x1x24x384xf32, #tpu.memory_space<hbm>>
    %dma_start3A_370 = tpu.memref_squeeze %dma_start3A_369 : memref<1x1x24x384xf32, #tpu.memory_space<hbm>> -> memref<24x384xf32, #tpu.memory_space<hbm>>
    %dma_start3A_371 = arith.constant 360 : i32
    %dma_start3A_372 = arith.constant 0 : i32
    %dma_start3A_373 = tpu.memref_slice %arg2[%add3A_365, %dma_start3A_366, %dma_start3A_371, %dma_start3A_372] : memref<64x3x384x384xf32, #tpu.memory_space<hbm>> -> memref<1x1x24x384xf32, #tpu.memory_space<hbm>>
    %dma_start3A_374 = tpu.memref_squeeze %dma_start3A_373 : memref<1x1x24x384xf32, #tpu.memory_space<hbm>> -> memref<24x384xf32, #tpu.memory_space<hbm>>
    tpu.enqueue_dma source(%dma_start3A_374 : memref<24x384xf32, #tpu.memory_space<hbm>>) target(%arg4 : memref<24x384xf32, #tpu.memory_space<vmem>>) target_semaphore(%arg11 : memref<!tpu.dma_semaphore, #tpu.memory_space<semaphore_mem>>)
    %add3A_375 = arith.constant 0 : i32
    %add3A_376 = arith.addi %mul3A_2, %add3A_375 : i32
    %dma_start3A_377 = arith.constant 1 : i32
    %dma_start3A_378 = arith.constant 360 : i32
    %dma_start3A_379 = arith.constant 0 : i32
    %dma_start3A_380 = tpu.memref_slice %arg2[%add3A_376, %dma_start3A_377, %dma_start3A_378, %dma_start3A_379] : memref<64x3x384x384xf32, #tpu.memory_space<hbm>> -> memref<1x1x24x384xf32, #tpu.memory_space<hbm>>
    %dma_start3A_381 = tpu.memref_squeeze %dma_start3A_380 : memref<1x1x24x384xf32, #tpu.memory_space<hbm>> -> memref<24x384xf32, #tpu.memory_space<hbm>>
    %dma_start3A_382 = arith.constant 360 : i32
    %dma_start3A_383 = arith.constant 0 : i32
    %dma_start3A_384 = tpu.memref_slice %arg2[%add3A_376, %dma_start3A_377, %dma_start3A_382, %dma_start3A_383] : memref<64x3x384x384xf32, #tpu.memory_space<hbm>> -> memref<1x1x24x384xf32, #tpu.memory_space<hbm>>
    %dma_start3A_385 = tpu.memref_squeeze %dma_start3A_384 : memref<1x1x24x384xf32, #tpu.memory_space<hbm>> -> memref<24x384xf32, #tpu.memory_space<hbm>>
    tpu.enqueue_dma source(%dma_start3A_385 : memref<24x384xf32, #tpu.memory_space<hbm>>) target(%arg5 : memref<24x384xf32, #tpu.memory_space<vmem>>) target_semaphore(%arg11 : memref<!tpu.dma_semaphore, #tpu.memory_space<semaphore_mem>>)
    %add3A_386 = arith.constant 0 : i32
    %add3A_387 = arith.addi %mul3A_2, %add3A_386 : i32
    %dma_start3A_388 = arith.constant 2 : i32
    %dma_start3A_389 = arith.constant 360 : i32
    %dma_start3A_390 = arith.constant 0 : i32
    %dma_start3A_391 = tpu.memref_slice %arg2[%add3A_387, %dma_start3A_388, %dma_start3A_389, %dma_start3A_390] : memref<64x3x384x384xf32, #tpu.memory_space<hbm>> -> memref<1x1x24x384xf32, #tpu.memory_space<hbm>>
    %dma_start3A_392 = tpu.memref_squeeze %dma_start3A_391 : memref<1x1x24x384xf32, #tpu.memory_space<hbm>> -> memref<24x384xf32, #tpu.memory_space<hbm>>
    %dma_start3A_393 = arith.constant 360 : i32
    %dma_start3A_394 = arith.constant 0 : i32
    %dma_start3A_395 = tpu.memref_slice %arg2[%add3A_387, %dma_start3A_388, %dma_start3A_393, %dma_start3A_394] : memref<64x3x384x384xf32, #tpu.memory_space<hbm>> -> memref<1x1x24x384xf32, #tpu.memory_space<hbm>>
    %dma_start3A_396 = tpu.memref_squeeze %dma_start3A_395 : memref<1x1x24x384xf32, #tpu.memory_space<hbm>> -> memref<24x384xf32, #tpu.memory_space<hbm>>
    tpu.enqueue_dma source(%dma_start3A_396 : memref<24x384xf32, #tpu.memory_space<hbm>>) target(%arg6 : memref<24x384xf32, #tpu.memory_space<vmem>>) target_semaphore(%arg11 : memref<!tpu.dma_semaphore, #tpu.memory_space<semaphore_mem>>)
    %dma_wait3A_397 = arith.constant 0 : i32
    %dma_wait3A_398 = arith.constant 336 : i32
    %dma_wait3A_399 = arith.constant 0 : i32
    %dma_wait3A_400 = tpu.memref_slice %arg2[%add3A_299, %dma_wait3A_397, %dma_wait3A_398, %dma_wait3A_399] : memref<64x3x384x384xf32, #tpu.memory_space<hbm>> -> memref<1x1x24x384xf32, #tpu.memory_space<hbm>>
    %dma_wait3A_401 = tpu.memref_squeeze %dma_wait3A_400 : memref<1x1x24x384xf32, #tpu.memory_space<hbm>> -> memref<24x384xf32, #tpu.memory_space<hbm>>
    %dma_wait3A_402 = arith.constant 336 : i32
    %dma_wait3A_403 = arith.constant 0 : i32
    %dma_wait3A_404 = tpu.memref_slice %arg2[%add3A_299, %dma_wait3A_397, %dma_wait3A_402, %dma_wait3A_403] : memref<64x3x384x384xf32, #tpu.memory_space<hbm>> -> memref<1x1x24x384xf32, #tpu.memory_space<hbm>>
    %dma_wait3A_405 = tpu.memref_squeeze %dma_wait3A_404 : memref<1x1x24x384xf32, #tpu.memory_space<hbm>> -> memref<24x384xf32, #tpu.memory_space<hbm>>
    tpu.wait_dma2 semaphore(%arg12 : memref<!tpu.dma_semaphore, #tpu.memory_space<semaphore_mem>>) src(%dma_wait3A_405 : memref<24x384xf32, #tpu.memory_space<hbm>>) dst(%arg7 : memref<24x384xf32, #tpu.memory_space<vmem>>)
    %dma_wait3A_406 = arith.constant 1 : i32
    %dma_wait3A_407 = arith.constant 336 : i32
    %dma_wait3A_408 = arith.constant 0 : i32
    %dma_wait3A_409 = tpu.memref_slice %arg2[%add3A_310, %dma_wait3A_406, %dma_wait3A_407, %dma_wait3A_408] : memref<64x3x384x384xf32, #tpu.memory_space<hbm>> -> memref<1x1x24x384xf32, #tpu.memory_space<hbm>>
    %dma_wait3A_410 = tpu.memref_squeeze %dma_wait3A_409 : memref<1x1x24x384xf32, #tpu.memory_space<hbm>> -> memref<24x384xf32, #tpu.memory_space<hbm>>
    %dma_wait3A_411 = arith.constant 336 : i32
    %dma_wait3A_412 = arith.constant 0 : i32
    %dma_wait3A_413 = tpu.memref_slice %arg2[%add3A_310, %dma_wait3A_406, %dma_wait3A_411, %dma_wait3A_412] : memref<64x3x384x384xf32, #tpu.memory_space<hbm>> -> memref<1x1x24x384xf32, #tpu.memory_space<hbm>>
    %dma_wait3A_414 = tpu.memref_squeeze %dma_wait3A_413 : memref<1x1x24x384xf32, #tpu.memory_space<hbm>> -> memref<24x384xf32, #tpu.memory_space<hbm>>
    tpu.wait_dma2 semaphore(%arg12 : memref<!tpu.dma_semaphore, #tpu.memory_space<semaphore_mem>>) src(%dma_wait3A_414 : memref<24x384xf32, #tpu.memory_space<hbm>>) dst(%arg8 : memref<24x384xf32, #tpu.memory_space<vmem>>)
    %dma_wait3A_415 = arith.constant 2 : i32
    %dma_wait3A_416 = arith.constant 336 : i32
    %dma_wait3A_417 = arith.constant 0 : i32
    %dma_wait3A_418 = tpu.memref_slice %arg2[%add3A_321, %dma_wait3A_415, %dma_wait3A_416, %dma_wait3A_417] : memref<64x3x384x384xf32, #tpu.memory_space<hbm>> -> memref<1x1x24x384xf32, #tpu.memory_space<hbm>>
    %dma_wait3A_419 = tpu.memref_squeeze %dma_wait3A_418 : memref<1x1x24x384xf32, #tpu.memory_space<hbm>> -> memref<24x384xf32, #tpu.memory_space<hbm>>
    %dma_wait3A_420 = arith.constant 336 : i32
    %dma_wait3A_421 = arith.constant 0 : i32
    %dma_wait3A_422 = tpu.memref_slice %arg2[%add3A_321, %dma_wait3A_415, %dma_wait3A_420, %dma_wait3A_421] : memref<64x3x384x384xf32, #tpu.memory_space<hbm>> -> memref<1x1x24x384xf32, #tpu.memory_space<hbm>>
    %dma_wait3A_423 = tpu.memref_squeeze %dma_wait3A_422 : memref<1x1x24x384xf32, #tpu.memory_space<hbm>> -> memref<24x384xf32, #tpu.memory_space<hbm>>
    tpu.wait_dma2 semaphore(%arg12 : memref<!tpu.dma_semaphore, #tpu.memory_space<semaphore_mem>>) src(%dma_wait3A_423 : memref<24x384xf32, #tpu.memory_space<hbm>>) dst(%arg9 : memref<24x384xf32, #tpu.memory_space<vmem>>)
    %scan3A_424 = arith.constant 0 : i32
    %scan3A_425 = arith.constant 24 : i32
    %scan3A_426 = arith.addi %scan3A_424, %scan3A_425 : i32
    %scan3A_427 = arith.constant 1 : i32
    %scan3A_428:4 = scf.for %scan3A_1407 = %scan3A_424 to %scan3A_426 step %scan3A_427 iter_args(%scan3A_1408 = %scan3A_362#0, %scan3A_1409 = %scan3A_362#1, %scan3A_1410 = %scan3A_362#2, %scan3A_1411 = %scan3A_362#3) -> (vector<16xf32>, vector<16xf32>, vector<16xf32>, vector<16xf32>)  : i32 {
      %scan3A_1412 = arith.constant 0 : i32
      %scan3A_1413 = arith.constant 12 : i32
      %scan3A_1414 = arith.addi %scan3A_1412, %scan3A_1413 : i32
      %scan3A_1415 = arith.constant 1 : i32
      %scan3A_1416:4 = scf.for %scan3A_1418 = %scan3A_1412 to %scan3A_1414 step %scan3A_1415 iter_args(%scan3A_1419 = %scan3A_1408, %scan3A_1420 = %scan3A_1409, %scan3A_1421 = %scan3A_1410, %scan3A_1422 = %scan3A_1411) -> (vector<16xf32>, vector<16xf32>, vector<16xf32>, vector<16xf32>)  : i32 {
        %mul3A_1423 = arith.constant 2 : i32
        %mul3A_1424 = arith.muli %scan3A_1418, %mul3A_1423 : i32
        %add3A_1425 = arith.constant 0 : i32
        %add3A_1426 = arith.addi %mul3A_1424, %add3A_1425 : i32
        %mul3A_1427 = arith.constant 16 : i32
        %mul3A_1428 = arith.muli %add3A_1426, %mul3A_1427 : i32
        %get3A = arith.index_cast %scan3A_1407 : i32 to index
        %get3A_1429 = arith.index_cast %mul3A_1428 : i32 to index
        %get3A_1430 = tpu.vector_load %arg7[%get3A, %get3A_1429] {strides = array<i32>} : memref<24x384xf32, #tpu.memory_space<vmem>>, vector<1x16xf32>,
        %get3A_1431 = vector.shape_cast %get3A_1430 : vector<1x16xf32> to vector<16xf32>
        %get3A_1432 = arith.index_cast %scan3A_1407 : i32 to index
        %get3A_1433 = arith.index_cast %mul3A_1428 : i32 to index
        %get3A_1434 = tpu.vector_load %arg8[%get3A_1432, %get3A_1433] {strides = array<i32>} : memref<24x384xf32, #tpu.memory_space<vmem>>, vector<1x16xf32>,
        %get3A_1435 = vector.shape_cast %get3A_1434 : vector<1x16xf32> to vector<16xf32>
        %get3A_1436 = arith.index_cast %scan3A_1407 : i32 to index
        %get3A_1437 = arith.index_cast %mul3A_1428 : i32 to index
        %get3A_1438 = tpu.vector_load %arg9[%get3A_1436, %get3A_1437] {strides = array<i32>} : memref<24x384xf32, #tpu.memory_space<vmem>>, vector<1x16xf32>,
        %get3A_1439 = vector.shape_cast %get3A_1438 : vector<1x16xf32> to vector<16xf32>
        %add3A_1440 = arith.constant 1.000000e-01 : f32
        %add3A_1441 = vector.broadcast %add3A_1440 : f32 to vector<16xf32>
        %add3A_1442 = arith.addf %get3A_1435, %add3A_1441 : vector<16xf32>
        %max3A = arith.maximumf %add3A_1442, %get3A_1439 : vector<16xf32>
        %max3A_1443 = arith.constant 4.000000e-01 : f32
        %max3A_1444 = vector.broadcast %max3A_1443 : f32 to vector<16xf32>
        %max3A_1445 = arith.maximumf %max3A, %max3A_1444 : vector<16xf32>
        %gt3A = arith.cmpf ogt, %get3A_1431, %max3A_1445 : vector<16xf32>
        %gt3A_1446 = arith.constant 2.800000e-01 : f32
        %gt3A_1447 = vector.broadcast %gt3A_1446 : f32 to vector<16xf32>
        %gt3A_1448 = arith.cmpf ogt, %get3A_1435, %gt3A_1447 : vector<16xf32>
        %and3A = arith.andi %gt3A, %gt3A_1448 : vector<16xi1>
        %gt3A_1449 = arith.constant 2.000000e-01 : f32
        %gt3A_1450 = vector.broadcast %gt3A_1449 : f32 to vector<16xf32>
        %gt3A_1451 = arith.cmpf ogt, %get3A_1439, %gt3A_1450 : vector<16xf32>
        %and3A_1452 = arith.andi %and3A, %gt3A_1451 : vector<16xi1>
        %add3A_1453 = arith.addf %scan3A_1419, %get3A_1431 : vector<16xf32>
        %select_n3A_1454 = arith.select %and3A_1452, %add3A_1453, %scan3A_1419 : vector<16xi1>, vector<16xf32>
        %add3A_1455 = arith.addf %scan3A_1420, %get3A_1435 : vector<16xf32>
        %select_n3A_1456 = arith.select %and3A_1452, %add3A_1455, %scan3A_1420 : vector<16xi1>, vector<16xf32>
        %add3A_1457 = arith.addf %scan3A_1421, %get3A_1439 : vector<16xf32>
        %select_n3A_1458 = arith.select %and3A_1452, %add3A_1457, %scan3A_1421 : vector<16xi1>, vector<16xf32>
        %add3A_1459 = arith.constant 1.000000e+00 : f32
        %add3A_1460 = vector.broadcast %add3A_1459 : f32 to vector<16xf32>
        %add3A_1461 = arith.addf %scan3A_1422, %add3A_1460 : vector<16xf32>
        %select_n3A_1462 = arith.select %and3A_1452, %add3A_1461, %scan3A_1422 : vector<16xi1>, vector<16xf32>
        %mul3A_1463 = arith.constant 2 : i32
        %mul3A_1464 = arith.muli %scan3A_1418, %mul3A_1463 : i32
        %add3A_1465 = arith.constant 1 : i32
        %add3A_1466 = arith.addi %mul3A_1464, %add3A_1465 : i32
        %mul3A_1467 = arith.constant 16 : i32
        %mul3A_1468 = arith.muli %add3A_1466, %mul3A_1467 : i32
        %get3A_1469 = arith.index_cast %scan3A_1407 : i32 to index
        %get3A_1470 = arith.index_cast %mul3A_1468 : i32 to index
        %get3A_1471 = tpu.vector_load %arg7[%get3A_1469, %get3A_1470] {strides = array<i32>} : memref<24x384xf32, #tpu.memory_space<vmem>>, vector<1x16xf32>,
        %get3A_1472 = vector.shape_cast %get3A_1471 : vector<1x16xf32> to vector<16xf32>
        %get3A_1473 = arith.index_cast %scan3A_1407 : i32 to index
        %get3A_1474 = arith.index_cast %mul3A_1468 : i32 to index
        %get3A_1475 = tpu.vector_load %arg8[%get3A_1473, %get3A_1474] {strides = array<i32>} : memref<24x384xf32, #tpu.memory_space<vmem>>, vector<1x16xf32>,
        %get3A_1476 = vector.shape_cast %get3A_1475 : vector<1x16xf32> to vector<16xf32>
        %get3A_1477 = arith.index_cast %scan3A_1407 : i32 to index
        %get3A_1478 = arith.index_cast %mul3A_1468 : i32 to index
        %get3A_1479 = tpu.vector_load %arg9[%get3A_1477, %get3A_1478] {strides = array<i32>} : memref<24x384xf32, #tpu.memory_space<vmem>>, vector<1x16xf32>,
        %get3A_1480 = vector.shape_cast %get3A_1479 : vector<1x16xf32> to vector<16xf32>
        %add3A_1481 = arith.constant 1.000000e-01 : f32
        %add3A_1482 = vector.broadcast %add3A_1481 : f32 to vector<16xf32>
        %add3A_1483 = arith.addf %get3A_1476, %add3A_1482 : vector<16xf32>
        %max3A_1484 = arith.maximumf %add3A_1483, %get3A_1480 : vector<16xf32>
        %max3A_1485 = arith.constant 4.000000e-01 : f32
        %max3A_1486 = vector.broadcast %max3A_1485 : f32 to vector<16xf32>
        %max3A_1487 = arith.maximumf %max3A_1484, %max3A_1486 : vector<16xf32>
        %gt3A_1488 = arith.cmpf ogt, %get3A_1472, %max3A_1487 : vector<16xf32>
        %gt3A_1489 = arith.constant 2.800000e-01 : f32
        %gt3A_1490 = vector.broadcast %gt3A_1489 : f32 to vector<16xf32>
        %gt3A_1491 = arith.cmpf ogt, %get3A_1476, %gt3A_1490 : vector<16xf32>
        %and3A_1492 = arith.andi %gt3A_1488, %gt3A_1491 : vector<16xi1>
        %gt3A_1493 = arith.constant 2.000000e-01 : f32
        %gt3A_1494 = vector.broadcast %gt3A_1493 : f32 to vector<16xf32>
        %gt3A_1495 = arith.cmpf ogt, %get3A_1480, %gt3A_1494 : vector<16xf32>
        %and3A_1496 = arith.andi %and3A_1492, %gt3A_1495 : vector<16xi1>
        %add3A_1497 = arith.addf %select_n3A_1454, %get3A_1472 : vector<16xf32>
        %select_n3A_1498 = arith.select %and3A_1496, %add3A_1497, %select_n3A_1454 : vector<16xi1>, vector<16xf32>
        %add3A_1499 = arith.addf %select_n3A_1456, %get3A_1476 : vector<16xf32>
        %select_n3A_1500 = arith.select %and3A_1496, %add3A_1499, %select_n3A_1456 : vector<16xi1>, vector<16xf32>
        %add3A_1501 = arith.addf %select_n3A_1458, %get3A_1480 : vector<16xf32>
        %select_n3A_1502 = arith.select %and3A_1496, %add3A_1501, %select_n3A_1458 : vector<16xi1>, vector<16xf32>
        %add3A_1503 = arith.constant 1.000000e+00 : f32
        %add3A_1504 = vector.broadcast %add3A_1503 : f32 to vector<16xf32>
        %add3A_1505 = arith.addf %select_n3A_1462, %add3A_1504 : vector<16xf32>
        %select_n3A_1506 = arith.select %and3A_1496, %add3A_1505, %select_n3A_1462 : vector<16xi1>, vector<16xf32>
        scf.yield %select_n3A_1498, %select_n3A_1500, %select_n3A_1502, %select_n3A_1506 : vector<16xf32>, vector<16xf32>, vector<16xf32>, vector<16xf32>
      }
      %scan3A_1417 = arith.constant 12 : i32
      scf.yield %scan3A_1416#0, %scan3A_1416#1, %scan3A_1416#2, %scan3A_1416#3 : vector<16xf32>, vector<16xf32>, vector<16xf32>, vector<16xf32>
    }
    %scan3A_429 = arith.constant 24 : i32
    %add3A_430 = arith.constant 1 : i32
    %add3A_431 = arith.addi %mul3A_2, %add3A_430 : i32
    %dma_start3A_432 = arith.constant 0 : i32
    %dma_start3A_433 = arith.constant 216 : i32
    %dma_start3A_434 = arith.constant 0 : i32
    %dma_start3A_435 = tpu.memref_slice %arg2[%add3A_431, %dma_start3A_432, %dma_start3A_433, %dma_start3A_434] : memref<64x3x384x384xf32, #tpu.memory_space<hbm>> -> memref<1x1x24x384xf32, #tpu.memory_space<hbm>>
    %dma_start3A_436 = tpu.memref_squeeze %dma_start3A_435 : memref<1x1x24x384xf32, #tpu.memory_space<hbm>> -> memref<24x384xf32, #tpu.memory_space<hbm>>
    %dma_start3A_437 = arith.constant 216 : i32
    %dma_start3A_438 = arith.constant 0 : i32
    %dma_start3A_439 = tpu.memref_slice %arg2[%add3A_431, %dma_start3A_432, %dma_start3A_437, %dma_start3A_438] : memref<64x3x384x384xf32, #tpu.memory_space<hbm>> -> memref<1x1x24x384xf32, #tpu.memory_space<hbm>>
    %dma_start3A_440 = tpu.memref_squeeze %dma_start3A_439 : memref<1x1x24x384xf32, #tpu.memory_space<hbm>> -> memref<24x384xf32, #tpu.memory_space<hbm>>
    tpu.enqueue_dma source(%dma_start3A_440 : memref<24x384xf32, #tpu.memory_space<hbm>>) target(%arg7 : memref<24x384xf32, #tpu.memory_space<vmem>>) target_semaphore(%arg12 : memref<!tpu.dma_semaphore, #tpu.memory_space<semaphore_mem>>)
    %add3A_441 = arith.constant 1 : i32
    %add3A_442 = arith.addi %mul3A_2, %add3A_441 : i32
    %dma_start3A_443 = arith.constant 1 : i32
    %dma_start3A_444 = arith.constant 216 : i32
    %dma_start3A_445 = arith.constant 0 : i32
    %dma_start3A_446 = tpu.memref_slice %arg2[%add3A_442, %dma_start3A_443, %dma_start3A_444, %dma_start3A_445] : memref<64x3x384x384xf32, #tpu.memory_space<hbm>> -> memref<1x1x24x384xf32, #tpu.memory_space<hbm>>
    %dma_start3A_447 = tpu.memref_squeeze %dma_start3A_446 : memref<1x1x24x384xf32, #tpu.memory_space<hbm>> -> memref<24x384xf32, #tpu.memory_space<hbm>>
    %dma_start3A_448 = arith.constant 216 : i32
    %dma_start3A_449 = arith.constant 0 : i32
    %dma_start3A_450 = tpu.memref_slice %arg2[%add3A_442, %dma_start3A_443, %dma_start3A_448, %dma_start3A_449] : memref<64x3x384x384xf32, #tpu.memory_space<hbm>> -> memref<1x1x24x384xf32, #tpu.memory_space<hbm>>
    %dma_start3A_451 = tpu.memref_squeeze %dma_start3A_450 : memref<1x1x24x384xf32, #tpu.memory_space<hbm>> -> memref<24x384xf32, #tpu.memory_space<hbm>>
    tpu.enqueue_dma source(%dma_start3A_451 : memref<24x384xf32, #tpu.memory_space<hbm>>) target(%arg8 : memref<24x384xf32, #tpu.memory_space<vmem>>) target_semaphore(%arg12 : memref<!tpu.dma_semaphore, #tpu.memory_space<semaphore_mem>>)
    %add3A_452 = arith.constant 1 : i32
    %add3A_453 = arith.addi %mul3A_2, %add3A_452 : i32
    %dma_start3A_454 = arith.constant 2 : i32
    %dma_start3A_455 = arith.constant 216 : i32
    %dma_start3A_456 = arith.constant 0 : i32
    %dma_start3A_457 = tpu.memref_slice %arg2[%add3A_453, %dma_start3A_454, %dma_start3A_455, %dma_start3A_456] : memref<64x3x384x384xf32, #tpu.memory_space<hbm>> -> memref<1x1x24x384xf32, #tpu.memory_space<hbm>>
    %dma_start3A_458 = tpu.memref_squeeze %dma_start3A_457 : memref<1x1x24x384xf32, #tpu.memory_space<hbm>> -> memref<24x384xf32, #tpu.memory_space<hbm>>
    %dma_start3A_459 = arith.constant 216 : i32
    %dma_start3A_460 = arith.constant 0 : i32
    %dma_start3A_461 = tpu.memref_slice %arg2[%add3A_453, %dma_start3A_454, %dma_start3A_459, %dma_start3A_460] : memref<64x3x384x384xf32, #tpu.memory_space<hbm>> -> memref<1x1x24x384xf32, #tpu.memory_space<hbm>>
    %dma_start3A_462 = tpu.memref_squeeze %dma_start3A_461 : memref<1x1x24x384xf32, #tpu.memory_space<hbm>> -> memref<24x384xf32, #tpu.memory_space<hbm>>
    tpu.enqueue_dma source(%dma_start3A_462 : memref<24x384xf32, #tpu.memory_space<hbm>>) target(%arg9 : memref<24x384xf32, #tpu.memory_space<vmem>>) target_semaphore(%arg12 : memref<!tpu.dma_semaphore, #tpu.memory_space<semaphore_mem>>)
    %dma_wait3A_463 = arith.constant 0 : i32
    %dma_wait3A_464 = arith.constant 360 : i32
    %dma_wait3A_465 = arith.constant 0 : i32
    %dma_wait3A_466 = tpu.memref_slice %arg2[%add3A_365, %dma_wait3A_463, %dma_wait3A_464, %dma_wait3A_465] : memref<64x3x384x384xf32, #tpu.memory_space<hbm>> -> memref<1x1x24x384xf32, #tpu.memory_space<hbm>>
    %dma_wait3A_467 = tpu.memref_squeeze %dma_wait3A_466 : memref<1x1x24x384xf32, #tpu.memory_space<hbm>> -> memref<24x384xf32, #tpu.memory_space<hbm>>
    %dma_wait3A_468 = arith.constant 360 : i32
    %dma_wait3A_469 = arith.constant 0 : i32
    %dma_wait3A_470 = tpu.memref_slice %arg2[%add3A_365, %dma_wait3A_463, %dma_wait3A_468, %dma_wait3A_469] : memref<64x3x384x384xf32, #tpu.memory_space<hbm>> -> memref<1x1x24x384xf32, #tpu.memory_space<hbm>>
    %dma_wait3A_471 = tpu.memref_squeeze %dma_wait3A_470 : memref<1x1x24x384xf32, #tpu.memory_space<hbm>> -> memref<24x384xf32, #tpu.memory_space<hbm>>
    tpu.wait_dma2 semaphore(%arg11 : memref<!tpu.dma_semaphore, #tpu.memory_space<semaphore_mem>>) src(%dma_wait3A_471 : memref<24x384xf32, #tpu.memory_space<hbm>>) dst(%arg4 : memref<24x384xf32, #tpu.memory_space<vmem>>)
    %dma_wait3A_472 = arith.constant 1 : i32
    %dma_wait3A_473 = arith.constant 360 : i32
    %dma_wait3A_474 = arith.constant 0 : i32
    %dma_wait3A_475 = tpu.memref_slice %arg2[%add3A_376, %dma_wait3A_472, %dma_wait3A_473, %dma_wait3A_474] : memref<64x3x384x384xf32, #tpu.memory_space<hbm>> -> memref<1x1x24x384xf32, #tpu.memory_space<hbm>>
    %dma_wait3A_476 = tpu.memref_squeeze %dma_wait3A_475 : memref<1x1x24x384xf32, #tpu.memory_space<hbm>> -> memref<24x384xf32, #tpu.memory_space<hbm>>
    %dma_wait3A_477 = arith.constant 360 : i32
    %dma_wait3A_478 = arith.constant 0 : i32
    %dma_wait3A_479 = tpu.memref_slice %arg2[%add3A_376, %dma_wait3A_472, %dma_wait3A_477, %dma_wait3A_478] : memref<64x3x384x384xf32, #tpu.memory_space<hbm>> -> memref<1x1x24x384xf32, #tpu.memory_space<hbm>>
    %dma_wait3A_480 = tpu.memref_squeeze %dma_wait3A_479 : memref<1x1x24x384xf32, #tpu.memory_space<hbm>> -> memref<24x384xf32, #tpu.memory_space<hbm>>
    tpu.wait_dma2 semaphore(%arg11 : memref<!tpu.dma_semaphore, #tpu.memory_space<semaphore_mem>>) src(%dma_wait3A_480 : memref<24x384xf32, #tpu.memory_space<hbm>>) dst(%arg5 : memref<24x384xf32, #tpu.memory_space<vmem>>)
    %dma_wait3A_481 = arith.constant 2 : i32
    %dma_wait3A_482 = arith.constant 360 : i32
    %dma_wait3A_483 = arith.constant 0 : i32
    %dma_wait3A_484 = tpu.memref_slice %arg2[%add3A_387, %dma_wait3A_481, %dma_wait3A_482, %dma_wait3A_483] : memref<64x3x384x384xf32, #tpu.memory_space<hbm>> -> memref<1x1x24x384xf32, #tpu.memory_space<hbm>>
    %dma_wait3A_485 = tpu.memref_squeeze %dma_wait3A_484 : memref<1x1x24x384xf32, #tpu.memory_space<hbm>> -> memref<24x384xf32, #tpu.memory_space<hbm>>
    %dma_wait3A_486 = arith.constant 360 : i32
    %dma_wait3A_487 = arith.constant 0 : i32
    %dma_wait3A_488 = tpu.memref_slice %arg2[%add3A_387, %dma_wait3A_481, %dma_wait3A_486, %dma_wait3A_487] : memref<64x3x384x384xf32, #tpu.memory_space<hbm>> -> memref<1x1x24x384xf32, #tpu.memory_space<hbm>>
    %dma_wait3A_489 = tpu.memref_squeeze %dma_wait3A_488 : memref<1x1x24x384xf32, #tpu.memory_space<hbm>> -> memref<24x384xf32, #tpu.memory_space<hbm>>
    tpu.wait_dma2 semaphore(%arg11 : memref<!tpu.dma_semaphore, #tpu.memory_space<semaphore_mem>>) src(%dma_wait3A_489 : memref<24x384xf32, #tpu.memory_space<hbm>>) dst(%arg6 : memref<24x384xf32, #tpu.memory_space<vmem>>)
    %scan3A_490 = arith.constant 0 : i32
    %scan3A_491 = arith.constant 24 : i32
    %scan3A_492 = arith.addi %scan3A_490, %scan3A_491 : i32
    %scan3A_493 = arith.constant 1 : i32
    %scan3A_494:4 = scf.for %scan3A_1407 = %scan3A_490 to %scan3A_492 step %scan3A_493 iter_args(%scan3A_1408 = %scan3A_428#0, %scan3A_1409 = %scan3A_428#1, %scan3A_1410 = %scan3A_428#2, %scan3A_1411 = %scan3A_428#3) -> (vector<16xf32>, vector<16xf32>, vector<16xf32>, vector<16xf32>)  : i32 {
      %scan3A_1412 = arith.constant 0 : i32
      %scan3A_1413 = arith.constant 12 : i32
      %scan3A_1414 = arith.addi %scan3A_1412, %scan3A_1413 : i32
      %scan3A_1415 = arith.constant 1 : i32
      %scan3A_1416:4 = scf.for %scan3A_1418 = %scan3A_1412 to %scan3A_1414 step %scan3A_1415 iter_args(%scan3A_1419 = %scan3A_1408, %scan3A_1420 = %scan3A_1409, %scan3A_1421 = %scan3A_1410, %scan3A_1422 = %scan3A_1411) -> (vector<16xf32>, vector<16xf32>, vector<16xf32>, vector<16xf32>)  : i32 {
        %mul3A_1423 = arith.constant 2 : i32
        %mul3A_1424 = arith.muli %scan3A_1418, %mul3A_1423 : i32
        %add3A_1425 = arith.constant 0 : i32
        %add3A_1426 = arith.addi %mul3A_1424, %add3A_1425 : i32
        %mul3A_1427 = arith.constant 16 : i32
        %mul3A_1428 = arith.muli %add3A_1426, %mul3A_1427 : i32
        %get3A = arith.index_cast %scan3A_1407 : i32 to index
        %get3A_1429 = arith.index_cast %mul3A_1428 : i32 to index
        %get3A_1430 = tpu.vector_load %arg4[%get3A, %get3A_1429] {strides = array<i32>} : memref<24x384xf32, #tpu.memory_space<vmem>>, vector<1x16xf32>,
        %get3A_1431 = vector.shape_cast %get3A_1430 : vector<1x16xf32> to vector<16xf32>
        %get3A_1432 = arith.index_cast %scan3A_1407 : i32 to index
        %get3A_1433 = arith.index_cast %mul3A_1428 : i32 to index
        %get3A_1434 = tpu.vector_load %arg5[%get3A_1432, %get3A_1433] {strides = array<i32>} : memref<24x384xf32, #tpu.memory_space<vmem>>, vector<1x16xf32>,
        %get3A_1435 = vector.shape_cast %get3A_1434 : vector<1x16xf32> to vector<16xf32>
        %get3A_1436 = arith.index_cast %scan3A_1407 : i32 to index
        %get3A_1437 = arith.index_cast %mul3A_1428 : i32 to index
        %get3A_1438 = tpu.vector_load %arg6[%get3A_1436, %get3A_1437] {strides = array<i32>} : memref<24x384xf32, #tpu.memory_space<vmem>>, vector<1x16xf32>,
        %get3A_1439 = vector.shape_cast %get3A_1438 : vector<1x16xf32> to vector<16xf32>
        %add3A_1440 = arith.constant 1.000000e-01 : f32
        %add3A_1441 = vector.broadcast %add3A_1440 : f32 to vector<16xf32>
        %add3A_1442 = arith.addf %get3A_1435, %add3A_1441 : vector<16xf32>
        %max3A = arith.maximumf %add3A_1442, %get3A_1439 : vector<16xf32>
        %max3A_1443 = arith.constant 4.000000e-01 : f32
        %max3A_1444 = vector.broadcast %max3A_1443 : f32 to vector<16xf32>
        %max3A_1445 = arith.maximumf %max3A, %max3A_1444 : vector<16xf32>
        %gt3A = arith.cmpf ogt, %get3A_1431, %max3A_1445 : vector<16xf32>
        %gt3A_1446 = arith.constant 2.800000e-01 : f32
        %gt3A_1447 = vector.broadcast %gt3A_1446 : f32 to vector<16xf32>
        %gt3A_1448 = arith.cmpf ogt, %get3A_1435, %gt3A_1447 : vector<16xf32>
        %and3A = arith.andi %gt3A, %gt3A_1448 : vector<16xi1>
        %gt3A_1449 = arith.constant 2.000000e-01 : f32
        %gt3A_1450 = vector.broadcast %gt3A_1449 : f32 to vector<16xf32>
        %gt3A_1451 = arith.cmpf ogt, %get3A_1439, %gt3A_1450 : vector<16xf32>
        %and3A_1452 = arith.andi %and3A, %gt3A_1451 : vector<16xi1>
        %add3A_1453 = arith.addf %scan3A_1419, %get3A_1431 : vector<16xf32>
        %select_n3A_1454 = arith.select %and3A_1452, %add3A_1453, %scan3A_1419 : vector<16xi1>, vector<16xf32>
        %add3A_1455 = arith.addf %scan3A_1420, %get3A_1435 : vector<16xf32>
        %select_n3A_1456 = arith.select %and3A_1452, %add3A_1455, %scan3A_1420 : vector<16xi1>, vector<16xf32>
        %add3A_1457 = arith.addf %scan3A_1421, %get3A_1439 : vector<16xf32>
        %select_n3A_1458 = arith.select %and3A_1452, %add3A_1457, %scan3A_1421 : vector<16xi1>, vector<16xf32>
        %add3A_1459 = arith.constant 1.000000e+00 : f32
        %add3A_1460 = vector.broadcast %add3A_1459 : f32 to vector<16xf32>
        %add3A_1461 = arith.addf %scan3A_1422, %add3A_1460 : vector<16xf32>
        %select_n3A_1462 = arith.select %and3A_1452, %add3A_1461, %scan3A_1422 : vector<16xi1>, vector<16xf32>
        %mul3A_1463 = arith.constant 2 : i32
        %mul3A_1464 = arith.muli %scan3A_1418, %mul3A_1463 : i32
        %add3A_1465 = arith.constant 1 : i32
        %add3A_1466 = arith.addi %mul3A_1464, %add3A_1465 : i32
        %mul3A_1467 = arith.constant 16 : i32
        %mul3A_1468 = arith.muli %add3A_1466, %mul3A_1467 : i32
        %get3A_1469 = arith.index_cast %scan3A_1407 : i32 to index
        %get3A_1470 = arith.index_cast %mul3A_1468 : i32 to index
        %get3A_1471 = tpu.vector_load %arg4[%get3A_1469, %get3A_1470] {strides = array<i32>} : memref<24x384xf32, #tpu.memory_space<vmem>>, vector<1x16xf32>,
        %get3A_1472 = vector.shape_cast %get3A_1471 : vector<1x16xf32> to vector<16xf32>
        %get3A_1473 = arith.index_cast %scan3A_1407 : i32 to index
        %get3A_1474 = arith.index_cast %mul3A_1468 : i32 to index
        %get3A_1475 = tpu.vector_load %arg5[%get3A_1473, %get3A_1474] {strides = array<i32>} : memref<24x384xf32, #tpu.memory_space<vmem>>, vector<1x16xf32>,
        %get3A_1476 = vector.shape_cast %get3A_1475 : vector<1x16xf32> to vector<16xf32>
        %get3A_1477 = arith.index_cast %scan3A_1407 : i32 to index
        %get3A_1478 = arith.index_cast %mul3A_1468 : i32 to index
        %get3A_1479 = tpu.vector_load %arg6[%get3A_1477, %get3A_1478] {strides = array<i32>} : memref<24x384xf32, #tpu.memory_space<vmem>>, vector<1x16xf32>,
        %get3A_1480 = vector.shape_cast %get3A_1479 : vector<1x16xf32> to vector<16xf32>
        %add3A_1481 = arith.constant 1.000000e-01 : f32
        %add3A_1482 = vector.broadcast %add3A_1481 : f32 to vector<16xf32>
        %add3A_1483 = arith.addf %get3A_1476, %add3A_1482 : vector<16xf32>
        %max3A_1484 = arith.maximumf %add3A_1483, %get3A_1480 : vector<16xf32>
        %max3A_1485 = arith.constant 4.000000e-01 : f32
        %max3A_1486 = vector.broadcast %max3A_1485 : f32 to vector<16xf32>
        %max3A_1487 = arith.maximumf %max3A_1484, %max3A_1486 : vector<16xf32>
        %gt3A_1488 = arith.cmpf ogt, %get3A_1472, %max3A_1487 : vector<16xf32>
        %gt3A_1489 = arith.constant 2.800000e-01 : f32
        %gt3A_1490 = vector.broadcast %gt3A_1489 : f32 to vector<16xf32>
        %gt3A_1491 = arith.cmpf ogt, %get3A_1476, %gt3A_1490 : vector<16xf32>
        %and3A_1492 = arith.andi %gt3A_1488, %gt3A_1491 : vector<16xi1>
        %gt3A_1493 = arith.constant 2.000000e-01 : f32
        %gt3A_1494 = vector.broadcast %gt3A_1493 : f32 to vector<16xf32>
        %gt3A_1495 = arith.cmpf ogt, %get3A_1480, %gt3A_1494 : vector<16xf32>
        %and3A_1496 = arith.andi %and3A_1492, %gt3A_1495 : vector<16xi1>
        %add3A_1497 = arith.addf %select_n3A_1454, %get3A_1472 : vector<16xf32>
        %select_n3A_1498 = arith.select %and3A_1496, %add3A_1497, %select_n3A_1454 : vector<16xi1>, vector<16xf32>
        %add3A_1499 = arith.addf %select_n3A_1456, %get3A_1476 : vector<16xf32>
        %select_n3A_1500 = arith.select %and3A_1496, %add3A_1499, %select_n3A_1456 : vector<16xi1>, vector<16xf32>
        %add3A_1501 = arith.addf %select_n3A_1458, %get3A_1480 : vector<16xf32>
        %select_n3A_1502 = arith.select %and3A_1496, %add3A_1501, %select_n3A_1458 : vector<16xi1>, vector<16xf32>
        %add3A_1503 = arith.constant 1.000000e+00 : f32
        %add3A_1504 = vector.broadcast %add3A_1503 : f32 to vector<16xf32>
        %add3A_1505 = arith.addf %select_n3A_1462, %add3A_1504 : vector<16xf32>
        %select_n3A_1506 = arith.select %and3A_1496, %add3A_1505, %select_n3A_1462 : vector<16xi1>, vector<16xf32>
        scf.yield %select_n3A_1498, %select_n3A_1500, %select_n3A_1502, %select_n3A_1506 : vector<16xf32>, vector<16xf32>, vector<16xf32>, vector<16xf32>
      }
      %scan3A_1417 = arith.constant 12 : i32
      scf.yield %scan3A_1416#0, %scan3A_1416#1, %scan3A_1416#2, %scan3A_1416#3 : vector<16xf32>, vector<16xf32>, vector<16xf32>, vector<16xf32>
    }
    %scan3A_495 = arith.constant 24 : i32
    %xor3A = arith.constant 8 : i32
    %xor3A_496 = vector.broadcast %xor3A : i32 to vector<16xi32>
    %xor3A_497 = arith.xori %iota3A, %xor3A_496 : vector<16xi32>
    %lt3A = arith.constant 0 : i32
    %lt3A_498 = vector.broadcast %lt3A : i32 to vector<16xi32>
    %lt3A_499 = arith.cmpi slt, %xor3A_497, %lt3A_498 : vector<16xi32>
    %add3A_500 = arith.constant 16 : i32
    %add3A_501 = vector.broadcast %add3A_500 : i32 to vector<16xi32>
    %add3A_502 = arith.addi %xor3A_497, %add3A_501 : vector<16xi32>
    %select_n3A = arith.select %lt3A_499, %add3A_502, %xor3A_497 : vector<16xi1>, vector<16xi32>
    %broadcast_in_dim3A_503 = vector.shape_cast %select_n3A : vector<16xi32> to vector<16x1xi32>
    %gather3A = vector.shape_cast %broadcast_in_dim3A_503 : vector<16x1xi32> to vector<16xi32>
    %gather3A_504 = tpu.dynamic_gather %scan3A_494#0[%gather3A] in [0] : vector<16xf32>, vector<16xi32> -> vector<16xf32>
    %add3A_505 = arith.addf %scan3A_494#0, %gather3A_504 : vector<16xf32>
    %xor3A_506 = arith.constant 4 : i32
    %xor3A_507 = vector.broadcast %xor3A_506 : i32 to vector<16xi32>
    %xor3A_508 = arith.xori %iota3A, %xor3A_507 : vector<16xi32>
    %lt3A_509 = arith.constant 0 : i32
    %lt3A_510 = vector.broadcast %lt3A_509 : i32 to vector<16xi32>
    %lt3A_511 = arith.cmpi slt, %xor3A_508, %lt3A_510 : vector<16xi32>
    %add3A_512 = arith.constant 16 : i32
    %add3A_513 = vector.broadcast %add3A_512 : i32 to vector<16xi32>
    %add3A_514 = arith.addi %xor3A_508, %add3A_513 : vector<16xi32>
    %select_n3A_515 = arith.select %lt3A_511, %add3A_514, %xor3A_508 : vector<16xi1>, vector<16xi32>
    %broadcast_in_dim3A_516 = vector.shape_cast %select_n3A_515 : vector<16xi32> to vector<16x1xi32>
    %gather3A_517 = vector.shape_cast %broadcast_in_dim3A_516 : vector<16x1xi32> to vector<16xi32>
    %gather3A_518 = tpu.dynamic_gather %add3A_505[%gather3A_517] in [0] : vector<16xf32>, vector<16xi32> -> vector<16xf32>
    %add3A_519 = arith.addf %add3A_505, %gather3A_518 : vector<16xf32>
    %xor3A_520 = arith.constant 2 : i32
    %xor3A_521 = vector.broadcast %xor3A_520 : i32 to vector<16xi32>
    %xor3A_522 = arith.xori %iota3A, %xor3A_521 : vector<16xi32>
    %lt3A_523 = arith.constant 0 : i32
    %lt3A_524 = vector.broadcast %lt3A_523 : i32 to vector<16xi32>
    %lt3A_525 = arith.cmpi slt, %xor3A_522, %lt3A_524 : vector<16xi32>
    %add3A_526 = arith.constant 16 : i32
    %add3A_527 = vector.broadcast %add3A_526 : i32 to vector<16xi32>
    %add3A_528 = arith.addi %xor3A_522, %add3A_527 : vector<16xi32>
    %select_n3A_529 = arith.select %lt3A_525, %add3A_528, %xor3A_522 : vector<16xi1>, vector<16xi32>
    %broadcast_in_dim3A_530 = vector.shape_cast %select_n3A_529 : vector<16xi32> to vector<16x1xi32>
    %gather3A_531 = vector.shape_cast %broadcast_in_dim3A_530 : vector<16x1xi32> to vector<16xi32>
    %gather3A_532 = tpu.dynamic_gather %add3A_519[%gather3A_531] in [0] : vector<16xf32>, vector<16xi32> -> vector<16xf32>
    %add3A_533 = arith.addf %add3A_519, %gather3A_532 : vector<16xf32>
    %xor3A_534 = arith.constant 1 : i32
    %xor3A_535 = vector.broadcast %xor3A_534 : i32 to vector<16xi32>
    %xor3A_536 = arith.xori %iota3A, %xor3A_535 : vector<16xi32>
    %lt3A_537 = arith.constant 0 : i32
    %lt3A_538 = vector.broadcast %lt3A_537 : i32 to vector<16xi32>
    %lt3A_539 = arith.cmpi slt, %xor3A_536, %lt3A_538 : vector<16xi32>
    %add3A_540 = arith.constant 16 : i32
    %add3A_541 = vector.broadcast %add3A_540 : i32 to vector<16xi32>
    %add3A_542 = arith.addi %xor3A_536, %add3A_541 : vector<16xi32>
    %select_n3A_543 = arith.select %lt3A_539, %add3A_542, %xor3A_536 : vector<16xi1>, vector<16xi32>
    %broadcast_in_dim3A_544 = vector.shape_cast %select_n3A_543 : vector<16xi32> to vector<16x1xi32>
    %gather3A_545 = vector.shape_cast %broadcast_in_dim3A_544 : vector<16x1xi32> to vector<16xi32>
    %gather3A_546 = tpu.dynamic_gather %add3A_533[%gather3A_545] in [0] : vector<16xf32>, vector<16xi32> -> vector<16xf32>
    %add3A_547 = arith.addf %add3A_533, %gather3A_546 : vector<16xf32>
    %xor3A_548 = arith.constant 8 : i32
    %xor3A_549 = vector.broadcast %xor3A_548 : i32 to vector<16xi32>
    %xor3A_550 = arith.xori %iota3A, %xor3A_549 : vector<16xi32>
    %lt3A_551 = arith.constant 0 : i32
    %lt3A_552 = vector.broadcast %lt3A_551 : i32 to vector<16xi32>
    %lt3A_553 = arith.cmpi slt, %xor3A_550, %lt3A_552 : vector<16xi32>
    %add3A_554 = arith.constant 16 : i32
    %add3A_555 = vector.broadcast %add3A_554 : i32 to vector<16xi32>
    %add3A_556 = arith.addi %xor3A_550, %add3A_555 : vector<16xi32>
    %select_n3A_557 = arith.select %lt3A_553, %add3A_556, %xor3A_550 : vector<16xi1>, vector<16xi32>
    %broadcast_in_dim3A_558 = vector.shape_cast %select_n3A_557 : vector<16xi32> to vector<16x1xi32>
    %gather3A_559 = vector.shape_cast %broadcast_in_dim3A_558 : vector<16x1xi32> to vector<16xi32>
    %gather3A_560 = tpu.dynamic_gather %scan3A_494#1[%gather3A_559] in [0] : vector<16xf32>, vector<16xi32> -> vector<16xf32>
    %add3A_561 = arith.addf %scan3A_494#1, %gather3A_560 : vector<16xf32>
    %xor3A_562 = arith.constant 4 : i32
    %xor3A_563 = vector.broadcast %xor3A_562 : i32 to vector<16xi32>
    %xor3A_564 = arith.xori %iota3A, %xor3A_563 : vector<16xi32>
    %lt3A_565 = arith.constant 0 : i32
    %lt3A_566 = vector.broadcast %lt3A_565 : i32 to vector<16xi32>
    %lt3A_567 = arith.cmpi slt, %xor3A_564, %lt3A_566 : vector<16xi32>
    %add3A_568 = arith.constant 16 : i32
    %add3A_569 = vector.broadcast %add3A_568 : i32 to vector<16xi32>
    %add3A_570 = arith.addi %xor3A_564, %add3A_569 : vector<16xi32>
    %select_n3A_571 = arith.select %lt3A_567, %add3A_570, %xor3A_564 : vector<16xi1>, vector<16xi32>
    %broadcast_in_dim3A_572 = vector.shape_cast %select_n3A_571 : vector<16xi32> to vector<16x1xi32>
    %gather3A_573 = vector.shape_cast %broadcast_in_dim3A_572 : vector<16x1xi32> to vector<16xi32>
    %gather3A_574 = tpu.dynamic_gather %add3A_561[%gather3A_573] in [0] : vector<16xf32>, vector<16xi32> -> vector<16xf32>
    %add3A_575 = arith.addf %add3A_561, %gather3A_574 : vector<16xf32>
    %xor3A_576 = arith.constant 2 : i32
    %xor3A_577 = vector.broadcast %xor3A_576 : i32 to vector<16xi32>
    %xor3A_578 = arith.xori %iota3A, %xor3A_577 : vector<16xi32>
    %lt3A_579 = arith.constant 0 : i32
    %lt3A_580 = vector.broadcast %lt3A_579 : i32 to vector<16xi32>
    %lt3A_581 = arith.cmpi slt, %xor3A_578, %lt3A_580 : vector<16xi32>
    %add3A_582 = arith.constant 16 : i32
    %add3A_583 = vector.broadcast %add3A_582 : i32 to vector<16xi32>
    %add3A_584 = arith.addi %xor3A_578, %add3A_583 : vector<16xi32>
    %select_n3A_585 = arith.select %lt3A_581, %add3A_584, %xor3A_578 : vector<16xi1>, vector<16xi32>
    %broadcast_in_dim3A_586 = vector.shape_cast %select_n3A_585 : vector<16xi32> to vector<16x1xi32>
    %gather3A_587 = vector.shape_cast %broadcast_in_dim3A_586 : vector<16x1xi32> to vector<16xi32>
    %gather3A_588 = tpu.dynamic_gather %add3A_575[%gather3A_587] in [0] : vector<16xf32>, vector<16xi32> -> vector<16xf32>
    %add3A_589 = arith.addf %add3A_575, %gather3A_588 : vector<16xf32>
    %xor3A_590 = arith.constant 1 : i32
    %xor3A_591 = vector.broadcast %xor3A_590 : i32 to vector<16xi32>
    %xor3A_592 = arith.xori %iota3A, %xor3A_591 : vector<16xi32>
    %lt3A_593 = arith.constant 0 : i32
    %lt3A_594 = vector.broadcast %lt3A_593 : i32 to vector<16xi32>
    %lt3A_595 = arith.cmpi slt, %xor3A_592, %lt3A_594 : vector<16xi32>
    %add3A_596 = arith.constant 16 : i32
    %add3A_597 = vector.broadcast %add3A_596 : i32 to vector<16xi32>
    %add3A_598 = arith.addi %xor3A_592, %add3A_597 : vector<16xi32>
    %select_n3A_599 = arith.select %lt3A_595, %add3A_598, %xor3A_592 : vector<16xi1>, vector<16xi32>
    %broadcast_in_dim3A_600 = vector.shape_cast %select_n3A_599 : vector<16xi32> to vector<16x1xi32>
    %gather3A_601 = vector.shape_cast %broadcast_in_dim3A_600 : vector<16x1xi32> to vector<16xi32>
    %gather3A_602 = tpu.dynamic_gather %add3A_589[%gather3A_601] in [0] : vector<16xf32>, vector<16xi32> -> vector<16xf32>
    %add3A_603 = arith.addf %add3A_589, %gather3A_602 : vector<16xf32>
    %xor3A_604 = arith.constant 8 : i32
    %xor3A_605 = vector.broadcast %xor3A_604 : i32 to vector<16xi32>
    %xor3A_606 = arith.xori %iota3A, %xor3A_605 : vector<16xi32>
    %lt3A_607 = arith.constant 0 : i32
    %lt3A_608 = vector.broadcast %lt3A_607 : i32 to vector<16xi32>
    %lt3A_609 = arith.cmpi slt, %xor3A_606, %lt3A_608 : vector<16xi32>
    %add3A_610 = arith.constant 16 : i32
    %add3A_611 = vector.broadcast %add3A_610 : i32 to vector<16xi32>
    %add3A_612 = arith.addi %xor3A_606, %add3A_611 : vector<16xi32>
    %select_n3A_613 = arith.select %lt3A_609, %add3A_612, %xor3A_606 : vector<16xi1>, vector<16xi32>
    %broadcast_in_dim3A_614 = vector.shape_cast %select_n3A_613 : vector<16xi32> to vector<16x1xi32>
    %gather3A_615 = vector.shape_cast %broadcast_in_dim3A_614 : vector<16x1xi32> to vector<16xi32>
    %gather3A_616 = tpu.dynamic_gather %scan3A_494#2[%gather3A_615] in [0] : vector<16xf32>, vector<16xi32> -> vector<16xf32>
    %add3A_617 = arith.addf %scan3A_494#2, %gather3A_616 : vector<16xf32>
    %xor3A_618 = arith.constant 4 : i32
    %xor3A_619 = vector.broadcast %xor3A_618 : i32 to vector<16xi32>
    %xor3A_620 = arith.xori %iota3A, %xor3A_619 : vector<16xi32>
    %lt3A_621 = arith.constant 0 : i32
    %lt3A_622 = vector.broadcast %lt3A_621 : i32 to vector<16xi32>
    %lt3A_623 = arith.cmpi slt, %xor3A_620, %lt3A_622 : vector<16xi32>
    %add3A_624 = arith.constant 16 : i32
    %add3A_625 = vector.broadcast %add3A_624 : i32 to vector<16xi32>
    %add3A_626 = arith.addi %xor3A_620, %add3A_625 : vector<16xi32>
    %select_n3A_627 = arith.select %lt3A_623, %add3A_626, %xor3A_620 : vector<16xi1>, vector<16xi32>
    %broadcast_in_dim3A_628 = vector.shape_cast %select_n3A_627 : vector<16xi32> to vector<16x1xi32>
    %gather3A_629 = vector.shape_cast %broadcast_in_dim3A_628 : vector<16x1xi32> to vector<16xi32>
    %gather3A_630 = tpu.dynamic_gather %add3A_617[%gather3A_629] in [0] : vector<16xf32>, vector<16xi32> -> vector<16xf32>
    %add3A_631 = arith.addf %add3A_617, %gather3A_630 : vector<16xf32>
    %xor3A_632 = arith.constant 2 : i32
    %xor3A_633 = vector.broadcast %xor3A_632 : i32 to vector<16xi32>
    %xor3A_634 = arith.xori %iota3A, %xor3A_633 : vector<16xi32>
    %lt3A_635 = arith.constant 0 : i32
    %lt3A_636 = vector.broadcast %lt3A_635 : i32 to vector<16xi32>
    %lt3A_637 = arith.cmpi slt, %xor3A_634, %lt3A_636 : vector<16xi32>
    %add3A_638 = arith.constant 16 : i32
    %add3A_639 = vector.broadcast %add3A_638 : i32 to vector<16xi32>
    %add3A_640 = arith.addi %xor3A_634, %add3A_639 : vector<16xi32>
    %select_n3A_641 = arith.select %lt3A_637, %add3A_640, %xor3A_634 : vector<16xi1>, vector<16xi32>
    %broadcast_in_dim3A_642 = vector.shape_cast %select_n3A_641 : vector<16xi32> to vector<16x1xi32>
    %gather3A_643 = vector.shape_cast %broadcast_in_dim3A_642 : vector<16x1xi32> to vector<16xi32>
    %gather3A_644 = tpu.dynamic_gather %add3A_631[%gather3A_643] in [0] : vector<16xf32>, vector<16xi32> -> vector<16xf32>
    %add3A_645 = arith.addf %add3A_631, %gather3A_644 : vector<16xf32>
    %xor3A_646 = arith.constant 1 : i32
    %xor3A_647 = vector.broadcast %xor3A_646 : i32 to vector<16xi32>
    %xor3A_648 = arith.xori %iota3A, %xor3A_647 : vector<16xi32>
    %lt3A_649 = arith.constant 0 : i32
    %lt3A_650 = vector.broadcast %lt3A_649 : i32 to vector<16xi32>
    %lt3A_651 = arith.cmpi slt, %xor3A_648, %lt3A_650 : vector<16xi32>
    %add3A_652 = arith.constant 16 : i32
    %add3A_653 = vector.broadcast %add3A_652 : i32 to vector<16xi32>
    %add3A_654 = arith.addi %xor3A_648, %add3A_653 : vector<16xi32>
    %select_n3A_655 = arith.select %lt3A_651, %add3A_654, %xor3A_648 : vector<16xi1>, vector<16xi32>
    %broadcast_in_dim3A_656 = vector.shape_cast %select_n3A_655 : vector<16xi32> to vector<16x1xi32>
    %gather3A_657 = vector.shape_cast %broadcast_in_dim3A_656 : vector<16x1xi32> to vector<16xi32>
    %gather3A_658 = tpu.dynamic_gather %add3A_645[%gather3A_657] in [0] : vector<16xf32>, vector<16xi32> -> vector<16xf32>
    %add3A_659 = arith.addf %add3A_645, %gather3A_658 : vector<16xf32>
    %xor3A_660 = arith.constant 8 : i32
    %xor3A_661 = vector.broadcast %xor3A_660 : i32 to vector<16xi32>
    %xor3A_662 = arith.xori %iota3A, %xor3A_661 : vector<16xi32>
    %lt3A_663 = arith.constant 0 : i32
    %lt3A_664 = vector.broadcast %lt3A_663 : i32 to vector<16xi32>
    %lt3A_665 = arith.cmpi slt, %xor3A_662, %lt3A_664 : vector<16xi32>
    %add3A_666 = arith.constant 16 : i32
    %add3A_667 = vector.broadcast %add3A_666 : i32 to vector<16xi32>
    %add3A_668 = arith.addi %xor3A_662, %add3A_667 : vector<16xi32>
    %select_n3A_669 = arith.select %lt3A_665, %add3A_668, %xor3A_662 : vector<16xi1>, vector<16xi32>
    %broadcast_in_dim3A_670 = vector.shape_cast %select_n3A_669 : vector<16xi32> to vector<16x1xi32>
    %gather3A_671 = vector.shape_cast %broadcast_in_dim3A_670 : vector<16x1xi32> to vector<16xi32>
    %gather3A_672 = tpu.dynamic_gather %scan3A_494#3[%gather3A_671] in [0] : vector<16xf32>, vector<16xi32> -> vector<16xf32>
    %add3A_673 = arith.addf %scan3A_494#3, %gather3A_672 : vector<16xf32>
    %xor3A_674 = arith.constant 4 : i32
    %xor3A_675 = vector.broadcast %xor3A_674 : i32 to vector<16xi32>
    %xor3A_676 = arith.xori %iota3A, %xor3A_675 : vector<16xi32>
    %lt3A_677 = arith.constant 0 : i32
    %lt3A_678 = vector.broadcast %lt3A_677 : i32 to vector<16xi32>
    %lt3A_679 = arith.cmpi slt, %xor3A_676, %lt3A_678 : vector<16xi32>
    %add3A_680 = arith.constant 16 : i32
    %add3A_681 = vector.broadcast %add3A_680 : i32 to vector<16xi32>
    %add3A_682 = arith.addi %xor3A_676, %add3A_681 : vector<16xi32>
    %select_n3A_683 = arith.select %lt3A_679, %add3A_682, %xor3A_676 : vector<16xi1>, vector<16xi32>
    %broadcast_in_dim3A_684 = vector.shape_cast %select_n3A_683 : vector<16xi32> to vector<16x1xi32>
    %gather3A_685 = vector.shape_cast %broadcast_in_dim3A_684 : vector<16x1xi32> to vector<16xi32>
    %gather3A_686 = tpu.dynamic_gather %add3A_673[%gather3A_685] in [0] : vector<16xf32>, vector<16xi32> -> vector<16xf32>
    %add3A_687 = arith.addf %add3A_673, %gather3A_686 : vector<16xf32>
    %xor3A_688 = arith.constant 2 : i32
    %xor3A_689 = vector.broadcast %xor3A_688 : i32 to vector<16xi32>
    %xor3A_690 = arith.xori %iota3A, %xor3A_689 : vector<16xi32>
    %lt3A_691 = arith.constant 0 : i32
    %lt3A_692 = vector.broadcast %lt3A_691 : i32 to vector<16xi32>
    %lt3A_693 = arith.cmpi slt, %xor3A_690, %lt3A_692 : vector<16xi32>
    %add3A_694 = arith.constant 16 : i32
    %add3A_695 = vector.broadcast %add3A_694 : i32 to vector<16xi32>
    %add3A_696 = arith.addi %xor3A_690, %add3A_695 : vector<16xi32>
    %select_n3A_697 = arith.select %lt3A_693, %add3A_696, %xor3A_690 : vector<16xi1>, vector<16xi32>
    %broadcast_in_dim3A_698 = vector.shape_cast %select_n3A_697 : vector<16xi32> to vector<16x1xi32>
    %gather3A_699 = vector.shape_cast %broadcast_in_dim3A_698 : vector<16x1xi32> to vector<16xi32>
    %gather3A_700 = tpu.dynamic_gather %add3A_687[%gather3A_699] in [0] : vector<16xf32>, vector<16xi32> -> vector<16xf32>
    %add3A_701 = arith.addf %add3A_687, %gather3A_700 : vector<16xf32>
    %xor3A_702 = arith.constant 1 : i32
    %xor3A_703 = vector.broadcast %xor3A_702 : i32 to vector<16xi32>
    %xor3A_704 = arith.xori %iota3A, %xor3A_703 : vector<16xi32>
    %lt3A_705 = arith.constant 0 : i32
    %lt3A_706 = vector.broadcast %lt3A_705 : i32 to vector<16xi32>
    %lt3A_707 = arith.cmpi slt, %xor3A_704, %lt3A_706 : vector<16xi32>
    %add3A_708 = arith.constant 16 : i32
    %add3A_709 = vector.broadcast %add3A_708 : i32 to vector<16xi32>
    %add3A_710 = arith.addi %xor3A_704, %add3A_709 : vector<16xi32>
    %select_n3A_711 = arith.select %lt3A_707, %add3A_710, %xor3A_704 : vector<16xi1>, vector<16xi32>
    %broadcast_in_dim3A_712 = vector.shape_cast %select_n3A_711 : vector<16xi32> to vector<16x1xi32>
    %gather3A_713 = vector.shape_cast %broadcast_in_dim3A_712 : vector<16x1xi32> to vector<16xi32>
    %gather3A_714 = tpu.dynamic_gather %add3A_701[%gather3A_713] in [0] : vector<16xf32>, vector<16xi32> -> vector<16xf32>
    %add3A_715 = arith.addf %add3A_701, %gather3A_714 : vector<16xf32>
    %add3A_716 = arith.constant 1 : i32
    %add3A_717 = arith.addi %mul3A_2, %add3A_716 : i32
    %dma_start3A_718 = arith.constant 0 : i32
    %dma_start3A_719 = arith.constant 240 : i32
    %dma_start3A_720 = arith.constant 0 : i32
    %dma_start3A_721 = tpu.memref_slice %arg2[%add3A_717, %dma_start3A_718, %dma_start3A_719, %dma_start3A_720] : memref<64x3x384x384xf32, #tpu.memory_space<hbm>> -> memref<1x1x24x384xf32, #tpu.memory_space<hbm>>
    %dma_start3A_722 = tpu.memref_squeeze %dma_start3A_721 : memref<1x1x24x384xf32, #tpu.memory_space<hbm>> -> memref<24x384xf32, #tpu.memory_space<hbm>>
    %dma_start3A_723 = arith.constant 240 : i32
    %dma_start3A_724 = arith.constant 0 : i32
    %dma_start3A_725 = tpu.memref_slice %arg2[%add3A_717, %dma_start3A_718, %dma_start3A_723, %dma_start3A_724] : memref<64x3x384x384xf32, #tpu.memory_space<hbm>> -> memref<1x1x24x384xf32, #tpu.memory_space<hbm>>
    %dma_start3A_726 = tpu.memref_squeeze %dma_start3A_725 : memref<1x1x24x384xf32, #tpu.memory_space<hbm>> -> memref<24x384xf32, #tpu.memory_space<hbm>>
    tpu.enqueue_dma source(%dma_start3A_726 : memref<24x384xf32, #tpu.memory_space<hbm>>) target(%arg4 : memref<24x384xf32, #tpu.memory_space<vmem>>) target_semaphore(%arg11 : memref<!tpu.dma_semaphore, #tpu.memory_space<semaphore_mem>>)
    %add3A_727 = arith.constant 1 : i32
    %add3A_728 = arith.addi %mul3A_2, %add3A_727 : i32
    %dma_start3A_729 = arith.constant 1 : i32
    %dma_start3A_730 = arith.constant 240 : i32
    %dma_start3A_731 = arith.constant 0 : i32
    %dma_start3A_732 = tpu.memref_slice %arg2[%add3A_728, %dma_start3A_729, %dma_start3A_730, %dma_start3A_731] : memref<64x3x384x384xf32, #tpu.memory_space<hbm>> -> memref<1x1x24x384xf32, #tpu.memory_space<hbm>>
    %dma_start3A_733 = tpu.memref_squeeze %dma_start3A_732 : memref<1x1x24x384xf32, #tpu.memory_space<hbm>> -> memref<24x384xf32, #tpu.memory_space<hbm>>
    %dma_start3A_734 = arith.constant 240 : i32
    %dma_start3A_735 = arith.constant 0 : i32
    %dma_start3A_736 = tpu.memref_slice %arg2[%add3A_728, %dma_start3A_729, %dma_start3A_734, %dma_start3A_735] : memref<64x3x384x384xf32, #tpu.memory_space<hbm>> -> memref<1x1x24x384xf32, #tpu.memory_space<hbm>>
    %dma_start3A_737 = tpu.memref_squeeze %dma_start3A_736 : memref<1x1x24x384xf32, #tpu.memory_space<hbm>> -> memref<24x384xf32, #tpu.memory_space<hbm>>
    tpu.enqueue_dma source(%dma_start3A_737 : memref<24x384xf32, #tpu.memory_space<hbm>>) target(%arg5 : memref<24x384xf32, #tpu.memory_space<vmem>>) target_semaphore(%arg11 : memref<!tpu.dma_semaphore, #tpu.memory_space<semaphore_mem>>)
    %add3A_738 = arith.constant 1 : i32
    %add3A_739 = arith.addi %mul3A_2, %add3A_738 : i32
    %dma_start3A_740 = arith.constant 2 : i32
    %dma_start3A_741 = arith.constant 240 : i32
    %dma_start3A_742 = arith.constant 0 : i32
    %dma_start3A_743 = tpu.memref_slice %arg2[%add3A_739, %dma_start3A_740, %dma_start3A_741, %dma_start3A_742] : memref<64x3x384x384xf32, #tpu.memory_space<hbm>> -> memref<1x1x24x384xf32, #tpu.memory_space<hbm>>
    %dma_start3A_744 = tpu.memref_squeeze %dma_start3A_743 : memref<1x1x24x384xf32, #tpu.memory_space<hbm>> -> memref<24x384xf32, #tpu.memory_space<hbm>>
    %dma_start3A_745 = arith.constant 240 : i32
    %dma_start3A_746 = arith.constant 0 : i32
    %dma_start3A_747 = tpu.memref_slice %arg2[%add3A_739, %dma_start3A_740, %dma_start3A_745, %dma_start3A_746] : memref<64x3x384x384xf32, #tpu.memory_space<hbm>> -> memref<1x1x24x384xf32, #tpu.memory_space<hbm>>
    %dma_start3A_748 = tpu.memref_squeeze %dma_start3A_747 : memref<1x1x24x384xf32, #tpu.memory_space<hbm>> -> memref<24x384xf32, #tpu.memory_space<hbm>>
    tpu.enqueue_dma source(%dma_start3A_748 : memref<24x384xf32, #tpu.memory_space<hbm>>) target(%arg6 : memref<24x384xf32, #tpu.memory_space<vmem>>) target_semaphore(%arg11 : memref<!tpu.dma_semaphore, #tpu.memory_space<semaphore_mem>>)
    %dma_wait3A_749 = arith.constant 0 : i32
    %dma_wait3A_750 = arith.constant 216 : i32
    %dma_wait3A_751 = arith.constant 0 : i32
    %dma_wait3A_752 = tpu.memref_slice %arg2[%add3A_431, %dma_wait3A_749, %dma_wait3A_750, %dma_wait3A_751] : memref<64x3x384x384xf32, #tpu.memory_space<hbm>> -> memref<1x1x24x384xf32, #tpu.memory_space<hbm>>
    %dma_wait3A_753 = tpu.memref_squeeze %dma_wait3A_752 : memref<1x1x24x384xf32, #tpu.memory_space<hbm>> -> memref<24x384xf32, #tpu.memory_space<hbm>>
    %dma_wait3A_754 = arith.constant 216 : i32
    %dma_wait3A_755 = arith.constant 0 : i32
    %dma_wait3A_756 = tpu.memref_slice %arg2[%add3A_431, %dma_wait3A_749, %dma_wait3A_754, %dma_wait3A_755] : memref<64x3x384x384xf32, #tpu.memory_space<hbm>> -> memref<1x1x24x384xf32, #tpu.memory_space<hbm>>
    %dma_wait3A_757 = tpu.memref_squeeze %dma_wait3A_756 : memref<1x1x24x384xf32, #tpu.memory_space<hbm>> -> memref<24x384xf32, #tpu.memory_space<hbm>>
    tpu.wait_dma2 semaphore(%arg12 : memref<!tpu.dma_semaphore, #tpu.memory_space<semaphore_mem>>) src(%dma_wait3A_757 : memref<24x384xf32, #tpu.memory_space<hbm>>) dst(%arg7 : memref<24x384xf32, #tpu.memory_space<vmem>>)
    %dma_wait3A_758 = arith.constant 1 : i32
    %dma_wait3A_759 = arith.constant 216 : i32
    %dma_wait3A_760 = arith.constant 0 : i32
    %dma_wait3A_761 = tpu.memref_slice %arg2[%add3A_442, %dma_wait3A_758, %dma_wait3A_759, %dma_wait3A_760] : memref<64x3x384x384xf32, #tpu.memory_space<hbm>> -> memref<1x1x24x384xf32, #tpu.memory_space<hbm>>
    %dma_wait3A_762 = tpu.memref_squeeze %dma_wait3A_761 : memref<1x1x24x384xf32, #tpu.memory_space<hbm>> -> memref<24x384xf32, #tpu.memory_space<hbm>>
    %dma_wait3A_763 = arith.constant 216 : i32
    %dma_wait3A_764 = arith.constant 0 : i32
    %dma_wait3A_765 = tpu.memref_slice %arg2[%add3A_442, %dma_wait3A_758, %dma_wait3A_763, %dma_wait3A_764] : memref<64x3x384x384xf32, #tpu.memory_space<hbm>> -> memref<1x1x24x384xf32, #tpu.memory_space<hbm>>
    %dma_wait3A_766 = tpu.memref_squeeze %dma_wait3A_765 : memref<1x1x24x384xf32, #tpu.memory_space<hbm>> -> memref<24x384xf32, #tpu.memory_space<hbm>>
    tpu.wait_dma2 semaphore(%arg12 : memref<!tpu.dma_semaphore, #tpu.memory_space<semaphore_mem>>) src(%dma_wait3A_766 : memref<24x384xf32, #tpu.memory_space<hbm>>) dst(%arg8 : memref<24x384xf32, #tpu.memory_space<vmem>>)
    %dma_wait3A_767 = arith.constant 2 : i32
    %dma_wait3A_768 = arith.constant 216 : i32
    %dma_wait3A_769 = arith.constant 0 : i32
    %dma_wait3A_770 = tpu.memref_slice %arg2[%add3A_453, %dma_wait3A_767, %dma_wait3A_768, %dma_wait3A_769] : memref<64x3x384x384xf32, #tpu.memory_space<hbm>> -> memref<1x1x24x384xf32, #tpu.memory_space<hbm>>
    %dma_wait3A_771 = tpu.memref_squeeze %dma_wait3A_770 : memref<1x1x24x384xf32, #tpu.memory_space<hbm>> -> memref<24x384xf32, #tpu.memory_space<hbm>>
    %dma_wait3A_772 = arith.constant 216 : i32
    %dma_wait3A_773 = arith.constant 0 : i32
    %dma_wait3A_774 = tpu.memref_slice %arg2[%add3A_453, %dma_wait3A_767, %dma_wait3A_772, %dma_wait3A_773] : memref<64x3x384x384xf32, #tpu.memory_space<hbm>> -> memref<1x1x24x384xf32, #tpu.memory_space<hbm>>
    %dma_wait3A_775 = tpu.memref_squeeze %dma_wait3A_774 : memref<1x1x24x384xf32, #tpu.memory_space<hbm>> -> memref<24x384xf32, #tpu.memory_space<hbm>>
    tpu.wait_dma2 semaphore(%arg12 : memref<!tpu.dma_semaphore, #tpu.memory_space<semaphore_mem>>) src(%dma_wait3A_775 : memref<24x384xf32, #tpu.memory_space<hbm>>) dst(%arg9 : memref<24x384xf32, #tpu.memory_space<vmem>>)
    %scan3A_776 = arith.constant 0 : i32
    %scan3A_777 = arith.constant 24 : i32
    %scan3A_778 = arith.addi %scan3A_776, %scan3A_777 : i32
    %scan3A_779 = arith.constant 1 : i32
    %scan3A_780:4 = scf.for %scan3A_1407 = %scan3A_776 to %scan3A_778 step %scan3A_779 iter_args(%scan3A_1408 = %broadcast_in_dim3A_3, %scan3A_1409 = %broadcast_in_dim3A_3, %scan3A_1410 = %broadcast_in_dim3A_3, %scan3A_1411 = %broadcast_in_dim3A_3) -> (vector<16xf32>, vector<16xf32>, vector<16xf32>, vector<16xf32>)  : i32 {
      %scan3A_1412 = arith.constant 0 : i32
      %scan3A_1413 = arith.constant 12 : i32
      %scan3A_1414 = arith.addi %scan3A_1412, %scan3A_1413 : i32
      %scan3A_1415 = arith.constant 1 : i32
      %scan3A_1416:4 = scf.for %scan3A_1418 = %scan3A_1412 to %scan3A_1414 step %scan3A_1415 iter_args(%scan3A_1419 = %scan3A_1408, %scan3A_1420 = %scan3A_1409, %scan3A_1421 = %scan3A_1410, %scan3A_1422 = %scan3A_1411) -> (vector<16xf32>, vector<16xf32>, vector<16xf32>, vector<16xf32>)  : i32 {
        %mul3A_1423 = arith.constant 2 : i32
        %mul3A_1424 = arith.muli %scan3A_1418, %mul3A_1423 : i32
        %add3A_1425 = arith.constant 0 : i32
        %add3A_1426 = arith.addi %mul3A_1424, %add3A_1425 : i32
        %mul3A_1427 = arith.constant 16 : i32
        %mul3A_1428 = arith.muli %add3A_1426, %mul3A_1427 : i32
        %get3A = arith.index_cast %scan3A_1407 : i32 to index
        %get3A_1429 = arith.index_cast %mul3A_1428 : i32 to index
        %get3A_1430 = tpu.vector_load %arg7[%get3A, %get3A_1429] {strides = array<i32>} : memref<24x384xf32, #tpu.memory_space<vmem>>, vector<1x16xf32>,
        %get3A_1431 = vector.shape_cast %get3A_1430 : vector<1x16xf32> to vector<16xf32>
        %get3A_1432 = arith.index_cast %scan3A_1407 : i32 to index
        %get3A_1433 = arith.index_cast %mul3A_1428 : i32 to index
        %get3A_1434 = tpu.vector_load %arg8[%get3A_1432, %get3A_1433] {strides = array<i32>} : memref<24x384xf32, #tpu.memory_space<vmem>>, vector<1x16xf32>,
        %get3A_1435 = vector.shape_cast %get3A_1434 : vector<1x16xf32> to vector<16xf32>
        %get3A_1436 = arith.index_cast %scan3A_1407 : i32 to index
        %get3A_1437 = arith.index_cast %mul3A_1428 : i32 to index
        %get3A_1438 = tpu.vector_load %arg9[%get3A_1436, %get3A_1437] {strides = array<i32>} : memref<24x384xf32, #tpu.memory_space<vmem>>, vector<1x16xf32>,
        %get3A_1439 = vector.shape_cast %get3A_1438 : vector<1x16xf32> to vector<16xf32>
        %add3A_1440 = arith.constant 1.000000e-01 : f32
        %add3A_1441 = vector.broadcast %add3A_1440 : f32 to vector<16xf32>
        %add3A_1442 = arith.addf %get3A_1435, %add3A_1441 : vector<16xf32>
        %max3A = arith.maximumf %add3A_1442, %get3A_1439 : vector<16xf32>
        %max3A_1443 = arith.constant 4.000000e-01 : f32
        %max3A_1444 = vector.broadcast %max3A_1443 : f32 to vector<16xf32>
        %max3A_1445 = arith.maximumf %max3A, %max3A_1444 : vector<16xf32>
        %gt3A = arith.cmpf ogt, %get3A_1431, %max3A_1445 : vector<16xf32>
        %gt3A_1446 = arith.constant 2.800000e-01 : f32
        %gt3A_1447 = vector.broadcast %gt3A_1446 : f32 to vector<16xf32>
        %gt3A_1448 = arith.cmpf ogt, %get3A_1435, %gt3A_1447 : vector<16xf32>
        %and3A = arith.andi %gt3A, %gt3A_1448 : vector<16xi1>
        %gt3A_1449 = arith.constant 2.000000e-01 : f32
        %gt3A_1450 = vector.broadcast %gt3A_1449 : f32 to vector<16xf32>
        %gt3A_1451 = arith.cmpf ogt, %get3A_1439, %gt3A_1450 : vector<16xf32>
        %and3A_1452 = arith.andi %and3A, %gt3A_1451 : vector<16xi1>
        %add3A_1453 = arith.addf %scan3A_1419, %get3A_1431 : vector<16xf32>
        %select_n3A_1454 = arith.select %and3A_1452, %add3A_1453, %scan3A_1419 : vector<16xi1>, vector<16xf32>
        %add3A_1455 = arith.addf %scan3A_1420, %get3A_1435 : vector<16xf32>
        %select_n3A_1456 = arith.select %and3A_1452, %add3A_1455, %scan3A_1420 : vector<16xi1>, vector<16xf32>
        %add3A_1457 = arith.addf %scan3A_1421, %get3A_1439 : vector<16xf32>
        %select_n3A_1458 = arith.select %and3A_1452, %add3A_1457, %scan3A_1421 : vector<16xi1>, vector<16xf32>
        %add3A_1459 = arith.constant 1.000000e+00 : f32
        %add3A_1460 = vector.broadcast %add3A_1459 : f32 to vector<16xf32>
        %add3A_1461 = arith.addf %scan3A_1422, %add3A_1460 : vector<16xf32>
        %select_n3A_1462 = arith.select %and3A_1452, %add3A_1461, %scan3A_1422 : vector<16xi1>, vector<16xf32>
        %mul3A_1463 = arith.constant 2 : i32
        %mul3A_1464 = arith.muli %scan3A_1418, %mul3A_1463 : i32
        %add3A_1465 = arith.constant 1 : i32
        %add3A_1466 = arith.addi %mul3A_1464, %add3A_1465 : i32
        %mul3A_1467 = arith.constant 16 : i32
        %mul3A_1468 = arith.muli %add3A_1466, %mul3A_1467 : i32
        %get3A_1469 = arith.index_cast %scan3A_1407 : i32 to index
        %get3A_1470 = arith.index_cast %mul3A_1468 : i32 to index
        %get3A_1471 = tpu.vector_load %arg7[%get3A_1469, %get3A_1470] {strides = array<i32>} : memref<24x384xf32, #tpu.memory_space<vmem>>, vector<1x16xf32>,
        %get3A_1472 = vector.shape_cast %get3A_1471 : vector<1x16xf32> to vector<16xf32>
        %get3A_1473 = arith.index_cast %scan3A_1407 : i32 to index
        %get3A_1474 = arith.index_cast %mul3A_1468 : i32 to index
        %get3A_1475 = tpu.vector_load %arg8[%get3A_1473, %get3A_1474] {strides = array<i32>} : memref<24x384xf32, #tpu.memory_space<vmem>>, vector<1x16xf32>,
        %get3A_1476 = vector.shape_cast %get3A_1475 : vector<1x16xf32> to vector<16xf32>
        %get3A_1477 = arith.index_cast %scan3A_1407 : i32 to index
        %get3A_1478 = arith.index_cast %mul3A_1468 : i32 to index
        %get3A_1479 = tpu.vector_load %arg9[%get3A_1477, %get3A_1478] {strides = array<i32>} : memref<24x384xf32, #tpu.memory_space<vmem>>, vector<1x16xf32>,
        %get3A_1480 = vector.shape_cast %get3A_1479 : vector<1x16xf32> to vector<16xf32>
        %add3A_1481 = arith.constant 1.000000e-01 : f32
        %add3A_1482 = vector.broadcast %add3A_1481 : f32 to vector<16xf32>
        %add3A_1483 = arith.addf %get3A_1476, %add3A_1482 : vector<16xf32>
        %max3A_1484 = arith.maximumf %add3A_1483, %get3A_1480 : vector<16xf32>
        %max3A_1485 = arith.constant 4.000000e-01 : f32
        %max3A_1486 = vector.broadcast %max3A_1485 : f32 to vector<16xf32>
        %max3A_1487 = arith.maximumf %max3A_1484, %max3A_1486 : vector<16xf32>
        %gt3A_1488 = arith.cmpf ogt, %get3A_1472, %max3A_1487 : vector<16xf32>
        %gt3A_1489 = arith.constant 2.800000e-01 : f32
        %gt3A_1490 = vector.broadcast %gt3A_1489 : f32 to vector<16xf32>
        %gt3A_1491 = arith.cmpf ogt, %get3A_1476, %gt3A_1490 : vector<16xf32>
        %and3A_1492 = arith.andi %gt3A_1488, %gt3A_1491 : vector<16xi1>
        %gt3A_1493 = arith.constant 2.000000e-01 : f32
        %gt3A_1494 = vector.broadcast %gt3A_1493 : f32 to vector<16xf32>
        %gt3A_1495 = arith.cmpf ogt, %get3A_1480, %gt3A_1494 : vector<16xf32>
        %and3A_1496 = arith.andi %and3A_1492, %gt3A_1495 : vector<16xi1>
        %add3A_1497 = arith.addf %select_n3A_1454, %get3A_1472 : vector<16xf32>
        %select_n3A_1498 = arith.select %and3A_1496, %add3A_1497, %select_n3A_1454 : vector<16xi1>, vector<16xf32>
        %add3A_1499 = arith.addf %select_n3A_1456, %get3A_1476 : vector<16xf32>
        %select_n3A_1500 = arith.select %and3A_1496, %add3A_1499, %select_n3A_1456 : vector<16xi1>, vector<16xf32>
        %add3A_1501 = arith.addf %select_n3A_1458, %get3A_1480 : vector<16xf32>
        %select_n3A_1502 = arith.select %and3A_1496, %add3A_1501, %select_n3A_1458 : vector<16xi1>, vector<16xf32>
        %add3A_1503 = arith.constant 1.000000e+00 : f32
        %add3A_1504 = vector.broadcast %add3A_1503 : f32 to vector<16xf32>
        %add3A_1505 = arith.addf %select_n3A_1462, %add3A_1504 : vector<16xf32>
        %select_n3A_1506 = arith.select %and3A_1496, %add3A_1505, %select_n3A_1462 : vector<16xi1>, vector<16xf32>
        scf.yield %select_n3A_1498, %select_n3A_1500, %select_n3A_1502, %select_n3A_1506 : vector<16xf32>, vector<16xf32>, vector<16xf32>, vector<16xf32>
      }
      %scan3A_1417 = arith.constant 12 : i32
      scf.yield %scan3A_1416#0, %scan3A_1416#1, %scan3A_1416#2, %scan3A_1416#3 : vector<16xf32>, vector<16xf32>, vector<16xf32>, vector<16xf32>
    }
    %scan3A_781 = arith.constant 24 : i32
    %add3A_782 = arith.constant 1 : i32
    %add3A_783 = arith.addi %mul3A_2, %add3A_782 : i32
    %dma_start3A_784 = arith.constant 0 : i32
    %dma_start3A_785 = arith.constant 264 : i32
    %dma_start3A_786 = arith.constant 0 : i32
    %dma_start3A_787 = tpu.memref_slice %arg2[%add3A_783, %dma_start3A_784, %dma_start3A_785, %dma_start3A_786] : memref<64x3x384x384xf32, #tpu.memory_space<hbm>> -> memref<1x1x24x384xf32, #tpu.memory_space<hbm>>
    %dma_start3A_788 = tpu.memref_squeeze %dma_start3A_787 : memref<1x1x24x384xf32, #tpu.memory_space<hbm>> -> memref<24x384xf32, #tpu.memory_space<hbm>>
    %dma_start3A_789 = arith.constant 264 : i32
    %dma_start3A_790 = arith.constant 0 : i32
    %dma_start3A_791 = tpu.memref_slice %arg2[%add3A_783, %dma_start3A_784, %dma_start3A_789, %dma_start3A_790] : memref<64x3x384x384xf32, #tpu.memory_space<hbm>> -> memref<1x1x24x384xf32, #tpu.memory_space<hbm>>
    %dma_start3A_792 = tpu.memref_squeeze %dma_start3A_791 : memref<1x1x24x384xf32, #tpu.memory_space<hbm>> -> memref<24x384xf32, #tpu.memory_space<hbm>>
    tpu.enqueue_dma source(%dma_start3A_792 : memref<24x384xf32, #tpu.memory_space<hbm>>) target(%arg7 : memref<24x384xf32, #tpu.memory_space<vmem>>) target_semaphore(%arg12 : memref<!tpu.dma_semaphore, #tpu.memory_space<semaphore_mem>>)
    %add3A_793 = arith.constant 1 : i32
    %add3A_794 = arith.addi %mul3A_2, %add3A_793 : i32
    %dma_start3A_795 = arith.constant 1 : i32
    %dma_start3A_796 = arith.constant 264 : i32
    %dma_start3A_797 = arith.constant 0 : i32
    %dma_start3A_798 = tpu.memref_slice %arg2[%add3A_794, %dma_start3A_795, %dma_start3A_796, %dma_start3A_797] : memref<64x3x384x384xf32, #tpu.memory_space<hbm>> -> memref<1x1x24x384xf32, #tpu.memory_space<hbm>>
    %dma_start3A_799 = tpu.memref_squeeze %dma_start3A_798 : memref<1x1x24x384xf32, #tpu.memory_space<hbm>> -> memref<24x384xf32, #tpu.memory_space<hbm>>
    %dma_start3A_800 = arith.constant 264 : i32
    %dma_start3A_801 = arith.constant 0 : i32
    %dma_start3A_802 = tpu.memref_slice %arg2[%add3A_794, %dma_start3A_795, %dma_start3A_800, %dma_start3A_801] : memref<64x3x384x384xf32, #tpu.memory_space<hbm>> -> memref<1x1x24x384xf32, #tpu.memory_space<hbm>>
    %dma_start3A_803 = tpu.memref_squeeze %dma_start3A_802 : memref<1x1x24x384xf32, #tpu.memory_space<hbm>> -> memref<24x384xf32, #tpu.memory_space<hbm>>
    tpu.enqueue_dma source(%dma_start3A_803 : memref<24x384xf32, #tpu.memory_space<hbm>>) target(%arg8 : memref<24x384xf32, #tpu.memory_space<vmem>>) target_semaphore(%arg12 : memref<!tpu.dma_semaphore, #tpu.memory_space<semaphore_mem>>)
    %add3A_804 = arith.constant 1 : i32
    %add3A_805 = arith.addi %mul3A_2, %add3A_804 : i32
    %dma_start3A_806 = arith.constant 2 : i32
    %dma_start3A_807 = arith.constant 264 : i32
    %dma_start3A_808 = arith.constant 0 : i32
    %dma_start3A_809 = tpu.memref_slice %arg2[%add3A_805, %dma_start3A_806, %dma_start3A_807, %dma_start3A_808] : memref<64x3x384x384xf32, #tpu.memory_space<hbm>> -> memref<1x1x24x384xf32, #tpu.memory_space<hbm>>
    %dma_start3A_810 = tpu.memref_squeeze %dma_start3A_809 : memref<1x1x24x384xf32, #tpu.memory_space<hbm>> -> memref<24x384xf32, #tpu.memory_space<hbm>>
    %dma_start3A_811 = arith.constant 264 : i32
    %dma_start3A_812 = arith.constant 0 : i32
    %dma_start3A_813 = tpu.memref_slice %arg2[%add3A_805, %dma_start3A_806, %dma_start3A_811, %dma_start3A_812] : memref<64x3x384x384xf32, #tpu.memory_space<hbm>> -> memref<1x1x24x384xf32, #tpu.memory_space<hbm>>
    %dma_start3A_814 = tpu.memref_squeeze %dma_start3A_813 : memref<1x1x24x384xf32, #tpu.memory_space<hbm>> -> memref<24x384xf32, #tpu.memory_space<hbm>>
    tpu.enqueue_dma source(%dma_start3A_814 : memref<24x384xf32, #tpu.memory_space<hbm>>) target(%arg9 : memref<24x384xf32, #tpu.memory_space<vmem>>) target_semaphore(%arg12 : memref<!tpu.dma_semaphore, #tpu.memory_space<semaphore_mem>>)
    %dma_wait3A_815 = arith.constant 0 : i32
    %dma_wait3A_816 = arith.constant 240 : i32
    %dma_wait3A_817 = arith.constant 0 : i32
    %dma_wait3A_818 = tpu.memref_slice %arg2[%add3A_717, %dma_wait3A_815, %dma_wait3A_816, %dma_wait3A_817] : memref<64x3x384x384xf32, #tpu.memory_space<hbm>> -> memref<1x1x24x384xf32, #tpu.memory_space<hbm>>
    %dma_wait3A_819 = tpu.memref_squeeze %dma_wait3A_818 : memref<1x1x24x384xf32, #tpu.memory_space<hbm>> -> memref<24x384xf32, #tpu.memory_space<hbm>>
    %dma_wait3A_820 = arith.constant 240 : i32
    %dma_wait3A_821 = arith.constant 0 : i32
    %dma_wait3A_822 = tpu.memref_slice %arg2[%add3A_717, %dma_wait3A_815, %dma_wait3A_820, %dma_wait3A_821] : memref<64x3x384x384xf32, #tpu.memory_space<hbm>> -> memref<1x1x24x384xf32, #tpu.memory_space<hbm>>
    %dma_wait3A_823 = tpu.memref_squeeze %dma_wait3A_822 : memref<1x1x24x384xf32, #tpu.memory_space<hbm>> -> memref<24x384xf32, #tpu.memory_space<hbm>>
    tpu.wait_dma2 semaphore(%arg11 : memref<!tpu.dma_semaphore, #tpu.memory_space<semaphore_mem>>) src(%dma_wait3A_823 : memref<24x384xf32, #tpu.memory_space<hbm>>) dst(%arg4 : memref<24x384xf32, #tpu.memory_space<vmem>>)
    %dma_wait3A_824 = arith.constant 1 : i32
    %dma_wait3A_825 = arith.constant 240 : i32
    %dma_wait3A_826 = arith.constant 0 : i32
    %dma_wait3A_827 = tpu.memref_slice %arg2[%add3A_728, %dma_wait3A_824, %dma_wait3A_825, %dma_wait3A_826] : memref<64x3x384x384xf32, #tpu.memory_space<hbm>> -> memref<1x1x24x384xf32, #tpu.memory_space<hbm>>
    %dma_wait3A_828 = tpu.memref_squeeze %dma_wait3A_827 : memref<1x1x24x384xf32, #tpu.memory_space<hbm>> -> memref<24x384xf32, #tpu.memory_space<hbm>>
    %dma_wait3A_829 = arith.constant 240 : i32
    %dma_wait3A_830 = arith.constant 0 : i32
    %dma_wait3A_831 = tpu.memref_slice %arg2[%add3A_728, %dma_wait3A_824, %dma_wait3A_829, %dma_wait3A_830] : memref<64x3x384x384xf32, #tpu.memory_space<hbm>> -> memref<1x1x24x384xf32, #tpu.memory_space<hbm>>
    %dma_wait3A_832 = tpu.memref_squeeze %dma_wait3A_831 : memref<1x1x24x384xf32, #tpu.memory_space<hbm>> -> memref<24x384xf32, #tpu.memory_space<hbm>>
    tpu.wait_dma2 semaphore(%arg11 : memref<!tpu.dma_semaphore, #tpu.memory_space<semaphore_mem>>) src(%dma_wait3A_832 : memref<24x384xf32, #tpu.memory_space<hbm>>) dst(%arg5 : memref<24x384xf32, #tpu.memory_space<vmem>>)
    %dma_wait3A_833 = arith.constant 2 : i32
    %dma_wait3A_834 = arith.constant 240 : i32
    %dma_wait3A_835 = arith.constant 0 : i32
    %dma_wait3A_836 = tpu.memref_slice %arg2[%add3A_739, %dma_wait3A_833, %dma_wait3A_834, %dma_wait3A_835] : memref<64x3x384x384xf32, #tpu.memory_space<hbm>> -> memref<1x1x24x384xf32, #tpu.memory_space<hbm>>
    %dma_wait3A_837 = tpu.memref_squeeze %dma_wait3A_836 : memref<1x1x24x384xf32, #tpu.memory_space<hbm>> -> memref<24x384xf32, #tpu.memory_space<hbm>>
    %dma_wait3A_838 = arith.constant 240 : i32
    %dma_wait3A_839 = arith.constant 0 : i32
    %dma_wait3A_840 = tpu.memref_slice %arg2[%add3A_739, %dma_wait3A_833, %dma_wait3A_838, %dma_wait3A_839] : memref<64x3x384x384xf32, #tpu.memory_space<hbm>> -> memref<1x1x24x384xf32, #tpu.memory_space<hbm>>
    %dma_wait3A_841 = tpu.memref_squeeze %dma_wait3A_840 : memref<1x1x24x384xf32, #tpu.memory_space<hbm>> -> memref<24x384xf32, #tpu.memory_space<hbm>>
    tpu.wait_dma2 semaphore(%arg11 : memref<!tpu.dma_semaphore, #tpu.memory_space<semaphore_mem>>) src(%dma_wait3A_841 : memref<24x384xf32, #tpu.memory_space<hbm>>) dst(%arg6 : memref<24x384xf32, #tpu.memory_space<vmem>>)
    %scan3A_842 = arith.constant 0 : i32
    %scan3A_843 = arith.constant 24 : i32
    %scan3A_844 = arith.addi %scan3A_842, %scan3A_843 : i32
    %scan3A_845 = arith.constant 1 : i32
    %scan3A_846:4 = scf.for %scan3A_1407 = %scan3A_842 to %scan3A_844 step %scan3A_845 iter_args(%scan3A_1408 = %scan3A_780#0, %scan3A_1409 = %scan3A_780#1, %scan3A_1410 = %scan3A_780#2, %scan3A_1411 = %scan3A_780#3) -> (vector<16xf32>, vector<16xf32>, vector<16xf32>, vector<16xf32>)  : i32 {
      %scan3A_1412 = arith.constant 0 : i32
      %scan3A_1413 = arith.constant 12 : i32
      %scan3A_1414 = arith.addi %scan3A_1412, %scan3A_1413 : i32
      %scan3A_1415 = arith.constant 1 : i32
      %scan3A_1416:4 = scf.for %scan3A_1418 = %scan3A_1412 to %scan3A_1414 step %scan3A_1415 iter_args(%scan3A_1419 = %scan3A_1408, %scan3A_1420 = %scan3A_1409, %scan3A_1421 = %scan3A_1410, %scan3A_1422 = %scan3A_1411) -> (vector<16xf32>, vector<16xf32>, vector<16xf32>, vector<16xf32>)  : i32 {
        %mul3A_1423 = arith.constant 2 : i32
        %mul3A_1424 = arith.muli %scan3A_1418, %mul3A_1423 : i32
        %add3A_1425 = arith.constant 0 : i32
        %add3A_1426 = arith.addi %mul3A_1424, %add3A_1425 : i32
        %mul3A_1427 = arith.constant 16 : i32
        %mul3A_1428 = arith.muli %add3A_1426, %mul3A_1427 : i32
        %get3A = arith.index_cast %scan3A_1407 : i32 to index
        %get3A_1429 = arith.index_cast %mul3A_1428 : i32 to index
        %get3A_1430 = tpu.vector_load %arg4[%get3A, %get3A_1429] {strides = array<i32>} : memref<24x384xf32, #tpu.memory_space<vmem>>, vector<1x16xf32>,
        %get3A_1431 = vector.shape_cast %get3A_1430 : vector<1x16xf32> to vector<16xf32>
        %get3A_1432 = arith.index_cast %scan3A_1407 : i32 to index
        %get3A_1433 = arith.index_cast %mul3A_1428 : i32 to index
        %get3A_1434 = tpu.vector_load %arg5[%get3A_1432, %get3A_1433] {strides = array<i32>} : memref<24x384xf32, #tpu.memory_space<vmem>>, vector<1x16xf32>,
        %get3A_1435 = vector.shape_cast %get3A_1434 : vector<1x16xf32> to vector<16xf32>
        %get3A_1436 = arith.index_cast %scan3A_1407 : i32 to index
        %get3A_1437 = arith.index_cast %mul3A_1428 : i32 to index
        %get3A_1438 = tpu.vector_load %arg6[%get3A_1436, %get3A_1437] {strides = array<i32>} : memref<24x384xf32, #tpu.memory_space<vmem>>, vector<1x16xf32>,
        %get3A_1439 = vector.shape_cast %get3A_1438 : vector<1x16xf32> to vector<16xf32>
        %add3A_1440 = arith.constant 1.000000e-01 : f32
        %add3A_1441 = vector.broadcast %add3A_1440 : f32 to vector<16xf32>
        %add3A_1442 = arith.addf %get3A_1435, %add3A_1441 : vector<16xf32>
        %max3A = arith.maximumf %add3A_1442, %get3A_1439 : vector<16xf32>
        %max3A_1443 = arith.constant 4.000000e-01 : f32
        %max3A_1444 = vector.broadcast %max3A_1443 : f32 to vector<16xf32>
        %max3A_1445 = arith.maximumf %max3A, %max3A_1444 : vector<16xf32>
        %gt3A = arith.cmpf ogt, %get3A_1431, %max3A_1445 : vector<16xf32>
        %gt3A_1446 = arith.constant 2.800000e-01 : f32
        %gt3A_1447 = vector.broadcast %gt3A_1446 : f32 to vector<16xf32>
        %gt3A_1448 = arith.cmpf ogt, %get3A_1435, %gt3A_1447 : vector<16xf32>
        %and3A = arith.andi %gt3A, %gt3A_1448 : vector<16xi1>
        %gt3A_1449 = arith.constant 2.000000e-01 : f32
        %gt3A_1450 = vector.broadcast %gt3A_1449 : f32 to vector<16xf32>
        %gt3A_1451 = arith.cmpf ogt, %get3A_1439, %gt3A_1450 : vector<16xf32>
        %and3A_1452 = arith.andi %and3A, %gt3A_1451 : vector<16xi1>
        %add3A_1453 = arith.addf %scan3A_1419, %get3A_1431 : vector<16xf32>
        %select_n3A_1454 = arith.select %and3A_1452, %add3A_1453, %scan3A_1419 : vector<16xi1>, vector<16xf32>
        %add3A_1455 = arith.addf %scan3A_1420, %get3A_1435 : vector<16xf32>
        %select_n3A_1456 = arith.select %and3A_1452, %add3A_1455, %scan3A_1420 : vector<16xi1>, vector<16xf32>
        %add3A_1457 = arith.addf %scan3A_1421, %get3A_1439 : vector<16xf32>
        %select_n3A_1458 = arith.select %and3A_1452, %add3A_1457, %scan3A_1421 : vector<16xi1>, vector<16xf32>
        %add3A_1459 = arith.constant 1.000000e+00 : f32
        %add3A_1460 = vector.broadcast %add3A_1459 : f32 to vector<16xf32>
        %add3A_1461 = arith.addf %scan3A_1422, %add3A_1460 : vector<16xf32>
        %select_n3A_1462 = arith.select %and3A_1452, %add3A_1461, %scan3A_1422 : vector<16xi1>, vector<16xf32>
        %mul3A_1463 = arith.constant 2 : i32
        %mul3A_1464 = arith.muli %scan3A_1418, %mul3A_1463 : i32
        %add3A_1465 = arith.constant 1 : i32
        %add3A_1466 = arith.addi %mul3A_1464, %add3A_1465 : i32
        %mul3A_1467 = arith.constant 16 : i32
        %mul3A_1468 = arith.muli %add3A_1466, %mul3A_1467 : i32
        %get3A_1469 = arith.index_cast %scan3A_1407 : i32 to index
        %get3A_1470 = arith.index_cast %mul3A_1468 : i32 to index
        %get3A_1471 = tpu.vector_load %arg4[%get3A_1469, %get3A_1470] {strides = array<i32>} : memref<24x384xf32, #tpu.memory_space<vmem>>, vector<1x16xf32>,
        %get3A_1472 = vector.shape_cast %get3A_1471 : vector<1x16xf32> to vector<16xf32>
        %get3A_1473 = arith.index_cast %scan3A_1407 : i32 to index
        %get3A_1474 = arith.index_cast %mul3A_1468 : i32 to index
        %get3A_1475 = tpu.vector_load %arg5[%get3A_1473, %get3A_1474] {strides = array<i32>} : memref<24x384xf32, #tpu.memory_space<vmem>>, vector<1x16xf32>,
        %get3A_1476 = vector.shape_cast %get3A_1475 : vector<1x16xf32> to vector<16xf32>
        %get3A_1477 = arith.index_cast %scan3A_1407 : i32 to index
        %get3A_1478 = arith.index_cast %mul3A_1468 : i32 to index
        %get3A_1479 = tpu.vector_load %arg6[%get3A_1477, %get3A_1478] {strides = array<i32>} : memref<24x384xf32, #tpu.memory_space<vmem>>, vector<1x16xf32>,
        %get3A_1480 = vector.shape_cast %get3A_1479 : vector<1x16xf32> to vector<16xf32>
        %add3A_1481 = arith.constant 1.000000e-01 : f32
        %add3A_1482 = vector.broadcast %add3A_1481 : f32 to vector<16xf32>
        %add3A_1483 = arith.addf %get3A_1476, %add3A_1482 : vector<16xf32>
        %max3A_1484 = arith.maximumf %add3A_1483, %get3A_1480 : vector<16xf32>
        %max3A_1485 = arith.constant 4.000000e-01 : f32
        %max3A_1486 = vector.broadcast %max3A_1485 : f32 to vector<16xf32>
        %max3A_1487 = arith.maximumf %max3A_1484, %max3A_1486 : vector<16xf32>
        %gt3A_1488 = arith.cmpf ogt, %get3A_1472, %max3A_1487 : vector<16xf32>
        %gt3A_1489 = arith.constant 2.800000e-01 : f32
        %gt3A_1490 = vector.broadcast %gt3A_1489 : f32 to vector<16xf32>
        %gt3A_1491 = arith.cmpf ogt, %get3A_1476, %gt3A_1490 : vector<16xf32>
        %and3A_1492 = arith.andi %gt3A_1488, %gt3A_1491 : vector<16xi1>
        %gt3A_1493 = arith.constant 2.000000e-01 : f32
        %gt3A_1494 = vector.broadcast %gt3A_1493 : f32 to vector<16xf32>
        %gt3A_1495 = arith.cmpf ogt, %get3A_1480, %gt3A_1494 : vector<16xf32>
        %and3A_1496 = arith.andi %and3A_1492, %gt3A_1495 : vector<16xi1>
        %add3A_1497 = arith.addf %select_n3A_1454, %get3A_1472 : vector<16xf32>
        %select_n3A_1498 = arith.select %and3A_1496, %add3A_1497, %select_n3A_1454 : vector<16xi1>, vector<16xf32>
        %add3A_1499 = arith.addf %select_n3A_1456, %get3A_1476 : vector<16xf32>
        %select_n3A_1500 = arith.select %and3A_1496, %add3A_1499, %select_n3A_1456 : vector<16xi1>, vector<16xf32>
        %add3A_1501 = arith.addf %select_n3A_1458, %get3A_1480 : vector<16xf32>
        %select_n3A_1502 = arith.select %and3A_1496, %add3A_1501, %select_n3A_1458 : vector<16xi1>, vector<16xf32>
        %add3A_1503 = arith.constant 1.000000e+00 : f32
        %add3A_1504 = vector.broadcast %add3A_1503 : f32 to vector<16xf32>
        %add3A_1505 = arith.addf %select_n3A_1462, %add3A_1504 : vector<16xf32>
        %select_n3A_1506 = arith.select %and3A_1496, %add3A_1505, %select_n3A_1462 : vector<16xi1>, vector<16xf32>
        scf.yield %select_n3A_1498, %select_n3A_1500, %select_n3A_1502, %select_n3A_1506 : vector<16xf32>, vector<16xf32>, vector<16xf32>, vector<16xf32>
      }
      %scan3A_1417 = arith.constant 12 : i32
      scf.yield %scan3A_1416#0, %scan3A_1416#1, %scan3A_1416#2, %scan3A_1416#3 : vector<16xf32>, vector<16xf32>, vector<16xf32>, vector<16xf32>
    }
    %scan3A_847 = arith.constant 24 : i32
    %add3A_848 = arith.constant 1 : i32
    %add3A_849 = arith.addi %mul3A_2, %add3A_848 : i32
    %dma_start3A_850 = arith.constant 0 : i32
    %dma_start3A_851 = arith.constant 288 : i32
    %dma_start3A_852 = arith.constant 0 : i32
    %dma_start3A_853 = tpu.memref_slice %arg2[%add3A_849, %dma_start3A_850, %dma_start3A_851, %dma_start3A_852] : memref<64x3x384x384xf32, #tpu.memory_space<hbm>> -> memref<1x1x24x384xf32, #tpu.memory_space<hbm>>
    %dma_start3A_854 = tpu.memref_squeeze %dma_start3A_853 : memref<1x1x24x384xf32, #tpu.memory_space<hbm>> -> memref<24x384xf32, #tpu.memory_space<hbm>>
    %dma_start3A_855 = arith.constant 288 : i32
    %dma_start3A_856 = arith.constant 0 : i32
    %dma_start3A_857 = tpu.memref_slice %arg2[%add3A_849, %dma_start3A_850, %dma_start3A_855, %dma_start3A_856] : memref<64x3x384x384xf32, #tpu.memory_space<hbm>> -> memref<1x1x24x384xf32, #tpu.memory_space<hbm>>
    %dma_start3A_858 = tpu.memref_squeeze %dma_start3A_857 : memref<1x1x24x384xf32, #tpu.memory_space<hbm>> -> memref<24x384xf32, #tpu.memory_space<hbm>>
    tpu.enqueue_dma source(%dma_start3A_858 : memref<24x384xf32, #tpu.memory_space<hbm>>) target(%arg4 : memref<24x384xf32, #tpu.memory_space<vmem>>) target_semaphore(%arg11 : memref<!tpu.dma_semaphore, #tpu.memory_space<semaphore_mem>>)
    %add3A_859 = arith.constant 1 : i32
    %add3A_860 = arith.addi %mul3A_2, %add3A_859 : i32
    %dma_start3A_861 = arith.constant 1 : i32
    %dma_start3A_862 = arith.constant 288 : i32
    %dma_start3A_863 = arith.constant 0 : i32
    %dma_start3A_864 = tpu.memref_slice %arg2[%add3A_860, %dma_start3A_861, %dma_start3A_862, %dma_start3A_863] : memref<64x3x384x384xf32, #tpu.memory_space<hbm>> -> memref<1x1x24x384xf32, #tpu.memory_space<hbm>>
    %dma_start3A_865 = tpu.memref_squeeze %dma_start3A_864 : memref<1x1x24x384xf32, #tpu.memory_space<hbm>> -> memref<24x384xf32, #tpu.memory_space<hbm>>
    %dma_start3A_866 = arith.constant 288 : i32
    %dma_start3A_867 = arith.constant 0 : i32
    %dma_start3A_868 = tpu.memref_slice %arg2[%add3A_860, %dma_start3A_861, %dma_start3A_866, %dma_start3A_867] : memref<64x3x384x384xf32, #tpu.memory_space<hbm>> -> memref<1x1x24x384xf32, #tpu.memory_space<hbm>>
    %dma_start3A_869 = tpu.memref_squeeze %dma_start3A_868 : memref<1x1x24x384xf32, #tpu.memory_space<hbm>> -> memref<24x384xf32, #tpu.memory_space<hbm>>
    tpu.enqueue_dma source(%dma_start3A_869 : memref<24x384xf32, #tpu.memory_space<hbm>>) target(%arg5 : memref<24x384xf32, #tpu.memory_space<vmem>>) target_semaphore(%arg11 : memref<!tpu.dma_semaphore, #tpu.memory_space<semaphore_mem>>)
    %add3A_870 = arith.constant 1 : i32
    %add3A_871 = arith.addi %mul3A_2, %add3A_870 : i32
    %dma_start3A_872 = arith.constant 2 : i32
    %dma_start3A_873 = arith.constant 288 : i32
    %dma_start3A_874 = arith.constant 0 : i32
    %dma_start3A_875 = tpu.memref_slice %arg2[%add3A_871, %dma_start3A_872, %dma_start3A_873, %dma_start3A_874] : memref<64x3x384x384xf32, #tpu.memory_space<hbm>> -> memref<1x1x24x384xf32, #tpu.memory_space<hbm>>
    %dma_start3A_876 = tpu.memref_squeeze %dma_start3A_875 : memref<1x1x24x384xf32, #tpu.memory_space<hbm>> -> memref<24x384xf32, #tpu.memory_space<hbm>>
    %dma_start3A_877 = arith.constant 288 : i32
    %dma_start3A_878 = arith.constant 0 : i32
    %dma_start3A_879 = tpu.memref_slice %arg2[%add3A_871, %dma_start3A_872, %dma_start3A_877, %dma_start3A_878] : memref<64x3x384x384xf32, #tpu.memory_space<hbm>> -> memref<1x1x24x384xf32, #tpu.memory_space<hbm>>
    %dma_start3A_880 = tpu.memref_squeeze %dma_start3A_879 : memref<1x1x24x384xf32, #tpu.memory_space<hbm>> -> memref<24x384xf32, #tpu.memory_space<hbm>>
    tpu.enqueue_dma source(%dma_start3A_880 : memref<24x384xf32, #tpu.memory_space<hbm>>) target(%arg6 : memref<24x384xf32, #tpu.memory_space<vmem>>) target_semaphore(%arg11 : memref<!tpu.dma_semaphore, #tpu.memory_space<semaphore_mem>>)
    %dma_wait3A_881 = arith.constant 0 : i32
    %dma_wait3A_882 = arith.constant 264 : i32
    %dma_wait3A_883 = arith.constant 0 : i32
    %dma_wait3A_884 = tpu.memref_slice %arg2[%add3A_783, %dma_wait3A_881, %dma_wait3A_882, %dma_wait3A_883] : memref<64x3x384x384xf32, #tpu.memory_space<hbm>> -> memref<1x1x24x384xf32, #tpu.memory_space<hbm>>
    %dma_wait3A_885 = tpu.memref_squeeze %dma_wait3A_884 : memref<1x1x24x384xf32, #tpu.memory_space<hbm>> -> memref<24x384xf32, #tpu.memory_space<hbm>>
    %dma_wait3A_886 = arith.constant 264 : i32
    %dma_wait3A_887 = arith.constant 0 : i32
    %dma_wait3A_888 = tpu.memref_slice %arg2[%add3A_783, %dma_wait3A_881, %dma_wait3A_886, %dma_wait3A_887] : memref<64x3x384x384xf32, #tpu.memory_space<hbm>> -> memref<1x1x24x384xf32, #tpu.memory_space<hbm>>
    %dma_wait3A_889 = tpu.memref_squeeze %dma_wait3A_888 : memref<1x1x24x384xf32, #tpu.memory_space<hbm>> -> memref<24x384xf32, #tpu.memory_space<hbm>>
    tpu.wait_dma2 semaphore(%arg12 : memref<!tpu.dma_semaphore, #tpu.memory_space<semaphore_mem>>) src(%dma_wait3A_889 : memref<24x384xf32, #tpu.memory_space<hbm>>) dst(%arg7 : memref<24x384xf32, #tpu.memory_space<vmem>>)
    %dma_wait3A_890 = arith.constant 1 : i32
    %dma_wait3A_891 = arith.constant 264 : i32
    %dma_wait3A_892 = arith.constant 0 : i32
    %dma_wait3A_893 = tpu.memref_slice %arg2[%add3A_794, %dma_wait3A_890, %dma_wait3A_891, %dma_wait3A_892] : memref<64x3x384x384xf32, #tpu.memory_space<hbm>> -> memref<1x1x24x384xf32, #tpu.memory_space<hbm>>
    %dma_wait3A_894 = tpu.memref_squeeze %dma_wait3A_893 : memref<1x1x24x384xf32, #tpu.memory_space<hbm>> -> memref<24x384xf32, #tpu.memory_space<hbm>>
    %dma_wait3A_895 = arith.constant 264 : i32
    %dma_wait3A_896 = arith.constant 0 : i32
    %dma_wait3A_897 = tpu.memref_slice %arg2[%add3A_794, %dma_wait3A_890, %dma_wait3A_895, %dma_wait3A_896] : memref<64x3x384x384xf32, #tpu.memory_space<hbm>> -> memref<1x1x24x384xf32, #tpu.memory_space<hbm>>
    %dma_wait3A_898 = tpu.memref_squeeze %dma_wait3A_897 : memref<1x1x24x384xf32, #tpu.memory_space<hbm>> -> memref<24x384xf32, #tpu.memory_space<hbm>>
    tpu.wait_dma2 semaphore(%arg12 : memref<!tpu.dma_semaphore, #tpu.memory_space<semaphore_mem>>) src(%dma_wait3A_898 : memref<24x384xf32, #tpu.memory_space<hbm>>) dst(%arg8 : memref<24x384xf32, #tpu.memory_space<vmem>>)
    %dma_wait3A_899 = arith.constant 2 : i32
    %dma_wait3A_900 = arith.constant 264 : i32
    %dma_wait3A_901 = arith.constant 0 : i32
    %dma_wait3A_902 = tpu.memref_slice %arg2[%add3A_805, %dma_wait3A_899, %dma_wait3A_900, %dma_wait3A_901] : memref<64x3x384x384xf32, #tpu.memory_space<hbm>> -> memref<1x1x24x384xf32, #tpu.memory_space<hbm>>
    %dma_wait3A_903 = tpu.memref_squeeze %dma_wait3A_902 : memref<1x1x24x384xf32, #tpu.memory_space<hbm>> -> memref<24x384xf32, #tpu.memory_space<hbm>>
    %dma_wait3A_904 = arith.constant 264 : i32
    %dma_wait3A_905 = arith.constant 0 : i32
    %dma_wait3A_906 = tpu.memref_slice %arg2[%add3A_805, %dma_wait3A_899, %dma_wait3A_904, %dma_wait3A_905] : memref<64x3x384x384xf32, #tpu.memory_space<hbm>> -> memref<1x1x24x384xf32, #tpu.memory_space<hbm>>
    %dma_wait3A_907 = tpu.memref_squeeze %dma_wait3A_906 : memref<1x1x24x384xf32, #tpu.memory_space<hbm>> -> memref<24x384xf32, #tpu.memory_space<hbm>>
    tpu.wait_dma2 semaphore(%arg12 : memref<!tpu.dma_semaphore, #tpu.memory_space<semaphore_mem>>) src(%dma_wait3A_907 : memref<24x384xf32, #tpu.memory_space<hbm>>) dst(%arg9 : memref<24x384xf32, #tpu.memory_space<vmem>>)
    %scan3A_908 = arith.constant 0 : i32
    %scan3A_909 = arith.constant 24 : i32
    %scan3A_910 = arith.addi %scan3A_908, %scan3A_909 : i32
    %scan3A_911 = arith.constant 1 : i32
    %scan3A_912:4 = scf.for %scan3A_1407 = %scan3A_908 to %scan3A_910 step %scan3A_911 iter_args(%scan3A_1408 = %scan3A_846#0, %scan3A_1409 = %scan3A_846#1, %scan3A_1410 = %scan3A_846#2, %scan3A_1411 = %scan3A_846#3) -> (vector<16xf32>, vector<16xf32>, vector<16xf32>, vector<16xf32>)  : i32 {
      %scan3A_1412 = arith.constant 0 : i32
      %scan3A_1413 = arith.constant 12 : i32
      %scan3A_1414 = arith.addi %scan3A_1412, %scan3A_1413 : i32
      %scan3A_1415 = arith.constant 1 : i32
      %scan3A_1416:4 = scf.for %scan3A_1418 = %scan3A_1412 to %scan3A_1414 step %scan3A_1415 iter_args(%scan3A_1419 = %scan3A_1408, %scan3A_1420 = %scan3A_1409, %scan3A_1421 = %scan3A_1410, %scan3A_1422 = %scan3A_1411) -> (vector<16xf32>, vector<16xf32>, vector<16xf32>, vector<16xf32>)  : i32 {
        %mul3A_1423 = arith.constant 2 : i32
        %mul3A_1424 = arith.muli %scan3A_1418, %mul3A_1423 : i32
        %add3A_1425 = arith.constant 0 : i32
        %add3A_1426 = arith.addi %mul3A_1424, %add3A_1425 : i32
        %mul3A_1427 = arith.constant 16 : i32
        %mul3A_1428 = arith.muli %add3A_1426, %mul3A_1427 : i32
        %get3A = arith.index_cast %scan3A_1407 : i32 to index
        %get3A_1429 = arith.index_cast %mul3A_1428 : i32 to index
        %get3A_1430 = tpu.vector_load %arg7[%get3A, %get3A_1429] {strides = array<i32>} : memref<24x384xf32, #tpu.memory_space<vmem>>, vector<1x16xf32>,
        %get3A_1431 = vector.shape_cast %get3A_1430 : vector<1x16xf32> to vector<16xf32>
        %get3A_1432 = arith.index_cast %scan3A_1407 : i32 to index
        %get3A_1433 = arith.index_cast %mul3A_1428 : i32 to index
        %get3A_1434 = tpu.vector_load %arg8[%get3A_1432, %get3A_1433] {strides = array<i32>} : memref<24x384xf32, #tpu.memory_space<vmem>>, vector<1x16xf32>,
        %get3A_1435 = vector.shape_cast %get3A_1434 : vector<1x16xf32> to vector<16xf32>
        %get3A_1436 = arith.index_cast %scan3A_1407 : i32 to index
        %get3A_1437 = arith.index_cast %mul3A_1428 : i32 to index
        %get3A_1438 = tpu.vector_load %arg9[%get3A_1436, %get3A_1437] {strides = array<i32>} : memref<24x384xf32, #tpu.memory_space<vmem>>, vector<1x16xf32>,
        %get3A_1439 = vector.shape_cast %get3A_1438 : vector<1x16xf32> to vector<16xf32>
        %add3A_1440 = arith.constant 1.000000e-01 : f32
        %add3A_1441 = vector.broadcast %add3A_1440 : f32 to vector<16xf32>
        %add3A_1442 = arith.addf %get3A_1435, %add3A_1441 : vector<16xf32>
        %max3A = arith.maximumf %add3A_1442, %get3A_1439 : vector<16xf32>
        %max3A_1443 = arith.constant 4.000000e-01 : f32
        %max3A_1444 = vector.broadcast %max3A_1443 : f32 to vector<16xf32>
        %max3A_1445 = arith.maximumf %max3A, %max3A_1444 : vector<16xf32>
        %gt3A = arith.cmpf ogt, %get3A_1431, %max3A_1445 : vector<16xf32>
        %gt3A_1446 = arith.constant 2.800000e-01 : f32
        %gt3A_1447 = vector.broadcast %gt3A_1446 : f32 to vector<16xf32>
        %gt3A_1448 = arith.cmpf ogt, %get3A_1435, %gt3A_1447 : vector<16xf32>
        %and3A = arith.andi %gt3A, %gt3A_1448 : vector<16xi1>
        %gt3A_1449 = arith.constant 2.000000e-01 : f32
        %gt3A_1450 = vector.broadcast %gt3A_1449 : f32 to vector<16xf32>
        %gt3A_1451 = arith.cmpf ogt, %get3A_1439, %gt3A_1450 : vector<16xf32>
        %and3A_1452 = arith.andi %and3A, %gt3A_1451 : vector<16xi1>
        %add3A_1453 = arith.addf %scan3A_1419, %get3A_1431 : vector<16xf32>
        %select_n3A_1454 = arith.select %and3A_1452, %add3A_1453, %scan3A_1419 : vector<16xi1>, vector<16xf32>
        %add3A_1455 = arith.addf %scan3A_1420, %get3A_1435 : vector<16xf32>
        %select_n3A_1456 = arith.select %and3A_1452, %add3A_1455, %scan3A_1420 : vector<16xi1>, vector<16xf32>
        %add3A_1457 = arith.addf %scan3A_1421, %get3A_1439 : vector<16xf32>
        %select_n3A_1458 = arith.select %and3A_1452, %add3A_1457, %scan3A_1421 : vector<16xi1>, vector<16xf32>
        %add3A_1459 = arith.constant 1.000000e+00 : f32
        %add3A_1460 = vector.broadcast %add3A_1459 : f32 to vector<16xf32>
        %add3A_1461 = arith.addf %scan3A_1422, %add3A_1460 : vector<16xf32>
        %select_n3A_1462 = arith.select %and3A_1452, %add3A_1461, %scan3A_1422 : vector<16xi1>, vector<16xf32>
        %mul3A_1463 = arith.constant 2 : i32
        %mul3A_1464 = arith.muli %scan3A_1418, %mul3A_1463 : i32
        %add3A_1465 = arith.constant 1 : i32
        %add3A_1466 = arith.addi %mul3A_1464, %add3A_1465 : i32
        %mul3A_1467 = arith.constant 16 : i32
        %mul3A_1468 = arith.muli %add3A_1466, %mul3A_1467 : i32
        %get3A_1469 = arith.index_cast %scan3A_1407 : i32 to index
        %get3A_1470 = arith.index_cast %mul3A_1468 : i32 to index
        %get3A_1471 = tpu.vector_load %arg7[%get3A_1469, %get3A_1470] {strides = array<i32>} : memref<24x384xf32, #tpu.memory_space<vmem>>, vector<1x16xf32>,
        %get3A_1472 = vector.shape_cast %get3A_1471 : vector<1x16xf32> to vector<16xf32>
        %get3A_1473 = arith.index_cast %scan3A_1407 : i32 to index
        %get3A_1474 = arith.index_cast %mul3A_1468 : i32 to index
        %get3A_1475 = tpu.vector_load %arg8[%get3A_1473, %get3A_1474] {strides = array<i32>} : memref<24x384xf32, #tpu.memory_space<vmem>>, vector<1x16xf32>,
        %get3A_1476 = vector.shape_cast %get3A_1475 : vector<1x16xf32> to vector<16xf32>
        %get3A_1477 = arith.index_cast %scan3A_1407 : i32 to index
        %get3A_1478 = arith.index_cast %mul3A_1468 : i32 to index
        %get3A_1479 = tpu.vector_load %arg9[%get3A_1477, %get3A_1478] {strides = array<i32>} : memref<24x384xf32, #tpu.memory_space<vmem>>, vector<1x16xf32>,
        %get3A_1480 = vector.shape_cast %get3A_1479 : vector<1x16xf32> to vector<16xf32>
        %add3A_1481 = arith.constant 1.000000e-01 : f32
        %add3A_1482 = vector.broadcast %add3A_1481 : f32 to vector<16xf32>
        %add3A_1483 = arith.addf %get3A_1476, %add3A_1482 : vector<16xf32>
        %max3A_1484 = arith.maximumf %add3A_1483, %get3A_1480 : vector<16xf32>
        %max3A_1485 = arith.constant 4.000000e-01 : f32
        %max3A_1486 = vector.broadcast %max3A_1485 : f32 to vector<16xf32>
        %max3A_1487 = arith.maximumf %max3A_1484, %max3A_1486 : vector<16xf32>
        %gt3A_1488 = arith.cmpf ogt, %get3A_1472, %max3A_1487 : vector<16xf32>
        %gt3A_1489 = arith.constant 2.800000e-01 : f32
        %gt3A_1490 = vector.broadcast %gt3A_1489 : f32 to vector<16xf32>
        %gt3A_1491 = arith.cmpf ogt, %get3A_1476, %gt3A_1490 : vector<16xf32>
        %and3A_1492 = arith.andi %gt3A_1488, %gt3A_1491 : vector<16xi1>
        %gt3A_1493 = arith.constant 2.000000e-01 : f32
        %gt3A_1494 = vector.broadcast %gt3A_1493 : f32 to vector<16xf32>
        %gt3A_1495 = arith.cmpf ogt, %get3A_1480, %gt3A_1494 : vector<16xf32>
        %and3A_1496 = arith.andi %and3A_1492, %gt3A_1495 : vector<16xi1>
        %add3A_1497 = arith.addf %select_n3A_1454, %get3A_1472 : vector<16xf32>
        %select_n3A_1498 = arith.select %and3A_1496, %add3A_1497, %select_n3A_1454 : vector<16xi1>, vector<16xf32>
        %add3A_1499 = arith.addf %select_n3A_1456, %get3A_1476 : vector<16xf32>
        %select_n3A_1500 = arith.select %and3A_1496, %add3A_1499, %select_n3A_1456 : vector<16xi1>, vector<16xf32>
        %add3A_1501 = arith.addf %select_n3A_1458, %get3A_1480 : vector<16xf32>
        %select_n3A_1502 = arith.select %and3A_1496, %add3A_1501, %select_n3A_1458 : vector<16xi1>, vector<16xf32>
        %add3A_1503 = arith.constant 1.000000e+00 : f32
        %add3A_1504 = vector.broadcast %add3A_1503 : f32 to vector<16xf32>
        %add3A_1505 = arith.addf %select_n3A_1462, %add3A_1504 : vector<16xf32>
        %select_n3A_1506 = arith.select %and3A_1496, %add3A_1505, %select_n3A_1462 : vector<16xi1>, vector<16xf32>
        scf.yield %select_n3A_1498, %select_n3A_1500, %select_n3A_1502, %select_n3A_1506 : vector<16xf32>, vector<16xf32>, vector<16xf32>, vector<16xf32>
      }
      %scan3A_1417 = arith.constant 12 : i32
      scf.yield %scan3A_1416#0, %scan3A_1416#1, %scan3A_1416#2, %scan3A_1416#3 : vector<16xf32>, vector<16xf32>, vector<16xf32>, vector<16xf32>
    }
    %scan3A_913 = arith.constant 24 : i32
    %add3A_914 = arith.constant 1 : i32
    %add3A_915 = arith.addi %mul3A_2, %add3A_914 : i32
    %dma_start3A_916 = arith.constant 0 : i32
    %dma_start3A_917 = arith.constant 312 : i32
    %dma_start3A_918 = arith.constant 0 : i32
    %dma_start3A_919 = tpu.memref_slice %arg2[%add3A_915, %dma_start3A_916, %dma_start3A_917, %dma_start3A_918] : memref<64x3x384x384xf32, #tpu.memory_space<hbm>> -> memref<1x1x24x384xf32, #tpu.memory_space<hbm>>
    %dma_start3A_920 = tpu.memref_squeeze %dma_start3A_919 : memref<1x1x24x384xf32, #tpu.memory_space<hbm>> -> memref<24x384xf32, #tpu.memory_space<hbm>>
    %dma_start3A_921 = arith.constant 312 : i32
    %dma_start3A_922 = arith.constant 0 : i32
    %dma_start3A_923 = tpu.memref_slice %arg2[%add3A_915, %dma_start3A_916, %dma_start3A_921, %dma_start3A_922] : memref<64x3x384x384xf32, #tpu.memory_space<hbm>> -> memref<1x1x24x384xf32, #tpu.memory_space<hbm>>
    %dma_start3A_924 = tpu.memref_squeeze %dma_start3A_923 : memref<1x1x24x384xf32, #tpu.memory_space<hbm>> -> memref<24x384xf32, #tpu.memory_space<hbm>>
    tpu.enqueue_dma source(%dma_start3A_924 : memref<24x384xf32, #tpu.memory_space<hbm>>) target(%arg7 : memref<24x384xf32, #tpu.memory_space<vmem>>) target_semaphore(%arg12 : memref<!tpu.dma_semaphore, #tpu.memory_space<semaphore_mem>>)
    %add3A_925 = arith.constant 1 : i32
    %add3A_926 = arith.addi %mul3A_2, %add3A_925 : i32
    %dma_start3A_927 = arith.constant 1 : i32
    %dma_start3A_928 = arith.constant 312 : i32
    %dma_start3A_929 = arith.constant 0 : i32
    %dma_start3A_930 = tpu.memref_slice %arg2[%add3A_926, %dma_start3A_927, %dma_start3A_928, %dma_start3A_929] : memref<64x3x384x384xf32, #tpu.memory_space<hbm>> -> memref<1x1x24x384xf32, #tpu.memory_space<hbm>>
    %dma_start3A_931 = tpu.memref_squeeze %dma_start3A_930 : memref<1x1x24x384xf32, #tpu.memory_space<hbm>> -> memref<24x384xf32, #tpu.memory_space<hbm>>
    %dma_start3A_932 = arith.constant 312 : i32
    %dma_start3A_933 = arith.constant 0 : i32
    %dma_start3A_934 = tpu.memref_slice %arg2[%add3A_926, %dma_start3A_927, %dma_start3A_932, %dma_start3A_933] : memref<64x3x384x384xf32, #tpu.memory_space<hbm>> -> memref<1x1x24x384xf32, #tpu.memory_space<hbm>>
    %dma_start3A_935 = tpu.memref_squeeze %dma_start3A_934 : memref<1x1x24x384xf32, #tpu.memory_space<hbm>> -> memref<24x384xf32, #tpu.memory_space<hbm>>
    tpu.enqueue_dma source(%dma_start3A_935 : memref<24x384xf32, #tpu.memory_space<hbm>>) target(%arg8 : memref<24x384xf32, #tpu.memory_space<vmem>>) target_semaphore(%arg12 : memref<!tpu.dma_semaphore, #tpu.memory_space<semaphore_mem>>)
    %add3A_936 = arith.constant 1 : i32
    %add3A_937 = arith.addi %mul3A_2, %add3A_936 : i32
    %dma_start3A_938 = arith.constant 2 : i32
    %dma_start3A_939 = arith.constant 312 : i32
    %dma_start3A_940 = arith.constant 0 : i32
    %dma_start3A_941 = tpu.memref_slice %arg2[%add3A_937, %dma_start3A_938, %dma_start3A_939, %dma_start3A_940] : memref<64x3x384x384xf32, #tpu.memory_space<hbm>> -> memref<1x1x24x384xf32, #tpu.memory_space<hbm>>
    %dma_start3A_942 = tpu.memref_squeeze %dma_start3A_941 : memref<1x1x24x384xf32, #tpu.memory_space<hbm>> -> memref<24x384xf32, #tpu.memory_space<hbm>>
    %dma_start3A_943 = arith.constant 312 : i32
    %dma_start3A_944 = arith.constant 0 : i32
    %dma_start3A_945 = tpu.memref_slice %arg2[%add3A_937, %dma_start3A_938, %dma_start3A_943, %dma_start3A_944] : memref<64x3x384x384xf32, #tpu.memory_space<hbm>> -> memref<1x1x24x384xf32, #tpu.memory_space<hbm>>
    %dma_start3A_946 = tpu.memref_squeeze %dma_start3A_945 : memref<1x1x24x384xf32, #tpu.memory_space<hbm>> -> memref<24x384xf32, #tpu.memory_space<hbm>>
    tpu.enqueue_dma source(%dma_start3A_946 : memref<24x384xf32, #tpu.memory_space<hbm>>) target(%arg9 : memref<24x384xf32, #tpu.memory_space<vmem>>) target_semaphore(%arg12 : memref<!tpu.dma_semaphore, #tpu.memory_space<semaphore_mem>>)
    %dma_wait3A_947 = arith.constant 0 : i32
    %dma_wait3A_948 = arith.constant 288 : i32
    %dma_wait3A_949 = arith.constant 0 : i32
    %dma_wait3A_950 = tpu.memref_slice %arg2[%add3A_849, %dma_wait3A_947, %dma_wait3A_948, %dma_wait3A_949] : memref<64x3x384x384xf32, #tpu.memory_space<hbm>> -> memref<1x1x24x384xf32, #tpu.memory_space<hbm>>
    %dma_wait3A_951 = tpu.memref_squeeze %dma_wait3A_950 : memref<1x1x24x384xf32, #tpu.memory_space<hbm>> -> memref<24x384xf32, #tpu.memory_space<hbm>>
    %dma_wait3A_952 = arith.constant 288 : i32
    %dma_wait3A_953 = arith.constant 0 : i32
    %dma_wait3A_954 = tpu.memref_slice %arg2[%add3A_849, %dma_wait3A_947, %dma_wait3A_952, %dma_wait3A_953] : memref<64x3x384x384xf32, #tpu.memory_space<hbm>> -> memref<1x1x24x384xf32, #tpu.memory_space<hbm>>
    %dma_wait3A_955 = tpu.memref_squeeze %dma_wait3A_954 : memref<1x1x24x384xf32, #tpu.memory_space<hbm>> -> memref<24x384xf32, #tpu.memory_space<hbm>>
    tpu.wait_dma2 semaphore(%arg11 : memref<!tpu.dma_semaphore, #tpu.memory_space<semaphore_mem>>) src(%dma_wait3A_955 : memref<24x384xf32, #tpu.memory_space<hbm>>) dst(%arg4 : memref<24x384xf32, #tpu.memory_space<vmem>>)
    %dma_wait3A_956 = arith.constant 1 : i32
    %dma_wait3A_957 = arith.constant 288 : i32
    %dma_wait3A_958 = arith.constant 0 : i32
    %dma_wait3A_959 = tpu.memref_slice %arg2[%add3A_860, %dma_wait3A_956, %dma_wait3A_957, %dma_wait3A_958] : memref<64x3x384x384xf32, #tpu.memory_space<hbm>> -> memref<1x1x24x384xf32, #tpu.memory_space<hbm>>
    %dma_wait3A_960 = tpu.memref_squeeze %dma_wait3A_959 : memref<1x1x24x384xf32, #tpu.memory_space<hbm>> -> memref<24x384xf32, #tpu.memory_space<hbm>>
    %dma_wait3A_961 = arith.constant 288 : i32
    %dma_wait3A_962 = arith.constant 0 : i32
    %dma_wait3A_963 = tpu.memref_slice %arg2[%add3A_860, %dma_wait3A_956, %dma_wait3A_961, %dma_wait3A_962] : memref<64x3x384x384xf32, #tpu.memory_space<hbm>> -> memref<1x1x24x384xf32, #tpu.memory_space<hbm>>
    %dma_wait3A_964 = tpu.memref_squeeze %dma_wait3A_963 : memref<1x1x24x384xf32, #tpu.memory_space<hbm>> -> memref<24x384xf32, #tpu.memory_space<hbm>>
    tpu.wait_dma2 semaphore(%arg11 : memref<!tpu.dma_semaphore, #tpu.memory_space<semaphore_mem>>) src(%dma_wait3A_964 : memref<24x384xf32, #tpu.memory_space<hbm>>) dst(%arg5 : memref<24x384xf32, #tpu.memory_space<vmem>>)
    %dma_wait3A_965 = arith.constant 2 : i32
    %dma_wait3A_966 = arith.constant 288 : i32
    %dma_wait3A_967 = arith.constant 0 : i32
    %dma_wait3A_968 = tpu.memref_slice %arg2[%add3A_871, %dma_wait3A_965, %dma_wait3A_966, %dma_wait3A_967] : memref<64x3x384x384xf32, #tpu.memory_space<hbm>> -> memref<1x1x24x384xf32, #tpu.memory_space<hbm>>
    %dma_wait3A_969 = tpu.memref_squeeze %dma_wait3A_968 : memref<1x1x24x384xf32, #tpu.memory_space<hbm>> -> memref<24x384xf32, #tpu.memory_space<hbm>>
    %dma_wait3A_970 = arith.constant 288 : i32
    %dma_wait3A_971 = arith.constant 0 : i32
    %dma_wait3A_972 = tpu.memref_slice %arg2[%add3A_871, %dma_wait3A_965, %dma_wait3A_970, %dma_wait3A_971] : memref<64x3x384x384xf32, #tpu.memory_space<hbm>> -> memref<1x1x24x384xf32, #tpu.memory_space<hbm>>
    %dma_wait3A_973 = tpu.memref_squeeze %dma_wait3A_972 : memref<1x1x24x384xf32, #tpu.memory_space<hbm>> -> memref<24x384xf32, #tpu.memory_space<hbm>>
    tpu.wait_dma2 semaphore(%arg11 : memref<!tpu.dma_semaphore, #tpu.memory_space<semaphore_mem>>) src(%dma_wait3A_973 : memref<24x384xf32, #tpu.memory_space<hbm>>) dst(%arg6 : memref<24x384xf32, #tpu.memory_space<vmem>>)
    %scan3A_974 = arith.constant 0 : i32
    %scan3A_975 = arith.constant 24 : i32
    %scan3A_976 = arith.addi %scan3A_974, %scan3A_975 : i32
    %scan3A_977 = arith.constant 1 : i32
    %scan3A_978:4 = scf.for %scan3A_1407 = %scan3A_974 to %scan3A_976 step %scan3A_977 iter_args(%scan3A_1408 = %scan3A_912#0, %scan3A_1409 = %scan3A_912#1, %scan3A_1410 = %scan3A_912#2, %scan3A_1411 = %scan3A_912#3) -> (vector<16xf32>, vector<16xf32>, vector<16xf32>, vector<16xf32>)  : i32 {
      %scan3A_1412 = arith.constant 0 : i32
      %scan3A_1413 = arith.constant 12 : i32
      %scan3A_1414 = arith.addi %scan3A_1412, %scan3A_1413 : i32
      %scan3A_1415 = arith.constant 1 : i32
      %scan3A_1416:4 = scf.for %scan3A_1418 = %scan3A_1412 to %scan3A_1414 step %scan3A_1415 iter_args(%scan3A_1419 = %scan3A_1408, %scan3A_1420 = %scan3A_1409, %scan3A_1421 = %scan3A_1410, %scan3A_1422 = %scan3A_1411) -> (vector<16xf32>, vector<16xf32>, vector<16xf32>, vector<16xf32>)  : i32 {
        %mul3A_1423 = arith.constant 2 : i32
        %mul3A_1424 = arith.muli %scan3A_1418, %mul3A_1423 : i32
        %add3A_1425 = arith.constant 0 : i32
        %add3A_1426 = arith.addi %mul3A_1424, %add3A_1425 : i32
        %mul3A_1427 = arith.constant 16 : i32
        %mul3A_1428 = arith.muli %add3A_1426, %mul3A_1427 : i32
        %get3A = arith.index_cast %scan3A_1407 : i32 to index
        %get3A_1429 = arith.index_cast %mul3A_1428 : i32 to index
        %get3A_1430 = tpu.vector_load %arg4[%get3A, %get3A_1429] {strides = array<i32>} : memref<24x384xf32, #tpu.memory_space<vmem>>, vector<1x16xf32>,
        %get3A_1431 = vector.shape_cast %get3A_1430 : vector<1x16xf32> to vector<16xf32>
        %get3A_1432 = arith.index_cast %scan3A_1407 : i32 to index
        %get3A_1433 = arith.index_cast %mul3A_1428 : i32 to index
        %get3A_1434 = tpu.vector_load %arg5[%get3A_1432, %get3A_1433] {strides = array<i32>} : memref<24x384xf32, #tpu.memory_space<vmem>>, vector<1x16xf32>,
        %get3A_1435 = vector.shape_cast %get3A_1434 : vector<1x16xf32> to vector<16xf32>
        %get3A_1436 = arith.index_cast %scan3A_1407 : i32 to index
        %get3A_1437 = arith.index_cast %mul3A_1428 : i32 to index
        %get3A_1438 = tpu.vector_load %arg6[%get3A_1436, %get3A_1437] {strides = array<i32>} : memref<24x384xf32, #tpu.memory_space<vmem>>, vector<1x16xf32>,
        %get3A_1439 = vector.shape_cast %get3A_1438 : vector<1x16xf32> to vector<16xf32>
        %add3A_1440 = arith.constant 1.000000e-01 : f32
        %add3A_1441 = vector.broadcast %add3A_1440 : f32 to vector<16xf32>
        %add3A_1442 = arith.addf %get3A_1435, %add3A_1441 : vector<16xf32>
        %max3A = arith.maximumf %add3A_1442, %get3A_1439 : vector<16xf32>
        %max3A_1443 = arith.constant 4.000000e-01 : f32
        %max3A_1444 = vector.broadcast %max3A_1443 : f32 to vector<16xf32>
        %max3A_1445 = arith.maximumf %max3A, %max3A_1444 : vector<16xf32>
        %gt3A = arith.cmpf ogt, %get3A_1431, %max3A_1445 : vector<16xf32>
        %gt3A_1446 = arith.constant 2.800000e-01 : f32
        %gt3A_1447 = vector.broadcast %gt3A_1446 : f32 to vector<16xf32>
        %gt3A_1448 = arith.cmpf ogt, %get3A_1435, %gt3A_1447 : vector<16xf32>
        %and3A = arith.andi %gt3A, %gt3A_1448 : vector<16xi1>
        %gt3A_1449 = arith.constant 2.000000e-01 : f32
        %gt3A_1450 = vector.broadcast %gt3A_1449 : f32 to vector<16xf32>
        %gt3A_1451 = arith.cmpf ogt, %get3A_1439, %gt3A_1450 : vector<16xf32>
        %and3A_1452 = arith.andi %and3A, %gt3A_1451 : vector<16xi1>
        %add3A_1453 = arith.addf %scan3A_1419, %get3A_1431 : vector<16xf32>
        %select_n3A_1454 = arith.select %and3A_1452, %add3A_1453, %scan3A_1419 : vector<16xi1>, vector<16xf32>
        %add3A_1455 = arith.addf %scan3A_1420, %get3A_1435 : vector<16xf32>
        %select_n3A_1456 = arith.select %and3A_1452, %add3A_1455, %scan3A_1420 : vector<16xi1>, vector<16xf32>
        %add3A_1457 = arith.addf %scan3A_1421, %get3A_1439 : vector<16xf32>
        %select_n3A_1458 = arith.select %and3A_1452, %add3A_1457, %scan3A_1421 : vector<16xi1>, vector<16xf32>
        %add3A_1459 = arith.constant 1.000000e+00 : f32
        %add3A_1460 = vector.broadcast %add3A_1459 : f32 to vector<16xf32>
        %add3A_1461 = arith.addf %scan3A_1422, %add3A_1460 : vector<16xf32>
        %select_n3A_1462 = arith.select %and3A_1452, %add3A_1461, %scan3A_1422 : vector<16xi1>, vector<16xf32>
        %mul3A_1463 = arith.constant 2 : i32
        %mul3A_1464 = arith.muli %scan3A_1418, %mul3A_1463 : i32
        %add3A_1465 = arith.constant 1 : i32
        %add3A_1466 = arith.addi %mul3A_1464, %add3A_1465 : i32
        %mul3A_1467 = arith.constant 16 : i32
        %mul3A_1468 = arith.muli %add3A_1466, %mul3A_1467 : i32
        %get3A_1469 = arith.index_cast %scan3A_1407 : i32 to index
        %get3A_1470 = arith.index_cast %mul3A_1468 : i32 to index
        %get3A_1471 = tpu.vector_load %arg4[%get3A_1469, %get3A_1470] {strides = array<i32>} : memref<24x384xf32, #tpu.memory_space<vmem>>, vector<1x16xf32>,
        %get3A_1472 = vector.shape_cast %get3A_1471 : vector<1x16xf32> to vector<16xf32>
        %get3A_1473 = arith.index_cast %scan3A_1407 : i32 to index
        %get3A_1474 = arith.index_cast %mul3A_1468 : i32 to index
        %get3A_1475 = tpu.vector_load %arg5[%get3A_1473, %get3A_1474] {strides = array<i32>} : memref<24x384xf32, #tpu.memory_space<vmem>>, vector<1x16xf32>,
        %get3A_1476 = vector.shape_cast %get3A_1475 : vector<1x16xf32> to vector<16xf32>
        %get3A_1477 = arith.index_cast %scan3A_1407 : i32 to index
        %get3A_1478 = arith.index_cast %mul3A_1468 : i32 to index
        %get3A_1479 = tpu.vector_load %arg6[%get3A_1477, %get3A_1478] {strides = array<i32>} : memref<24x384xf32, #tpu.memory_space<vmem>>, vector<1x16xf32>,
        %get3A_1480 = vector.shape_cast %get3A_1479 : vector<1x16xf32> to vector<16xf32>
        %add3A_1481 = arith.constant 1.000000e-01 : f32
        %add3A_1482 = vector.broadcast %add3A_1481 : f32 to vector<16xf32>
        %add3A_1483 = arith.addf %get3A_1476, %add3A_1482 : vector<16xf32>
        %max3A_1484 = arith.maximumf %add3A_1483, %get3A_1480 : vector<16xf32>
        %max3A_1485 = arith.constant 4.000000e-01 : f32
        %max3A_1486 = vector.broadcast %max3A_1485 : f32 to vector<16xf32>
        %max3A_1487 = arith.maximumf %max3A_1484, %max3A_1486 : vector<16xf32>
        %gt3A_1488 = arith.cmpf ogt, %get3A_1472, %max3A_1487 : vector<16xf32>
        %gt3A_1489 = arith.constant 2.800000e-01 : f32
        %gt3A_1490 = vector.broadcast %gt3A_1489 : f32 to vector<16xf32>
        %gt3A_1491 = arith.cmpf ogt, %get3A_1476, %gt3A_1490 : vector<16xf32>
        %and3A_1492 = arith.andi %gt3A_1488, %gt3A_1491 : vector<16xi1>
        %gt3A_1493 = arith.constant 2.000000e-01 : f32
        %gt3A_1494 = vector.broadcast %gt3A_1493 : f32 to vector<16xf32>
        %gt3A_1495 = arith.cmpf ogt, %get3A_1480, %gt3A_1494 : vector<16xf32>
        %and3A_1496 = arith.andi %and3A_1492, %gt3A_1495 : vector<16xi1>
        %add3A_1497 = arith.addf %select_n3A_1454, %get3A_1472 : vector<16xf32>
        %select_n3A_1498 = arith.select %and3A_1496, %add3A_1497, %select_n3A_1454 : vector<16xi1>, vector<16xf32>
        %add3A_1499 = arith.addf %select_n3A_1456, %get3A_1476 : vector<16xf32>
        %select_n3A_1500 = arith.select %and3A_1496, %add3A_1499, %select_n3A_1456 : vector<16xi1>, vector<16xf32>
        %add3A_1501 = arith.addf %select_n3A_1458, %get3A_1480 : vector<16xf32>
        %select_n3A_1502 = arith.select %and3A_1496, %add3A_1501, %select_n3A_1458 : vector<16xi1>, vector<16xf32>
        %add3A_1503 = arith.constant 1.000000e+00 : f32
        %add3A_1504 = vector.broadcast %add3A_1503 : f32 to vector<16xf32>
        %add3A_1505 = arith.addf %select_n3A_1462, %add3A_1504 : vector<16xf32>
        %select_n3A_1506 = arith.select %and3A_1496, %add3A_1505, %select_n3A_1462 : vector<16xi1>, vector<16xf32>
        scf.yield %select_n3A_1498, %select_n3A_1500, %select_n3A_1502, %select_n3A_1506 : vector<16xf32>, vector<16xf32>, vector<16xf32>, vector<16xf32>
      }
      %scan3A_1417 = arith.constant 12 : i32
      scf.yield %scan3A_1416#0, %scan3A_1416#1, %scan3A_1416#2, %scan3A_1416#3 : vector<16xf32>, vector<16xf32>, vector<16xf32>, vector<16xf32>
    }
    %scan3A_979 = arith.constant 24 : i32
    %add3A_980 = arith.constant 1 : i32
    %add3A_981 = arith.addi %mul3A_2, %add3A_980 : i32
    %dma_start3A_982 = arith.constant 0 : i32
    %dma_start3A_983 = arith.constant 336 : i32
    %dma_start3A_984 = arith.constant 0 : i32
    %dma_start3A_985 = tpu.memref_slice %arg2[%add3A_981, %dma_start3A_982, %dma_start3A_983, %dma_start3A_984] : memref<64x3x384x384xf32, #tpu.memory_space<hbm>> -> memref<1x1x24x384xf32, #tpu.memory_space<hbm>>
    %dma_start3A_986 = tpu.memref_squeeze %dma_start3A_985 : memref<1x1x24x384xf32, #tpu.memory_space<hbm>> -> memref<24x384xf32, #tpu.memory_space<hbm>>
    %dma_start3A_987 = arith.constant 336 : i32
    %dma_start3A_988 = arith.constant 0 : i32
    %dma_start3A_989 = tpu.memref_slice %arg2[%add3A_981, %dma_start3A_982, %dma_start3A_987, %dma_start3A_988] : memref<64x3x384x384xf32, #tpu.memory_space<hbm>> -> memref<1x1x24x384xf32, #tpu.memory_space<hbm>>
    %dma_start3A_990 = tpu.memref_squeeze %dma_start3A_989 : memref<1x1x24x384xf32, #tpu.memory_space<hbm>> -> memref<24x384xf32, #tpu.memory_space<hbm>>
    tpu.enqueue_dma source(%dma_start3A_990 : memref<24x384xf32, #tpu.memory_space<hbm>>) target(%arg4 : memref<24x384xf32, #tpu.memory_space<vmem>>) target_semaphore(%arg11 : memref<!tpu.dma_semaphore, #tpu.memory_space<semaphore_mem>>)
    %add3A_991 = arith.constant 1 : i32
    %add3A_992 = arith.addi %mul3A_2, %add3A_991 : i32
    %dma_start3A_993 = arith.constant 1 : i32
    %dma_start3A_994 = arith.constant 336 : i32
    %dma_start3A_995 = arith.constant 0 : i32
    %dma_start3A_996 = tpu.memref_slice %arg2[%add3A_992, %dma_start3A_993, %dma_start3A_994, %dma_start3A_995] : memref<64x3x384x384xf32, #tpu.memory_space<hbm>> -> memref<1x1x24x384xf32, #tpu.memory_space<hbm>>
    %dma_start3A_997 = tpu.memref_squeeze %dma_start3A_996 : memref<1x1x24x384xf32, #tpu.memory_space<hbm>> -> memref<24x384xf32, #tpu.memory_space<hbm>>
    %dma_start3A_998 = arith.constant 336 : i32
    %dma_start3A_999 = arith.constant 0 : i32
    %dma_start3A_1000 = tpu.memref_slice %arg2[%add3A_992, %dma_start3A_993, %dma_start3A_998, %dma_start3A_999] : memref<64x3x384x384xf32, #tpu.memory_space<hbm>> -> memref<1x1x24x384xf32, #tpu.memory_space<hbm>>
    %dma_start3A_1001 = tpu.memref_squeeze %dma_start3A_1000 : memref<1x1x24x384xf32, #tpu.memory_space<hbm>> -> memref<24x384xf32, #tpu.memory_space<hbm>>
    tpu.enqueue_dma source(%dma_start3A_1001 : memref<24x384xf32, #tpu.memory_space<hbm>>) target(%arg5 : memref<24x384xf32, #tpu.memory_space<vmem>>) target_semaphore(%arg11 : memref<!tpu.dma_semaphore, #tpu.memory_space<semaphore_mem>>)
    %add3A_1002 = arith.constant 1 : i32
    %add3A_1003 = arith.addi %mul3A_2, %add3A_1002 : i32
    %dma_start3A_1004 = arith.constant 2 : i32
    %dma_start3A_1005 = arith.constant 336 : i32
    %dma_start3A_1006 = arith.constant 0 : i32
    %dma_start3A_1007 = tpu.memref_slice %arg2[%add3A_1003, %dma_start3A_1004, %dma_start3A_1005, %dma_start3A_1006] : memref<64x3x384x384xf32, #tpu.memory_space<hbm>> -> memref<1x1x24x384xf32, #tpu.memory_space<hbm>>
    %dma_start3A_1008 = tpu.memref_squeeze %dma_start3A_1007 : memref<1x1x24x384xf32, #tpu.memory_space<hbm>> -> memref<24x384xf32, #tpu.memory_space<hbm>>
    %dma_start3A_1009 = arith.constant 336 : i32
    %dma_start3A_1010 = arith.constant 0 : i32
    %dma_start3A_1011 = tpu.memref_slice %arg2[%add3A_1003, %dma_start3A_1004, %dma_start3A_1009, %dma_start3A_1010] : memref<64x3x384x384xf32, #tpu.memory_space<hbm>> -> memref<1x1x24x384xf32, #tpu.memory_space<hbm>>
    %dma_start3A_1012 = tpu.memref_squeeze %dma_start3A_1011 : memref<1x1x24x384xf32, #tpu.memory_space<hbm>> -> memref<24x384xf32, #tpu.memory_space<hbm>>
    tpu.enqueue_dma source(%dma_start3A_1012 : memref<24x384xf32, #tpu.memory_space<hbm>>) target(%arg6 : memref<24x384xf32, #tpu.memory_space<vmem>>) target_semaphore(%arg11 : memref<!tpu.dma_semaphore, #tpu.memory_space<semaphore_mem>>)
    %dma_wait3A_1013 = arith.constant 0 : i32
    %dma_wait3A_1014 = arith.constant 312 : i32
    %dma_wait3A_1015 = arith.constant 0 : i32
    %dma_wait3A_1016 = tpu.memref_slice %arg2[%add3A_915, %dma_wait3A_1013, %dma_wait3A_1014, %dma_wait3A_1015] : memref<64x3x384x384xf32, #tpu.memory_space<hbm>> -> memref<1x1x24x384xf32, #tpu.memory_space<hbm>>
    %dma_wait3A_1017 = tpu.memref_squeeze %dma_wait3A_1016 : memref<1x1x24x384xf32, #tpu.memory_space<hbm>> -> memref<24x384xf32, #tpu.memory_space<hbm>>
    %dma_wait3A_1018 = arith.constant 312 : i32
    %dma_wait3A_1019 = arith.constant 0 : i32
    %dma_wait3A_1020 = tpu.memref_slice %arg2[%add3A_915, %dma_wait3A_1013, %dma_wait3A_1018, %dma_wait3A_1019] : memref<64x3x384x384xf32, #tpu.memory_space<hbm>> -> memref<1x1x24x384xf32, #tpu.memory_space<hbm>>
    %dma_wait3A_1021 = tpu.memref_squeeze %dma_wait3A_1020 : memref<1x1x24x384xf32, #tpu.memory_space<hbm>> -> memref<24x384xf32, #tpu.memory_space<hbm>>
    tpu.wait_dma2 semaphore(%arg12 : memref<!tpu.dma_semaphore, #tpu.memory_space<semaphore_mem>>) src(%dma_wait3A_1021 : memref<24x384xf32, #tpu.memory_space<hbm>>) dst(%arg7 : memref<24x384xf32, #tpu.memory_space<vmem>>)
    %dma_wait3A_1022 = arith.constant 1 : i32
    %dma_wait3A_1023 = arith.constant 312 : i32
    %dma_wait3A_1024 = arith.constant 0 : i32
    %dma_wait3A_1025 = tpu.memref_slice %arg2[%add3A_926, %dma_wait3A_1022, %dma_wait3A_1023, %dma_wait3A_1024] : memref<64x3x384x384xf32, #tpu.memory_space<hbm>> -> memref<1x1x24x384xf32, #tpu.memory_space<hbm>>
    %dma_wait3A_1026 = tpu.memref_squeeze %dma_wait3A_1025 : memref<1x1x24x384xf32, #tpu.memory_space<hbm>> -> memref<24x384xf32, #tpu.memory_space<hbm>>
    %dma_wait3A_1027 = arith.constant 312 : i32
    %dma_wait3A_1028 = arith.constant 0 : i32
    %dma_wait3A_1029 = tpu.memref_slice %arg2[%add3A_926, %dma_wait3A_1022, %dma_wait3A_1027, %dma_wait3A_1028] : memref<64x3x384x384xf32, #tpu.memory_space<hbm>> -> memref<1x1x24x384xf32, #tpu.memory_space<hbm>>
    %dma_wait3A_1030 = tpu.memref_squeeze %dma_wait3A_1029 : memref<1x1x24x384xf32, #tpu.memory_space<hbm>> -> memref<24x384xf32, #tpu.memory_space<hbm>>
    tpu.wait_dma2 semaphore(%arg12 : memref<!tpu.dma_semaphore, #tpu.memory_space<semaphore_mem>>) src(%dma_wait3A_1030 : memref<24x384xf32, #tpu.memory_space<hbm>>) dst(%arg8 : memref<24x384xf32, #tpu.memory_space<vmem>>)
    %dma_wait3A_1031 = arith.constant 2 : i32
    %dma_wait3A_1032 = arith.constant 312 : i32
    %dma_wait3A_1033 = arith.constant 0 : i32
    %dma_wait3A_1034 = tpu.memref_slice %arg2[%add3A_937, %dma_wait3A_1031, %dma_wait3A_1032, %dma_wait3A_1033] : memref<64x3x384x384xf32, #tpu.memory_space<hbm>> -> memref<1x1x24x384xf32, #tpu.memory_space<hbm>>
    %dma_wait3A_1035 = tpu.memref_squeeze %dma_wait3A_1034 : memref<1x1x24x384xf32, #tpu.memory_space<hbm>> -> memref<24x384xf32, #tpu.memory_space<hbm>>
    %dma_wait3A_1036 = arith.constant 312 : i32
    %dma_wait3A_1037 = arith.constant 0 : i32
    %dma_wait3A_1038 = tpu.memref_slice %arg2[%add3A_937, %dma_wait3A_1031, %dma_wait3A_1036, %dma_wait3A_1037] : memref<64x3x384x384xf32, #tpu.memory_space<hbm>> -> memref<1x1x24x384xf32, #tpu.memory_space<hbm>>
    %dma_wait3A_1039 = tpu.memref_squeeze %dma_wait3A_1038 : memref<1x1x24x384xf32, #tpu.memory_space<hbm>> -> memref<24x384xf32, #tpu.memory_space<hbm>>
    tpu.wait_dma2 semaphore(%arg12 : memref<!tpu.dma_semaphore, #tpu.memory_space<semaphore_mem>>) src(%dma_wait3A_1039 : memref<24x384xf32, #tpu.memory_space<hbm>>) dst(%arg9 : memref<24x384xf32, #tpu.memory_space<vmem>>)
    %scan3A_1040 = arith.constant 0 : i32
    %scan3A_1041 = arith.constant 24 : i32
    %scan3A_1042 = arith.addi %scan3A_1040, %scan3A_1041 : i32
    %scan3A_1043 = arith.constant 1 : i32
    %scan3A_1044:4 = scf.for %scan3A_1407 = %scan3A_1040 to %scan3A_1042 step %scan3A_1043 iter_args(%scan3A_1408 = %scan3A_978#0, %scan3A_1409 = %scan3A_978#1, %scan3A_1410 = %scan3A_978#2, %scan3A_1411 = %scan3A_978#3) -> (vector<16xf32>, vector<16xf32>, vector<16xf32>, vector<16xf32>)  : i32 {
      %scan3A_1412 = arith.constant 0 : i32
      %scan3A_1413 = arith.constant 12 : i32
      %scan3A_1414 = arith.addi %scan3A_1412, %scan3A_1413 : i32
      %scan3A_1415 = arith.constant 1 : i32
      %scan3A_1416:4 = scf.for %scan3A_1418 = %scan3A_1412 to %scan3A_1414 step %scan3A_1415 iter_args(%scan3A_1419 = %scan3A_1408, %scan3A_1420 = %scan3A_1409, %scan3A_1421 = %scan3A_1410, %scan3A_1422 = %scan3A_1411) -> (vector<16xf32>, vector<16xf32>, vector<16xf32>, vector<16xf32>)  : i32 {
        %mul3A_1423 = arith.constant 2 : i32
        %mul3A_1424 = arith.muli %scan3A_1418, %mul3A_1423 : i32
        %add3A_1425 = arith.constant 0 : i32
        %add3A_1426 = arith.addi %mul3A_1424, %add3A_1425 : i32
        %mul3A_1427 = arith.constant 16 : i32
        %mul3A_1428 = arith.muli %add3A_1426, %mul3A_1427 : i32
        %get3A = arith.index_cast %scan3A_1407 : i32 to index
        %get3A_1429 = arith.index_cast %mul3A_1428 : i32 to index
        %get3A_1430 = tpu.vector_load %arg7[%get3A, %get3A_1429] {strides = array<i32>} : memref<24x384xf32, #tpu.memory_space<vmem>>, vector<1x16xf32>,
        %get3A_1431 = vector.shape_cast %get3A_1430 : vector<1x16xf32> to vector<16xf32>
        %get3A_1432 = arith.index_cast %scan3A_1407 : i32 to index
        %get3A_1433 = arith.index_cast %mul3A_1428 : i32 to index
        %get3A_1434 = tpu.vector_load %arg8[%get3A_1432, %get3A_1433] {strides = array<i32>} : memref<24x384xf32, #tpu.memory_space<vmem>>, vector<1x16xf32>,
        %get3A_1435 = vector.shape_cast %get3A_1434 : vector<1x16xf32> to vector<16xf32>
        %get3A_1436 = arith.index_cast %scan3A_1407 : i32 to index
        %get3A_1437 = arith.index_cast %mul3A_1428 : i32 to index
        %get3A_1438 = tpu.vector_load %arg9[%get3A_1436, %get3A_1437] {strides = array<i32>} : memref<24x384xf32, #tpu.memory_space<vmem>>, vector<1x16xf32>,
        %get3A_1439 = vector.shape_cast %get3A_1438 : vector<1x16xf32> to vector<16xf32>
        %add3A_1440 = arith.constant 1.000000e-01 : f32
        %add3A_1441 = vector.broadcast %add3A_1440 : f32 to vector<16xf32>
        %add3A_1442 = arith.addf %get3A_1435, %add3A_1441 : vector<16xf32>
        %max3A = arith.maximumf %add3A_1442, %get3A_1439 : vector<16xf32>
        %max3A_1443 = arith.constant 4.000000e-01 : f32
        %max3A_1444 = vector.broadcast %max3A_1443 : f32 to vector<16xf32>
        %max3A_1445 = arith.maximumf %max3A, %max3A_1444 : vector<16xf32>
        %gt3A = arith.cmpf ogt, %get3A_1431, %max3A_1445 : vector<16xf32>
        %gt3A_1446 = arith.constant 2.800000e-01 : f32
        %gt3A_1447 = vector.broadcast %gt3A_1446 : f32 to vector<16xf32>
        %gt3A_1448 = arith.cmpf ogt, %get3A_1435, %gt3A_1447 : vector<16xf32>
        %and3A = arith.andi %gt3A, %gt3A_1448 : vector<16xi1>
        %gt3A_1449 = arith.constant 2.000000e-01 : f32
        %gt3A_1450 = vector.broadcast %gt3A_1449 : f32 to vector<16xf32>
        %gt3A_1451 = arith.cmpf ogt, %get3A_1439, %gt3A_1450 : vector<16xf32>
        %and3A_1452 = arith.andi %and3A, %gt3A_1451 : vector<16xi1>
        %add3A_1453 = arith.addf %scan3A_1419, %get3A_1431 : vector<16xf32>
        %select_n3A_1454 = arith.select %and3A_1452, %add3A_1453, %scan3A_1419 : vector<16xi1>, vector<16xf32>
        %add3A_1455 = arith.addf %scan3A_1420, %get3A_1435 : vector<16xf32>
        %select_n3A_1456 = arith.select %and3A_1452, %add3A_1455, %scan3A_1420 : vector<16xi1>, vector<16xf32>
        %add3A_1457 = arith.addf %scan3A_1421, %get3A_1439 : vector<16xf32>
        %select_n3A_1458 = arith.select %and3A_1452, %add3A_1457, %scan3A_1421 : vector<16xi1>, vector<16xf32>
        %add3A_1459 = arith.constant 1.000000e+00 : f32
        %add3A_1460 = vector.broadcast %add3A_1459 : f32 to vector<16xf32>
        %add3A_1461 = arith.addf %scan3A_1422, %add3A_1460 : vector<16xf32>
        %select_n3A_1462 = arith.select %and3A_1452, %add3A_1461, %scan3A_1422 : vector<16xi1>, vector<16xf32>
        %mul3A_1463 = arith.constant 2 : i32
        %mul3A_1464 = arith.muli %scan3A_1418, %mul3A_1463 : i32
        %add3A_1465 = arith.constant 1 : i32
        %add3A_1466 = arith.addi %mul3A_1464, %add3A_1465 : i32
        %mul3A_1467 = arith.constant 16 : i32
        %mul3A_1468 = arith.muli %add3A_1466, %mul3A_1467 : i32
        %get3A_1469 = arith.index_cast %scan3A_1407 : i32 to index
        %get3A_1470 = arith.index_cast %mul3A_1468 : i32 to index
        %get3A_1471 = tpu.vector_load %arg7[%get3A_1469, %get3A_1470] {strides = array<i32>} : memref<24x384xf32, #tpu.memory_space<vmem>>, vector<1x16xf32>,
        %get3A_1472 = vector.shape_cast %get3A_1471 : vector<1x16xf32> to vector<16xf32>
        %get3A_1473 = arith.index_cast %scan3A_1407 : i32 to index
        %get3A_1474 = arith.index_cast %mul3A_1468 : i32 to index
        %get3A_1475 = tpu.vector_load %arg8[%get3A_1473, %get3A_1474] {strides = array<i32>} : memref<24x384xf32, #tpu.memory_space<vmem>>, vector<1x16xf32>,
        %get3A_1476 = vector.shape_cast %get3A_1475 : vector<1x16xf32> to vector<16xf32>
        %get3A_1477 = arith.index_cast %scan3A_1407 : i32 to index
        %get3A_1478 = arith.index_cast %mul3A_1468 : i32 to index
        %get3A_1479 = tpu.vector_load %arg9[%get3A_1477, %get3A_1478] {strides = array<i32>} : memref<24x384xf32, #tpu.memory_space<vmem>>, vector<1x16xf32>,
        %get3A_1480 = vector.shape_cast %get3A_1479 : vector<1x16xf32> to vector<16xf32>
        %add3A_1481 = arith.constant 1.000000e-01 : f32
        %add3A_1482 = vector.broadcast %add3A_1481 : f32 to vector<16xf32>
        %add3A_1483 = arith.addf %get3A_1476, %add3A_1482 : vector<16xf32>
        %max3A_1484 = arith.maximumf %add3A_1483, %get3A_1480 : vector<16xf32>
        %max3A_1485 = arith.constant 4.000000e-01 : f32
        %max3A_1486 = vector.broadcast %max3A_1485 : f32 to vector<16xf32>
        %max3A_1487 = arith.maximumf %max3A_1484, %max3A_1486 : vector<16xf32>
        %gt3A_1488 = arith.cmpf ogt, %get3A_1472, %max3A_1487 : vector<16xf32>
        %gt3A_1489 = arith.constant 2.800000e-01 : f32
        %gt3A_1490 = vector.broadcast %gt3A_1489 : f32 to vector<16xf32>
        %gt3A_1491 = arith.cmpf ogt, %get3A_1476, %gt3A_1490 : vector<16xf32>
        %and3A_1492 = arith.andi %gt3A_1488, %gt3A_1491 : vector<16xi1>
        %gt3A_1493 = arith.constant 2.000000e-01 : f32
        %gt3A_1494 = vector.broadcast %gt3A_1493 : f32 to vector<16xf32>
        %gt3A_1495 = arith.cmpf ogt, %get3A_1480, %gt3A_1494 : vector<16xf32>
        %and3A_1496 = arith.andi %and3A_1492, %gt3A_1495 : vector<16xi1>
        %add3A_1497 = arith.addf %select_n3A_1454, %get3A_1472 : vector<16xf32>
        %select_n3A_1498 = arith.select %and3A_1496, %add3A_1497, %select_n3A_1454 : vector<16xi1>, vector<16xf32>
        %add3A_1499 = arith.addf %select_n3A_1456, %get3A_1476 : vector<16xf32>
        %select_n3A_1500 = arith.select %and3A_1496, %add3A_1499, %select_n3A_1456 : vector<16xi1>, vector<16xf32>
        %add3A_1501 = arith.addf %select_n3A_1458, %get3A_1480 : vector<16xf32>
        %select_n3A_1502 = arith.select %and3A_1496, %add3A_1501, %select_n3A_1458 : vector<16xi1>, vector<16xf32>
        %add3A_1503 = arith.constant 1.000000e+00 : f32
        %add3A_1504 = vector.broadcast %add3A_1503 : f32 to vector<16xf32>
        %add3A_1505 = arith.addf %select_n3A_1462, %add3A_1504 : vector<16xf32>
        %select_n3A_1506 = arith.select %and3A_1496, %add3A_1505, %select_n3A_1462 : vector<16xi1>, vector<16xf32>
        scf.yield %select_n3A_1498, %select_n3A_1500, %select_n3A_1502, %select_n3A_1506 : vector<16xf32>, vector<16xf32>, vector<16xf32>, vector<16xf32>
      }
      %scan3A_1417 = arith.constant 12 : i32
      scf.yield %scan3A_1416#0, %scan3A_1416#1, %scan3A_1416#2, %scan3A_1416#3 : vector<16xf32>, vector<16xf32>, vector<16xf32>, vector<16xf32>
    }
    %scan3A_1045 = arith.constant 24 : i32
    %add3A_1046 = arith.constant 1 : i32
    %add3A_1047 = arith.addi %mul3A_2, %add3A_1046 : i32
    %dma_start3A_1048 = arith.constant 0 : i32
    %dma_start3A_1049 = arith.constant 360 : i32
    %dma_start3A_1050 = arith.constant 0 : i32
    %dma_start3A_1051 = tpu.memref_slice %arg2[%add3A_1047, %dma_start3A_1048, %dma_start3A_1049, %dma_start3A_1050] : memref<64x3x384x384xf32, #tpu.memory_space<hbm>> -> memref<1x1x24x384xf32, #tpu.memory_space<hbm>>
    %dma_start3A_1052 = tpu.memref_squeeze %dma_start3A_1051 : memref<1x1x24x384xf32, #tpu.memory_space<hbm>> -> memref<24x384xf32, #tpu.memory_space<hbm>>
    %dma_start3A_1053 = arith.constant 360 : i32
    %dma_start3A_1054 = arith.constant 0 : i32
    %dma_start3A_1055 = tpu.memref_slice %arg2[%add3A_1047, %dma_start3A_1048, %dma_start3A_1053, %dma_start3A_1054] : memref<64x3x384x384xf32, #tpu.memory_space<hbm>> -> memref<1x1x24x384xf32, #tpu.memory_space<hbm>>
    %dma_start3A_1056 = tpu.memref_squeeze %dma_start3A_1055 : memref<1x1x24x384xf32, #tpu.memory_space<hbm>> -> memref<24x384xf32, #tpu.memory_space<hbm>>
    tpu.enqueue_dma source(%dma_start3A_1056 : memref<24x384xf32, #tpu.memory_space<hbm>>) target(%arg7 : memref<24x384xf32, #tpu.memory_space<vmem>>) target_semaphore(%arg12 : memref<!tpu.dma_semaphore, #tpu.memory_space<semaphore_mem>>)
    %add3A_1057 = arith.constant 1 : i32
    %add3A_1058 = arith.addi %mul3A_2, %add3A_1057 : i32
    %dma_start3A_1059 = arith.constant 1 : i32
    %dma_start3A_1060 = arith.constant 360 : i32
    %dma_start3A_1061 = arith.constant 0 : i32
    %dma_start3A_1062 = tpu.memref_slice %arg2[%add3A_1058, %dma_start3A_1059, %dma_start3A_1060, %dma_start3A_1061] : memref<64x3x384x384xf32, #tpu.memory_space<hbm>> -> memref<1x1x24x384xf32, #tpu.memory_space<hbm>>
    %dma_start3A_1063 = tpu.memref_squeeze %dma_start3A_1062 : memref<1x1x24x384xf32, #tpu.memory_space<hbm>> -> memref<24x384xf32, #tpu.memory_space<hbm>>
    %dma_start3A_1064 = arith.constant 360 : i32
    %dma_start3A_1065 = arith.constant 0 : i32
    %dma_start3A_1066 = tpu.memref_slice %arg2[%add3A_1058, %dma_start3A_1059, %dma_start3A_1064, %dma_start3A_1065] : memref<64x3x384x384xf32, #tpu.memory_space<hbm>> -> memref<1x1x24x384xf32, #tpu.memory_space<hbm>>
    %dma_start3A_1067 = tpu.memref_squeeze %dma_start3A_1066 : memref<1x1x24x384xf32, #tpu.memory_space<hbm>> -> memref<24x384xf32, #tpu.memory_space<hbm>>
    tpu.enqueue_dma source(%dma_start3A_1067 : memref<24x384xf32, #tpu.memory_space<hbm>>) target(%arg8 : memref<24x384xf32, #tpu.memory_space<vmem>>) target_semaphore(%arg12 : memref<!tpu.dma_semaphore, #tpu.memory_space<semaphore_mem>>)
    %add3A_1068 = arith.constant 1 : i32
    %add3A_1069 = arith.addi %mul3A_2, %add3A_1068 : i32
    %dma_start3A_1070 = arith.constant 2 : i32
    %dma_start3A_1071 = arith.constant 360 : i32
    %dma_start3A_1072 = arith.constant 0 : i32
    %dma_start3A_1073 = tpu.memref_slice %arg2[%add3A_1069, %dma_start3A_1070, %dma_start3A_1071, %dma_start3A_1072] : memref<64x3x384x384xf32, #tpu.memory_space<hbm>> -> memref<1x1x24x384xf32, #tpu.memory_space<hbm>>
    %dma_start3A_1074 = tpu.memref_squeeze %dma_start3A_1073 : memref<1x1x24x384xf32, #tpu.memory_space<hbm>> -> memref<24x384xf32, #tpu.memory_space<hbm>>
    %dma_start3A_1075 = arith.constant 360 : i32
    %dma_start3A_1076 = arith.constant 0 : i32
    %dma_start3A_1077 = tpu.memref_slice %arg2[%add3A_1069, %dma_start3A_1070, %dma_start3A_1075, %dma_start3A_1076] : memref<64x3x384x384xf32, #tpu.memory_space<hbm>> -> memref<1x1x24x384xf32, #tpu.memory_space<hbm>>
    %dma_start3A_1078 = tpu.memref_squeeze %dma_start3A_1077 : memref<1x1x24x384xf32, #tpu.memory_space<hbm>> -> memref<24x384xf32, #tpu.memory_space<hbm>>
    tpu.enqueue_dma source(%dma_start3A_1078 : memref<24x384xf32, #tpu.memory_space<hbm>>) target(%arg9 : memref<24x384xf32, #tpu.memory_space<vmem>>) target_semaphore(%arg12 : memref<!tpu.dma_semaphore, #tpu.memory_space<semaphore_mem>>)
    %dma_wait3A_1079 = arith.constant 0 : i32
    %dma_wait3A_1080 = arith.constant 336 : i32
    %dma_wait3A_1081 = arith.constant 0 : i32
    %dma_wait3A_1082 = tpu.memref_slice %arg2[%add3A_981, %dma_wait3A_1079, %dma_wait3A_1080, %dma_wait3A_1081] : memref<64x3x384x384xf32, #tpu.memory_space<hbm>> -> memref<1x1x24x384xf32, #tpu.memory_space<hbm>>
    %dma_wait3A_1083 = tpu.memref_squeeze %dma_wait3A_1082 : memref<1x1x24x384xf32, #tpu.memory_space<hbm>> -> memref<24x384xf32, #tpu.memory_space<hbm>>
    %dma_wait3A_1084 = arith.constant 336 : i32
    %dma_wait3A_1085 = arith.constant 0 : i32
    %dma_wait3A_1086 = tpu.memref_slice %arg2[%add3A_981, %dma_wait3A_1079, %dma_wait3A_1084, %dma_wait3A_1085] : memref<64x3x384x384xf32, #tpu.memory_space<hbm>> -> memref<1x1x24x384xf32, #tpu.memory_space<hbm>>
    %dma_wait3A_1087 = tpu.memref_squeeze %dma_wait3A_1086 : memref<1x1x24x384xf32, #tpu.memory_space<hbm>> -> memref<24x384xf32, #tpu.memory_space<hbm>>
    tpu.wait_dma2 semaphore(%arg11 : memref<!tpu.dma_semaphore, #tpu.memory_space<semaphore_mem>>) src(%dma_wait3A_1087 : memref<24x384xf32, #tpu.memory_space<hbm>>) dst(%arg4 : memref<24x384xf32, #tpu.memory_space<vmem>>)
    %dma_wait3A_1088 = arith.constant 1 : i32
    %dma_wait3A_1089 = arith.constant 336 : i32
    %dma_wait3A_1090 = arith.constant 0 : i32
    %dma_wait3A_1091 = tpu.memref_slice %arg2[%add3A_992, %dma_wait3A_1088, %dma_wait3A_1089, %dma_wait3A_1090] : memref<64x3x384x384xf32, #tpu.memory_space<hbm>> -> memref<1x1x24x384xf32, #tpu.memory_space<hbm>>
    %dma_wait3A_1092 = tpu.memref_squeeze %dma_wait3A_1091 : memref<1x1x24x384xf32, #tpu.memory_space<hbm>> -> memref<24x384xf32, #tpu.memory_space<hbm>>
    %dma_wait3A_1093 = arith.constant 336 : i32
    %dma_wait3A_1094 = arith.constant 0 : i32
    %dma_wait3A_1095 = tpu.memref_slice %arg2[%add3A_992, %dma_wait3A_1088, %dma_wait3A_1093, %dma_wait3A_1094] : memref<64x3x384x384xf32, #tpu.memory_space<hbm>> -> memref<1x1x24x384xf32, #tpu.memory_space<hbm>>
    %dma_wait3A_1096 = tpu.memref_squeeze %dma_wait3A_1095 : memref<1x1x24x384xf32, #tpu.memory_space<hbm>> -> memref<24x384xf32, #tpu.memory_space<hbm>>
    tpu.wait_dma2 semaphore(%arg11 : memref<!tpu.dma_semaphore, #tpu.memory_space<semaphore_mem>>) src(%dma_wait3A_1096 : memref<24x384xf32, #tpu.memory_space<hbm>>) dst(%arg5 : memref<24x384xf32, #tpu.memory_space<vmem>>)
    %dma_wait3A_1097 = arith.constant 2 : i32
    %dma_wait3A_1098 = arith.constant 336 : i32
    %dma_wait3A_1099 = arith.constant 0 : i32
    %dma_wait3A_1100 = tpu.memref_slice %arg2[%add3A_1003, %dma_wait3A_1097, %dma_wait3A_1098, %dma_wait3A_1099] : memref<64x3x384x384xf32, #tpu.memory_space<hbm>> -> memref<1x1x24x384xf32, #tpu.memory_space<hbm>>
    %dma_wait3A_1101 = tpu.memref_squeeze %dma_wait3A_1100 : memref<1x1x24x384xf32, #tpu.memory_space<hbm>> -> memref<24x384xf32, #tpu.memory_space<hbm>>
    %dma_wait3A_1102 = arith.constant 336 : i32
    %dma_wait3A_1103 = arith.constant 0 : i32
    %dma_wait3A_1104 = tpu.memref_slice %arg2[%add3A_1003, %dma_wait3A_1097, %dma_wait3A_1102, %dma_wait3A_1103] : memref<64x3x384x384xf32, #tpu.memory_space<hbm>> -> memref<1x1x24x384xf32, #tpu.memory_space<hbm>>
    %dma_wait3A_1105 = tpu.memref_squeeze %dma_wait3A_1104 : memref<1x1x24x384xf32, #tpu.memory_space<hbm>> -> memref<24x384xf32, #tpu.memory_space<hbm>>
    tpu.wait_dma2 semaphore(%arg11 : memref<!tpu.dma_semaphore, #tpu.memory_space<semaphore_mem>>) src(%dma_wait3A_1105 : memref<24x384xf32, #tpu.memory_space<hbm>>) dst(%arg6 : memref<24x384xf32, #tpu.memory_space<vmem>>)
    %scan3A_1106 = arith.constant 0 : i32
    %scan3A_1107 = arith.constant 24 : i32
    %scan3A_1108 = arith.addi %scan3A_1106, %scan3A_1107 : i32
    %scan3A_1109 = arith.constant 1 : i32
    %scan3A_1110:4 = scf.for %scan3A_1407 = %scan3A_1106 to %scan3A_1108 step %scan3A_1109 iter_args(%scan3A_1408 = %scan3A_1044#0, %scan3A_1409 = %scan3A_1044#1, %scan3A_1410 = %scan3A_1044#2, %scan3A_1411 = %scan3A_1044#3) -> (vector<16xf32>, vector<16xf32>, vector<16xf32>, vector<16xf32>)  : i32 {
      %scan3A_1412 = arith.constant 0 : i32
      %scan3A_1413 = arith.constant 12 : i32
      %scan3A_1414 = arith.addi %scan3A_1412, %scan3A_1413 : i32
      %scan3A_1415 = arith.constant 1 : i32
      %scan3A_1416:4 = scf.for %scan3A_1418 = %scan3A_1412 to %scan3A_1414 step %scan3A_1415 iter_args(%scan3A_1419 = %scan3A_1408, %scan3A_1420 = %scan3A_1409, %scan3A_1421 = %scan3A_1410, %scan3A_1422 = %scan3A_1411) -> (vector<16xf32>, vector<16xf32>, vector<16xf32>, vector<16xf32>)  : i32 {
        %mul3A_1423 = arith.constant 2 : i32
        %mul3A_1424 = arith.muli %scan3A_1418, %mul3A_1423 : i32
        %add3A_1425 = arith.constant 0 : i32
        %add3A_1426 = arith.addi %mul3A_1424, %add3A_1425 : i32
        %mul3A_1427 = arith.constant 16 : i32
        %mul3A_1428 = arith.muli %add3A_1426, %mul3A_1427 : i32
        %get3A = arith.index_cast %scan3A_1407 : i32 to index
        %get3A_1429 = arith.index_cast %mul3A_1428 : i32 to index
        %get3A_1430 = tpu.vector_load %arg4[%get3A, %get3A_1429] {strides = array<i32>} : memref<24x384xf32, #tpu.memory_space<vmem>>, vector<1x16xf32>,
        %get3A_1431 = vector.shape_cast %get3A_1430 : vector<1x16xf32> to vector<16xf32>
        %get3A_1432 = arith.index_cast %scan3A_1407 : i32 to index
        %get3A_1433 = arith.index_cast %mul3A_1428 : i32 to index
        %get3A_1434 = tpu.vector_load %arg5[%get3A_1432, %get3A_1433] {strides = array<i32>} : memref<24x384xf32, #tpu.memory_space<vmem>>, vector<1x16xf32>,
        %get3A_1435 = vector.shape_cast %get3A_1434 : vector<1x16xf32> to vector<16xf32>
        %get3A_1436 = arith.index_cast %scan3A_1407 : i32 to index
        %get3A_1437 = arith.index_cast %mul3A_1428 : i32 to index
        %get3A_1438 = tpu.vector_load %arg6[%get3A_1436, %get3A_1437] {strides = array<i32>} : memref<24x384xf32, #tpu.memory_space<vmem>>, vector<1x16xf32>,
        %get3A_1439 = vector.shape_cast %get3A_1438 : vector<1x16xf32> to vector<16xf32>
        %add3A_1440 = arith.constant 1.000000e-01 : f32
        %add3A_1441 = vector.broadcast %add3A_1440 : f32 to vector<16xf32>
        %add3A_1442 = arith.addf %get3A_1435, %add3A_1441 : vector<16xf32>
        %max3A = arith.maximumf %add3A_1442, %get3A_1439 : vector<16xf32>
        %max3A_1443 = arith.constant 4.000000e-01 : f32
        %max3A_1444 = vector.broadcast %max3A_1443 : f32 to vector<16xf32>
        %max3A_1445 = arith.maximumf %max3A, %max3A_1444 : vector<16xf32>
        %gt3A = arith.cmpf ogt, %get3A_1431, %max3A_1445 : vector<16xf32>
        %gt3A_1446 = arith.constant 2.800000e-01 : f32
        %gt3A_1447 = vector.broadcast %gt3A_1446 : f32 to vector<16xf32>
        %gt3A_1448 = arith.cmpf ogt, %get3A_1435, %gt3A_1447 : vector<16xf32>
        %and3A = arith.andi %gt3A, %gt3A_1448 : vector<16xi1>
        %gt3A_1449 = arith.constant 2.000000e-01 : f32
        %gt3A_1450 = vector.broadcast %gt3A_1449 : f32 to vector<16xf32>
        %gt3A_1451 = arith.cmpf ogt, %get3A_1439, %gt3A_1450 : vector<16xf32>
        %and3A_1452 = arith.andi %and3A, %gt3A_1451 : vector<16xi1>
        %add3A_1453 = arith.addf %scan3A_1419, %get3A_1431 : vector<16xf32>
        %select_n3A_1454 = arith.select %and3A_1452, %add3A_1453, %scan3A_1419 : vector<16xi1>, vector<16xf32>
        %add3A_1455 = arith.addf %scan3A_1420, %get3A_1435 : vector<16xf32>
        %select_n3A_1456 = arith.select %and3A_1452, %add3A_1455, %scan3A_1420 : vector<16xi1>, vector<16xf32>
        %add3A_1457 = arith.addf %scan3A_1421, %get3A_1439 : vector<16xf32>
        %select_n3A_1458 = arith.select %and3A_1452, %add3A_1457, %scan3A_1421 : vector<16xi1>, vector<16xf32>
        %add3A_1459 = arith.constant 1.000000e+00 : f32
        %add3A_1460 = vector.broadcast %add3A_1459 : f32 to vector<16xf32>
        %add3A_1461 = arith.addf %scan3A_1422, %add3A_1460 : vector<16xf32>
        %select_n3A_1462 = arith.select %and3A_1452, %add3A_1461, %scan3A_1422 : vector<16xi1>, vector<16xf32>
        %mul3A_1463 = arith.constant 2 : i32
        %mul3A_1464 = arith.muli %scan3A_1418, %mul3A_1463 : i32
        %add3A_1465 = arith.constant 1 : i32
        %add3A_1466 = arith.addi %mul3A_1464, %add3A_1465 : i32
        %mul3A_1467 = arith.constant 16 : i32
        %mul3A_1468 = arith.muli %add3A_1466, %mul3A_1467 : i32
        %get3A_1469 = arith.index_cast %scan3A_1407 : i32 to index
        %get3A_1470 = arith.index_cast %mul3A_1468 : i32 to index
        %get3A_1471 = tpu.vector_load %arg4[%get3A_1469, %get3A_1470] {strides = array<i32>} : memref<24x384xf32, #tpu.memory_space<vmem>>, vector<1x16xf32>,
        %get3A_1472 = vector.shape_cast %get3A_1471 : vector<1x16xf32> to vector<16xf32>
        %get3A_1473 = arith.index_cast %scan3A_1407 : i32 to index
        %get3A_1474 = arith.index_cast %mul3A_1468 : i32 to index
        %get3A_1475 = tpu.vector_load %arg5[%get3A_1473, %get3A_1474] {strides = array<i32>} : memref<24x384xf32, #tpu.memory_space<vmem>>, vector<1x16xf32>,
        %get3A_1476 = vector.shape_cast %get3A_1475 : vector<1x16xf32> to vector<16xf32>
        %get3A_1477 = arith.index_cast %scan3A_1407 : i32 to index
        %get3A_1478 = arith.index_cast %mul3A_1468 : i32 to index
        %get3A_1479 = tpu.vector_load %arg6[%get3A_1477, %get3A_1478] {strides = array<i32>} : memref<24x384xf32, #tpu.memory_space<vmem>>, vector<1x16xf32>,
        %get3A_1480 = vector.shape_cast %get3A_1479 : vector<1x16xf32> to vector<16xf32>
        %add3A_1481 = arith.constant 1.000000e-01 : f32
        %add3A_1482 = vector.broadcast %add3A_1481 : f32 to vector<16xf32>
        %add3A_1483 = arith.addf %get3A_1476, %add3A_1482 : vector<16xf32>
        %max3A_1484 = arith.maximumf %add3A_1483, %get3A_1480 : vector<16xf32>
        %max3A_1485 = arith.constant 4.000000e-01 : f32
        %max3A_1486 = vector.broadcast %max3A_1485 : f32 to vector<16xf32>
        %max3A_1487 = arith.maximumf %max3A_1484, %max3A_1486 : vector<16xf32>
        %gt3A_1488 = arith.cmpf ogt, %get3A_1472, %max3A_1487 : vector<16xf32>
        %gt3A_1489 = arith.constant 2.800000e-01 : f32
        %gt3A_1490 = vector.broadcast %gt3A_1489 : f32 to vector<16xf32>
        %gt3A_1491 = arith.cmpf ogt, %get3A_1476, %gt3A_1490 : vector<16xf32>
        %and3A_1492 = arith.andi %gt3A_1488, %gt3A_1491 : vector<16xi1>
        %gt3A_1493 = arith.constant 2.000000e-01 : f32
        %gt3A_1494 = vector.broadcast %gt3A_1493 : f32 to vector<16xf32>
        %gt3A_1495 = arith.cmpf ogt, %get3A_1480, %gt3A_1494 : vector<16xf32>
        %and3A_1496 = arith.andi %and3A_1492, %gt3A_1495 : vector<16xi1>
        %add3A_1497 = arith.addf %select_n3A_1454, %get3A_1472 : vector<16xf32>
        %select_n3A_1498 = arith.select %and3A_1496, %add3A_1497, %select_n3A_1454 : vector<16xi1>, vector<16xf32>
        %add3A_1499 = arith.addf %select_n3A_1456, %get3A_1476 : vector<16xf32>
        %select_n3A_1500 = arith.select %and3A_1496, %add3A_1499, %select_n3A_1456 : vector<16xi1>, vector<16xf32>
        %add3A_1501 = arith.addf %select_n3A_1458, %get3A_1480 : vector<16xf32>
        %select_n3A_1502 = arith.select %and3A_1496, %add3A_1501, %select_n3A_1458 : vector<16xi1>, vector<16xf32>
        %add3A_1503 = arith.constant 1.000000e+00 : f32
        %add3A_1504 = vector.broadcast %add3A_1503 : f32 to vector<16xf32>
        %add3A_1505 = arith.addf %select_n3A_1462, %add3A_1504 : vector<16xf32>
        %select_n3A_1506 = arith.select %and3A_1496, %add3A_1505, %select_n3A_1462 : vector<16xi1>, vector<16xf32>
        scf.yield %select_n3A_1498, %select_n3A_1500, %select_n3A_1502, %select_n3A_1506 : vector<16xf32>, vector<16xf32>, vector<16xf32>, vector<16xf32>
      }
      %scan3A_1417 = arith.constant 12 : i32
      scf.yield %scan3A_1416#0, %scan3A_1416#1, %scan3A_1416#2, %scan3A_1416#3 : vector<16xf32>, vector<16xf32>, vector<16xf32>, vector<16xf32>
    }
    %scan3A_1111 = arith.constant 24 : i32
    %dma_wait3A_1112 = arith.constant 0 : i32
    %dma_wait3A_1113 = arith.constant 360 : i32
    %dma_wait3A_1114 = arith.constant 0 : i32
    %dma_wait3A_1115 = tpu.memref_slice %arg2[%add3A_1047, %dma_wait3A_1112, %dma_wait3A_1113, %dma_wait3A_1114] : memref<64x3x384x384xf32, #tpu.memory_space<hbm>> -> memref<1x1x24x384xf32, #tpu.memory_space<hbm>>
    %dma_wait3A_1116 = tpu.memref_squeeze %dma_wait3A_1115 : memref<1x1x24x384xf32, #tpu.memory_space<hbm>> -> memref<24x384xf32, #tpu.memory_space<hbm>>
    %dma_wait3A_1117 = arith.constant 360 : i32
    %dma_wait3A_1118 = arith.constant 0 : i32
    %dma_wait3A_1119 = tpu.memref_slice %arg2[%add3A_1047, %dma_wait3A_1112, %dma_wait3A_1117, %dma_wait3A_1118] : memref<64x3x384x384xf32, #tpu.memory_space<hbm>> -> memref<1x1x24x384xf32, #tpu.memory_space<hbm>>
    %dma_wait3A_1120 = tpu.memref_squeeze %dma_wait3A_1119 : memref<1x1x24x384xf32, #tpu.memory_space<hbm>> -> memref<24x384xf32, #tpu.memory_space<hbm>>
    tpu.wait_dma2 semaphore(%arg12 : memref<!tpu.dma_semaphore, #tpu.memory_space<semaphore_mem>>) src(%dma_wait3A_1120 : memref<24x384xf32, #tpu.memory_space<hbm>>) dst(%arg7 : memref<24x384xf32, #tpu.memory_space<vmem>>)
    %dma_wait3A_1121 = arith.constant 1 : i32
    %dma_wait3A_1122 = arith.constant 360 : i32
    %dma_wait3A_1123 = arith.constant 0 : i32
    %dma_wait3A_1124 = tpu.memref_slice %arg2[%add3A_1058, %dma_wait3A_1121, %dma_wait3A_1122, %dma_wait3A_1123] : memref<64x3x384x384xf32, #tpu.memory_space<hbm>> -> memref<1x1x24x384xf32, #tpu.memory_space<hbm>>
    %dma_wait3A_1125 = tpu.memref_squeeze %dma_wait3A_1124 : memref<1x1x24x384xf32, #tpu.memory_space<hbm>> -> memref<24x384xf32, #tpu.memory_space<hbm>>
    %dma_wait3A_1126 = arith.constant 360 : i32
    %dma_wait3A_1127 = arith.constant 0 : i32
    %dma_wait3A_1128 = tpu.memref_slice %arg2[%add3A_1058, %dma_wait3A_1121, %dma_wait3A_1126, %dma_wait3A_1127] : memref<64x3x384x384xf32, #tpu.memory_space<hbm>> -> memref<1x1x24x384xf32, #tpu.memory_space<hbm>>
    %dma_wait3A_1129 = tpu.memref_squeeze %dma_wait3A_1128 : memref<1x1x24x384xf32, #tpu.memory_space<hbm>> -> memref<24x384xf32, #tpu.memory_space<hbm>>
    tpu.wait_dma2 semaphore(%arg12 : memref<!tpu.dma_semaphore, #tpu.memory_space<semaphore_mem>>) src(%dma_wait3A_1129 : memref<24x384xf32, #tpu.memory_space<hbm>>) dst(%arg8 : memref<24x384xf32, #tpu.memory_space<vmem>>)
    %dma_wait3A_1130 = arith.constant 2 : i32
    %dma_wait3A_1131 = arith.constant 360 : i32
    %dma_wait3A_1132 = arith.constant 0 : i32
    %dma_wait3A_1133 = tpu.memref_slice %arg2[%add3A_1069, %dma_wait3A_1130, %dma_wait3A_1131, %dma_wait3A_1132] : memref<64x3x384x384xf32, #tpu.memory_space<hbm>> -> memref<1x1x24x384xf32, #tpu.memory_space<hbm>>
    %dma_wait3A_1134 = tpu.memref_squeeze %dma_wait3A_1133 : memref<1x1x24x384xf32, #tpu.memory_space<hbm>> -> memref<24x384xf32, #tpu.memory_space<hbm>>
    %dma_wait3A_1135 = arith.constant 360 : i32
    %dma_wait3A_1136 = arith.constant 0 : i32
    %dma_wait3A_1137 = tpu.memref_slice %arg2[%add3A_1069, %dma_wait3A_1130, %dma_wait3A_1135, %dma_wait3A_1136] : memref<64x3x384x384xf32, #tpu.memory_space<hbm>> -> memref<1x1x24x384xf32, #tpu.memory_space<hbm>>
    %dma_wait3A_1138 = tpu.memref_squeeze %dma_wait3A_1137 : memref<1x1x24x384xf32, #tpu.memory_space<hbm>> -> memref<24x384xf32, #tpu.memory_space<hbm>>
    tpu.wait_dma2 semaphore(%arg12 : memref<!tpu.dma_semaphore, #tpu.memory_space<semaphore_mem>>) src(%dma_wait3A_1138 : memref<24x384xf32, #tpu.memory_space<hbm>>) dst(%arg9 : memref<24x384xf32, #tpu.memory_space<vmem>>)
    %scan3A_1139 = arith.constant 0 : i32
    %scan3A_1140 = arith.constant 24 : i32
    %scan3A_1141 = arith.addi %scan3A_1139, %scan3A_1140 : i32
    %scan3A_1142 = arith.constant 1 : i32
    %scan3A_1143:4 = scf.for %scan3A_1407 = %scan3A_1139 to %scan3A_1141 step %scan3A_1142 iter_args(%scan3A_1408 = %scan3A_1110#0, %scan3A_1409 = %scan3A_1110#1, %scan3A_1410 = %scan3A_1110#2, %scan3A_1411 = %scan3A_1110#3) -> (vector<16xf32>, vector<16xf32>, vector<16xf32>, vector<16xf32>)  : i32 {
      %scan3A_1412 = arith.constant 0 : i32
      %scan3A_1413 = arith.constant 12 : i32
      %scan3A_1414 = arith.addi %scan3A_1412, %scan3A_1413 : i32
      %scan3A_1415 = arith.constant 1 : i32
      %scan3A_1416:4 = scf.for %scan3A_1418 = %scan3A_1412 to %scan3A_1414 step %scan3A_1415 iter_args(%scan3A_1419 = %scan3A_1408, %scan3A_1420 = %scan3A_1409, %scan3A_1421 = %scan3A_1410, %scan3A_1422 = %scan3A_1411) -> (vector<16xf32>, vector<16xf32>, vector<16xf32>, vector<16xf32>)  : i32 {
        %mul3A_1423 = arith.constant 2 : i32
        %mul3A_1424 = arith.muli %scan3A_1418, %mul3A_1423 : i32
        %add3A_1425 = arith.constant 0 : i32
        %add3A_1426 = arith.addi %mul3A_1424, %add3A_1425 : i32
        %mul3A_1427 = arith.constant 16 : i32
        %mul3A_1428 = arith.muli %add3A_1426, %mul3A_1427 : i32
        %get3A = arith.index_cast %scan3A_1407 : i32 to index
        %get3A_1429 = arith.index_cast %mul3A_1428 : i32 to index
        %get3A_1430 = tpu.vector_load %arg7[%get3A, %get3A_1429] {strides = array<i32>} : memref<24x384xf32, #tpu.memory_space<vmem>>, vector<1x16xf32>,
        %get3A_1431 = vector.shape_cast %get3A_1430 : vector<1x16xf32> to vector<16xf32>
        %get3A_1432 = arith.index_cast %scan3A_1407 : i32 to index
        %get3A_1433 = arith.index_cast %mul3A_1428 : i32 to index
        %get3A_1434 = tpu.vector_load %arg8[%get3A_1432, %get3A_1433] {strides = array<i32>} : memref<24x384xf32, #tpu.memory_space<vmem>>, vector<1x16xf32>,
        %get3A_1435 = vector.shape_cast %get3A_1434 : vector<1x16xf32> to vector<16xf32>
        %get3A_1436 = arith.index_cast %scan3A_1407 : i32 to index
        %get3A_1437 = arith.index_cast %mul3A_1428 : i32 to index
        %get3A_1438 = tpu.vector_load %arg9[%get3A_1436, %get3A_1437] {strides = array<i32>} : memref<24x384xf32, #tpu.memory_space<vmem>>, vector<1x16xf32>,
        %get3A_1439 = vector.shape_cast %get3A_1438 : vector<1x16xf32> to vector<16xf32>
        %add3A_1440 = arith.constant 1.000000e-01 : f32
        %add3A_1441 = vector.broadcast %add3A_1440 : f32 to vector<16xf32>
        %add3A_1442 = arith.addf %get3A_1435, %add3A_1441 : vector<16xf32>
        %max3A = arith.maximumf %add3A_1442, %get3A_1439 : vector<16xf32>
        %max3A_1443 = arith.constant 4.000000e-01 : f32
        %max3A_1444 = vector.broadcast %max3A_1443 : f32 to vector<16xf32>
        %max3A_1445 = arith.maximumf %max3A, %max3A_1444 : vector<16xf32>
        %gt3A = arith.cmpf ogt, %get3A_1431, %max3A_1445 : vector<16xf32>
        %gt3A_1446 = arith.constant 2.800000e-01 : f32
        %gt3A_1447 = vector.broadcast %gt3A_1446 : f32 to vector<16xf32>
        %gt3A_1448 = arith.cmpf ogt, %get3A_1435, %gt3A_1447 : vector<16xf32>
        %and3A = arith.andi %gt3A, %gt3A_1448 : vector<16xi1>
        %gt3A_1449 = arith.constant 2.000000e-01 : f32
        %gt3A_1450 = vector.broadcast %gt3A_1449 : f32 to vector<16xf32>
        %gt3A_1451 = arith.cmpf ogt, %get3A_1439, %gt3A_1450 : vector<16xf32>
        %and3A_1452 = arith.andi %and3A, %gt3A_1451 : vector<16xi1>
        %add3A_1453 = arith.addf %scan3A_1419, %get3A_1431 : vector<16xf32>
        %select_n3A_1454 = arith.select %and3A_1452, %add3A_1453, %scan3A_1419 : vector<16xi1>, vector<16xf32>
        %add3A_1455 = arith.addf %scan3A_1420, %get3A_1435 : vector<16xf32>
        %select_n3A_1456 = arith.select %and3A_1452, %add3A_1455, %scan3A_1420 : vector<16xi1>, vector<16xf32>
        %add3A_1457 = arith.addf %scan3A_1421, %get3A_1439 : vector<16xf32>
        %select_n3A_1458 = arith.select %and3A_1452, %add3A_1457, %scan3A_1421 : vector<16xi1>, vector<16xf32>
        %add3A_1459 = arith.constant 1.000000e+00 : f32
        %add3A_1460 = vector.broadcast %add3A_1459 : f32 to vector<16xf32>
        %add3A_1461 = arith.addf %scan3A_1422, %add3A_1460 : vector<16xf32>
        %select_n3A_1462 = arith.select %and3A_1452, %add3A_1461, %scan3A_1422 : vector<16xi1>, vector<16xf32>
        %mul3A_1463 = arith.constant 2 : i32
        %mul3A_1464 = arith.muli %scan3A_1418, %mul3A_1463 : i32
        %add3A_1465 = arith.constant 1 : i32
        %add3A_1466 = arith.addi %mul3A_1464, %add3A_1465 : i32
        %mul3A_1467 = arith.constant 16 : i32
        %mul3A_1468 = arith.muli %add3A_1466, %mul3A_1467 : i32
        %get3A_1469 = arith.index_cast %scan3A_1407 : i32 to index
        %get3A_1470 = arith.index_cast %mul3A_1468 : i32 to index
        %get3A_1471 = tpu.vector_load %arg7[%get3A_1469, %get3A_1470] {strides = array<i32>} : memref<24x384xf32, #tpu.memory_space<vmem>>, vector<1x16xf32>,
        %get3A_1472 = vector.shape_cast %get3A_1471 : vector<1x16xf32> to vector<16xf32>
        %get3A_1473 = arith.index_cast %scan3A_1407 : i32 to index
        %get3A_1474 = arith.index_cast %mul3A_1468 : i32 to index
        %get3A_1475 = tpu.vector_load %arg8[%get3A_1473, %get3A_1474] {strides = array<i32>} : memref<24x384xf32, #tpu.memory_space<vmem>>, vector<1x16xf32>,
        %get3A_1476 = vector.shape_cast %get3A_1475 : vector<1x16xf32> to vector<16xf32>
        %get3A_1477 = arith.index_cast %scan3A_1407 : i32 to index
        %get3A_1478 = arith.index_cast %mul3A_1468 : i32 to index
        %get3A_1479 = tpu.vector_load %arg9[%get3A_1477, %get3A_1478] {strides = array<i32>} : memref<24x384xf32, #tpu.memory_space<vmem>>, vector<1x16xf32>,
        %get3A_1480 = vector.shape_cast %get3A_1479 : vector<1x16xf32> to vector<16xf32>
        %add3A_1481 = arith.constant 1.000000e-01 : f32
        %add3A_1482 = vector.broadcast %add3A_1481 : f32 to vector<16xf32>
        %add3A_1483 = arith.addf %get3A_1476, %add3A_1482 : vector<16xf32>
        %max3A_1484 = arith.maximumf %add3A_1483, %get3A_1480 : vector<16xf32>
        %max3A_1485 = arith.constant 4.000000e-01 : f32
        %max3A_1486 = vector.broadcast %max3A_1485 : f32 to vector<16xf32>
        %max3A_1487 = arith.maximumf %max3A_1484, %max3A_1486 : vector<16xf32>
        %gt3A_1488 = arith.cmpf ogt, %get3A_1472, %max3A_1487 : vector<16xf32>
        %gt3A_1489 = arith.constant 2.800000e-01 : f32
        %gt3A_1490 = vector.broadcast %gt3A_1489 : f32 to vector<16xf32>
        %gt3A_1491 = arith.cmpf ogt, %get3A_1476, %gt3A_1490 : vector<16xf32>
        %and3A_1492 = arith.andi %gt3A_1488, %gt3A_1491 : vector<16xi1>
        %gt3A_1493 = arith.constant 2.000000e-01 : f32
        %gt3A_1494 = vector.broadcast %gt3A_1493 : f32 to vector<16xf32>
        %gt3A_1495 = arith.cmpf ogt, %get3A_1480, %gt3A_1494 : vector<16xf32>
        %and3A_1496 = arith.andi %and3A_1492, %gt3A_1495 : vector<16xi1>
        %add3A_1497 = arith.addf %select_n3A_1454, %get3A_1472 : vector<16xf32>
        %select_n3A_1498 = arith.select %and3A_1496, %add3A_1497, %select_n3A_1454 : vector<16xi1>, vector<16xf32>
        %add3A_1499 = arith.addf %select_n3A_1456, %get3A_1476 : vector<16xf32>
        %select_n3A_1500 = arith.select %and3A_1496, %add3A_1499, %select_n3A_1456 : vector<16xi1>, vector<16xf32>
        %add3A_1501 = arith.addf %select_n3A_1458, %get3A_1480 : vector<16xf32>
        %select_n3A_1502 = arith.select %and3A_1496, %add3A_1501, %select_n3A_1458 : vector<16xi1>, vector<16xf32>
        %add3A_1503 = arith.constant 1.000000e+00 : f32
        %add3A_1504 = vector.broadcast %add3A_1503 : f32 to vector<16xf32>
        %add3A_1505 = arith.addf %select_n3A_1462, %add3A_1504 : vector<16xf32>
        %select_n3A_1506 = arith.select %and3A_1496, %add3A_1505, %select_n3A_1462 : vector<16xi1>, vector<16xf32>
        scf.yield %select_n3A_1498, %select_n3A_1500, %select_n3A_1502, %select_n3A_1506 : vector<16xf32>, vector<16xf32>, vector<16xf32>, vector<16xf32>
      }
      %scan3A_1417 = arith.constant 12 : i32
      scf.yield %scan3A_1416#0, %scan3A_1416#1, %scan3A_1416#2, %scan3A_1416#3 : vector<16xf32>, vector<16xf32>, vector<16xf32>, vector<16xf32>
    }
    %scan3A_1144 = arith.constant 24 : i32
    %xor3A_1145 = arith.constant 8 : i32
    %xor3A_1146 = vector.broadcast %xor3A_1145 : i32 to vector<16xi32>
    %xor3A_1147 = arith.xori %iota3A, %xor3A_1146 : vector<16xi32>
    %lt3A_1148 = arith.constant 0 : i32
    %lt3A_1149 = vector.broadcast %lt3A_1148 : i32 to vector<16xi32>
    %lt3A_1150 = arith.cmpi slt, %xor3A_1147, %lt3A_1149 : vector<16xi32>
    %add3A_1151 = arith.constant 16 : i32
    %add3A_1152 = vector.broadcast %add3A_1151 : i32 to vector<16xi32>
    %add3A_1153 = arith.addi %xor3A_1147, %add3A_1152 : vector<16xi32>
    %select_n3A_1154 = arith.select %lt3A_1150, %add3A_1153, %xor3A_1147 : vector<16xi1>, vector<16xi32>
    %broadcast_in_dim3A_1155 = vector.shape_cast %select_n3A_1154 : vector<16xi32> to vector<16x1xi32>
    %gather3A_1156 = vector.shape_cast %broadcast_in_dim3A_1155 : vector<16x1xi32> to vector<16xi32>
    %gather3A_1157 = tpu.dynamic_gather %scan3A_1143#0[%gather3A_1156] in [0] : vector<16xf32>, vector<16xi32> -> vector<16xf32>
    %add3A_1158 = arith.addf %scan3A_1143#0, %gather3A_1157 : vector<16xf32>
    %xor3A_1159 = arith.constant 4 : i32
    %xor3A_1160 = vector.broadcast %xor3A_1159 : i32 to vector<16xi32>
    %xor3A_1161 = arith.xori %iota3A, %xor3A_1160 : vector<16xi32>
    %lt3A_1162 = arith.constant 0 : i32
    %lt3A_1163 = vector.broadcast %lt3A_1162 : i32 to vector<16xi32>
    %lt3A_1164 = arith.cmpi slt, %xor3A_1161, %lt3A_1163 : vector<16xi32>
    %add3A_1165 = arith.constant 16 : i32
    %add3A_1166 = vector.broadcast %add3A_1165 : i32 to vector<16xi32>
    %add3A_1167 = arith.addi %xor3A_1161, %add3A_1166 : vector<16xi32>
    %select_n3A_1168 = arith.select %lt3A_1164, %add3A_1167, %xor3A_1161 : vector<16xi1>, vector<16xi32>
    %broadcast_in_dim3A_1169 = vector.shape_cast %select_n3A_1168 : vector<16xi32> to vector<16x1xi32>
    %gather3A_1170 = vector.shape_cast %broadcast_in_dim3A_1169 : vector<16x1xi32> to vector<16xi32>
    %gather3A_1171 = tpu.dynamic_gather %add3A_1158[%gather3A_1170] in [0] : vector<16xf32>, vector<16xi32> -> vector<16xf32>
    %add3A_1172 = arith.addf %add3A_1158, %gather3A_1171 : vector<16xf32>
    %xor3A_1173 = arith.constant 2 : i32
    %xor3A_1174 = vector.broadcast %xor3A_1173 : i32 to vector<16xi32>
    %xor3A_1175 = arith.xori %iota3A, %xor3A_1174 : vector<16xi32>
    %lt3A_1176 = arith.constant 0 : i32
    %lt3A_1177 = vector.broadcast %lt3A_1176 : i32 to vector<16xi32>
    %lt3A_1178 = arith.cmpi slt, %xor3A_1175, %lt3A_1177 : vector<16xi32>
    %add3A_1179 = arith.constant 16 : i32
    %add3A_1180 = vector.broadcast %add3A_1179 : i32 to vector<16xi32>
    %add3A_1181 = arith.addi %xor3A_1175, %add3A_1180 : vector<16xi32>
    %select_n3A_1182 = arith.select %lt3A_1178, %add3A_1181, %xor3A_1175 : vector<16xi1>, vector<16xi32>
    %broadcast_in_dim3A_1183 = vector.shape_cast %select_n3A_1182 : vector<16xi32> to vector<16x1xi32>
    %gather3A_1184 = vector.shape_cast %broadcast_in_dim3A_1183 : vector<16x1xi32> to vector<16xi32>
    %gather3A_1185 = tpu.dynamic_gather %add3A_1172[%gather3A_1184] in [0] : vector<16xf32>, vector<16xi32> -> vector<16xf32>
    %add3A_1186 = arith.addf %add3A_1172, %gather3A_1185 : vector<16xf32>
    %xor3A_1187 = arith.constant 1 : i32
    %xor3A_1188 = vector.broadcast %xor3A_1187 : i32 to vector<16xi32>
    %xor3A_1189 = arith.xori %iota3A, %xor3A_1188 : vector<16xi32>
    %lt3A_1190 = arith.constant 0 : i32
    %lt3A_1191 = vector.broadcast %lt3A_1190 : i32 to vector<16xi32>
    %lt3A_1192 = arith.cmpi slt, %xor3A_1189, %lt3A_1191 : vector<16xi32>
    %add3A_1193 = arith.constant 16 : i32
    %add3A_1194 = vector.broadcast %add3A_1193 : i32 to vector<16xi32>
    %add3A_1195 = arith.addi %xor3A_1189, %add3A_1194 : vector<16xi32>
    %select_n3A_1196 = arith.select %lt3A_1192, %add3A_1195, %xor3A_1189 : vector<16xi1>, vector<16xi32>
    %broadcast_in_dim3A_1197 = vector.shape_cast %select_n3A_1196 : vector<16xi32> to vector<16x1xi32>
    %gather3A_1198 = vector.shape_cast %broadcast_in_dim3A_1197 : vector<16x1xi32> to vector<16xi32>
    %gather3A_1199 = tpu.dynamic_gather %add3A_1186[%gather3A_1198] in [0] : vector<16xf32>, vector<16xi32> -> vector<16xf32>
    %add3A_1200 = arith.addf %add3A_1186, %gather3A_1199 : vector<16xf32>
    %xor3A_1201 = arith.constant 8 : i32
    %xor3A_1202 = vector.broadcast %xor3A_1201 : i32 to vector<16xi32>
    %xor3A_1203 = arith.xori %iota3A, %xor3A_1202 : vector<16xi32>
    %lt3A_1204 = arith.constant 0 : i32
    %lt3A_1205 = vector.broadcast %lt3A_1204 : i32 to vector<16xi32>
    %lt3A_1206 = arith.cmpi slt, %xor3A_1203, %lt3A_1205 : vector<16xi32>
    %add3A_1207 = arith.constant 16 : i32
    %add3A_1208 = vector.broadcast %add3A_1207 : i32 to vector<16xi32>
    %add3A_1209 = arith.addi %xor3A_1203, %add3A_1208 : vector<16xi32>
    %select_n3A_1210 = arith.select %lt3A_1206, %add3A_1209, %xor3A_1203 : vector<16xi1>, vector<16xi32>
    %broadcast_in_dim3A_1211 = vector.shape_cast %select_n3A_1210 : vector<16xi32> to vector<16x1xi32>
    %gather3A_1212 = vector.shape_cast %broadcast_in_dim3A_1211 : vector<16x1xi32> to vector<16xi32>
    %gather3A_1213 = tpu.dynamic_gather %scan3A_1143#1[%gather3A_1212] in [0] : vector<16xf32>, vector<16xi32> -> vector<16xf32>
    %add3A_1214 = arith.addf %scan3A_1143#1, %gather3A_1213 : vector<16xf32>
    %xor3A_1215 = arith.constant 4 : i32
    %xor3A_1216 = vector.broadcast %xor3A_1215 : i32 to vector<16xi32>
    %xor3A_1217 = arith.xori %iota3A, %xor3A_1216 : vector<16xi32>
    %lt3A_1218 = arith.constant 0 : i32
    %lt3A_1219 = vector.broadcast %lt3A_1218 : i32 to vector<16xi32>
    %lt3A_1220 = arith.cmpi slt, %xor3A_1217, %lt3A_1219 : vector<16xi32>
    %add3A_1221 = arith.constant 16 : i32
    %add3A_1222 = vector.broadcast %add3A_1221 : i32 to vector<16xi32>
    %add3A_1223 = arith.addi %xor3A_1217, %add3A_1222 : vector<16xi32>
    %select_n3A_1224 = arith.select %lt3A_1220, %add3A_1223, %xor3A_1217 : vector<16xi1>, vector<16xi32>
    %broadcast_in_dim3A_1225 = vector.shape_cast %select_n3A_1224 : vector<16xi32> to vector<16x1xi32>
    %gather3A_1226 = vector.shape_cast %broadcast_in_dim3A_1225 : vector<16x1xi32> to vector<16xi32>
    %gather3A_1227 = tpu.dynamic_gather %add3A_1214[%gather3A_1226] in [0] : vector<16xf32>, vector<16xi32> -> vector<16xf32>
    %add3A_1228 = arith.addf %add3A_1214, %gather3A_1227 : vector<16xf32>
    %xor3A_1229 = arith.constant 2 : i32
    %xor3A_1230 = vector.broadcast %xor3A_1229 : i32 to vector<16xi32>
    %xor3A_1231 = arith.xori %iota3A, %xor3A_1230 : vector<16xi32>
    %lt3A_1232 = arith.constant 0 : i32
    %lt3A_1233 = vector.broadcast %lt3A_1232 : i32 to vector<16xi32>
    %lt3A_1234 = arith.cmpi slt, %xor3A_1231, %lt3A_1233 : vector<16xi32>
    %add3A_1235 = arith.constant 16 : i32
    %add3A_1236 = vector.broadcast %add3A_1235 : i32 to vector<16xi32>
    %add3A_1237 = arith.addi %xor3A_1231, %add3A_1236 : vector<16xi32>
    %select_n3A_1238 = arith.select %lt3A_1234, %add3A_1237, %xor3A_1231 : vector<16xi1>, vector<16xi32>
    %broadcast_in_dim3A_1239 = vector.shape_cast %select_n3A_1238 : vector<16xi32> to vector<16x1xi32>
    %gather3A_1240 = vector.shape_cast %broadcast_in_dim3A_1239 : vector<16x1xi32> to vector<16xi32>
    %gather3A_1241 = tpu.dynamic_gather %add3A_1228[%gather3A_1240] in [0] : vector<16xf32>, vector<16xi32> -> vector<16xf32>
    %add3A_1242 = arith.addf %add3A_1228, %gather3A_1241 : vector<16xf32>
    %xor3A_1243 = arith.constant 1 : i32
    %xor3A_1244 = vector.broadcast %xor3A_1243 : i32 to vector<16xi32>
    %xor3A_1245 = arith.xori %iota3A, %xor3A_1244 : vector<16xi32>
    %lt3A_1246 = arith.constant 0 : i32
    %lt3A_1247 = vector.broadcast %lt3A_1246 : i32 to vector<16xi32>
    %lt3A_1248 = arith.cmpi slt, %xor3A_1245, %lt3A_1247 : vector<16xi32>
    %add3A_1249 = arith.constant 16 : i32
    %add3A_1250 = vector.broadcast %add3A_1249 : i32 to vector<16xi32>
    %add3A_1251 = arith.addi %xor3A_1245, %add3A_1250 : vector<16xi32>
    %select_n3A_1252 = arith.select %lt3A_1248, %add3A_1251, %xor3A_1245 : vector<16xi1>, vector<16xi32>
    %broadcast_in_dim3A_1253 = vector.shape_cast %select_n3A_1252 : vector<16xi32> to vector<16x1xi32>
    %gather3A_1254 = vector.shape_cast %broadcast_in_dim3A_1253 : vector<16x1xi32> to vector<16xi32>
    %gather3A_1255 = tpu.dynamic_gather %add3A_1242[%gather3A_1254] in [0] : vector<16xf32>, vector<16xi32> -> vector<16xf32>
    %add3A_1256 = arith.addf %add3A_1242, %gather3A_1255 : vector<16xf32>
    %xor3A_1257 = arith.constant 8 : i32
    %xor3A_1258 = vector.broadcast %xor3A_1257 : i32 to vector<16xi32>
    %xor3A_1259 = arith.xori %iota3A, %xor3A_1258 : vector<16xi32>
    %lt3A_1260 = arith.constant 0 : i32
    %lt3A_1261 = vector.broadcast %lt3A_1260 : i32 to vector<16xi32>
    %lt3A_1262 = arith.cmpi slt, %xor3A_1259, %lt3A_1261 : vector<16xi32>
    %add3A_1263 = arith.constant 16 : i32
    %add3A_1264 = vector.broadcast %add3A_1263 : i32 to vector<16xi32>
    %add3A_1265 = arith.addi %xor3A_1259, %add3A_1264 : vector<16xi32>
    %select_n3A_1266 = arith.select %lt3A_1262, %add3A_1265, %xor3A_1259 : vector<16xi1>, vector<16xi32>
    %broadcast_in_dim3A_1267 = vector.shape_cast %select_n3A_1266 : vector<16xi32> to vector<16x1xi32>
    %gather3A_1268 = vector.shape_cast %broadcast_in_dim3A_1267 : vector<16x1xi32> to vector<16xi32>
    %gather3A_1269 = tpu.dynamic_gather %scan3A_1143#2[%gather3A_1268] in [0] : vector<16xf32>, vector<16xi32> -> vector<16xf32>
    %add3A_1270 = arith.addf %scan3A_1143#2, %gather3A_1269 : vector<16xf32>
    %xor3A_1271 = arith.constant 4 : i32
    %xor3A_1272 = vector.broadcast %xor3A_1271 : i32 to vector<16xi32>
    %xor3A_1273 = arith.xori %iota3A, %xor3A_1272 : vector<16xi32>
    %lt3A_1274 = arith.constant 0 : i32
    %lt3A_1275 = vector.broadcast %lt3A_1274 : i32 to vector<16xi32>
    %lt3A_1276 = arith.cmpi slt, %xor3A_1273, %lt3A_1275 : vector<16xi32>
    %add3A_1277 = arith.constant 16 : i32
    %add3A_1278 = vector.broadcast %add3A_1277 : i32 to vector<16xi32>
    %add3A_1279 = arith.addi %xor3A_1273, %add3A_1278 : vector<16xi32>
    %select_n3A_1280 = arith.select %lt3A_1276, %add3A_1279, %xor3A_1273 : vector<16xi1>, vector<16xi32>
    %broadcast_in_dim3A_1281 = vector.shape_cast %select_n3A_1280 : vector<16xi32> to vector<16x1xi32>
    %gather3A_1282 = vector.shape_cast %broadcast_in_dim3A_1281 : vector<16x1xi32> to vector<16xi32>
    %gather3A_1283 = tpu.dynamic_gather %add3A_1270[%gather3A_1282] in [0] : vector<16xf32>, vector<16xi32> -> vector<16xf32>
    %add3A_1284 = arith.addf %add3A_1270, %gather3A_1283 : vector<16xf32>
    %xor3A_1285 = arith.constant 2 : i32
    %xor3A_1286 = vector.broadcast %xor3A_1285 : i32 to vector<16xi32>
    %xor3A_1287 = arith.xori %iota3A, %xor3A_1286 : vector<16xi32>
    %lt3A_1288 = arith.constant 0 : i32
    %lt3A_1289 = vector.broadcast %lt3A_1288 : i32 to vector<16xi32>
    %lt3A_1290 = arith.cmpi slt, %xor3A_1287, %lt3A_1289 : vector<16xi32>
    %add3A_1291 = arith.constant 16 : i32
    %add3A_1292 = vector.broadcast %add3A_1291 : i32 to vector<16xi32>
    %add3A_1293 = arith.addi %xor3A_1287, %add3A_1292 : vector<16xi32>
    %select_n3A_1294 = arith.select %lt3A_1290, %add3A_1293, %xor3A_1287 : vector<16xi1>, vector<16xi32>
    %broadcast_in_dim3A_1295 = vector.shape_cast %select_n3A_1294 : vector<16xi32> to vector<16x1xi32>
    %gather3A_1296 = vector.shape_cast %broadcast_in_dim3A_1295 : vector<16x1xi32> to vector<16xi32>
    %gather3A_1297 = tpu.dynamic_gather %add3A_1284[%gather3A_1296] in [0] : vector<16xf32>, vector<16xi32> -> vector<16xf32>
    %add3A_1298 = arith.addf %add3A_1284, %gather3A_1297 : vector<16xf32>
    %xor3A_1299 = arith.constant 1 : i32
    %xor3A_1300 = vector.broadcast %xor3A_1299 : i32 to vector<16xi32>
    %xor3A_1301 = arith.xori %iota3A, %xor3A_1300 : vector<16xi32>
    %lt3A_1302 = arith.constant 0 : i32
    %lt3A_1303 = vector.broadcast %lt3A_1302 : i32 to vector<16xi32>
    %lt3A_1304 = arith.cmpi slt, %xor3A_1301, %lt3A_1303 : vector<16xi32>
    %add3A_1305 = arith.constant 16 : i32
    %add3A_1306 = vector.broadcast %add3A_1305 : i32 to vector<16xi32>
    %add3A_1307 = arith.addi %xor3A_1301, %add3A_1306 : vector<16xi32>
    %select_n3A_1308 = arith.select %lt3A_1304, %add3A_1307, %xor3A_1301 : vector<16xi1>, vector<16xi32>
    %broadcast_in_dim3A_1309 = vector.shape_cast %select_n3A_1308 : vector<16xi32> to vector<16x1xi32>
    %gather3A_1310 = vector.shape_cast %broadcast_in_dim3A_1309 : vector<16x1xi32> to vector<16xi32>
    %gather3A_1311 = tpu.dynamic_gather %add3A_1298[%gather3A_1310] in [0] : vector<16xf32>, vector<16xi32> -> vector<16xf32>
    %add3A_1312 = arith.addf %add3A_1298, %gather3A_1311 : vector<16xf32>
    %xor3A_1313 = arith.constant 8 : i32
    %xor3A_1314 = vector.broadcast %xor3A_1313 : i32 to vector<16xi32>
    %xor3A_1315 = arith.xori %iota3A, %xor3A_1314 : vector<16xi32>
    %lt3A_1316 = arith.constant 0 : i32
    %lt3A_1317 = vector.broadcast %lt3A_1316 : i32 to vector<16xi32>
    %lt3A_1318 = arith.cmpi slt, %xor3A_1315, %lt3A_1317 : vector<16xi32>
    %add3A_1319 = arith.constant 16 : i32
    %add3A_1320 = vector.broadcast %add3A_1319 : i32 to vector<16xi32>
    %add3A_1321 = arith.addi %xor3A_1315, %add3A_1320 : vector<16xi32>
    %select_n3A_1322 = arith.select %lt3A_1318, %add3A_1321, %xor3A_1315 : vector<16xi1>, vector<16xi32>
    %broadcast_in_dim3A_1323 = vector.shape_cast %select_n3A_1322 : vector<16xi32> to vector<16x1xi32>
    %gather3A_1324 = vector.shape_cast %broadcast_in_dim3A_1323 : vector<16x1xi32> to vector<16xi32>
    %gather3A_1325 = tpu.dynamic_gather %scan3A_1143#3[%gather3A_1324] in [0] : vector<16xf32>, vector<16xi32> -> vector<16xf32>
    %add3A_1326 = arith.addf %scan3A_1143#3, %gather3A_1325 : vector<16xf32>
    %xor3A_1327 = arith.constant 4 : i32
    %xor3A_1328 = vector.broadcast %xor3A_1327 : i32 to vector<16xi32>
    %xor3A_1329 = arith.xori %iota3A, %xor3A_1328 : vector<16xi32>
    %lt3A_1330 = arith.constant 0 : i32
    %lt3A_1331 = vector.broadcast %lt3A_1330 : i32 to vector<16xi32>
    %lt3A_1332 = arith.cmpi slt, %xor3A_1329, %lt3A_1331 : vector<16xi32>
    %add3A_1333 = arith.constant 16 : i32
    %add3A_1334 = vector.broadcast %add3A_1333 : i32 to vector<16xi32>
    %add3A_1335 = arith.addi %xor3A_1329, %add3A_1334 : vector<16xi32>
    %select_n3A_1336 = arith.select %lt3A_1332, %add3A_1335, %xor3A_1329 : vector<16xi1>, vector<16xi32>
    %broadcast_in_dim3A_1337 = vector.shape_cast %select_n3A_1336 : vector<16xi32> to vector<16x1xi32>
    %gather3A_1338 = vector.shape_cast %broadcast_in_dim3A_1337 : vector<16x1xi32> to vector<16xi32>
    %gather3A_1339 = tpu.dynamic_gather %add3A_1326[%gather3A_1338] in [0] : vector<16xf32>, vector<16xi32> -> vector<16xf32>
    %add3A_1340 = arith.addf %add3A_1326, %gather3A_1339 : vector<16xf32>
    %xor3A_1341 = arith.constant 2 : i32
    %xor3A_1342 = vector.broadcast %xor3A_1341 : i32 to vector<16xi32>
    %xor3A_1343 = arith.xori %iota3A, %xor3A_1342 : vector<16xi32>
    %lt3A_1344 = arith.constant 0 : i32
    %lt3A_1345 = vector.broadcast %lt3A_1344 : i32 to vector<16xi32>
    %lt3A_1346 = arith.cmpi slt, %xor3A_1343, %lt3A_1345 : vector<16xi32>
    %add3A_1347 = arith.constant 16 : i32
    %add3A_1348 = vector.broadcast %add3A_1347 : i32 to vector<16xi32>
    %add3A_1349 = arith.addi %xor3A_1343, %add3A_1348 : vector<16xi32>
    %select_n3A_1350 = arith.select %lt3A_1346, %add3A_1349, %xor3A_1343 : vector<16xi1>, vector<16xi32>
    %broadcast_in_dim3A_1351 = vector.shape_cast %select_n3A_1350 : vector<16xi32> to vector<16x1xi32>
    %gather3A_1352 = vector.shape_cast %broadcast_in_dim3A_1351 : vector<16x1xi32> to vector<16xi32>
    %gather3A_1353 = tpu.dynamic_gather %add3A_1340[%gather3A_1352] in [0] : vector<16xf32>, vector<16xi32> -> vector<16xf32>
    %add3A_1354 = arith.addf %add3A_1340, %gather3A_1353 : vector<16xf32>
    %xor3A_1355 = arith.constant 1 : i32
    %xor3A_1356 = vector.broadcast %xor3A_1355 : i32 to vector<16xi32>
    %xor3A_1357 = arith.xori %iota3A, %xor3A_1356 : vector<16xi32>
    %lt3A_1358 = arith.constant 0 : i32
    %lt3A_1359 = vector.broadcast %lt3A_1358 : i32 to vector<16xi32>
    %lt3A_1360 = arith.cmpi slt, %xor3A_1357, %lt3A_1359 : vector<16xi32>
    %add3A_1361 = arith.constant 16 : i32
    %add3A_1362 = vector.broadcast %add3A_1361 : i32 to vector<16xi32>
    %add3A_1363 = arith.addi %xor3A_1357, %add3A_1362 : vector<16xi32>
    %select_n3A_1364 = arith.select %lt3A_1360, %add3A_1363, %xor3A_1357 : vector<16xi1>, vector<16xi32>
    %broadcast_in_dim3A_1365 = vector.shape_cast %select_n3A_1364 : vector<16xi32> to vector<16x1xi32>
    %gather3A_1366 = vector.shape_cast %broadcast_in_dim3A_1365 : vector<16x1xi32> to vector<16xi32>
    %gather3A_1367 = tpu.dynamic_gather %add3A_1354[%gather3A_1366] in [0] : vector<16xf32>, vector<16xi32> -> vector<16xf32>
    %add3A_1368 = arith.addf %add3A_1354, %gather3A_1367 : vector<16xf32>
    %broadcast_in_dim3A_1369 = arith.constant 0.000000e+00 : f32
    %broadcast_in_dim3A_1370 = vector.broadcast %broadcast_in_dim3A_1369 : f32 to vector<16xf32>
    %eq3A = arith.constant 0 : i32
    %eq3A_1371 = vector.broadcast %eq3A : i32 to vector<16xi32>
    %eq3A_1372 = arith.cmpi eq, %iota3A, %eq3A_1371 : vector<16xi32>
    %select_n3A_1373 = arith.select %eq3A_1372, %add3A_547, %broadcast_in_dim3A_1370 : vector<16xi1>, vector<16xf32>
    %eq3A_1374 = arith.constant 1 : i32
    %eq3A_1375 = vector.broadcast %eq3A_1374 : i32 to vector<16xi32>
    %eq3A_1376 = arith.cmpi eq, %iota3A, %eq3A_1375 : vector<16xi32>
    %select_n3A_1377 = arith.select %eq3A_1376, %add3A_603, %select_n3A_1373 : vector<16xi1>, vector<16xf32>
    %eq3A_1378 = arith.constant 2 : i32
    %eq3A_1379 = vector.broadcast %eq3A_1378 : i32 to vector<16xi32>
    %eq3A_1380 = arith.cmpi eq, %iota3A, %eq3A_1379 : vector<16xi32>
    %select_n3A_1381 = arith.select %eq3A_1380, %add3A_659, %select_n3A_1377 : vector<16xi1>, vector<16xf32>
    %eq3A_1382 = arith.constant 3 : i32
    %eq3A_1383 = vector.broadcast %eq3A_1382 : i32 to vector<16xi32>
    %eq3A_1384 = arith.cmpi eq, %iota3A, %eq3A_1383 : vector<16xi32>
    %select_n3A_1385 = arith.select %eq3A_1384, %add3A_715, %select_n3A_1381 : vector<16xi1>, vector<16xf32>
    %eq3A_1386 = arith.constant 8 : i32
    %eq3A_1387 = vector.broadcast %eq3A_1386 : i32 to vector<16xi32>
    %eq3A_1388 = arith.cmpi eq, %iota3A, %eq3A_1387 : vector<16xi32>
    %select_n3A_1389 = arith.select %eq3A_1388, %add3A_1200, %select_n3A_1385 : vector<16xi1>, vector<16xf32>
    %eq3A_1390 = arith.constant 9 : i32
    %eq3A_1391 = vector.broadcast %eq3A_1390 : i32 to vector<16xi32>
    %eq3A_1392 = arith.cmpi eq, %iota3A, %eq3A_1391 : vector<16xi32>
    %select_n3A_1393 = arith.select %eq3A_1392, %add3A_1256, %select_n3A_1389 : vector<16xi1>, vector<16xf32>
    %eq3A_1394 = arith.constant 10 : i32
    %eq3A_1395 = vector.broadcast %eq3A_1394 : i32 to vector<16xi32>
    %eq3A_1396 = arith.cmpi eq, %iota3A, %eq3A_1395 : vector<16xi32>
    %select_n3A_1397 = arith.select %eq3A_1396, %add3A_1312, %select_n3A_1393 : vector<16xi1>, vector<16xf32>
    %eq3A_1398 = arith.constant 11 : i32
    %eq3A_1399 = vector.broadcast %eq3A_1398 : i32 to vector<16xi32>
    %eq3A_1400 = arith.cmpi eq, %iota3A, %eq3A_1399 : vector<16xi32>
    %select_n3A_1401 = arith.select %eq3A_1400, %add3A_1368, %select_n3A_1397 : vector<16xi1>, vector<16xf32>
    %swap3A = arith.constant 0 : index
    %swap3A_1402 = tpu.vector_load %arg10[%swap3A] {strides = array<i32>} : memref<16xf32, #tpu.memory_space<vmem>>, vector<16xf32>,
    %swap3A_1403 = vector.shape_cast %swap3A_1402 : vector<16xf32> to vector<16xf32>
    %swap3A_1404 = vector.shape_cast %select_n3A_1401 : vector<16xf32> to vector<16xf32>
    tpu.vector_store %arg10[%swap3A], %swap3A_1404 {strides = array<i32>} : memref<16xf32, #tpu.memory_space<vmem>>, vector<16xf32>,
    %mul3A_1405 = arith.constant 16 : i32
    %mul3A_1406 = arith.muli %add3A, %mul3A_1405 : i32
    "tpu.region"() ({
      %run_scoped3A = tpu.sem_alloc : memref<!tpu.dma_semaphore, #tpu.memory_space<semaphore_mem>>
      %dma_start3A_1407 = tpu.memref_slice %arg3[%mul3A_1406] : memref<512xf32, #tpu.memory_space<hbm>> -> memref<16xf32, #tpu.memory_space<hbm>>
      %dma_start3A_1408 = tpu.memref_slice %arg3[%mul3A_1406] : memref<512xf32, #tpu.memory_space<hbm>> -> memref<16xf32, #tpu.memory_space<hbm>>
      tpu.enqueue_dma source(%arg10 : memref<16xf32, #tpu.memory_space<vmem>>) target(%dma_start3A_1408 : memref<16xf32, #tpu.memory_space<hbm>>) target_semaphore(%run_scoped3A : memref<!tpu.dma_semaphore, #tpu.memory_space<semaphore_mem>>)
      %dma_wait3A_1409 = tpu.memref_slice %arg3[%mul3A_1406] : memref<512xf32, #tpu.memory_space<hbm>> -> memref<16xf32, #tpu.memory_space<hbm>>
      %dma_wait3A_1410 = tpu.memref_slice %arg3[%mul3A_1406] : memref<512xf32, #tpu.memory_space<hbm>> -> memref<16xf32, #tpu.memory_space<hbm>>
      tpu.wait_dma2 semaphore(%run_scoped3A : memref<!tpu.dma_semaphore, #tpu.memory_space<semaphore_mem>>) src(%arg10 : memref<16xf32, #tpu.memory_space<vmem>>) dst(%dma_wait3A_1410 : memref<16xf32, #tpu.memory_space<hbm>>)
      tpu.yield
    }) : () -> ()
    return
  }
}

module attributes {stable_mosaic.version = 14 : i64} {
  func.func @_tc_multi(%arg0: i32, %arg1: memref<4x3x216x384xf32, #tpu.memory_space<vmem>>, %arg2: memref<4x4x8x128xf32, #tpu.memory_space<vmem>>) attributes {dimension_semantics = [#tpu.dimension_semantics<arbitrary>], iteration_bounds = array<i64: 16>, scalar_prefetch = 0 : i64, scratch_operands = 0 : i64, tpu.core_type = #tpu.core_type<tc>, window_params = [{transform_indices = @transform_0, window_bounds = array<i64: 4, 3, 216, 384>}, {transform_indices = @transform_1, window_bounds = array<i64: 4, 4, 8, 128>}]} {
    %get3A = arith.constant 0 : i32
    %get3A_0 = arith.constant 0 : i32
    %get3A_1 = arith.constant 0 : i32
    %get3A_2 = arith.constant 0 : i32
    %get3A_3 = tpu.memref_slice %arg1[%get3A, %get3A_0, %get3A_1, %get3A_2] : memref<4x3x216x384xf32, #tpu.memory_space<vmem>> -> memref<1x3x216x384xf32, #tpu.memory_space<vmem>>
    %get3A_4 = arith.constant 0 : index
    %get3A_5 = arith.constant 0 : index
    %get3A_6 = arith.constant 0 : index
    %get3A_7 = arith.constant 0 : index
    %get3A_8 = vector.load %get3A_3[%get3A_4, %get3A_5, %get3A_6, %get3A_7] : memref<1x3x216x384xf32, #tpu.memory_space<vmem>>, vector<1x1x216x384xf32>
    %get3A_9 = vector.shape_cast %get3A_8 : vector<1x1x216x384xf32> to vector<216x384xf32>
    %get3A_10 = arith.constant 0 : i32
    %get3A_11 = arith.constant 0 : i32
    %get3A_12 = arith.constant 0 : i32
    %get3A_13 = arith.constant 0 : i32
    %get3A_14 = tpu.memref_slice %arg1[%get3A_10, %get3A_11, %get3A_12, %get3A_13] : memref<4x3x216x384xf32, #tpu.memory_space<vmem>> -> memref<1x3x216x384xf32, #tpu.memory_space<vmem>>
    %get3A_15 = arith.constant 0 : index
    %get3A_16 = arith.constant 1 : index
    %get3A_17 = arith.constant 0 : index
    %get3A_18 = arith.constant 0 : index
    %get3A_19 = vector.load %get3A_14[%get3A_15, %get3A_16, %get3A_17, %get3A_18] : memref<1x3x216x384xf32, #tpu.memory_space<vmem>>, vector<1x1x216x384xf32>
    %get3A_20 = vector.shape_cast %get3A_19 : vector<1x1x216x384xf32> to vector<216x384xf32>
    %get3A_21 = arith.constant 0 : i32
    %get3A_22 = arith.constant 0 : i32
    %get3A_23 = arith.constant 0 : i32
    %get3A_24 = arith.constant 0 : i32
    %get3A_25 = tpu.memref_slice %arg1[%get3A_21, %get3A_22, %get3A_23, %get3A_24] : memref<4x3x216x384xf32, #tpu.memory_space<vmem>> -> memref<1x3x216x384xf32, #tpu.memory_space<vmem>>
    %get3A_26 = arith.constant 0 : index
    %get3A_27 = arith.constant 2 : index
    %get3A_28 = arith.constant 0 : index
    %get3A_29 = arith.constant 0 : index
    %get3A_30 = vector.load %get3A_25[%get3A_26, %get3A_27, %get3A_28, %get3A_29] : memref<1x3x216x384xf32, #tpu.memory_space<vmem>>, vector<1x1x216x384xf32>
    %get3A_31 = vector.shape_cast %get3A_30 : vector<1x1x216x384xf32> to vector<216x384xf32>
    %add3A = arith.constant 1.000000e-01 : f32
    %add3A_32 = vector.broadcast %add3A : f32 to vector<216x384xf32>
    %add3A_33 = arith.addf %get3A_20, %add3A_32 : vector<216x384xf32>
    %max3A = arith.maximumf %add3A_33, %get3A_31 : vector<216x384xf32>
    %max3A_34 = arith.constant 4.000000e-01 : f32
    %max3A_35 = vector.broadcast %max3A_34 : f32 to vector<216x384xf32>
    %max3A_36 = arith.maximumf %max3A, %max3A_35 : vector<216x384xf32>
    %gt3A = arith.cmpf ogt, %get3A_9, %max3A_36 : vector<216x384xf32>
    %gt3A_37 = arith.constant 2.800000e-01 : f32
    %gt3A_38 = vector.broadcast %gt3A_37 : f32 to vector<216x384xf32>
    %gt3A_39 = arith.cmpf ogt, %get3A_20, %gt3A_38 : vector<216x384xf32>
    %and3A = arith.andi %gt3A, %gt3A_39 : vector<216x384xi1>
    %gt3A_40 = arith.constant 2.000000e-01 : f32
    %gt3A_41 = vector.broadcast %gt3A_40 : f32 to vector<216x384xf32>
    %gt3A_42 = arith.cmpf ogt, %get3A_31, %gt3A_41 : vector<216x384xf32>
    %and3A_43 = arith.andi %and3A, %gt3A_42 : vector<216x384xi1>
    %jit3A = arith.constant 0.000000e+00 : f32
    %broadcast_in_dim3A = vector.broadcast %jit3A : f32 to vector<216x384xf32>
    %select_n3A = arith.select %and3A_43, %get3A_9, %broadcast_in_dim3A : vector<216x384xi1>, vector<216x384xf32>
    %reshape3A = vector.shape_cast %select_n3A : vector<216x384xf32> to vector<27x8x384xf32>
    %reduce_sum3A = arith.constant dense<0.000000e+00> : vector<8x384xf32>
    %reduce_sum3A_44 = vector.multi_reduction <add>, %reshape3A, %reduce_sum3A [0] : vector<27x8x384xf32> to vector<8x384xf32>
    %slice3A = vector.extract_strided_slice %reduce_sum3A_44 {offsets = [0, 0], sizes = [8, 128], strides = [1, 1]} : vector<8x384xf32> to vector<8x128xf32>
    %slice3A_45 = vector.extract_strided_slice %reduce_sum3A_44 {offsets = [0, 128], sizes = [8, 128], strides = [1, 1]} : vector<8x384xf32> to vector<8x128xf32>
    %add3A_46 = arith.addf %slice3A, %slice3A_45 : vector<8x128xf32>
    %slice3A_47 = vector.extract_strided_slice %reduce_sum3A_44 {offsets = [0, 256], sizes = [8, 128], strides = [1, 1]} : vector<8x384xf32> to vector<8x128xf32>
    %add3A_48 = arith.addf %add3A_46, %slice3A_47 : vector<8x128xf32>
    %jit3A_49 = arith.constant 0.000000e+00 : f32
    %broadcast_in_dim3A_50 = vector.broadcast %jit3A_49 : f32 to vector<216x384xf32>
    %select_n3A_51 = arith.select %and3A_43, %get3A_20, %broadcast_in_dim3A_50 : vector<216x384xi1>, vector<216x384xf32>
    %reshape3A_52 = vector.shape_cast %select_n3A_51 : vector<216x384xf32> to vector<27x8x384xf32>
    %reduce_sum3A_53 = arith.constant dense<0.000000e+00> : vector<8x384xf32>
    %reduce_sum3A_54 = vector.multi_reduction <add>, %reshape3A_52, %reduce_sum3A_53 [0] : vector<27x8x384xf32> to vector<8x384xf32>
    %slice3A_55 = vector.extract_strided_slice %reduce_sum3A_54 {offsets = [0, 0], sizes = [8, 128], strides = [1, 1]} : vector<8x384xf32> to vector<8x128xf32>
    %slice3A_56 = vector.extract_strided_slice %reduce_sum3A_54 {offsets = [0, 128], sizes = [8, 128], strides = [1, 1]} : vector<8x384xf32> to vector<8x128xf32>
    %add3A_57 = arith.addf %slice3A_55, %slice3A_56 : vector<8x128xf32>
    %slice3A_58 = vector.extract_strided_slice %reduce_sum3A_54 {offsets = [0, 256], sizes = [8, 128], strides = [1, 1]} : vector<8x384xf32> to vector<8x128xf32>
    %add3A_59 = arith.addf %add3A_57, %slice3A_58 : vector<8x128xf32>
    %jit3A_60 = arith.constant 0.000000e+00 : f32
    %broadcast_in_dim3A_61 = vector.broadcast %jit3A_60 : f32 to vector<216x384xf32>
    %select_n3A_62 = arith.select %and3A_43, %get3A_31, %broadcast_in_dim3A_61 : vector<216x384xi1>, vector<216x384xf32>
    %reshape3A_63 = vector.shape_cast %select_n3A_62 : vector<216x384xf32> to vector<27x8x384xf32>
    %reduce_sum3A_64 = arith.constant dense<0.000000e+00> : vector<8x384xf32>
    %reduce_sum3A_65 = vector.multi_reduction <add>, %reshape3A_63, %reduce_sum3A_64 [0] : vector<27x8x384xf32> to vector<8x384xf32>
    %slice3A_66 = vector.extract_strided_slice %reduce_sum3A_65 {offsets = [0, 0], sizes = [8, 128], strides = [1, 1]} : vector<8x384xf32> to vector<8x128xf32>
    %slice3A_67 = vector.extract_strided_slice %reduce_sum3A_65 {offsets = [0, 128], sizes = [8, 128], strides = [1, 1]} : vector<8x384xf32> to vector<8x128xf32>
    %add3A_68 = arith.addf %slice3A_66, %slice3A_67 : vector<8x128xf32>
    %slice3A_69 = vector.extract_strided_slice %reduce_sum3A_65 {offsets = [0, 256], sizes = [8, 128], strides = [1, 1]} : vector<8x384xf32> to vector<8x128xf32>
    %add3A_70 = arith.addf %add3A_68, %slice3A_69 : vector<8x128xf32>
    %jit3A_71 = arith.constant 1.000000e+00 : f32
    %jit3A_72 = arith.constant 0.000000e+00 : f32
    %broadcast_in_dim3A_73 = vector.broadcast %jit3A_71 : f32 to vector<216x384xf32>
    %broadcast_in_dim3A_74 = vector.broadcast %jit3A_72 : f32 to vector<216x384xf32>
    %select_n3A_75 = arith.select %and3A_43, %broadcast_in_dim3A_73, %broadcast_in_dim3A_74 : vector<216x384xi1>, vector<216x384xf32>
    %reshape3A_76 = vector.shape_cast %select_n3A_75 : vector<216x384xf32> to vector<27x8x384xf32>
    %reduce_sum3A_77 = arith.constant dense<0.000000e+00> : vector<8x384xf32>
    %reduce_sum3A_78 = vector.multi_reduction <add>, %reshape3A_76, %reduce_sum3A_77 [0] : vector<27x8x384xf32> to vector<8x384xf32>
    %slice3A_79 = vector.extract_strided_slice %reduce_sum3A_78 {offsets = [0, 0], sizes = [8, 128], strides = [1, 1]} : vector<8x384xf32> to vector<8x128xf32>
    %slice3A_80 = vector.extract_strided_slice %reduce_sum3A_78 {offsets = [0, 128], sizes = [8, 128], strides = [1, 1]} : vector<8x384xf32> to vector<8x128xf32>
    %add3A_81 = arith.addf %slice3A_79, %slice3A_80 : vector<8x128xf32>
    %slice3A_82 = vector.extract_strided_slice %reduce_sum3A_78 {offsets = [0, 256], sizes = [8, 128], strides = [1, 1]} : vector<8x384xf32> to vector<8x128xf32>
    %add3A_83 = arith.addf %add3A_81, %slice3A_82 : vector<8x128xf32>
    %stack3A = vector.shape_cast %add3A_48 : vector<8x128xf32> to vector<1x8x128xf32>
    %stack3A_84 = vector.shape_cast %add3A_59 : vector<8x128xf32> to vector<1x8x128xf32>
    %stack3A_85 = vector.shape_cast %add3A_70 : vector<8x128xf32> to vector<1x8x128xf32>
    %stack3A_86 = vector.shape_cast %add3A_83 : vector<8x128xf32> to vector<1x8x128xf32>
    %stack3A_87 = tpu.concatenate %stack3A, %stack3A_84, %stack3A_85, %stack3A_86 in 0 : vector<1x8x128xf32>, vector<1x8x128xf32>, vector<1x8x128xf32>, vector<1x8x128xf32> -> vector<4x8x128xf32>
    %swap3A = arith.constant 0 : i32
    %swap3A_88 = arith.constant 0 : i32
    %swap3A_89 = arith.constant 0 : i32
    %swap3A_90 = arith.constant 0 : i32
    %swap3A_91 = tpu.memref_slice %arg2[%swap3A, %swap3A_88, %swap3A_89, %swap3A_90] : memref<4x4x8x128xf32, #tpu.memory_space<vmem>> -> memref<1x4x8x128xf32, #tpu.memory_space<vmem>>
    %swap3A_92 = arith.constant 0 : index
    %swap3A_93 = arith.constant 0 : index
    %swap3A_94 = arith.constant 0 : index
    %swap3A_95 = arith.constant 0 : index
    %swap3A_96 = vector.load %swap3A_91[%swap3A_92, %swap3A_93, %swap3A_94, %swap3A_95] : memref<1x4x8x128xf32, #tpu.memory_space<vmem>>, vector<1x4x8x128xf32>
    %swap3A_97 = vector.shape_cast %swap3A_96 : vector<1x4x8x128xf32> to vector<4x8x128xf32>
    %swap3A_98 = vector.shape_cast %stack3A_87 : vector<4x8x128xf32> to vector<1x4x8x128xf32>
    tpu.vector_store %swap3A_91[%swap3A_92, %swap3A_93, %swap3A_94, %swap3A_95], %swap3A_98 {strides = array<i32>} : memref<1x4x8x128xf32, #tpu.memory_space<vmem>>, vector<1x4x8x128xf32>,
    %get3A_99 = arith.constant 1 : i32
    %get3A_100 = arith.constant 0 : i32
    %get3A_101 = arith.constant 0 : i32
    %get3A_102 = arith.constant 0 : i32
    %get3A_103 = tpu.memref_slice %arg1[%get3A_99, %get3A_100, %get3A_101, %get3A_102] : memref<4x3x216x384xf32, #tpu.memory_space<vmem>> -> memref<1x3x216x384xf32, #tpu.memory_space<vmem>>
    %get3A_104 = arith.constant 0 : index
    %get3A_105 = arith.constant 0 : index
    %get3A_106 = arith.constant 0 : index
    %get3A_107 = arith.constant 0 : index
    %get3A_108 = vector.load %get3A_103[%get3A_104, %get3A_105, %get3A_106, %get3A_107] : memref<1x3x216x384xf32, #tpu.memory_space<vmem>>, vector<1x1x216x384xf32>
    %get3A_109 = vector.shape_cast %get3A_108 : vector<1x1x216x384xf32> to vector<216x384xf32>
    %get3A_110 = arith.constant 1 : i32
    %get3A_111 = arith.constant 0 : i32
    %get3A_112 = arith.constant 0 : i32
    %get3A_113 = arith.constant 0 : i32
    %get3A_114 = tpu.memref_slice %arg1[%get3A_110, %get3A_111, %get3A_112, %get3A_113] : memref<4x3x216x384xf32, #tpu.memory_space<vmem>> -> memref<1x3x216x384xf32, #tpu.memory_space<vmem>>
    %get3A_115 = arith.constant 0 : index
    %get3A_116 = arith.constant 1 : index
    %get3A_117 = arith.constant 0 : index
    %get3A_118 = arith.constant 0 : index
    %get3A_119 = vector.load %get3A_114[%get3A_115, %get3A_116, %get3A_117, %get3A_118] : memref<1x3x216x384xf32, #tpu.memory_space<vmem>>, vector<1x1x216x384xf32>
    %get3A_120 = vector.shape_cast %get3A_119 : vector<1x1x216x384xf32> to vector<216x384xf32>
    %get3A_121 = arith.constant 1 : i32
    %get3A_122 = arith.constant 0 : i32
    %get3A_123 = arith.constant 0 : i32
    %get3A_124 = arith.constant 0 : i32
    %get3A_125 = tpu.memref_slice %arg1[%get3A_121, %get3A_122, %get3A_123, %get3A_124] : memref<4x3x216x384xf32, #tpu.memory_space<vmem>> -> memref<1x3x216x384xf32, #tpu.memory_space<vmem>>
    %get3A_126 = arith.constant 0 : index
    %get3A_127 = arith.constant 2 : index
    %get3A_128 = arith.constant 0 : index
    %get3A_129 = arith.constant 0 : index
    %get3A_130 = vector.load %get3A_125[%get3A_126, %get3A_127, %get3A_128, %get3A_129] : memref<1x3x216x384xf32, #tpu.memory_space<vmem>>, vector<1x1x216x384xf32>
    %get3A_131 = vector.shape_cast %get3A_130 : vector<1x1x216x384xf32> to vector<216x384xf32>
    %add3A_132 = arith.constant 1.000000e-01 : f32
    %add3A_133 = vector.broadcast %add3A_132 : f32 to vector<216x384xf32>
    %add3A_134 = arith.addf %get3A_120, %add3A_133 : vector<216x384xf32>
    %max3A_135 = arith.maximumf %add3A_134, %get3A_131 : vector<216x384xf32>
    %max3A_136 = arith.constant 4.000000e-01 : f32
    %max3A_137 = vector.broadcast %max3A_136 : f32 to vector<216x384xf32>
    %max3A_138 = arith.maximumf %max3A_135, %max3A_137 : vector<216x384xf32>
    %gt3A_139 = arith.cmpf ogt, %get3A_109, %max3A_138 : vector<216x384xf32>
    %gt3A_140 = arith.constant 2.800000e-01 : f32
    %gt3A_141 = vector.broadcast %gt3A_140 : f32 to vector<216x384xf32>
    %gt3A_142 = arith.cmpf ogt, %get3A_120, %gt3A_141 : vector<216x384xf32>
    %and3A_143 = arith.andi %gt3A_139, %gt3A_142 : vector<216x384xi1>
    %gt3A_144 = arith.constant 2.000000e-01 : f32
    %gt3A_145 = vector.broadcast %gt3A_144 : f32 to vector<216x384xf32>
    %gt3A_146 = arith.cmpf ogt, %get3A_131, %gt3A_145 : vector<216x384xf32>
    %and3A_147 = arith.andi %and3A_143, %gt3A_146 : vector<216x384xi1>
    %jit3A_148 = arith.constant 0.000000e+00 : f32
    %broadcast_in_dim3A_149 = vector.broadcast %jit3A_148 : f32 to vector<216x384xf32>
    %select_n3A_150 = arith.select %and3A_147, %get3A_109, %broadcast_in_dim3A_149 : vector<216x384xi1>, vector<216x384xf32>
    %reshape3A_151 = vector.shape_cast %select_n3A_150 : vector<216x384xf32> to vector<27x8x384xf32>
    %reduce_sum3A_152 = arith.constant dense<0.000000e+00> : vector<8x384xf32>
    %reduce_sum3A_153 = vector.multi_reduction <add>, %reshape3A_151, %reduce_sum3A_152 [0] : vector<27x8x384xf32> to vector<8x384xf32>
    %slice3A_154 = vector.extract_strided_slice %reduce_sum3A_153 {offsets = [0, 0], sizes = [8, 128], strides = [1, 1]} : vector<8x384xf32> to vector<8x128xf32>
    %slice3A_155 = vector.extract_strided_slice %reduce_sum3A_153 {offsets = [0, 128], sizes = [8, 128], strides = [1, 1]} : vector<8x384xf32> to vector<8x128xf32>
    %add3A_156 = arith.addf %slice3A_154, %slice3A_155 : vector<8x128xf32>
    %slice3A_157 = vector.extract_strided_slice %reduce_sum3A_153 {offsets = [0, 256], sizes = [8, 128], strides = [1, 1]} : vector<8x384xf32> to vector<8x128xf32>
    %add3A_158 = arith.addf %add3A_156, %slice3A_157 : vector<8x128xf32>
    %jit3A_159 = arith.constant 0.000000e+00 : f32
    %broadcast_in_dim3A_160 = vector.broadcast %jit3A_159 : f32 to vector<216x384xf32>
    %select_n3A_161 = arith.select %and3A_147, %get3A_120, %broadcast_in_dim3A_160 : vector<216x384xi1>, vector<216x384xf32>
    %reshape3A_162 = vector.shape_cast %select_n3A_161 : vector<216x384xf32> to vector<27x8x384xf32>
    %reduce_sum3A_163 = arith.constant dense<0.000000e+00> : vector<8x384xf32>
    %reduce_sum3A_164 = vector.multi_reduction <add>, %reshape3A_162, %reduce_sum3A_163 [0] : vector<27x8x384xf32> to vector<8x384xf32>
    %slice3A_165 = vector.extract_strided_slice %reduce_sum3A_164 {offsets = [0, 0], sizes = [8, 128], strides = [1, 1]} : vector<8x384xf32> to vector<8x128xf32>
    %slice3A_166 = vector.extract_strided_slice %reduce_sum3A_164 {offsets = [0, 128], sizes = [8, 128], strides = [1, 1]} : vector<8x384xf32> to vector<8x128xf32>
    %add3A_167 = arith.addf %slice3A_165, %slice3A_166 : vector<8x128xf32>
    %slice3A_168 = vector.extract_strided_slice %reduce_sum3A_164 {offsets = [0, 256], sizes = [8, 128], strides = [1, 1]} : vector<8x384xf32> to vector<8x128xf32>
    %add3A_169 = arith.addf %add3A_167, %slice3A_168 : vector<8x128xf32>
    %jit3A_170 = arith.constant 0.000000e+00 : f32
    %broadcast_in_dim3A_171 = vector.broadcast %jit3A_170 : f32 to vector<216x384xf32>
    %select_n3A_172 = arith.select %and3A_147, %get3A_131, %broadcast_in_dim3A_171 : vector<216x384xi1>, vector<216x384xf32>
    %reshape3A_173 = vector.shape_cast %select_n3A_172 : vector<216x384xf32> to vector<27x8x384xf32>
    %reduce_sum3A_174 = arith.constant dense<0.000000e+00> : vector<8x384xf32>
    %reduce_sum3A_175 = vector.multi_reduction <add>, %reshape3A_173, %reduce_sum3A_174 [0] : vector<27x8x384xf32> to vector<8x384xf32>
    %slice3A_176 = vector.extract_strided_slice %reduce_sum3A_175 {offsets = [0, 0], sizes = [8, 128], strides = [1, 1]} : vector<8x384xf32> to vector<8x128xf32>
    %slice3A_177 = vector.extract_strided_slice %reduce_sum3A_175 {offsets = [0, 128], sizes = [8, 128], strides = [1, 1]} : vector<8x384xf32> to vector<8x128xf32>
    %add3A_178 = arith.addf %slice3A_176, %slice3A_177 : vector<8x128xf32>
    %slice3A_179 = vector.extract_strided_slice %reduce_sum3A_175 {offsets = [0, 256], sizes = [8, 128], strides = [1, 1]} : vector<8x384xf32> to vector<8x128xf32>
    %add3A_180 = arith.addf %add3A_178, %slice3A_179 : vector<8x128xf32>
    %jit3A_181 = arith.constant 1.000000e+00 : f32
    %jit3A_182 = arith.constant 0.000000e+00 : f32
    %broadcast_in_dim3A_183 = vector.broadcast %jit3A_181 : f32 to vector<216x384xf32>
    %broadcast_in_dim3A_184 = vector.broadcast %jit3A_182 : f32 to vector<216x384xf32>
    %select_n3A_185 = arith.select %and3A_147, %broadcast_in_dim3A_183, %broadcast_in_dim3A_184 : vector<216x384xi1>, vector<216x384xf32>
    %reshape3A_186 = vector.shape_cast %select_n3A_185 : vector<216x384xf32> to vector<27x8x384xf32>
    %reduce_sum3A_187 = arith.constant dense<0.000000e+00> : vector<8x384xf32>
    %reduce_sum3A_188 = vector.multi_reduction <add>, %reshape3A_186, %reduce_sum3A_187 [0] : vector<27x8x384xf32> to vector<8x384xf32>
    %slice3A_189 = vector.extract_strided_slice %reduce_sum3A_188 {offsets = [0, 0], sizes = [8, 128], strides = [1, 1]} : vector<8x384xf32> to vector<8x128xf32>
    %slice3A_190 = vector.extract_strided_slice %reduce_sum3A_188 {offsets = [0, 128], sizes = [8, 128], strides = [1, 1]} : vector<8x384xf32> to vector<8x128xf32>
    %add3A_191 = arith.addf %slice3A_189, %slice3A_190 : vector<8x128xf32>
    %slice3A_192 = vector.extract_strided_slice %reduce_sum3A_188 {offsets = [0, 256], sizes = [8, 128], strides = [1, 1]} : vector<8x384xf32> to vector<8x128xf32>
    %add3A_193 = arith.addf %add3A_191, %slice3A_192 : vector<8x128xf32>
    %stack3A_194 = vector.shape_cast %add3A_158 : vector<8x128xf32> to vector<1x8x128xf32>
    %stack3A_195 = vector.shape_cast %add3A_169 : vector<8x128xf32> to vector<1x8x128xf32>
    %stack3A_196 = vector.shape_cast %add3A_180 : vector<8x128xf32> to vector<1x8x128xf32>
    %stack3A_197 = vector.shape_cast %add3A_193 : vector<8x128xf32> to vector<1x8x128xf32>
    %stack3A_198 = tpu.concatenate %stack3A_194, %stack3A_195, %stack3A_196, %stack3A_197 in 0 : vector<1x8x128xf32>, vector<1x8x128xf32>, vector<1x8x128xf32>, vector<1x8x128xf32> -> vector<4x8x128xf32>
    %swap3A_199 = arith.constant 1 : i32
    %swap3A_200 = arith.constant 0 : i32
    %swap3A_201 = arith.constant 0 : i32
    %swap3A_202 = arith.constant 0 : i32
    %swap3A_203 = tpu.memref_slice %arg2[%swap3A_199, %swap3A_200, %swap3A_201, %swap3A_202] : memref<4x4x8x128xf32, #tpu.memory_space<vmem>> -> memref<1x4x8x128xf32, #tpu.memory_space<vmem>>
    %swap3A_204 = arith.constant 0 : index
    %swap3A_205 = arith.constant 0 : index
    %swap3A_206 = arith.constant 0 : index
    %swap3A_207 = arith.constant 0 : index
    %swap3A_208 = vector.load %swap3A_203[%swap3A_204, %swap3A_205, %swap3A_206, %swap3A_207] : memref<1x4x8x128xf32, #tpu.memory_space<vmem>>, vector<1x4x8x128xf32>
    %swap3A_209 = vector.shape_cast %swap3A_208 : vector<1x4x8x128xf32> to vector<4x8x128xf32>
    %swap3A_210 = vector.shape_cast %stack3A_198 : vector<4x8x128xf32> to vector<1x4x8x128xf32>
    tpu.vector_store %swap3A_203[%swap3A_204, %swap3A_205, %swap3A_206, %swap3A_207], %swap3A_210 {strides = array<i32>} : memref<1x4x8x128xf32, #tpu.memory_space<vmem>>, vector<1x4x8x128xf32>,
    %get3A_211 = arith.constant 2 : i32
    %get3A_212 = arith.constant 0 : i32
    %get3A_213 = arith.constant 0 : i32
    %get3A_214 = arith.constant 0 : i32
    %get3A_215 = tpu.memref_slice %arg1[%get3A_211, %get3A_212, %get3A_213, %get3A_214] : memref<4x3x216x384xf32, #tpu.memory_space<vmem>> -> memref<1x3x216x384xf32, #tpu.memory_space<vmem>>
    %get3A_216 = arith.constant 0 : index
    %get3A_217 = arith.constant 0 : index
    %get3A_218 = arith.constant 0 : index
    %get3A_219 = arith.constant 0 : index
    %get3A_220 = vector.load %get3A_215[%get3A_216, %get3A_217, %get3A_218, %get3A_219] : memref<1x3x216x384xf32, #tpu.memory_space<vmem>>, vector<1x1x216x384xf32>
    %get3A_221 = vector.shape_cast %get3A_220 : vector<1x1x216x384xf32> to vector<216x384xf32>
    %get3A_222 = arith.constant 2 : i32
    %get3A_223 = arith.constant 0 : i32
    %get3A_224 = arith.constant 0 : i32
    %get3A_225 = arith.constant 0 : i32
    %get3A_226 = tpu.memref_slice %arg1[%get3A_222, %get3A_223, %get3A_224, %get3A_225] : memref<4x3x216x384xf32, #tpu.memory_space<vmem>> -> memref<1x3x216x384xf32, #tpu.memory_space<vmem>>
    %get3A_227 = arith.constant 0 : index
    %get3A_228 = arith.constant 1 : index
    %get3A_229 = arith.constant 0 : index
    %get3A_230 = arith.constant 0 : index
    %get3A_231 = vector.load %get3A_226[%get3A_227, %get3A_228, %get3A_229, %get3A_230] : memref<1x3x216x384xf32, #tpu.memory_space<vmem>>, vector<1x1x216x384xf32>
    %get3A_232 = vector.shape_cast %get3A_231 : vector<1x1x216x384xf32> to vector<216x384xf32>
    %get3A_233 = arith.constant 2 : i32
    %get3A_234 = arith.constant 0 : i32
    %get3A_235 = arith.constant 0 : i32
    %get3A_236 = arith.constant 0 : i32
    %get3A_237 = tpu.memref_slice %arg1[%get3A_233, %get3A_234, %get3A_235, %get3A_236] : memref<4x3x216x384xf32, #tpu.memory_space<vmem>> -> memref<1x3x216x384xf32, #tpu.memory_space<vmem>>
    %get3A_238 = arith.constant 0 : index
    %get3A_239 = arith.constant 2 : index
    %get3A_240 = arith.constant 0 : index
    %get3A_241 = arith.constant 0 : index
    %get3A_242 = vector.load %get3A_237[%get3A_238, %get3A_239, %get3A_240, %get3A_241] : memref<1x3x216x384xf32, #tpu.memory_space<vmem>>, vector<1x1x216x384xf32>
    %get3A_243 = vector.shape_cast %get3A_242 : vector<1x1x216x384xf32> to vector<216x384xf32>
    %add3A_244 = arith.constant 1.000000e-01 : f32
    %add3A_245 = vector.broadcast %add3A_244 : f32 to vector<216x384xf32>
    %add3A_246 = arith.addf %get3A_232, %add3A_245 : vector<216x384xf32>
    %max3A_247 = arith.maximumf %add3A_246, %get3A_243 : vector<216x384xf32>
    %max3A_248 = arith.constant 4.000000e-01 : f32
    %max3A_249 = vector.broadcast %max3A_248 : f32 to vector<216x384xf32>
    %max3A_250 = arith.maximumf %max3A_247, %max3A_249 : vector<216x384xf32>
    %gt3A_251 = arith.cmpf ogt, %get3A_221, %max3A_250 : vector<216x384xf32>
    %gt3A_252 = arith.constant 2.800000e-01 : f32
    %gt3A_253 = vector.broadcast %gt3A_252 : f32 to vector<216x384xf32>
    %gt3A_254 = arith.cmpf ogt, %get3A_232, %gt3A_253 : vector<216x384xf32>
    %and3A_255 = arith.andi %gt3A_251, %gt3A_254 : vector<216x384xi1>
    %gt3A_256 = arith.constant 2.000000e-01 : f32
    %gt3A_257 = vector.broadcast %gt3A_256 : f32 to vector<216x384xf32>
    %gt3A_258 = arith.cmpf ogt, %get3A_243, %gt3A_257 : vector<216x384xf32>
    %and3A_259 = arith.andi %and3A_255, %gt3A_258 : vector<216x384xi1>
    %jit3A_260 = arith.constant 0.000000e+00 : f32
    %broadcast_in_dim3A_261 = vector.broadcast %jit3A_260 : f32 to vector<216x384xf32>
    %select_n3A_262 = arith.select %and3A_259, %get3A_221, %broadcast_in_dim3A_261 : vector<216x384xi1>, vector<216x384xf32>
    %reshape3A_263 = vector.shape_cast %select_n3A_262 : vector<216x384xf32> to vector<27x8x384xf32>
    %reduce_sum3A_264 = arith.constant dense<0.000000e+00> : vector<8x384xf32>
    %reduce_sum3A_265 = vector.multi_reduction <add>, %reshape3A_263, %reduce_sum3A_264 [0] : vector<27x8x384xf32> to vector<8x384xf32>
    %slice3A_266 = vector.extract_strided_slice %reduce_sum3A_265 {offsets = [0, 0], sizes = [8, 128], strides = [1, 1]} : vector<8x384xf32> to vector<8x128xf32>
    %slice3A_267 = vector.extract_strided_slice %reduce_sum3A_265 {offsets = [0, 128], sizes = [8, 128], strides = [1, 1]} : vector<8x384xf32> to vector<8x128xf32>
    %add3A_268 = arith.addf %slice3A_266, %slice3A_267 : vector<8x128xf32>
    %slice3A_269 = vector.extract_strided_slice %reduce_sum3A_265 {offsets = [0, 256], sizes = [8, 128], strides = [1, 1]} : vector<8x384xf32> to vector<8x128xf32>
    %add3A_270 = arith.addf %add3A_268, %slice3A_269 : vector<8x128xf32>
    %jit3A_271 = arith.constant 0.000000e+00 : f32
    %broadcast_in_dim3A_272 = vector.broadcast %jit3A_271 : f32 to vector<216x384xf32>
    %select_n3A_273 = arith.select %and3A_259, %get3A_232, %broadcast_in_dim3A_272 : vector<216x384xi1>, vector<216x384xf32>
    %reshape3A_274 = vector.shape_cast %select_n3A_273 : vector<216x384xf32> to vector<27x8x384xf32>
    %reduce_sum3A_275 = arith.constant dense<0.000000e+00> : vector<8x384xf32>
    %reduce_sum3A_276 = vector.multi_reduction <add>, %reshape3A_274, %reduce_sum3A_275 [0] : vector<27x8x384xf32> to vector<8x384xf32>
    %slice3A_277 = vector.extract_strided_slice %reduce_sum3A_276 {offsets = [0, 0], sizes = [8, 128], strides = [1, 1]} : vector<8x384xf32> to vector<8x128xf32>
    %slice3A_278 = vector.extract_strided_slice %reduce_sum3A_276 {offsets = [0, 128], sizes = [8, 128], strides = [1, 1]} : vector<8x384xf32> to vector<8x128xf32>
    %add3A_279 = arith.addf %slice3A_277, %slice3A_278 : vector<8x128xf32>
    %slice3A_280 = vector.extract_strided_slice %reduce_sum3A_276 {offsets = [0, 256], sizes = [8, 128], strides = [1, 1]} : vector<8x384xf32> to vector<8x128xf32>
    %add3A_281 = arith.addf %add3A_279, %slice3A_280 : vector<8x128xf32>
    %jit3A_282 = arith.constant 0.000000e+00 : f32
    %broadcast_in_dim3A_283 = vector.broadcast %jit3A_282 : f32 to vector<216x384xf32>
    %select_n3A_284 = arith.select %and3A_259, %get3A_243, %broadcast_in_dim3A_283 : vector<216x384xi1>, vector<216x384xf32>
    %reshape3A_285 = vector.shape_cast %select_n3A_284 : vector<216x384xf32> to vector<27x8x384xf32>
    %reduce_sum3A_286 = arith.constant dense<0.000000e+00> : vector<8x384xf32>
    %reduce_sum3A_287 = vector.multi_reduction <add>, %reshape3A_285, %reduce_sum3A_286 [0] : vector<27x8x384xf32> to vector<8x384xf32>
    %slice3A_288 = vector.extract_strided_slice %reduce_sum3A_287 {offsets = [0, 0], sizes = [8, 128], strides = [1, 1]} : vector<8x384xf32> to vector<8x128xf32>
    %slice3A_289 = vector.extract_strided_slice %reduce_sum3A_287 {offsets = [0, 128], sizes = [8, 128], strides = [1, 1]} : vector<8x384xf32> to vector<8x128xf32>
    %add3A_290 = arith.addf %slice3A_288, %slice3A_289 : vector<8x128xf32>
    %slice3A_291 = vector.extract_strided_slice %reduce_sum3A_287 {offsets = [0, 256], sizes = [8, 128], strides = [1, 1]} : vector<8x384xf32> to vector<8x128xf32>
    %add3A_292 = arith.addf %add3A_290, %slice3A_291 : vector<8x128xf32>
    %jit3A_293 = arith.constant 1.000000e+00 : f32
    %jit3A_294 = arith.constant 0.000000e+00 : f32
    %broadcast_in_dim3A_295 = vector.broadcast %jit3A_293 : f32 to vector<216x384xf32>
    %broadcast_in_dim3A_296 = vector.broadcast %jit3A_294 : f32 to vector<216x384xf32>
    %select_n3A_297 = arith.select %and3A_259, %broadcast_in_dim3A_295, %broadcast_in_dim3A_296 : vector<216x384xi1>, vector<216x384xf32>
    %reshape3A_298 = vector.shape_cast %select_n3A_297 : vector<216x384xf32> to vector<27x8x384xf32>
    %reduce_sum3A_299 = arith.constant dense<0.000000e+00> : vector<8x384xf32>
    %reduce_sum3A_300 = vector.multi_reduction <add>, %reshape3A_298, %reduce_sum3A_299 [0] : vector<27x8x384xf32> to vector<8x384xf32>
    %slice3A_301 = vector.extract_strided_slice %reduce_sum3A_300 {offsets = [0, 0], sizes = [8, 128], strides = [1, 1]} : vector<8x384xf32> to vector<8x128xf32>
    %slice3A_302 = vector.extract_strided_slice %reduce_sum3A_300 {offsets = [0, 128], sizes = [8, 128], strides = [1, 1]} : vector<8x384xf32> to vector<8x128xf32>
    %add3A_303 = arith.addf %slice3A_301, %slice3A_302 : vector<8x128xf32>
    %slice3A_304 = vector.extract_strided_slice %reduce_sum3A_300 {offsets = [0, 256], sizes = [8, 128], strides = [1, 1]} : vector<8x384xf32> to vector<8x128xf32>
    %add3A_305 = arith.addf %add3A_303, %slice3A_304 : vector<8x128xf32>
    %stack3A_306 = vector.shape_cast %add3A_270 : vector<8x128xf32> to vector<1x8x128xf32>
    %stack3A_307 = vector.shape_cast %add3A_281 : vector<8x128xf32> to vector<1x8x128xf32>
    %stack3A_308 = vector.shape_cast %add3A_292 : vector<8x128xf32> to vector<1x8x128xf32>
    %stack3A_309 = vector.shape_cast %add3A_305 : vector<8x128xf32> to vector<1x8x128xf32>
    %stack3A_310 = tpu.concatenate %stack3A_306, %stack3A_307, %stack3A_308, %stack3A_309 in 0 : vector<1x8x128xf32>, vector<1x8x128xf32>, vector<1x8x128xf32>, vector<1x8x128xf32> -> vector<4x8x128xf32>
    %swap3A_311 = arith.constant 2 : i32
    %swap3A_312 = arith.constant 0 : i32
    %swap3A_313 = arith.constant 0 : i32
    %swap3A_314 = arith.constant 0 : i32
    %swap3A_315 = tpu.memref_slice %arg2[%swap3A_311, %swap3A_312, %swap3A_313, %swap3A_314] : memref<4x4x8x128xf32, #tpu.memory_space<vmem>> -> memref<1x4x8x128xf32, #tpu.memory_space<vmem>>
    %swap3A_316 = arith.constant 0 : index
    %swap3A_317 = arith.constant 0 : index
    %swap3A_318 = arith.constant 0 : index
    %swap3A_319 = arith.constant 0 : index
    %swap3A_320 = vector.load %swap3A_315[%swap3A_316, %swap3A_317, %swap3A_318, %swap3A_319] : memref<1x4x8x128xf32, #tpu.memory_space<vmem>>, vector<1x4x8x128xf32>
    %swap3A_321 = vector.shape_cast %swap3A_320 : vector<1x4x8x128xf32> to vector<4x8x128xf32>
    %swap3A_322 = vector.shape_cast %stack3A_310 : vector<4x8x128xf32> to vector<1x4x8x128xf32>
    tpu.vector_store %swap3A_315[%swap3A_316, %swap3A_317, %swap3A_318, %swap3A_319], %swap3A_322 {strides = array<i32>} : memref<1x4x8x128xf32, #tpu.memory_space<vmem>>, vector<1x4x8x128xf32>,
    %get3A_323 = arith.constant 3 : i32
    %get3A_324 = arith.constant 0 : i32
    %get3A_325 = arith.constant 0 : i32
    %get3A_326 = arith.constant 0 : i32
    %get3A_327 = tpu.memref_slice %arg1[%get3A_323, %get3A_324, %get3A_325, %get3A_326] : memref<4x3x216x384xf32, #tpu.memory_space<vmem>> -> memref<1x3x216x384xf32, #tpu.memory_space<vmem>>
    %get3A_328 = arith.constant 0 : index
    %get3A_329 = arith.constant 0 : index
    %get3A_330 = arith.constant 0 : index
    %get3A_331 = arith.constant 0 : index
    %get3A_332 = vector.load %get3A_327[%get3A_328, %get3A_329, %get3A_330, %get3A_331] : memref<1x3x216x384xf32, #tpu.memory_space<vmem>>, vector<1x1x216x384xf32>
    %get3A_333 = vector.shape_cast %get3A_332 : vector<1x1x216x384xf32> to vector<216x384xf32>
    %get3A_334 = arith.constant 3 : i32
    %get3A_335 = arith.constant 0 : i32
    %get3A_336 = arith.constant 0 : i32
    %get3A_337 = arith.constant 0 : i32
    %get3A_338 = tpu.memref_slice %arg1[%get3A_334, %get3A_335, %get3A_336, %get3A_337] : memref<4x3x216x384xf32, #tpu.memory_space<vmem>> -> memref<1x3x216x384xf32, #tpu.memory_space<vmem>>
    %get3A_339 = arith.constant 0 : index
    %get3A_340 = arith.constant 1 : index
    %get3A_341 = arith.constant 0 : index
    %get3A_342 = arith.constant 0 : index
    %get3A_343 = vector.load %get3A_338[%get3A_339, %get3A_340, %get3A_341, %get3A_342] : memref<1x3x216x384xf32, #tpu.memory_space<vmem>>, vector<1x1x216x384xf32>
    %get3A_344 = vector.shape_cast %get3A_343 : vector<1x1x216x384xf32> to vector<216x384xf32>
    %get3A_345 = arith.constant 3 : i32
    %get3A_346 = arith.constant 0 : i32
    %get3A_347 = arith.constant 0 : i32
    %get3A_348 = arith.constant 0 : i32
    %get3A_349 = tpu.memref_slice %arg1[%get3A_345, %get3A_346, %get3A_347, %get3A_348] : memref<4x3x216x384xf32, #tpu.memory_space<vmem>> -> memref<1x3x216x384xf32, #tpu.memory_space<vmem>>
    %get3A_350 = arith.constant 0 : index
    %get3A_351 = arith.constant 2 : index
    %get3A_352 = arith.constant 0 : index
    %get3A_353 = arith.constant 0 : index
    %get3A_354 = vector.load %get3A_349[%get3A_350, %get3A_351, %get3A_352, %get3A_353] : memref<1x3x216x384xf32, #tpu.memory_space<vmem>>, vector<1x1x216x384xf32>
    %get3A_355 = vector.shape_cast %get3A_354 : vector<1x1x216x384xf32> to vector<216x384xf32>
    %add3A_356 = arith.constant 1.000000e-01 : f32
    %add3A_357 = vector.broadcast %add3A_356 : f32 to vector<216x384xf32>
    %add3A_358 = arith.addf %get3A_344, %add3A_357 : vector<216x384xf32>
    %max3A_359 = arith.maximumf %add3A_358, %get3A_355 : vector<216x384xf32>
    %max3A_360 = arith.constant 4.000000e-01 : f32
    %max3A_361 = vector.broadcast %max3A_360 : f32 to vector<216x384xf32>
    %max3A_362 = arith.maximumf %max3A_359, %max3A_361 : vector<216x384xf32>
    %gt3A_363 = arith.cmpf ogt, %get3A_333, %max3A_362 : vector<216x384xf32>
    %gt3A_364 = arith.constant 2.800000e-01 : f32
    %gt3A_365 = vector.broadcast %gt3A_364 : f32 to vector<216x384xf32>
    %gt3A_366 = arith.cmpf ogt, %get3A_344, %gt3A_365 : vector<216x384xf32>
    %and3A_367 = arith.andi %gt3A_363, %gt3A_366 : vector<216x384xi1>
    %gt3A_368 = arith.constant 2.000000e-01 : f32
    %gt3A_369 = vector.broadcast %gt3A_368 : f32 to vector<216x384xf32>
    %gt3A_370 = arith.cmpf ogt, %get3A_355, %gt3A_369 : vector<216x384xf32>
    %and3A_371 = arith.andi %and3A_367, %gt3A_370 : vector<216x384xi1>
    %jit3A_372 = arith.constant 0.000000e+00 : f32
    %broadcast_in_dim3A_373 = vector.broadcast %jit3A_372 : f32 to vector<216x384xf32>
    %select_n3A_374 = arith.select %and3A_371, %get3A_333, %broadcast_in_dim3A_373 : vector<216x384xi1>, vector<216x384xf32>
    %reshape3A_375 = vector.shape_cast %select_n3A_374 : vector<216x384xf32> to vector<27x8x384xf32>
    %reduce_sum3A_376 = arith.constant dense<0.000000e+00> : vector<8x384xf32>
    %reduce_sum3A_377 = vector.multi_reduction <add>, %reshape3A_375, %reduce_sum3A_376 [0] : vector<27x8x384xf32> to vector<8x384xf32>
    %slice3A_378 = vector.extract_strided_slice %reduce_sum3A_377 {offsets = [0, 0], sizes = [8, 128], strides = [1, 1]} : vector<8x384xf32> to vector<8x128xf32>
    %slice3A_379 = vector.extract_strided_slice %reduce_sum3A_377 {offsets = [0, 128], sizes = [8, 128], strides = [1, 1]} : vector<8x384xf32> to vector<8x128xf32>
    %add3A_380 = arith.addf %slice3A_378, %slice3A_379 : vector<8x128xf32>
    %slice3A_381 = vector.extract_strided_slice %reduce_sum3A_377 {offsets = [0, 256], sizes = [8, 128], strides = [1, 1]} : vector<8x384xf32> to vector<8x128xf32>
    %add3A_382 = arith.addf %add3A_380, %slice3A_381 : vector<8x128xf32>
    %jit3A_383 = arith.constant 0.000000e+00 : f32
    %broadcast_in_dim3A_384 = vector.broadcast %jit3A_383 : f32 to vector<216x384xf32>
    %select_n3A_385 = arith.select %and3A_371, %get3A_344, %broadcast_in_dim3A_384 : vector<216x384xi1>, vector<216x384xf32>
    %reshape3A_386 = vector.shape_cast %select_n3A_385 : vector<216x384xf32> to vector<27x8x384xf32>
    %reduce_sum3A_387 = arith.constant dense<0.000000e+00> : vector<8x384xf32>
    %reduce_sum3A_388 = vector.multi_reduction <add>, %reshape3A_386, %reduce_sum3A_387 [0] : vector<27x8x384xf32> to vector<8x384xf32>
    %slice3A_389 = vector.extract_strided_slice %reduce_sum3A_388 {offsets = [0, 0], sizes = [8, 128], strides = [1, 1]} : vector<8x384xf32> to vector<8x128xf32>
    %slice3A_390 = vector.extract_strided_slice %reduce_sum3A_388 {offsets = [0, 128], sizes = [8, 128], strides = [1, 1]} : vector<8x384xf32> to vector<8x128xf32>
    %add3A_391 = arith.addf %slice3A_389, %slice3A_390 : vector<8x128xf32>
    %slice3A_392 = vector.extract_strided_slice %reduce_sum3A_388 {offsets = [0, 256], sizes = [8, 128], strides = [1, 1]} : vector<8x384xf32> to vector<8x128xf32>
    %add3A_393 = arith.addf %add3A_391, %slice3A_392 : vector<8x128xf32>
    %jit3A_394 = arith.constant 0.000000e+00 : f32
    %broadcast_in_dim3A_395 = vector.broadcast %jit3A_394 : f32 to vector<216x384xf32>
    %select_n3A_396 = arith.select %and3A_371, %get3A_355, %broadcast_in_dim3A_395 : vector<216x384xi1>, vector<216x384xf32>
    %reshape3A_397 = vector.shape_cast %select_n3A_396 : vector<216x384xf32> to vector<27x8x384xf32>
    %reduce_sum3A_398 = arith.constant dense<0.000000e+00> : vector<8x384xf32>
    %reduce_sum3A_399 = vector.multi_reduction <add>, %reshape3A_397, %reduce_sum3A_398 [0] : vector<27x8x384xf32> to vector<8x384xf32>
    %slice3A_400 = vector.extract_strided_slice %reduce_sum3A_399 {offsets = [0, 0], sizes = [8, 128], strides = [1, 1]} : vector<8x384xf32> to vector<8x128xf32>
    %slice3A_401 = vector.extract_strided_slice %reduce_sum3A_399 {offsets = [0, 128], sizes = [8, 128], strides = [1, 1]} : vector<8x384xf32> to vector<8x128xf32>
    %add3A_402 = arith.addf %slice3A_400, %slice3A_401 : vector<8x128xf32>
    %slice3A_403 = vector.extract_strided_slice %reduce_sum3A_399 {offsets = [0, 256], sizes = [8, 128], strides = [1, 1]} : vector<8x384xf32> to vector<8x128xf32>
    %add3A_404 = arith.addf %add3A_402, %slice3A_403 : vector<8x128xf32>
    %jit3A_405 = arith.constant 1.000000e+00 : f32
    %jit3A_406 = arith.constant 0.000000e+00 : f32
    %broadcast_in_dim3A_407 = vector.broadcast %jit3A_405 : f32 to vector<216x384xf32>
    %broadcast_in_dim3A_408 = vector.broadcast %jit3A_406 : f32 to vector<216x384xf32>
    %select_n3A_409 = arith.select %and3A_371, %broadcast_in_dim3A_407, %broadcast_in_dim3A_408 : vector<216x384xi1>, vector<216x384xf32>
    %reshape3A_410 = vector.shape_cast %select_n3A_409 : vector<216x384xf32> to vector<27x8x384xf32>
    %reduce_sum3A_411 = arith.constant dense<0.000000e+00> : vector<8x384xf32>
    %reduce_sum3A_412 = vector.multi_reduction <add>, %reshape3A_410, %reduce_sum3A_411 [0] : vector<27x8x384xf32> to vector<8x384xf32>
    %slice3A_413 = vector.extract_strided_slice %reduce_sum3A_412 {offsets = [0, 0], sizes = [8, 128], strides = [1, 1]} : vector<8x384xf32> to vector<8x128xf32>
    %slice3A_414 = vector.extract_strided_slice %reduce_sum3A_412 {offsets = [0, 128], sizes = [8, 128], strides = [1, 1]} : vector<8x384xf32> to vector<8x128xf32>
    %add3A_415 = arith.addf %slice3A_413, %slice3A_414 : vector<8x128xf32>
    %slice3A_416 = vector.extract_strided_slice %reduce_sum3A_412 {offsets = [0, 256], sizes = [8, 128], strides = [1, 1]} : vector<8x384xf32> to vector<8x128xf32>
    %add3A_417 = arith.addf %add3A_415, %slice3A_416 : vector<8x128xf32>
    %stack3A_418 = vector.shape_cast %add3A_382 : vector<8x128xf32> to vector<1x8x128xf32>
    %stack3A_419 = vector.shape_cast %add3A_393 : vector<8x128xf32> to vector<1x8x128xf32>
    %stack3A_420 = vector.shape_cast %add3A_404 : vector<8x128xf32> to vector<1x8x128xf32>
    %stack3A_421 = vector.shape_cast %add3A_417 : vector<8x128xf32> to vector<1x8x128xf32>
    %stack3A_422 = tpu.concatenate %stack3A_418, %stack3A_419, %stack3A_420, %stack3A_421 in 0 : vector<1x8x128xf32>, vector<1x8x128xf32>, vector<1x8x128xf32>, vector<1x8x128xf32> -> vector<4x8x128xf32>
    %swap3A_423 = arith.constant 3 : i32
    %swap3A_424 = arith.constant 0 : i32
    %swap3A_425 = arith.constant 0 : i32
    %swap3A_426 = arith.constant 0 : i32
    %swap3A_427 = tpu.memref_slice %arg2[%swap3A_423, %swap3A_424, %swap3A_425, %swap3A_426] : memref<4x4x8x128xf32, #tpu.memory_space<vmem>> -> memref<1x4x8x128xf32, #tpu.memory_space<vmem>>
    %swap3A_428 = arith.constant 0 : index
    %swap3A_429 = arith.constant 0 : index
    %swap3A_430 = arith.constant 0 : index
    %swap3A_431 = arith.constant 0 : index
    %swap3A_432 = vector.load %swap3A_427[%swap3A_428, %swap3A_429, %swap3A_430, %swap3A_431] : memref<1x4x8x128xf32, #tpu.memory_space<vmem>>, vector<1x4x8x128xf32>
    %swap3A_433 = vector.shape_cast %swap3A_432 : vector<1x4x8x128xf32> to vector<4x8x128xf32>
    %swap3A_434 = vector.shape_cast %stack3A_422 : vector<4x8x128xf32> to vector<1x4x8x128xf32>
    tpu.vector_store %swap3A_427[%swap3A_428, %swap3A_429, %swap3A_430, %swap3A_431], %swap3A_434 {strides = array<i32>} : memref<1x4x8x128xf32, #tpu.memory_space<vmem>>, vector<1x4x8x128xf32>,
    return
  }
  func.func @transform_0(%arg0: i32) -> (i32, i32, i32, i32) {
    %c0_i32 = arith.constant 0 : i32
    %c0_i32_0 = arith.constant 0 : i32
    %c0_i32_1 = arith.constant 0 : i32
    %c0_i32_2 = arith.constant 0 : i32
    return %arg0, %c0_i32, %c0_i32_0, %c0_i32_1 : i32, i32, i32, i32
  }
  func.func @transform_1(%arg0: i32) -> (i32, i32, i32, i32) {
    %c0_i32 = arith.constant 0 : i32
    %c0_i32_0 = arith.constant 0 : i32
    %c0_i32_1 = arith.constant 0 : i32
    %c0_i32_2 = arith.constant 0 : i32
    return %arg0, %c0_i32, %c0_i32_0, %c0_i32_1 : i32, i32, i32, i32
  }
}

</mosaic_0001>

<sc_bundles>
// kernel: kernel.4.cloned.1.call-start
scs
__scs_entry_jumppad:
0x0: {  	(pc) =	sbr.rel $0x88, $3  }
0x1: {  	(tag) =	ssettag $0x0;
	lr =	simm.s32 $0x1  }
0x2: {  	[smem:$0x3FA0] =	sst lr;
	_ =	strace $0xD0000000  }
0x3: {  	_ = 	snop  }
0x4: {  	_ = 	snop  }
0x5: {  	_ = 	snop  }
0x6: {  	_ = 	snop  }
0x7: {  	_ = 	snop  }
__scs_overlays_trampoline_lowered:
0x8: {  	[smem:$0x3FAF] =	sst s0  }
0x9: {  	[smem:$0x3FB0] =	sst s1  }
0xa: {  	[smem:$0x3FB1] =	sst s2  }
0xb: {  	[smem:$0x3FB2] =	sst s3  }
0xc: {  	[smem:$0x3FB3] =	sst s4  }
0xd: {  	[smem:$0x3FB4] =	sst s5  }
0xe: {  	[smem:$0x3FB5] =	sst s6  }
0xf: {  	[smem:$0x3FB6] =	sst s7  }
0x10: {  	[smem:$0x3FB7] =	sst s8  }
0x11: {  	[smem:$0x3FB8] =	sst s9;
	s0 =	simm.s32 @!p0 $0x0  }
0x12: {  	s1 =	sld [smem:$0x3F9E];
	s0 =	simm.s32 @p0 $0x1  }
0x13: {  	[smem:$0x3FB9] =	sst s0;
	s0 =	simm.s32 @!p1 $0x0  }
0x14: {  	s2 =	sld [smem:$0x3F9D];
	s0 =	simm.s32 @p1 $0x1  }
0x15: {  	[smem:$0x3FBA] =	sst s0;
	s0 =	simm.s32 @!p2 $0x0  }
0x16: {  	s3 =	sld [smem:$0x3FDB];
	s0 =	simm.s32 @p2 $0x1  }
0x17: {  	s4 =	simm.s32 $0x1BF5;
	[smem:$0x3FBC] =	sst s0  }
0x18: {  	s0 =	sld [smem:$0x3F9F];
	_ =	swait.ge [sflag:s4], $0x0  }
0x19: {  	s7 =	sld [smem:$0x3FA0]  }
0x1a: {  	s8 =	sadd.s32 $0xFFFFE003, lr  }
0x1b: {  	s9 =	sadd.s32 $0xFFFFFEF7, lr;
	s5 =	simm.s32 $0xFFFFFFFF;
	p2 =	slt.u32 s8, $0xFFFFF086  }
0x1c: {  	p1 =	slt.u32 s9, $0xF7A;
	s5 =	simm.s32 @!p2 $0x0  }
0x1d: {  	s5 =	simm.s32 @p1 $0x1;
	p0 =	seq.s32 s7, s2  }
0x1e: {  	s7 =	smul.u32 @!p0 $0xF7A, s2;
	p2 =	seq.s32 @!p0 s5, $0x0  }
0x1f: {  	s9 =	smul.u32 $0xF7A, s1;
	s8 =	simm.s32 @!p0 $0x1BF5;
	p2 =	por !p2, p0  }
0x20: {  	[sflag:s8] =	ssyncset.s32 @!p0 $0xFFFFF086;
	s6 =	sadd.s32 @!p0 s3, s7;
	s7 =	simm.s32 @!p0 $0x108  }
0x21: {  	s3 =	sadd.s32 s3, s9;
	s6 =	sadd.s32 @!p0 $0x88, s6;
	s7 =	simm.s32 @p2 $0x1082  }
0x22: {  	[simem:s7], [sflag:s8] =	dma.local @!p0 [hbm:s6], $0xF7A  }
0x23: {  	s9 =	sor.u32 $0xD0000000, s2;
	s6 =	simm.s32 $0x108;
	_ =	swait.ge @!p0 [sflag:s8], $0x0  }
0x24: {  	s3 =	sadd.s32 $0x88, s3;
	s6 =	simm.s32 @!p1 $0x1082;
	[sflag:s4] =	ssyncset.s32 $0xFFFFF086  }
0x25: {  	[simem:s6], [sflag:s4] =	dma.local [hbm:s3], $0xF7A  }
0x26: {  	[smem:$0x3FA0] =	sst s1;
	(tag) =	ssettag s2;
	_ =	strace s9  }
0x27: {  	s1 =	sld [smem:$0x3FB0]  }
0x28: {  	s2 =	sld [smem:$0x3FB1]  }
0x29: {  	s4 =	sld [smem:$0x3FB3]  }
0x2a: {  	p0 =	seq.s32 s5, $0x0;
	s5 =	sld [smem:$0x3FB4]  }
0x2b: {  	s6 =	sld [smem:$0x3FB5]  }
0x2c: {  	s7 =	sld [smem:$0x3FB6]  }
0x2d: {  	s3 =	simm.s32 $0x108;
	s8 =	sld [smem:$0x3FB7]  }
0x2e: {  	s3 =	simm.s32 @!p0 $0x1082;
	s9 =	sld [smem:$0x3FB8]  }
0x2f: {  	lr =	sadd.s32 s0, s3;
	s0 =	sld [smem:$0x3FAF]  }
0x30: {  	s3 =	sld [smem:$0x3FB2]  }
0x31: {  	[smem:$0x3FBB] =	sst s10  }
0x32: {  	s10 =	sld [smem:$0x3FB9];
	_ =	sdelay $0x3  }
0x33: {  	p0 =	seq.s32 s10, $0x1;
	s10 =	sld [smem:$0x3FBB];
	_ =	sdelay $0x3  }
0x34: {  	[smem:$0x3FBB] =	sst s10  }
0x35: {  	s10 =	sld [smem:$0x3FBA];
	_ =	sdelay $0x3  }
0x36: {  	p1 =	seq.s32 s10, $0x1;
	s10 =	sld [smem:$0x3FBB];
	_ =	sdelay $0x3  }
0x37: {  	[smem:$0x3FBB] =	sst s10  }
0x38: {  	s10 =	sld [smem:$0x3FBC]  }
0x39: {  	_ = 	snop;
	(pc) =	sbr.ind lr, $3  }
0x3a: {  	_ = 	snop  }
0x3b: {  	_ = 	snop  }
0x3c: {  	p2 =	seq.s32 s10, $0x1;
	s10 =	sld [smem:$0x3FBB]  }
0x3d: {  	_ =	shalt  }
0x3e: {  	_ =	shalt  }
0x3f: {  	_ =	shalt  }
0x40: {  	_ =	shalt  }
0x41: {  	_ =	shalt  }
0x42: {  	_ =	shalt  }
0x43: {  	_ =	shalt  }
0x44: {  	_ =	shalt  }
0x45: {  	_ =	shalt  }
0x46: {  	_ =	shalt  }
0x47: {  	_ =	shalt  }
0x48: {  	_ =	shalt  }
0x49: {  	_ =	shalt  }
0x4a: {  	_ =	shalt  }
0x4b: {  	_ =	shalt  }
0x4c: {  	_ =	shalt  }
0x4d: {  	_ =	shalt  }
0x4e: {  	_ =	shalt  }
0x4f: {  	_ =	shalt  }
0x50: {  	_ =	shalt  }
0x51: {  	_ =	shalt  }
0x52: {  	_ =	shalt  }
0x53: {  	_ =	shalt  }
0x54: {  	_ =	shalt  }
0x55: {  	_ =	shalt  }
0x56: {  	_ =	shalt  }
0x57: {  	_ =	shalt  }
0x58: {  	_ =	shalt  }
0x59: {  	_ =	shalt  }
0x5a: {  	_ =	shalt  }
0x5b: {  	_ =	shalt  }
0x5c: {  	_ =	shalt  }
0x5d: {  	_ =	shalt  }
0x5e: {  	_ =	shalt  }
0x5f: {  	_ =	shalt  }
0x60: {  	_ =	shalt  }
0x61: {  	_ =	shalt  }
0x62: {  	_ =	shalt  }
0x63: {  	_ =	shalt  }
0x64: {  	_ =	shalt  }
0x65: {  	_ =	shalt  }
0x66: {  	_ =	shalt  }
0x67: {  	_ =	shalt  }
0x68: {  	_ =	shalt  }
0x69: {  	_ =	shalt  }
0x6a: {  	_ =	shalt  }
0x6b: {  	_ =	shalt  }
0x6c: {  	_ =	shalt  }
0x6d: {  	_ =	shalt  }
0x6e: {  	_ =	shalt  }
0x6f: {  	_ =	shalt  }
0x70: {  	_ =	shalt  }
0x71: {  	_ =	shalt  }
0x72: {  	_ =	shalt  }
0x73: {  	_ =	shalt  }
0x74: {  	_ =	shalt  }
0x75: {  	_ =	shalt  }
0x76: {  	_ =	shalt  }
0x77: {  	_ =	shalt  }
0x78: {  	_ =	shalt  }
0x79: {  	_ =	shalt  }
0x7a: {  	_ =	shalt  }
0x7b: {  	_ =	shalt  }
0x7c: {  	_ =	shalt  }
0x7d: {  	_ =	shalt  }
0x7e: {  	_ =	shalt  }
0x7f: {  	_ =	shalt  }
0x80: {  	_ =	shalt  }
0x81: {  	_ =	shalt  }
0x82: {  	_ =	shalt  }
0x83: {  	_ =	shalt  }
0x84: {  	_ =	shalt  }
0x85: {  	_ =	shalt  }
0x86: {  	_ =	shalt  }
0x87: {  	_ =	shalt  }
.Lfunc_end0:
.L_simem_size_0:
called_computation_lowered:
.L_overlay_start_0:
0x88: {  	s2 =	sld [smem:$0x3FD9]  }
0x89: {  	s3 =	sld [smem:$0x3FFE];
	_ =	sdelay $0x1  }
0x8a: {  	s1 =	srdreg.scid  }
0x8b: {  	s0 =	sand.u32 $0x1, s1  }
0x8c: {  	s18 =	sshll.u32 s0, $0xA;
	s2 =	sadd.s32 s3, s2  }
0x8d: {  	s2 =	sadd.s32 s2, s18  }
0x8e: {  	[smem:$0x3FC7] =	sst s2  }
0x8f: {  	_ = 	snop  }
0x90: {  	s2 =	sld [smem:$0x3FC9]  }
0x91: {  	s19 =	sld [smem:$0x3FD0];
	(tm) =	ssettm $0x1  }
0x92: {  	s4 =	sld [smem:$0x3FFB];
	_ =	sdelay $0x3  }
0x93: {  	_ =	strace s4  }
0x94: {  	s4 =	sld [smem:$0x3FFC];
	_ =	sdelay $0x3  }
0x95: {  	_ =	strace s4  }
0x96: {  	s4 =	sld [smem:$0x3FFD];
	_ =	sdelay $0x3  }
0x97: {  	_ =	strace s4  }
0x98: {  	_ =	strace $0x8FFFFFFF  }
0x99: {  	s20 =	sld [smem:$0x3FDB];
	_ =	sdelay $0x1  }
0x9a: {  	s5 =	simm.s32 $_scs_section_size  }
0x9b: {  	s6 =	simm.s32 $_size__tile_overlayer_lowered;
	s7 =	simm.s32 $_tile_overlayer_lowered  }
0x9c: {  	s23 =	simm.s32 $0x1BFF;
	s22 =	sshll.u32 s7, $0x1;
	s4 =	sadd.s32 s5, s20  }
0x9d: {  	s8 =	simm.s32 $0x0;
	s21 =	sshll.u32 s6, $0x1;
	s6 =	sadd.s32 s22, s4  }
0x9e: {  	[timem:s8], [sflag:s23] =	dma.local [hbm:s6], s21  }
0x9f: {  	_ =	swait.ge [sflag:s23], s21  }
0xa0: {  	s5 =	ssub.s32 $0x0, s21;
	[sflag:s23] =	ssyncset.done $0x0  }
0xa1: {  	[sflag:s23] =	ssyncadd.s32 s5;
	_ =	sdelay $0x1  }
0xa2: {  	s24 =	simm.s32 $0x1B8B  }
0xa3: {  	_ =	swait.ge [sflag:s24], $0x1  }
0xa4: {  	[sflag:s24] =	ssyncset.done $0x0  }
0xa5: {  	s25 =	simm.s32 $0x1B8E;
	[sflag:s24] =	ssyncadd.s32 $0xFFFFFFFF  }
0xa6: {  	s26 =	simm.s32 $execute0_lowered;
	[smem:$0x3FD2] =	sst s25  }
0xa7: {  	s5 =	sshll.u32 s26, $0x1;
	_ =	strace $0x80000046;
	[dreg:$0x1] =	wrdreg $0xFFFFFFFF  }
0xa8: {  	s28 =	simm.s32 $_size_execute0_lowered;
	s4 =	sadd.s32 s4, s5;
	[dreg:$0x0] =	wrdreg $0x0  }
0xa9: {  	s5 =	sshll.u32 s28, $0x1;
	[dreg:$0x2] =	wrdreg s4  }
0xaa: {  	[dreg:$0x3] =	wrdreg s5  }
0xab: {  	[dreg:$0x4] =	wrdreg $0xC0  }
0xac: {  	_ =	task [dreg:s8], $0x5FFFF  }
0xad: {  	[dreg:$0x1] =	wrdreg $0xFFFFFFFF  }
0xae: {  	[dreg:$0x0] =	wrdreg $0x60  }
0xaf: {  	[dreg:$0x2] =	wrdreg s2  }
0xb0: {  	[dreg:$0x3] =	wrdreg s19  }
0xb1: {  	[dreg:$0x4] =	wrdreg $0x9  }
0xb2: {  	_ =	task.clear_ibuf [dreg:s8], $0x5FFFF;
	_ =	strace $0x90000046  }
0xb3: {  	s29 =	simm.s32 $0x9;
	_ =	strace $0x80000048  }
0xb4: {  	_ =	swait.ge [sflag:s29], $0x1  }
0xb5: {  	[sflag:s29] =	ssyncadd.s32 $0xFFFFFFFF  }
0xb6: {  	_ =	strace $0x90000048  }
0xb7: {  	_ =	sfence  }
0xb8: {  	s30 =	sld [smem:$0x0];
	_ =	sdelay $0x2  }
0xb9: {  	s31 =	sshll.u32 s1, $0xD;
	s1 =	sshrl.u32 s1, $0x2  }
0xba: {  	s3 =	sand.u32 $0x4000, s31;
	s1 =	sadd.s32 s1, s30  }
0xbb: {  	s0 =	sor.u32 s3, s0;
	s1 =	sshll.u32 s1, $0x11  }
0xbc: {  	s0 =	sor.u32 s1, s0  }
0xbd: {  	s0 =	sadd.s32 $0x8F2B, s0  }
0xbe: {  	[sflag:s0] =	ssyncadd.remote.s32 $0x1  }
0xbf: {  	_ =	sfence.sel $0xFFFF  }
0xc0: {  	[dreg:$0x0] =	wrdreg $0xFFFFFFFF;
	(pc) =	sbr.abs _section_cstart, $3  }
0xc1: {  	[dreg:$0x1] =	wrdreg $0xFFFFFFFF  }
0xc2: {  	_ =	task.clear_ibuf [dreg:s8], $0x2FFFF;
	_ =	strace $0x9FFFFFFF  }
0xc3: {  	(tm) =	ssettm $0x7FFFFFFF  }
tec
execute0_lowered:
.L_overlay_start_1:
0x0: {  	(tag) =	ssettag $0x1  }
0x1: {  	s0 =	srdreg.scid;
	s1 =	stileid.u32  }
0x2: {  	s0 =	sand.u32 $0x1, s0;
	s1 =	sshll.u32 s1, $0x1  }
0x3: {  	s4 =	sor.u32 s0, s1  }
0x4: {  	s3 =	rddreg [dreg:$0x0];
	s1 =	smul.u32 $0xD8000, s4  }
0x5: {  	s5 =	rddreg [dreg:$0x1]  }
0x6: {  	s2 =	simm.s32 $0x0;
	s4 =	sshll.u32 s4, $0x1;
	s1 =	sshrl.u32 s1, $0x3  }
0x7: {  	[smem:$0x7FF] =	sst s2;
	s17 =	sadd.s32 s5, s4;
	s1 =	sadd.s32 s3, s1  }
0x8: {  	_ =	strace $0x80000047;
	[dreg:$0x17] =	wrdreg s17;
	s3 =	sadd.s32 $0x2880, s1  }
0x9: {  	s23 =	sadd.s32 $0x7080, s1;
	[dreg:$0x3] =	wrdreg s3  }
0xa: {  	s24 =	sadd.s32 $0xB880, s1;
	[dreg:$0x4] =	wrdreg s23  }
0xb: {  	s25 =	sadd.s32 $0x2D00, s1;
	[dreg:$0x5] =	wrdreg s24  }
0xc: {  	s26 =	sadd.s32 $0x7500, s1;
	[dreg:$0x6] =	wrdreg s25  }
0xd: {  	s28 =	sadd.s32 $0xBD00, s1;
	[dreg:$0x7] =	wrdreg s26  }
0xe: {  	s29 =	sadd.s32 $0x3180, s1;
	[dreg:$0x8] =	wrdreg s28  }
0xf: {  	s30 =	sadd.s32 $0x7980, s1;
	[dreg:$0x9] =	wrdreg s29  }
0x10: {  	s31 =	sadd.s32 $0xC180, s1;
	[dreg:$0xa] =	wrdreg s30  }
0x11: {  	s6 =	sadd.s32 $0x3600, s1;
	[dreg:$0xb] =	wrdreg s31  }
0x12: {  	s7 =	sadd.s32 $0x7E00, s1;
	[dreg:$0xc] =	wrdreg s6  }
0x13: {  	s8 =	sadd.s32 $0xC600, s1;
	[dreg:$0xd] =	wrdreg s7  }
0x14: {  	s9 =	sadd.s32 $0x3A80, s1;
	[dreg:$0xe] =	wrdreg s8  }
0x15: {  	s10 =	sadd.s32 $0x8280, s1;
	[dreg:$0xf] =	wrdreg s9  }
0x16: {  	s11 =	sadd.s32 $0xCA80, s1;
	[dreg:$0x10] =	wrdreg s10  }
0x17: {  	s12 =	sadd.s32 $0x3F00, s1;
	[dreg:$0x11] =	wrdreg s11  }
0x18: {  	s13 =	sadd.s32 $0x8700, s1;
	[dreg:$0x12] =	wrdreg s12  }
0x19: {  	s14 =	sadd.s32 $0xCF00, s1;
	[dreg:$0x13] =	wrdreg s13  }
0x1a: {  	s16 =	sadd.s32 $0x8B80, s1;
	[dreg:$0x14] =	wrdreg s14  }
0x1b: {  	s0 =	ssub.s32 $0x2, s0;
	s18 =	sadd.s32 $0xD380, s1;
	[dreg:$0x16] =	wrdreg s16  }
0x1c: {  	v0 =	vimm.s32 $0x76543210;
	s15 =	sshrl.u32 s0, $0x1;
	s19 =	sadd.s32 $0x10080, s1;
	[dreg:$0x18] =	wrdreg s18  }
0x1d: {  	v1 =	vimm.s32 $0xFEDCBA98;
	v2 =	vimm.s32 $0xBA98FEDC;
	s0 =	ssub.s32 s0, s15;
	s20 =	sadd.s32 $0x14880, s1;
	[dreg:$0x19] =	wrdreg s19  }
0x1e: {  	v3 =	vimm.s32 $0x32107654;
	v4 =	vimm.s32 $0xDCFE98BA;
	s17 =	simm.s32 $0x2400;
	s21 =	sadd.s32 $0x19080, s1;
	[dreg:$0x1a] =	wrdreg s20  }
0x1f: {  	v5 =	vimm.s32 $0x54761032;
	v6 =	vimm.s32 $0xEFCDAB89;
	s22 =	sadd.s32 $0x10500, s1;
	s15 =	sadd.s32 $0x1AB80, s1;
	[dreg:$0x1b] =	wrdreg s21  }
0x20: {  	v7 =	vimm.s32 $0x67452301;
	vm2 =	vcmask $0x1F10;
	vm0 =	vcmask $0x330;
	s6 =	sadd.s32 $0x4380, s1;
	[dreg:$0x1c] =	wrdreg s22;
	s23 =	sadd.s32 $0x14D00, s1  }
0x21: {  	vm1 =	vcmask $0x730;
	vm3 =	vcmask $0xB30;
	vm4 =	vcmask $0x2330;
	s24 =	sadd.s32 $0x19500, s1;
	s25 =	sadd.s32 $0x10980, s1;
	s26 =	sadd.s32 $0x15180, s1  }
0x22: {  	vm5 =	vcmask $0x2730;
	vm6 =	vcmask $0x2B30;
	v0 =	vunpack.c.l.s4.s8 v0;
	s28 =	sadd.s32 $0x19980, s1;
	s29 =	sadd.s32 $0x10E00, s1;
	[dreg:$0x15] =	wrdreg s6  }
0x23: {  	v1 =	vunpack.c.l.s4.s8 v1;
	v2 =	vunpack.c.l.s4.s8 v2;
	v3 =	vunpack.c.l.s4.s8 v3;
	s30 =	sadd.s32 $0x15600, s1;
	s31 =	sadd.s32 $0x19E00, s1;
	[dreg:$0x1d] =	wrdreg s23  }
0x24: {  	v4 =	vunpack.c.l.s4.s8 v4;
	v5 =	vunpack.c.l.s4.s8 v5;
	v6 =	vunpack.c.l.s4.s8 v6;
	s7 =	sadd.s32 $0x11280, s1;
	s8 =	sadd.s32 $0x15A80, s1;
	[dreg:$0x1e] =	wrdreg s24  }
0x25: {  	v7 =	vunpack.c.l.s4.s8 v7;
	vm0 =	vmor vm0, vm2;
	v2 =	vunpack.c.0.s8.s32 v2;
	s9 =	sadd.s32 $0x1A280, s1;
	s10 =	sadd.s32 $0x11700, s1;
	[dreg:$0x1f] =	wrdreg s25  }
0x26: {  	v3 =	vunpack.c.0.s8.s32 v3;
	v4 =	vunpack.c.0.s8.s32 v4;
	v5 =	vunpack.c.0.s8.s32 v5;
	s11 =	sadd.s32 $0x15F00, s1;
	s12 =	sadd.s32 $0x1A700, s1;
	[smem:$0x7F9] =	sst s26  }
0x27: {  	v1 =	vunpack.c.0.s8.s32 v1;
	v6 =	vunpack.c.0.s8.s32 v6;
	v7 =	vunpack.c.0.s8.s32 v7;
	s13 =	sadd.s32 $0x11B80, s1;
	s14 =	sadd.s32 $0x16380, s1;
	[smem:$0x7FA] =	sst s28  }
0x28: {  	vm1 =	vmor vm1, vm2;
	v0 =	vunpack.c.0.s8.s32 v0;
	v2 =	vcombine.low v3, v2;
	s16 =	smax.u32 s0, $0x1;
	s18 =	simm.s32 $0x4800;
	[smem:$0x7FB] =	sst s29  }
0x29: {  	v3 =	vcombine.low v5, v4;
	v4 =	vcombine.low v7, v6;
	v1 =	vand.u32 $0xF, v1;
	s19 =	simm.s32 $0x6C00;
	s20 =	simm.s32 $0x9000;
	[smem:$0x7FC] =	sst s30  }
0x2a: {  	vm2 =	vmor vm3, vm2;
	vm3 =	vcmask $0x1F30;
	v0 =	vcombine.low v1, v0;
	s21 =	simm.s32 $0xB400;
	s22 =	simm.s32 $0x1;
	[smem:$0x7FD] =	sst s31  }
0x2b: {  	v1 =	vand.u32 $0xF, v2;
	v2 =	vand.u32 $0xF, v3;
	v3 =	vand.u32 $0xF, v4;
	s23 =	simm.s32 $0x2;
	s24 =	simm.s32 $0x3;
	s25 =	simm.s32 $0x0  }
.LBB2_1:
0x2c: {  	s0 =	rddreg [dreg:$0x3]  }
0x2d: {  	[tilespmem:s2], [sflag:$0x1] =	stream.linear.gather [hbm4b:s0+s2], $0x2400, $0x38;
	[tilespmem:$0xD880] =	vst v63  }
0x2e: {  	s26 =	rddreg [dreg:$0x4]  }
0x2f: {  	[tilespmem:s17], [sflag:$0x1] =	stream.linear.gather [hbm4b:s26+s2], $0x2400, $0x38;
	[tilespmem:$0xD880] =	vst v63  }
0x30: {  	s28 =	rddreg [dreg:$0x5]  }
0x31: {  	[tilespmem:s18], [sflag:$0x1] =	stream.linear.gather [hbm4b:s28+s2], $0x2400, $0x38;
	[tilespmem:$0xD880] =	vst v63  }
0x32: {  	s29 =	rddreg [dreg:$0x6]  }
0x33: {  	[tilespmem:s19], [sflag:$0x2] =	stream.linear.gather [hbm4b:s29+s2], $0x2400, $0x38;
	[tilespmem:$0xD880] =	vst v63  }
0x34: {  	s30 =	rddreg [dreg:$0x7]  }
0x35: {  	[tilespmem:s20], [sflag:$0x2] =	stream.linear.gather [hbm4b:s30+s2], $0x2400, $0x38;
	[tilespmem:$0xD880] =	vst v63  }
0x36: {  	s31 =	rddreg [dreg:$0x8]  }
0x37: {  	[tilespmem:s21], [sflag:$0x2] =	stream.linear.gather [hbm4b:s31+s2], $0x2400, $0x38;
	[tilespmem:$0xD880] =	vst v63  }
0x38: {  	_ =	swait.ge [sflag:s22], $0x2400  }
0x39: {  	[sflag:s22] =	ssyncset.done $0x0  }
0x3a: {  	[sflag:s22] =	ssyncadd.s32 $0xFFFFDC00  }
0x3b: {  	_ =	swait.ge [sflag:s22], $0x2400  }
0x3c: {  	[sflag:s22] =	ssyncset.done $0x0  }
0x3d: {  	[sflag:s22] =	ssyncadd.s32 $0xFFFFDC00  }
0x3e: {  	_ =	swait.ge [sflag:s22], $0x2400  }
0x3f: {  	v4 =	vimm.f32 $0.0e+00;
	[sflag:s22] =	ssyncset.done $0x0  }
0x40: {  	v5 =	vimm.f32 $0.0e+00;
	v6 =	vimm.f32 $0.0e+00;
	v7 =	vimm.f32 $0.0e+00;
	s26 =	simm.s32 $0x0;
	[sflag:s22] =	ssyncadd.s32 $0xFFFFDC00  }
.LBB2_2:
0x41: {  	s0 =	sshrl.u32 s26, $0x3;
	s1 =	sshll.u32 s26, $0x7  }
0x42: {  	s5 =	simm.s32 $0x0;
	s28 =	smul.u32 $0xC00, s0;
	s29 =	sand.u32 $0x380, s1  }
0x43: {  	s6 =	sand.u32 $0x60, s5;
	s0 =	sand.u32 $0xC00, s5;
	s30 =	sor.u32 $0x10, s29  }
0x44: {  	s0 =	sadd.s32 s28, s0;
	s3 =	sor.u32 s30, s6  }
0x45: {  	s1 =	sor.u32 s29, s6;
	s3 =	sor.u32 s0, s3  }
0x46: {  	s0 =	sor.u32 s0, s1;
	v8 =	vld [tilespmem:s3+$0x4800]  }
0x47: {  	v9 =	vld [tilespmem:s0+$0x2400]  }
0x48: {  	v11 =	vld [tilespmem:s3+$0x2400]  }
0x49: {  	v10 =	vld [tilespmem:s0+$0x4800];
	_ =	sdelay $0x1  }
0x4a: {  	v14 =	vld [tilespmem:s0+$0x0]  }
0x4b: {  	v12 =	vadd.f32 $1.000000010e-01, v9  }
0x4c: {  	s4 =	simm.s32 $0x20;
	s31 =	simm.s32 $0x100;
	v13 =	vld [tilespmem:s3+$0x0]  }
0x4d: {  	s5 =	sand.u32 $0xC00, s31;
	s0 =	sand.u32 $0x60, s4;
	v15 =	vadd.f32 $1.000000010e-01, v11;
	vm7 =	vgt.f32 v8, $2.000000030e-01;
	v12 =	vmax.f32 v12, v10  }
0x4e: {  	s4 =	sadd.s32 s28, s5;
	s6 =	sor.u32 s30, s0;
	vm9 =	vgt.f32 v10, $2.000000030e-01;
	vm8 =	vgt.f32 v11, $2.800000010e-01;
	v12 =	vmax.f32 v12, $4.000000060e-01  }
0x4f: {  	s0 =	sor.u32 s29, s0;
	s1 =	sor.u32 s4, s6;
	vm11 =	vgt.f32 v9, $2.800000010e-01;
	v15 =	vmax.f32 v15, v8;
	vm10 =	vgt.f32 v14, v12  }
0x50: {  	s3 =	sor.u32 s4, s0;
	s0 =	simm.s32 $0x40;
	v15 =	vmax.f32 v15, $4.000000060e-01;
	v12 =	vld [tilespmem:s1+$0x4800];
	v14 =	vadd.f32 v14, v7;
	vm10 =	vmand vm11, vm10  }
.LBB2_3:
0x51: {  	p0 =	sne.s32 s0, $0x160;
	vm9 =	vmand vm9, vm10;
	v16 =	vadd.f32 v9, v6;
	v9 =	vld [tilespmem:s3+$0x2400];
	vm10 =	vgt.f32 v13, v15  }
0x52: {  	v17 =	vadd.f32 $1.000000000e+00, v4;
	v15 =	vld [tilespmem:s1+$0x2400];
	v7 =	vsel vm9, v14, v7;
	v14 =	vadd.f32 v10, v5  }
0x53: {  	vm8 =	vmand vm8, vm10;
	v10 =	vld [tilespmem:s3+$0x4800];
	v6 =	vsel vm9, v16, v6;
	v13 =	vadd.f32 v7, v13  }
0x54: {  	v4 =	vsel vm9, v17, v4;
	v5 =	vsel vm9, v14, v5;
	v18 =	vadd.f32 v6, v11  }
0x55: {  	vm7 =	vmand vm7, vm8;
	v17 =	vadd.f32 $1.000000000e+00, v4;
	v14 =	vld [tilespmem:s3+$0x0];
	v16 =	vadd.f32 v5, v8;
	v8 =	vmovc v12  }
0x56: {  	v7 =	vsel vm7, v13, v7;
	v12 =	vadd.f32 $1.000000010e-01, v9  }
.Ltmp0:
0x57: {  	s31 =	sadd.s32 $0x100, s31;
	v6 =	vsel vm7, v18, v6;
	v4 =	vsel vm7, v17, v4;
	v13 =	vld [tilespmem:s1+$0x0];
	v5 =	vsel vm7, v16, v5;
	v11 =	vmovc v15;
	(pc) =	sbr.rel @p0 .LBB2_3-.Ltmp0, $4  }
0x58: {  	s3 =	sand.u32 $0xC00, s31;
	s1 =	sand.u32 $0x60, s0;
	vm7 =	vgt.f32 v8, $2.000000030e-01;
	v12 =	vmax.f32 v12, v10;
	v15 =	vadd.f32 $1.000000010e-01, v11  }
0x59: {  	s3 =	sadd.s32 s28, s3;
	s4 =	sor.u32 s30, s1;
	vm9 =	vgt.f32 v10, $2.000000030e-01;
	vm8 =	vgt.f32 v11, $2.800000010e-01;
	v12 =	vmax.f32 v12, $4.000000060e-01  }
0x5a: {  	vm11 =	vgt.f32 v9, $2.800000010e-01;
	s5 =	sor.u32 s29, s1;
	s1 =	sor.u32 s3, s4;
	vm10 =	vgt.f32 v14, v12;
	v15 =	vmax.f32 v15, v8  }
0x5b: {  	s0 =	sadd.s32 $0x20, s0;
	s3 =	sor.u32 s3, s5;
	v14 =	vadd.f32 v14, v7;
	v12 =	vld [tilespmem:s1+$0x4800];
	vm10 =	vmand vm11, vm10;
	v15 =	vmax.f32 v15, $4.000000060e-01  }
0x5c: {  	v16 =	vld [tilespmem:s3+$0x2400];
	vm9 =	vmand vm9, vm10;
	v9 =	vadd.f32 v9, v6;
	vm12 =	vgt.f32 v13, v15  }
0x5d: {  	v50 =	vld [tilespmem:s1+$0x2400];
	v10 =	vadd.f32 v10, v5;
	v51 =	vadd.f32 $1.000000000e+00, v4;
	v7 =	vsel vm9, v14, v7  }
0x5e: {  	v17 =	vld [tilespmem:s3+$0x4800];
	vm8 =	vmand vm8, vm12;
	v6 =	vsel vm9, v9, v6;
	v52 =	vadd.f32 v7, v13  }
0x5f: {  	v5 =	vsel vm9, v10, v5;
	v4 =	vsel vm9, v51, v4;
	v53 =	vadd.f32 v6, v11  }
0x60: {  	v54 =	vld [tilespmem:s3+$0x0];
	vm7 =	vmand vm7, vm8;
	v8 =	vadd.f32 v5, v8;
	v55 =	vadd.f32 $1.000000000e+00, v4  }
0x61: {  	v7 =	vsel vm7, v52, v7;
	v56 =	vadd.f32 $1.000000010e-01, v16  }
0x62: {  	v6 =	vsel vm7, v53, v6;
	v5 =	vsel vm7, v8, v5;
	v4 =	vsel vm7, v55, v4  }
0x63: {  	v57 =	vld [tilespmem:s1+$0x0];
	v58 =	vadd.f32 $1.000000010e-01, v50;
	vm7 =	vgt.f32 v12, $2.000000030e-01;
	v8 =	vmax.f32 v56, v17  }
0x64: {  	vm8 =	vgt.f32 v17, $2.000000030e-01;
	vm13 =	vgt.f32 v50, $2.800000010e-01;
	v8 =	vmax.f32 v8, $4.000000060e-01  }
0x65: {  	vm11 =	vgt.f32 v16, $2.800000010e-01;
	v59 =	vadd.f32 v54, v7;
	vm14 =	vgt.f32 v54, v8  }
0x66: {  	v60 =	vadd.f32 v16, v6;
	v8 =	vmax.f32 v58, v12;
	vm10 =	vmand vm11, vm14  }
0x67: {  	s26 =	sadd.s32 $0x1, s26;
	v61 =	vadd.f32 $1.000000000e+00, v4;
	v8 =	vmax.f32 v8, $4.000000060e-01;
	vm8 =	vmand vm8, vm10  }
0x68: {  	p0 =	sne.s32 s26, $0x18;
	vm15 =	vgt.f32 v57, v8;
	v8 =	vadd.f32 v17, v5;
	v7 =	vsel vm8, v59, v7  }
.Ltmp1:
0x69: {  	v6 =	vsel vm8, v60, v6;
	vm9 =	vmand vm13, vm15;
	v4 =	vsel vm8, v61, v4;
	(pc) =	sbr.rel @p0 .LBB2_2-.Ltmp1, $4  }
0x6a: {  	v9 =	vadd.f32 v7, v57;
	v5 =	vsel vm8, v8, v5;
	v8 =	vadd.f32 v6, v50  }
0x6b: {  	vm7 =	vmand vm7, vm9;
	v63 =	vadd.f32 $1.000000000e+00, v4;
	v62 =	vadd.f32 v5, v12  }
0x6c: {  	v7 =	vsel vm7, v9, v7  }
0x6d: {  	v6 =	vsel vm7, v8, v6;
	v4 =	vsel vm7, v63, v4;
	v5 =	vsel vm7, v62, v5  }
0x6e: {  	s26 =	simm.s32 $0x0;
	s0 =	rddreg [dreg:$0x9]  }
0x6f: {  	[tilespmem:s26], [sflag:$0x1] =	stream.linear.gather [hbm4b:s0+s26], $0x2400, $0x38;
	[tilespmem:$0xD880] =	vst v63  }
0x70: {  	s30 =	rddreg [dreg:$0xa]  }
0x71: {  	[tilespmem:s17], [sflag:$0x1] =	stream.linear.gather [hbm4b:s30+s26], $0x2400, $0x38;
	[tilespmem:$0xD880] =	vst v63  }
0x72: {  	s31 =	rddreg [dreg:$0xb]  }
0x73: {  	[tilespmem:s18], [sflag:$0x1] =	stream.linear.gather [hbm4b:s31+s26], $0x2400, $0x38;
	[tilespmem:$0xD880] =	vst v63  }
0x74: {  	_ =	swait.ge [sflag:s23], $0x2400  }
0x75: {  	[sflag:s23] =	ssyncset.done $0x0  }
0x76: {  	[sflag:s23] =	ssyncadd.s32 $0xFFFFDC00  }
0x77: {  	_ =	swait.ge [sflag:s23], $0x2400  }
0x78: {  	[sflag:s23] =	ssyncset.done $0x0  }
0x79: {  	[sflag:s23] =	ssyncadd.s32 $0xFFFFDC00  }
0x7a: {  	_ =	swait.ge [sflag:s23], $0x2400  }
0x7b: {  	[sflag:s23] =	ssyncset.done $0x0  }
0x7c: {  	s28 =	simm.s32 $0x0;
	[sflag:s23] =	ssyncadd.s32 $0xFFFFDC00  }
.LBB2_6:
0x7d: {  	s0 =	sshrl.u32 s28, $0x3;
	s1 =	sshll.u32 s28, $0x7  }
0x7e: {  	s29 =	smul.u32 $0xC00, s0;
	s30 =	sand.u32 $0x380, s1  }
0x7f: {  	s6 =	sand.u32 $0x60, s26;
	s4 =	sand.u32 $0xC00, s26;
	s31 =	sor.u32 $0x10, s30  }
0x80: {  	s1 =	sadd.s32 s29, s4;
	s3 =	sor.u32 s31, s6  }
0x81: {  	s0 =	sor.u32 s30, s6;
	s3 =	sor.u32 s1, s3  }
0x82: {  	s0 =	sor.u32 s1, s0;
	v8 =	vld [tilespmem:s3+$0xB400]  }
0x83: {  	v9 =	vld [tilespmem:s0+$0x9000]  }
0x84: {  	v11 =	vld [tilespmem:s3+$0x9000]  }
0x85: {  	v10 =	vld [tilespmem:s0+$0xB400];
	_ =	sdelay $0x1  }
0x86: {  	v14 =	vld [tilespmem:s0+$0x6C00]  }
0x87: {  	v12 =	vadd.f32 $1.000000010e-01, v9  }
0x88: {  	s5 =	simm.s32 $0x20;
	s1 =	simm.s32 $0x100;
	v13 =	vld [tilespmem:s3+$0x6C00]  }
0x89: {  	s0 =	sand.u32 $0x60, s5;
	s4 =	sand.u32 $0xC00, s1;
	v15 =	vadd.f32 $1.000000010e-01, v11;
	vm7 =	vgt.f32 v8, $2.000000030e-01;
	v12 =	vmax.f32 v12, v10  }
0x8a: {  	s4 =	sadd.s32 s29, s4;
	s5 =	sor.u32 s31, s0;
	vm9 =	vgt.f32 v10, $2.000000030e-01;
	vm8 =	vgt.f32 v11, $2.800000010e-01;
	v12 =	vmax.f32 v12, $4.000000060e-01  }
0x8b: {  	s6 =	sor.u32 s30, s0;
	s0 =	sor.u32 s4, s5;
	vm11 =	vgt.f32 v9, $2.800000010e-01;
	v15 =	vmax.f32 v15, v8;
	vm10 =	vgt.f32 v14, v12  }
0x8c: {  	s3 =	simm.s32 $0x40;
	s4 =	sor.u32 s4, s6;
	v15 =	vmax.f32 v15, $4.000000060e-01;
	v12 =	vld [tilespmem:s0+$0xB400];
	v14 =	vadd.f32 v14, v7;
	vm10 =	vmand vm11, vm10  }
.LBB2_7:
0x8d: {  	p0 =	sne.s32 s3, $0x160;
	vm9 =	vmand vm9, vm10;
	v16 =	vadd.f32 v9, v6;
	v9 =	vld [tilespmem:s4+$0x9000];
	vm10 =	vgt.f32 v13, v15  }
0x8e: {  	v17 =	vadd.f32 $1.000000000e+00, v4;
	v15 =	vld [tilespmem:s0+$0x9000];
	v7 =	vsel vm9, v14, v7;
	v14 =	vadd.f32 v10, v5  }
0x8f: {  	vm8 =	vmand vm8, vm10;
	v10 =	vld [tilespmem:s4+$0xB400];
	v6 =	vsel vm9, v16, v6;
	v13 =	vadd.f32 v7, v13  }
0x90: {  	v4 =	vsel vm9, v17, v4;
	v5 =	vsel vm9, v14, v5;
	v18 =	vadd.f32 v6, v11  }
0x91: {  	vm7 =	vmand vm7, vm8;
	v17 =	vadd.f32 $1.000000000e+00, v4;
	v14 =	vld [tilespmem:s4+$0x6C00];
	v16 =	vadd.f32 v5, v8;
	v8 =	vmovc v12  }
0x92: {  	v7 =	vsel vm7, v13, v7;
	v12 =	vadd.f32 $1.000000010e-01, v9  }
.Ltmp2:
0x93: {  	s1 =	sadd.s32 $0x100, s1;
	v6 =	vsel vm7, v18, v6;
	v4 =	vsel vm7, v17, v4;
	v13 =	vld [tilespmem:s0+$0x6C00];
	v5 =	vsel vm7, v16, v5;
	v11 =	vmovc v15;
	(pc) =	sbr.rel @p0 .LBB2_7-.Ltmp2, $4  }
0x94: {  	s4 =	sand.u32 $0xC00, s1;
	s0 =	sand.u32 $0x60, s3;
	vm7 =	vgt.f32 v8, $2.000000030e-01;
	v12 =	vmax.f32 v12, v10;
	v15 =	vadd.f32 $1.000000010e-01, v11  }
0x95: {  	s4 =	sadd.s32 s29, s4;
	s5 =	sor.u32 s31, s0;
	vm9 =	vgt.f32 v10, $2.000000030e-01;
	vm8 =	vgt.f32 v11, $2.800000010e-01;
	v12 =	vmax.f32 v12, $4.000000060e-01  }
0x96: {  	vm11 =	vgt.f32 v9, $2.800000010e-01;
	s6 =	sor.u32 s30, s0;
	s0 =	sor.u32 s4, s5;
	vm10 =	vgt.f32 v14, v12;
	v15 =	vmax.f32 v15, v8  }
0x97: {  	s3 =	sadd.s32 $0x20, s3;
	s4 =	sor.u32 s4, s6;
	v14 =	vadd.f32 v14, v7;
	v12 =	vld [tilespmem:s0+$0xB400];
	vm10 =	vmand vm11, vm10;
	v15 =	vmax.f32 v15, $4.000000060e-01  }
0x98: {  	v16 =	vld [tilespmem:s4+$0x9000];
	vm9 =	vmand vm9, vm10;
	v9 =	vadd.f32 v9, v6;
	vm12 =	vgt.f32 v13, v15  }
0x99: {  	v50 =	vld [tilespmem:s0+$0x9000];
	v10 =	vadd.f32 v10, v5;
	v51 =	vadd.f32 $1.000000000e+00, v4;
	v7 =	vsel vm9, v14, v7  }
0x9a: {  	v17 =	vld [tilespmem:s4+$0xB400];
	vm8 =	vmand vm8, vm12;
	v6 =	vsel vm9, v9, v6;
	v52 =	vadd.f32 v7, v13  }
0x9b: {  	v5 =	vsel vm9, v10, v5;
	v4 =	vsel vm9, v51, v4;
	v53 =	vadd.f32 v6, v11  }
0x9c: {  	v54 =	vld [tilespmem:s4+$0x6C00];
	vm7 =	vmand vm7, vm8;
	v8 =	vadd.f32 v5, v8;
	v55 =	vadd.f32 $1.000000000e+00, v4  }
0x9d: {  	v7 =	vsel vm7, v52, v7;
	v56 =	vadd.f32 $1.000000010e-01, v16  }
0x9e: {  	v6 =	vsel vm7, v53, v6;
	v5 =	vsel vm7, v8, v5;
	v4 =	vsel vm7, v55, v4  }
0x9f: {  	v57 =	vld [tilespmem:s0+$0x6C00];
	v58 =	vadd.f32 $1.000000010e-01, v50;
	vm7 =	vgt.f32 v12, $2.000000030e-01;
	v8 =	vmax.f32 v56, v17  }
0xa0: {  	vm8 =	vgt.f32 v17, $2.000000030e-01;
	vm13 =	vgt.f32 v50, $2.800000010e-01;
	v8 =	vmax.f32 v8, $4.000000060e-01  }
0xa1: {  	vm11 =	vgt.f32 v16, $2.800000010e-01;
	v59 =	vadd.f32 v54, v7;
	vm14 =	vgt.f32 v54, v8  }
0xa2: {  	v60 =	vadd.f32 v16, v6;
	v8 =	vmax.f32 v58, v12;
	vm10 =	vmand vm11, vm14  }
0xa3: {  	s28 =	sadd.s32 $0x1, s28;
	v61 =	vadd.f32 $1.000000000e+00, v4;
	v8 =	vmax.f32 v8, $4.000000060e-01;
	vm8 =	vmand vm8, vm10  }
0xa4: {  	p0 =	sne.s32 s28, $0x18;
	vm15 =	vgt.f32 v57, v8;
	v8 =	vadd.f32 v17, v5;
	v7 =	vsel vm8, v59, v7  }
.Ltmp3:
0xa5: {  	v6 =	vsel vm8, v60, v6;
	vm9 =	vmand vm13, vm15;
	v4 =	vsel vm8, v61, v4;
	(pc) =	sbr.rel @p0 .LBB2_6-.Ltmp3, $4  }
0xa6: {  	v9 =	vadd.f32 v7, v57;
	v5 =	vsel vm8, v8, v5;
	v8 =	vadd.f32 v6, v50  }
0xa7: {  	vm7 =	vmand vm7, vm9;
	v63 =	vadd.f32 $1.000000000e+00, v4;
	v62 =	vadd.f32 v5, v12  }
0xa8: {  	v7 =	vsel vm7, v9, v7  }
0xa9: {  	v6 =	vsel vm7, v8, v6;
	v4 =	vsel vm7, v63, v4;
	v5 =	vsel vm7, v62, v5  }
0xaa: {  	s26 =	simm.s32 $0x0;
	s0 =	rddreg [dreg:$0xc]  }
0xab: {  	[tilespmem:s19], [sflag:$0x2] =	stream.linear.gather [hbm4b:s0+s26], $0x2400, $0x38;
	[tilespmem:$0xD880] =	vst v63  }
0xac: {  	s30 =	rddreg [dreg:$0xd]  }
0xad: {  	[tilespmem:s20], [sflag:$0x2] =	stream.linear.gather [hbm4b:s30+s26], $0x2400, $0x38;
	[tilespmem:$0xD880] =	vst v63  }
0xae: {  	s31 =	rddreg [dreg:$0xe]  }
0xaf: {  	[tilespmem:s21], [sflag:$0x2] =	stream.linear.gather [hbm4b:s31+s26], $0x2400, $0x38;
	[tilespmem:$0xD880] =	vst v63  }
0xb0: {  	_ =	swait.ge [sflag:s22], $0x2400  }
0xb1: {  	[sflag:s22] =	ssyncset.done $0x0  }
0xb2: {  	[sflag:s22] =	ssyncadd.s32 $0xFFFFDC00  }
0xb3: {  	_ =	swait.ge [sflag:s22], $0x2400  }
0xb4: {  	[sflag:s22] =	ssyncset.done $0x0  }
0xb5: {  	[sflag:s22] =	ssyncadd.s32 $0xFFFFDC00  }
0xb6: {  	_ =	swait.ge [sflag:s22], $0x2400  }
0xb7: {  	[sflag:s22] =	ssyncset.done $0x0  }
0xb8: {  	s28 =	simm.s32 $0x0;
	[sflag:s22] =	ssyncadd.s32 $0xFFFFDC00  }
.LBB2_10:
0xb9: {  	s0 =	sshrl.u32 s28, $0x3;
	s1 =	sshll.u32 s28, $0x7  }
0xba: {  	s29 =	smul.u32 $0xC00, s0;
	s30 =	sand.u32 $0x380, s1  }
0xbb: {  	s6 =	sand.u32 $0x60, s26;
	s4 =	sand.u32 $0xC00, s26;
	s31 =	sor.u32 $0x10, s30  }
0xbc: {  	s1 =	sadd.s32 s29, s4;
	s3 =	sor.u32 s31, s6  }
0xbd: {  	s0 =	sor.u32 s30, s6;
	s3 =	sor.u32 s1, s3  }
0xbe: {  	s0 =	sor.u32 s1, s0;
	v8 =	vld [tilespmem:s3+$0x4800]  }
0xbf: {  	v9 =	vld [tilespmem:s0+$0x2400]  }
0xc0: {  	v11 =	vld [tilespmem:s3+$0x2400]  }
0xc1: {  	v10 =	vld [tilespmem:s0+$0x4800];
	_ =	sdelay $0x1  }
0xc2: {  	v14 =	vld [tilespmem:s0+$0x0]  }
0xc3: {  	v12 =	vadd.f32 $1.000000010e-01, v9  }
0xc4: {  	s5 =	simm.s32 $0x20;
	s1 =	simm.s32 $0x100;
	v13 =	vld [tilespmem:s3+$0x0]  }
0xc5: {  	s0 =	sand.u32 $0x60, s5;
	s4 =	sand.u32 $0xC00, s1;
	v15 =	vadd.f32 $1.000000010e-01, v11;
	vm7 =	vgt.f32 v8, $2.000000030e-01;
	v12 =	vmax.f32 v12, v10  }
0xc6: {  	s4 =	sadd.s32 s29, s4;
	s5 =	sor.u32 s31, s0;
	vm9 =	vgt.f32 v10, $2.000000030e-01;
	vm8 =	vgt.f32 v11, $2.800000010e-01;
	v12 =	vmax.f32 v12, $4.000000060e-01  }
0xc7: {  	s6 =	sor.u32 s30, s0;
	s0 =	sor.u32 s4, s5;
	vm11 =	vgt.f32 v9, $2.800000010e-01;
	v15 =	vmax.f32 v15, v8;
	vm10 =	vgt.f32 v14, v12  }
0xc8: {  	s3 =	simm.s32 $0x40;
	s4 =	sor.u32 s4, s6;
	v15 =	vmax.f32 v15, $4.000000060e-01;
	v12 =	vld [tilespmem:s0+$0x4800];
	v14 =	vadd.f32 v14, v7;
	vm10 =	vmand vm11, vm10  }
.LBB2_11:
0xc9: {  	p0 =	sne.s32 s3, $0x160;
	vm9 =	vmand vm9, vm10;
	v16 =	vadd.f32 v9, v6;
	v9 =	vld [tilespmem:s4+$0x2400];
	vm10 =	vgt.f32 v13, v15  }
0xca: {  	v17 =	vadd.f32 $1.000000000e+00, v4;
	v15 =	vld [tilespmem:s0+$0x2400];
	v7 =	vsel vm9, v14, v7;
	v14 =	vadd.f32 v10, v5  }
0xcb: {  	vm8 =	vmand vm8, vm10;
	v10 =	vld [tilespmem:s4+$0x4800];
	v6 =	vsel vm9, v16, v6;
	v13 =	vadd.f32 v7, v13  }
0xcc: {  	v4 =	vsel vm9, v17, v4;
	v5 =	vsel vm9, v14, v5;
	v18 =	vadd.f32 v6, v11  }
0xcd: {  	vm7 =	vmand vm7, vm8;
	v17 =	vadd.f32 $1.000000000e+00, v4;
	v14 =	vld [tilespmem:s4+$0x0];
	v16 =	vadd.f32 v5, v8;
	v8 =	vmovc v12  }
0xce: {  	v7 =	vsel vm7, v13, v7;
	v12 =	vadd.f32 $1.000000010e-01, v9  }
.Ltmp4:
0xcf: {  	s1 =	sadd.s32 $0x100, s1;
	v6 =	vsel vm7, v18, v6;
	v4 =	vsel vm7, v17, v4;
	v13 =	vld [tilespmem:s0+$0x0];
	v5 =	vsel vm7, v16, v5;
	v11 =	vmovc v15;
	(pc) =	sbr.rel @p0 .LBB2_11-.Ltmp4, $4  }
0xd0: {  	s4 =	sand.u32 $0xC00, s1;
	s0 =	sand.u32 $0x60, s3;
	vm7 =	vgt.f32 v8, $2.000000030e-01;
	v12 =	vmax.f32 v12, v10;
	v15 =	vadd.f32 $1.000000010e-01, v11  }
0xd1: {  	s4 =	sadd.s32 s29, s4;
	s5 =	sor.u32 s31, s0;
	vm9 =	vgt.f32 v10, $2.000000030e-01;
	vm8 =	vgt.f32 v11, $2.800000010e-01;
	v12 =	vmax.f32 v12, $4.000000060e-01  }
0xd2: {  	vm11 =	vgt.f32 v9, $2.800000010e-01;
	s6 =	sor.u32 s30, s0;
	s0 =	sor.u32 s4, s5;
	vm10 =	vgt.f32 v14, v12;
	v15 =	vmax.f32 v15, v8  }
0xd3: {  	s3 =	sadd.s32 $0x20, s3;
	s4 =	sor.u32 s4, s6;
	v14 =	vadd.f32 v14, v7;
	v12 =	vld [tilespmem:s0+$0x4800];
	vm10 =	vmand vm11, vm10;
	v15 =	vmax.f32 v15, $4.000000060e-01  }
0xd4: {  	v16 =	vld [tilespmem:s4+$0x2400];
	vm9 =	vmand vm9, vm10;
	v9 =	vadd.f32 v9, v6;
	vm12 =	vgt.f32 v13, v15  }
0xd5: {  	v50 =	vld [tilespmem:s0+$0x2400];
	v10 =	vadd.f32 v10, v5;
	v51 =	vadd.f32 $1.000000000e+00, v4;
	v7 =	vsel vm9, v14, v7  }
0xd6: {  	v17 =	vld [tilespmem:s4+$0x4800];
	vm8 =	vmand vm8, vm12;
	v6 =	vsel vm9, v9, v6;
	v52 =	vadd.f32 v7, v13  }
0xd7: {  	v5 =	vsel vm9, v10, v5;
	v4 =	vsel vm9, v51, v4;
	v53 =	vadd.f32 v6, v11  }
0xd8: {  	v54 =	vld [tilespmem:s4+$0x0];
	vm7 =	vmand vm7, vm8;
	v8 =	vadd.f32 v5, v8;
	v55 =	vadd.f32 $1.000000000e+00, v4  }
0xd9: {  	v7 =	vsel vm7, v52, v7;
	v56 =	vadd.f32 $1.000000010e-01, v16  }
0xda: {  	v6 =	vsel vm7, v53, v6;
	v5 =	vsel vm7, v8, v5;
	v4 =	vsel vm7, v55, v4  }
0xdb: {  	v57 =	vld [tilespmem:s0+$0x0];
	v58 =	vadd.f32 $1.000000010e-01, v50;
	vm7 =	vgt.f32 v12, $2.000000030e-01;
	v8 =	vmax.f32 v56, v17  }
0xdc: {  	vm8 =	vgt.f32 v17, $2.000000030e-01;
	vm13 =	vgt.f32 v50, $2.800000010e-01;
	v8 =	vmax.f32 v8, $4.000000060e-01  }
0xdd: {  	vm11 =	vgt.f32 v16, $2.800000010e-01;
	v59 =	vadd.f32 v54, v7;
	vm14 =	vgt.f32 v54, v8  }
0xde: {  	v60 =	vadd.f32 v16, v6;
	v8 =	vmax.f32 v58, v12;
	vm10 =	vmand vm11, vm14  }
0xdf: {  	s28 =	sadd.s32 $0x1, s28;
	v61 =	vadd.f32 $1.000000000e+00, v4;
	v8 =	vmax.f32 v8, $4.000000060e-01;
	vm8 =	vmand vm8, vm10  }
0xe0: {  	p0 =	sne.s32 s28, $0x18;
	vm15 =	vgt.f32 v57, v8;
	v8 =	vadd.f32 v17, v5;
	v7 =	vsel vm8, v59, v7  }
.Ltmp5:
0xe1: {  	v6 =	vsel vm8, v60, v6;
	vm9 =	vmand vm13, vm15;
	v4 =	vsel vm8, v61, v4;
	(pc) =	sbr.rel @p0 .LBB2_10-.Ltmp5, $4  }
0xe2: {  	v9 =	vadd.f32 v7, v57;
	v5 =	vsel vm8, v8, v5;
	v8 =	vadd.f32 v6, v50  }
0xe3: {  	vm7 =	vmand vm7, vm9;
	v63 =	vadd.f32 $1.000000000e+00, v4;
	v62 =	vadd.f32 v5, v12  }
0xe4: {  	v7 =	vsel vm7, v9, v7  }
0xe5: {  	v6 =	vsel vm7, v8, v6;
	v4 =	vsel vm7, v63, v4;
	v5 =	vsel vm7, v62, v5  }
0xe6: {  	s26 =	simm.s32 $0x0;
	s0 =	rddreg [dreg:$0xf]  }
0xe7: {  	[tilespmem:s26], [sflag:$0x1] =	stream.linear.gather [hbm4b:s0+s26], $0x2400, $0x38;
	[tilespmem:$0xD880] =	vst v63  }
0xe8: {  	s30 =	rddreg [dreg:$0x10]  }
0xe9: {  	[tilespmem:s17], [sflag:$0x1] =	stream.linear.gather [hbm4b:s30+s26], $0x2400, $0x38;
	[tilespmem:$0xD880] =	vst v63  }
0xea: {  	s31 =	rddreg [dreg:$0x11]  }
0xeb: {  	[tilespmem:s18], [sflag:$0x1] =	stream.linear.gather [hbm4b:s31+s26], $0x2400, $0x38;
	[tilespmem:$0xD880] =	vst v63  }
0xec: {  	_ =	swait.ge [sflag:s23], $0x2400  }
0xed: {  	[sflag:s23] =	ssyncset.done $0x0  }
0xee: {  	[sflag:s23] =	ssyncadd.s32 $0xFFFFDC00  }
0xef: {  	_ =	swait.ge [sflag:s23], $0x2400  }
0xf0: {  	[sflag:s23] =	ssyncset.done $0x0  }
0xf1: {  	[sflag:s23] =	ssyncadd.s32 $0xFFFFDC00  }
0xf2: {  	_ =	swait.ge [sflag:s23], $0x2400  }
0xf3: {  	[sflag:s23] =	ssyncset.done $0x0  }
0xf4: {  	s28 =	simm.s32 $0x0;
	[sflag:s23] =	ssyncadd.s32 $0xFFFFDC00  }
.LBB2_14:
0xf5: {  	s0 =	sshrl.u32 s28, $0x3;
	s1 =	sshll.u32 s28, $0x7  }
0xf6: {  	s29 =	smul.u32 $0xC00, s0;
	s30 =	sand.u32 $0x380, s1  }
0xf7: {  	s6 =	sand.u32 $0x60, s26;
	s4 =	sand.u32 $0xC00, s26;
	s31 =	sor.u32 $0x10, s30  }
0xf8: {  	s1 =	sadd.s32 s29, s4;
	s3 =	sor.u32 s31, s6  }
0xf9: {  	s0 =	sor.u32 s30, s6;
	s3 =	sor.u32 s1, s3  }
0xfa: {  	s0 =	sor.u32 s1, s0;
	v8 =	vld [tilespmem:s3+$0xB400]  }
0xfb: {  	v9 =	vld [tilespmem:s0+$0x9000]  }
0xfc: {  	v11 =	vld [tilespmem:s3+$0x9000]  }
0xfd: {  	v10 =	vld [tilespmem:s0+$0xB400];
	_ =	sdelay $0x1  }
0xfe: {  	v14 =	vld [tilespmem:s0+$0x6C00]  }
0xff: {  	v12 =	vadd.f32 $1.000000010e-01, v9  }
0x100: {  	s5 =	simm.s32 $0x20;
	s1 =	simm.s32 $0x100;
	v13 =	vld [tilespmem:s3+$0x6C00]  }
0x101: {  	s0 =	sand.u32 $0x60, s5;
	s4 =	sand.u32 $0xC00, s1;
	v15 =	vadd.f32 $1.000000010e-01, v11;
	vm7 =	vgt.f32 v8, $2.000000030e-01;
	v12 =	vmax.f32 v12, v10  }
0x102: {  	s4 =	sadd.s32 s29, s4;
	s5 =	sor.u32 s31, s0;
	vm9 =	vgt.f32 v10, $2.000000030e-01;
	vm8 =	vgt.f32 v11, $2.800000010e-01;
	v12 =	vmax.f32 v12, $4.000000060e-01  }
0x103: {  	s6 =	sor.u32 s30, s0;
	s0 =	sor.u32 s4, s5;
	vm11 =	vgt.f32 v9, $2.800000010e-01;
	v15 =	vmax.f32 v15, v8;
	vm10 =	vgt.f32 v14, v12  }
0x104: {  	s3 =	simm.s32 $0x40;
	s4 =	sor.u32 s4, s6;
	v15 =	vmax.f32 v15, $4.000000060e-01;
	v12 =	vld [tilespmem:s0+$0xB400];
	v14 =	vadd.f32 v14, v7;
	vm10 =	vmand vm11, vm10  }
.LBB2_15:
0x105: {  	p0 =	sne.s32 s3, $0x160;
	vm9 =	vmand vm9, vm10;
	v16 =	vadd.f32 v9, v6;
	v9 =	vld [tilespmem:s4+$0x9000];
	vm10 =	vgt.f32 v13, v15  }
0x106: {  	v17 =	vadd.f32 $1.000000000e+00, v4;
	v15 =	vld [tilespmem:s0+$0x9000];
	v7 =	vsel vm9, v14, v7;
	v14 =	vadd.f32 v10, v5  }
0x107: {  	vm8 =	vmand vm8, vm10;
	v10 =	vld [tilespmem:s4+$0xB400];
	v6 =	vsel vm9, v16, v6;
	v13 =	vadd.f32 v7, v13  }
0x108: {  	v4 =	vsel vm9, v17, v4;
	v5 =	vsel vm9, v14, v5;
	v18 =	vadd.f32 v6, v11  }
0x109: {  	vm7 =	vmand vm7, vm8;
	v17 =	vadd.f32 $1.000000000e+00, v4;
	v14 =	vld [tilespmem:s4+$0x6C00];
	v16 =	vadd.f32 v5, v8;
	v8 =	vmovc v12  }
0x10a: {  	v7 =	vsel vm7, v13, v7;
	v12 =	vadd.f32 $1.000000010e-01, v9  }
.Ltmp6:
0x10b: {  	s1 =	sadd.s32 $0x100, s1;
	v6 =	vsel vm7, v18, v6;
	v4 =	vsel vm7, v17, v4;
	v13 =	vld [tilespmem:s0+$0x6C00];
	v5 =	vsel vm7, v16, v5;
	v11 =	vmovc v15;
	(pc) =	sbr.rel @p0 .LBB2_15-.Ltmp6, $4  }
0x10c: {  	s4 =	sand.u32 $0xC00, s1;
	s0 =	sand.u32 $0x60, s3;
	vm7 =	vgt.f32 v8, $2.000000030e-01;
	v12 =	vmax.f32 v12, v10;
	v15 =	vadd.f32 $1.000000010e-01, v11  }
0x10d: {  	s4 =	sadd.s32 s29, s4;
	s5 =	sor.u32 s31, s0;
	vm9 =	vgt.f32 v10, $2.000000030e-01;
	vm8 =	vgt.f32 v11, $2.800000010e-01;
	v12 =	vmax.f32 v12, $4.000000060e-01  }
0x10e: {  	vm11 =	vgt.f32 v9, $2.800000010e-01;
	s6 =	sor.u32 s30, s0;
	s0 =	sor.u32 s4, s5;
	vm10 =	vgt.f32 v14, v12;
	v15 =	vmax.f32 v15, v8  }
0x10f: {  	s3 =	sadd.s32 $0x20, s3;
	s4 =	sor.u32 s4, s6;
	v14 =	vadd.f32 v14, v7;
	v12 =	vld [tilespmem:s0+$0xB400];
	vm10 =	vmand vm11, vm10;
	v15 =	vmax.f32 v15, $4.000000060e-01  }
0x110: {  	v16 =	vld [tilespmem:s4+$0x9000];
	vm9 =	vmand vm9, vm10;
	v9 =	vadd.f32 v9, v6;
	vm12 =	vgt.f32 v13, v15  }
0x111: {  	v50 =	vld [tilespmem:s0+$0x9000];
	v10 =	vadd.f32 v10, v5;
	v51 =	vadd.f32 $1.000000000e+00, v4;
	v7 =	vsel vm9, v14, v7  }
0x112: {  	v17 =	vld [tilespmem:s4+$0xB400];
	vm8 =	vmand vm8, vm12;
	v6 =	vsel vm9, v9, v6;
	v52 =	vadd.f32 v7, v13  }
0x113: {  	v5 =	vsel vm9, v10, v5;
	v4 =	vsel vm9, v51, v4;
	v53 =	vadd.f32 v6, v11  }
0x114: {  	v54 =	vld [tilespmem:s4+$0x6C00];
	vm7 =	vmand vm7, vm8;
	v8 =	vadd.f32 v5, v8;
	v55 =	vadd.f32 $1.000000000e+00, v4  }
0x115: {  	v7 =	vsel vm7, v52, v7;
	v56 =	vadd.f32 $1.000000010e-01, v16  }
0x116: {  	v6 =	vsel vm7, v53, v6;
	v5 =	vsel vm7, v8, v5;
	v4 =	vsel vm7, v55, v4  }
0x117: {  	v57 =	vld [tilespmem:s0+$0x6C00];
	v58 =	vadd.f32 $1.000000010e-01, v50;
	vm7 =	vgt.f32 v12, $2.000000030e-01;
	v8 =	vmax.f32 v56, v17  }
0x118: {  	vm8 =	vgt.f32 v17, $2.000000030e-01;
	vm13 =	vgt.f32 v50, $2.800000010e-01;
	v8 =	vmax.f32 v8, $4.000000060e-01  }
0x119: {  	vm11 =	vgt.f32 v16, $2.800000010e-01;
	v59 =	vadd.f32 v54, v7;
	vm14 =	vgt.f32 v54, v8  }
0x11a: {  	v60 =	vadd.f32 v16, v6;
	v8 =	vmax.f32 v58, v12;
	vm10 =	vmand vm11, vm14  }
0x11b: {  	s28 =	sadd.s32 $0x1, s28;
	v61 =	vadd.f32 $1.000000000e+00, v4;
	v8 =	vmax.f32 v8, $4.000000060e-01;
	vm8 =	vmand vm8, vm10  }
0x11c: {  	p0 =	sne.s32 s28, $0x18;
	vm15 =	vgt.f32 v57, v8;
	v8 =	vadd.f32 v17, v5;
	v7 =	vsel vm8, v59, v7  }
.Ltmp7:
0x11d: {  	v6 =	vsel vm8, v60, v6;
	vm9 =	vmand vm13, vm15;
	v4 =	vsel vm8, v61, v4;
	(pc) =	sbr.rel @p0 .LBB2_14-.Ltmp7, $4  }
0x11e: {  	v9 =	vadd.f32 v7, v57;
	v5 =	vsel vm8, v8, v5;
	v8 =	vadd.f32 v6, v50  }
0x11f: {  	vm7 =	vmand vm7, vm9;
	v63 =	vadd.f32 $1.000000000e+00, v4;
	v62 =	vadd.f32 v5, v12  }
0x120: {  	v7 =	vsel vm7, v9, v7  }
0x121: {  	v6 =	vsel vm7, v8, v6;
	v4 =	vsel vm7, v63, v4;
	v5 =	vsel vm7, v62, v5  }
0x122: {  	s26 =	simm.s32 $0x0;
	s0 =	rddreg [dreg:$0x12]  }
0x123: {  	[tilespmem:s19], [sflag:$0x2] =	stream.linear.gather [hbm4b:s0+s26], $0x2400, $0x38;
	[tilespmem:$0xD880] =	vst v63  }
0x124: {  	s30 =	rddreg [dreg:$0x13]  }
0x125: {  	[tilespmem:s20], [sflag:$0x2] =	stream.linear.gather [hbm4b:s30+s26], $0x2400, $0x38;
	[tilespmem:$0xD880] =	vst v63  }
0x126: {  	s31 =	rddreg [dreg:$0x14]  }
0x127: {  	[tilespmem:s21], [sflag:$0x2] =	stream.linear.gather [hbm4b:s31+s26], $0x2400, $0x38;
	[tilespmem:$0xD880] =	vst v63  }
0x128: {  	_ =	swait.ge [sflag:s22], $0x2400  }
0x129: {  	[sflag:s22] =	ssyncset.done $0x0  }
0x12a: {  	[sflag:s22] =	ssyncadd.s32 $0xFFFFDC00  }
0x12b: {  	_ =	swait.ge [sflag:s22], $0x2400  }
0x12c: {  	[sflag:s22] =	ssyncset.done $0x0  }
0x12d: {  	[sflag:s22] =	ssyncadd.s32 $0xFFFFDC00  }
0x12e: {  	_ =	swait.ge [sflag:s22], $0x2400  }
0x12f: {  	[sflag:s22] =	ssyncset.done $0x0  }
0x130: {  	s28 =	simm.s32 $0x0;
	[sflag:s22] =	ssyncadd.s32 $0xFFFFDC00  }
.LBB2_18:
0x131: {  	s0 =	sshrl.u32 s28, $0x3;
	s1 =	sshll.u32 s28, $0x7  }
0x132: {  	s29 =	smul.u32 $0xC00, s0;
	s30 =	sand.u32 $0x380, s1  }
0x133: {  	s6 =	sand.u32 $0x60, s26;
	s4 =	sand.u32 $0xC00, s26;
	s31 =	sor.u32 $0x10, s30  }
0x134: {  	s1 =	sadd.s32 s29, s4;
	s3 =	sor.u32 s31, s6  }
0x135: {  	s0 =	sor.u32 s30, s6;
	s3 =	sor.u32 s1, s3  }
0x136: {  	s0 =	sor.u32 s1, s0;
	v8 =	vld [tilespmem:s3+$0x4800]  }
0x137: {  	v9 =	vld [tilespmem:s0+$0x2400]  }
0x138: {  	v11 =	vld [tilespmem:s3+$0x2400]  }
0x139: {  	v10 =	vld [tilespmem:s0+$0x4800];
	_ =	sdelay $0x1  }
0x13a: {  	v14 =	vld [tilespmem:s0+$0x0]  }
0x13b: {  	v12 =	vadd.f32 $1.000000010e-01, v9  }
0x13c: {  	s5 =	simm.s32 $0x20;
	s1 =	simm.s32 $0x100;
	v13 =	vld [tilespmem:s3+$0x0]  }
0x13d: {  	s0 =	sand.u32 $0x60, s5;
	s4 =	sand.u32 $0xC00, s1;
	v15 =	vadd.f32 $1.000000010e-01, v11;
	vm7 =	vgt.f32 v8, $2.000000030e-01;
	v12 =	vmax.f32 v12, v10  }
0x13e: {  	s4 =	sadd.s32 s29, s4;
	s5 =	sor.u32 s31, s0;
	vm9 =	vgt.f32 v10, $2.000000030e-01;
	vm8 =	vgt.f32 v11, $2.800000010e-01;
	v12 =	vmax.f32 v12, $4.000000060e-01  }
0x13f: {  	s6 =	sor.u32 s30, s0;
	s0 =	sor.u32 s4, s5;
	vm11 =	vgt.f32 v9, $2.800000010e-01;
	v15 =	vmax.f32 v15, v8;
	vm10 =	vgt.f32 v14, v12  }
0x140: {  	s3 =	simm.s32 $0x40;
	s4 =	sor.u32 s4, s6;
	v15 =	vmax.f32 v15, $4.000000060e-01;
	v12 =	vld [tilespmem:s0+$0x4800];
	v14 =	vadd.f32 v14, v7;
	vm10 =	vmand vm11, vm10  }
.LBB2_19:
0x141: {  	p0 =	sne.s32 s3, $0x160;
	vm9 =	vmand vm9, vm10;
	v16 =	vadd.f32 v9, v6;
	v9 =	vld [tilespmem:s4+$0x2400];
	vm10 =	vgt.f32 v13, v15  }
0x142: {  	v17 =	vadd.f32 $1.000000000e+00, v4;
	v15 =	vld [tilespmem:s0+$0x2400];
	v7 =	vsel vm9, v14, v7;
	v14 =	vadd.f32 v10, v5  }
0x143: {  	vm8 =	vmand vm8, vm10;
	v10 =	vld [tilespmem:s4+$0x4800];
	v6 =	vsel vm9, v16, v6;
	v13 =	vadd.f32 v7, v13  }
0x144: {  	v4 =	vsel vm9, v17, v4;
	v5 =	vsel vm9, v14, v5;
	v18 =	vadd.f32 v6, v11  }
0x145: {  	vm7 =	vmand vm7, vm8;
	v17 =	vadd.f32 $1.000000000e+00, v4;
	v14 =	vld [tilespmem:s4+$0x0];
	v16 =	vadd.f32 v5, v8;
	v8 =	vmovc v12  }
0x146: {  	v7 =	vsel vm7, v13, v7;
	v12 =	vadd.f32 $1.000000010e-01, v9  }
.Ltmp8:
0x147: {  	s1 =	sadd.s32 $0x100, s1;
	v6 =	vsel vm7, v18, v6;
	v4 =	vsel vm7, v17, v4;
	v13 =	vld [tilespmem:s0+$0x0];
	v5 =	vsel vm7, v16, v5;
	v11 =	vmovc v15;
	(pc) =	sbr.rel @p0 .LBB2_19-.Ltmp8, $4  }
0x148: {  	s4 =	sand.u32 $0xC00, s1;
	s0 =	sand.u32 $0x60, s3;
	vm7 =	vgt.f32 v8, $2.000000030e-01;
	v12 =	vmax.f32 v12, v10;
	v15 =	vadd.f32 $1.000000010e-01, v11  }
0x149: {  	s4 =	sadd.s32 s29, s4;
	s5 =	sor.u32 s31, s0;
	vm9 =	vgt.f32 v10, $2.000000030e-01;
	vm8 =	vgt.f32 v11, $2.800000010e-01;
	v12 =	vmax.f32 v12, $4.000000060e-01  }
0x14a: {  	vm11 =	vgt.f32 v9, $2.800000010e-01;
	s6 =	sor.u32 s30, s0;
	s0 =	sor.u32 s4, s5;
	vm10 =	vgt.f32 v14, v12;
	v15 =	vmax.f32 v15, v8  }
0x14b: {  	s3 =	sadd.s32 $0x20, s3;
	s4 =	sor.u32 s4, s6;
	v14 =	vadd.f32 v14, v7;
	v12 =	vld [tilespmem:s0+$0x4800];
	vm10 =	vmand vm11, vm10;
	v15 =	vmax.f32 v15, $4.000000060e-01  }
0x14c: {  	v16 =	vld [tilespmem:s4+$0x2400];
	vm9 =	vmand vm9, vm10;
	v9 =	vadd.f32 v9, v6;
	vm12 =	vgt.f32 v13, v15  }
0x14d: {  	v50 =	vld [tilespmem:s0+$0x2400];
	v10 =	vadd.f32 v10, v5;
	v51 =	vadd.f32 $1.000000000e+00, v4;
	v7 =	vsel vm9, v14, v7  }
0x14e: {  	v17 =	vld [tilespmem:s4+$0x4800];
	vm8 =	vmand vm8, vm12;
	v6 =	vsel vm9, v9, v6;
	v52 =	vadd.f32 v7, v13  }
0x14f: {  	v5 =	vsel vm9, v10, v5;
	v4 =	vsel vm9, v51, v4;
	v53 =	vadd.f32 v6, v11  }
0x150: {  	v54 =	vld [tilespmem:s4+$0x0];
	vm7 =	vmand vm7, vm8;
	v8 =	vadd.f32 v5, v8;
	v55 =	vadd.f32 $1.000000000e+00, v4  }
0x151: {  	v7 =	vsel vm7, v52, v7;
	v56 =	vadd.f32 $1.000000010e-01, v16  }
0x152: {  	v6 =	vsel vm7, v53, v6;
	v5 =	vsel vm7, v8, v5;
	v4 =	vsel vm7, v55, v4  }
0x153: {  	v57 =	vld [tilespmem:s0+$0x0];
	v58 =	vadd.f32 $1.000000010e-01, v50;
	vm7 =	vgt.f32 v12, $2.000000030e-01;
	v8 =	vmax.f32 v56, v17  }
0x154: {  	vm8 =	vgt.f32 v17, $2.000000030e-01;
	vm13 =	vgt.f32 v50, $2.800000010e-01;
	v8 =	vmax.f32 v8, $4.000000060e-01  }
0x155: {  	vm11 =	vgt.f32 v16, $2.800000010e-01;
	v59 =	vadd.f32 v54, v7;
	vm14 =	vgt.f32 v54, v8  }
0x156: {  	v60 =	vadd.f32 v16, v6;
	v8 =	vmax.f32 v58, v12;
	vm10 =	vmand vm11, vm14  }
0x157: {  	s28 =	sadd.s32 $0x1, s28;
	v61 =	vadd.f32 $1.000000000e+00, v4;
	v8 =	vmax.f32 v8, $4.000000060e-01;
	vm8 =	vmand vm8, vm10  }
0x158: {  	p0 =	sne.s32 s28, $0x18;
	vm15 =	vgt.f32 v57, v8;
	v8 =	vadd.f32 v17, v5;
	v7 =	vsel vm8, v59, v7  }
.Ltmp9:
0x159: {  	v6 =	vsel vm8, v60, v6;
	vm9 =	vmand vm13, vm15;
	v4 =	vsel vm8, v61, v4;
	(pc) =	sbr.rel @p0 .LBB2_18-.Ltmp9, $4  }
0x15a: {  	v9 =	vadd.f32 v7, v57;
	v5 =	vsel vm8, v8, v5;
	v8 =	vadd.f32 v6, v50  }
0x15b: {  	vm7 =	vmand vm7, vm9;
	v63 =	vadd.f32 $1.000000000e+00, v4;
	v62 =	vadd.f32 v5, v12  }
0x15c: {  	v7 =	vsel vm7, v9, v7  }
0x15d: {  	v6 =	vsel vm7, v8, v6;
	v4 =	vsel vm7, v63, v4;
	v5 =	vsel vm7, v62, v5  }
0x15e: {  	s26 =	simm.s32 $0x0;
	s0 =	rddreg [dreg:$0x15]  }
0x15f: {  	[tilespmem:s26], [sflag:$0x1] =	stream.linear.gather [hbm4b:s0+s26], $0x2400, $0x38;
	[tilespmem:$0xD880] =	vst v63  }
0x160: {  	s30 =	rddreg [dreg:$0x16]  }
0x161: {  	[tilespmem:s17], [sflag:$0x1] =	stream.linear.gather [hbm4b:s30+s26], $0x2400, $0x38;
	[tilespmem:$0xD880] =	vst v63  }
0x162: {  	s31 =	rddreg [dreg:$0x18]  }
0x163: {  	[tilespmem:s18], [sflag:$0x1] =	stream.linear.gather [hbm4b:s31+s26], $0x2400, $0x38;
	[tilespmem:$0xD880] =	vst v63  }
0x164: {  	_ =	swait.ge [sflag:s23], $0x2400  }
0x165: {  	[sflag:s23] =	ssyncset.done $0x0  }
0x166: {  	[sflag:s23] =	ssyncadd.s32 $0xFFFFDC00  }
0x167: {  	_ =	swait.ge [sflag:s23], $0x2400  }
0x168: {  	[sflag:s23] =	ssyncset.done $0x0  }
0x169: {  	[sflag:s23] =	ssyncadd.s32 $0xFFFFDC00  }
0x16a: {  	_ =	swait.ge [sflag:s23], $0x2400  }
0x16b: {  	[sflag:s23] =	ssyncset.done $0x0  }
0x16c: {  	s28 =	simm.s32 $0x0;
	[sflag:s23] =	ssyncadd.s32 $0xFFFFDC00  }
.LBB2_22:
0x16d: {  	s0 =	sshrl.u32 s28, $0x3;
	s1 =	sshll.u32 s28, $0x7  }
0x16e: {  	s29 =	smul.u32 $0xC00, s0;
	s30 =	sand.u32 $0x380, s1  }
0x16f: {  	s6 =	sand.u32 $0x60, s26;
	s4 =	sand.u32 $0xC00, s26;
	s31 =	sor.u32 $0x10, s30  }
0x170: {  	s1 =	sadd.s32 s29, s4;
	s3 =	sor.u32 s31, s6  }
0x171: {  	s0 =	sor.u32 s30, s6;
	s3 =	sor.u32 s1, s3  }
0x172: {  	s0 =	sor.u32 s1, s0;
	v8 =	vld [tilespmem:s3+$0xB400]  }
0x173: {  	v9 =	vld [tilespmem:s0+$0x9000]  }
0x174: {  	v11 =	vld [tilespmem:s3+$0x9000]  }
0x175: {  	v10 =	vld [tilespmem:s0+$0xB400];
	_ =	sdelay $0x1  }
0x176: {  	v14 =	vld [tilespmem:s0+$0x6C00]  }
0x177: {  	v12 =	vadd.f32 $1.000000010e-01, v9  }
0x178: {  	s5 =	simm.s32 $0x20;
	s1 =	simm.s32 $0x100;
	v13 =	vld [tilespmem:s3+$0x6C00]  }
0x179: {  	s0 =	sand.u32 $0x60, s5;
	s4 =	sand.u32 $0xC00, s1;
	v15 =	vadd.f32 $1.000000010e-01, v11;
	vm7 =	vgt.f32 v8, $2.000000030e-01;
	v12 =	vmax.f32 v12, v10  }
0x17a: {  	s4 =	sadd.s32 s29, s4;
	s5 =	sor.u32 s31, s0;
	vm9 =	vgt.f32 v10, $2.000000030e-01;
	vm8 =	vgt.f32 v11, $2.800000010e-01;
	v12 =	vmax.f32 v12, $4.000000060e-01  }
0x17b: {  	s6 =	sor.u32 s30, s0;
	s0 =	sor.u32 s4, s5;
	vm11 =	vgt.f32 v9, $2.800000010e-01;
	v15 =	vmax.f32 v15, v8;
	vm10 =	vgt.f32 v14, v12  }
0x17c: {  	s3 =	simm.s32 $0x40;
	s4 =	sor.u32 s4, s6;
	v15 =	vmax.f32 v15, $4.000000060e-01;
	v12 =	vld [tilespmem:s0+$0xB400];
	v14 =	vadd.f32 v14, v7;
	vm10 =	vmand vm11, vm10  }
.LBB2_23:
0x17d: {  	p0 =	sne.s32 s3, $0x160;
	vm9 =	vmand vm9, vm10;
	v16 =	vadd.f32 v9, v6;
	v9 =	vld [tilespmem:s4+$0x9000];
	vm10 =	vgt.f32 v13, v15  }
0x17e: {  	v17 =	vadd.f32 $1.000000000e+00, v4;
	v15 =	vld [tilespmem:s0+$0x9000];
	v7 =	vsel vm9, v14, v7;
	v14 =	vadd.f32 v10, v5  }
0x17f: {  	vm8 =	vmand vm8, vm10;
	v10 =	vld [tilespmem:s4+$0xB400];
	v6 =	vsel vm9, v16, v6;
	v13 =	vadd.f32 v7, v13  }
0x180: {  	v4 =	vsel vm9, v17, v4;
	v5 =	vsel vm9, v14, v5;
	v18 =	vadd.f32 v6, v11  }
0x181: {  	vm7 =	vmand vm7, vm8;
	v17 =	vadd.f32 $1.000000000e+00, v4;
	v14 =	vld [tilespmem:s4+$0x6C00];
	v16 =	vadd.f32 v5, v8;
	v8 =	vmovc v12  }
0x182: {  	v7 =	vsel vm7, v13, v7;
	v12 =	vadd.f32 $1.000000010e-01, v9  }
.Ltmp10:
0x183: {  	s1 =	sadd.s32 $0x100, s1;
	v6 =	vsel vm7, v18, v6;
	v4 =	vsel vm7, v17, v4;
	v13 =	vld [tilespmem:s0+$0x6C00];
	v5 =	vsel vm7, v16, v5;
	v11 =	vmovc v15;
	(pc) =	sbr.rel @p0 .LBB2_23-.Ltmp10, $4  }
0x184: {  	s4 =	sand.u32 $0xC00, s1;
	s0 =	sand.u32 $0x60, s3;
	vm7 =	vgt.f32 v8, $2.000000030e-01;
	v12 =	vmax.f32 v12, v10;
	v15 =	vadd.f32 $1.000000010e-01, v11  }
0x185: {  	s4 =	sadd.s32 s29, s4;
	s5 =	sor.u32 s31, s0;
	vm9 =	vgt.f32 v10, $2.000000030e-01;
	vm8 =	vgt.f32 v11, $2.800000010e-01;
	v12 =	vmax.f32 v12, $4.000000060e-01  }
0x186: {  	vm11 =	vgt.f32 v9, $2.800000010e-01;
	s6 =	sor.u32 s30, s0;
	s0 =	sor.u32 s4, s5;
	vm10 =	vgt.f32 v14, v12;
	v15 =	vmax.f32 v15, v8  }
0x187: {  	s3 =	sadd.s32 $0x20, s3;
	s4 =	sor.u32 s4, s6;
	v14 =	vadd.f32 v14, v7;
	v12 =	vld [tilespmem:s0+$0xB400];
	vm10 =	vmand vm11, vm10;
	v15 =	vmax.f32 v15, $4.000000060e-01  }
0x188: {  	v16 =	vld [tilespmem:s4+$0x9000];
	vm9 =	vmand vm9, vm10;
	v9 =	vadd.f32 v9, v6;
	vm12 =	vgt.f32 v13, v15  }
0x189: {  	v50 =	vld [tilespmem:s0+$0x9000];
	v10 =	vadd.f32 v10, v5;
	v51 =	vadd.f32 $1.000000000e+00, v4;
	v7 =	vsel vm9, v14, v7  }
0x18a: {  	v17 =	vld [tilespmem:s4+$0xB400];
	vm8 =	vmand vm8, vm12;
	v6 =	vsel vm9, v9, v6;
	v52 =	vadd.f32 v7, v13  }
0x18b: {  	v5 =	vsel vm9, v10, v5;
	v4 =	vsel vm9, v51, v4;
	v53 =	vadd.f32 v6, v11  }
0x18c: {  	v54 =	vld [tilespmem:s4+$0x6C00];
	vm7 =	vmand vm7, vm8;
	v8 =	vadd.f32 v5, v8;
	v55 =	vadd.f32 $1.000000000e+00, v4  }
0x18d: {  	v7 =	vsel vm7, v52, v7;
	v56 =	vadd.f32 $1.000000010e-01, v16  }
0x18e: {  	v6 =	vsel vm7, v53, v6;
	v5 =	vsel vm7, v8, v5;
	v4 =	vsel vm7, v55, v4  }
0x18f: {  	v57 =	vld [tilespmem:s0+$0x6C00];
	v58 =	vadd.f32 $1.000000010e-01, v50;
	vm7 =	vgt.f32 v12, $2.000000030e-01;
	v8 =	vmax.f32 v56, v17  }
0x190: {  	vm8 =	vgt.f32 v17, $2.000000030e-01;
	vm13 =	vgt.f32 v50, $2.800000010e-01;
	v8 =	vmax.f32 v8, $4.000000060e-01  }
0x191: {  	vm11 =	vgt.f32 v16, $2.800000010e-01;
	v59 =	vadd.f32 v54, v7;
	vm14 =	vgt.f32 v54, v8  }
0x192: {  	v60 =	vadd.f32 v16, v6;
	v8 =	vmax.f32 v58, v12;
	vm10 =	vmand vm11, vm14  }
0x193: {  	s28 =	sadd.s32 $0x1, s28;
	v61 =	vadd.f32 $1.000000000e+00, v4;
	v8 =	vmax.f32 v8, $4.000000060e-01;
	vm8 =	vmand vm8, vm10  }
0x194: {  	p0 =	sne.s32 s28, $0x18;
	vm15 =	vgt.f32 v57, v8;
	v8 =	vadd.f32 v17, v5;
	v7 =	vsel vm8, v59, v7  }
.Ltmp11:
0x195: {  	v6 =	vsel vm8, v60, v6;
	vm9 =	vmand vm13, vm15;
	v4 =	vsel vm8, v61, v4;
	(pc) =	sbr.rel @p0 .LBB2_22-.Ltmp11, $4  }
0x196: {  	v9 =	vadd.f32 v7, v57;
	v5 =	vsel vm8, v8, v5;
	v8 =	vadd.f32 v6, v50  }
0x197: {  	vm7 =	vmand vm7, vm9;
	v63 =	vadd.f32 $1.000000000e+00, v4;
	v62 =	vadd.f32 v5, v12  }
0x198: {  	v7 =	vsel vm7, v9, v7  }
0x199: {  	v6 =	vsel vm7, v8, v6;
	v4 =	vsel vm7, v63, v4;
	v5 =	vsel vm7, v62, v5  }
0x19a: {  	s26 =	simm.s32 $0x0;
	s0 =	rddreg [dreg:$0x19]  }
0x19b: {  	[tilespmem:s19], [sflag:$0x2] =	stream.linear.gather [hbm4b:s0+s26], $0x2400, $0x38;
	[tilespmem:$0xD880] =	vst v63  }
0x19c: {  	s30 =	rddreg [dreg:$0x1a]  }
0x19d: {  	[tilespmem:s20], [sflag:$0x2] =	stream.linear.gather [hbm4b:s30+s26], $0x2400, $0x38;
	[tilespmem:$0xD880] =	vst v63  }
0x19e: {  	s31 =	rddreg [dreg:$0x1b]  }
0x19f: {  	[tilespmem:s21], [sflag:$0x2] =	stream.linear.gather [hbm4b:s31+s26], $0x2400, $0x38;
	[tilespmem:$0xD880] =	vst v63  }
0x1a0: {  	_ =	swait.ge [sflag:s22], $0x2400  }
0x1a1: {  	[sflag:s22] =	ssyncset.done $0x0  }
0x1a2: {  	[sflag:s22] =	ssyncadd.s32 $0xFFFFDC00  }
0x1a3: {  	_ =	swait.ge [sflag:s22], $0x2400  }
0x1a4: {  	[sflag:s22] =	ssyncset.done $0x0  }
0x1a5: {  	[sflag:s22] =	ssyncadd.s32 $0xFFFFDC00  }
0x1a6: {  	_ =	swait.ge [sflag:s22], $0x2400  }
0x1a7: {  	[sflag:s22] =	ssyncset.done $0x0  }
0x1a8: {  	s28 =	simm.s32 $0x0;
	[sflag:s22] =	ssyncadd.s32 $0xFFFFDC00  }
.LBB2_26:
0x1a9: {  	s0 =	sshrl.u32 s28, $0x3;
	s1 =	sshll.u32 s28, $0x7  }
0x1aa: {  	s29 =	smul.u32 $0xC00, s0;
	s30 =	sand.u32 $0x380, s1  }
0x1ab: {  	s6 =	sand.u32 $0x60, s26;
	s4 =	sand.u32 $0xC00, s26;
	s31 =	sor.u32 $0x10, s30  }
0x1ac: {  	s1 =	sadd.s32 s29, s4;
	s3 =	sor.u32 s31, s6  }
0x1ad: {  	s0 =	sor.u32 s30, s6;
	s3 =	sor.u32 s1, s3  }
0x1ae: {  	s0 =	sor.u32 s1, s0;
	v8 =	vld [tilespmem:s3+$0x4800]  }
0x1af: {  	v9 =	vld [tilespmem:s0+$0x2400]  }
0x1b0: {  	v11 =	vld [tilespmem:s3+$0x2400]  }
0x1b1: {  	v10 =	vld [tilespmem:s0+$0x4800];
	_ =	sdelay $0x1  }
0x1b2: {  	v14 =	vld [tilespmem:s0+$0x0]  }
0x1b3: {  	v12 =	vadd.f32 $1.000000010e-01, v9  }
0x1b4: {  	s5 =	simm.s32 $0x20;
	s1 =	simm.s32 $0x100;
	v13 =	vld [tilespmem:s3+$0x0]  }
0x1b5: {  	s0 =	sand.u32 $0x60, s5;
	s4 =	sand.u32 $0xC00, s1;
	v15 =	vadd.f32 $1.000000010e-01, v11;
	vm7 =	vgt.f32 v8, $2.000000030e-01;
	v12 =	vmax.f32 v12, v10  }
0x1b6: {  	s4 =	sadd.s32 s29, s4;
	s5 =	sor.u32 s31, s0;
	vm9 =	vgt.f32 v10, $2.000000030e-01;
	vm8 =	vgt.f32 v11, $2.800000010e-01;
	v12 =	vmax.f32 v12, $4.000000060e-01  }
0x1b7: {  	s6 =	sor.u32 s30, s0;
	s0 =	sor.u32 s4, s5;
	vm11 =	vgt.f32 v9, $2.800000010e-01;
	v15 =	vmax.f32 v15, v8;
	vm10 =	vgt.f32 v14, v12  }
0x1b8: {  	s3 =	simm.s32 $0x40;
	s4 =	sor.u32 s4, s6;
	v15 =	vmax.f32 v15, $4.000000060e-01;
	v12 =	vld [tilespmem:s0+$0x4800];
	v14 =	vadd.f32 v14, v7;
	vm10 =	vmand vm11, vm10  }
.LBB2_27:
0x1b9: {  	p0 =	sne.s32 s3, $0x160;
	vm9 =	vmand vm9, vm10;
	v16 =	vadd.f32 v9, v6;
	v9 =	vld [tilespmem:s4+$0x2400];
	vm10 =	vgt.f32 v13, v15  }
0x1ba: {  	v17 =	vadd.f32 $1.000000000e+00, v4;
	v15 =	vld [tilespmem:s0+$0x2400];
	v7 =	vsel vm9, v14, v7;
	v14 =	vadd.f32 v10, v5  }
0x1bb: {  	vm8 =	vmand vm8, vm10;
	v10 =	vld [tilespmem:s4+$0x4800];
	v6 =	vsel vm9, v16, v6;
	v13 =	vadd.f32 v7, v13  }
0x1bc: {  	v4 =	vsel vm9, v17, v4;
	v5 =	vsel vm9, v14, v5;
	v18 =	vadd.f32 v6, v11  }
0x1bd: {  	vm7 =	vmand vm7, vm8;
	v17 =	vadd.f32 $1.000000000e+00, v4;
	v14 =	vld [tilespmem:s4+$0x0];
	v16 =	vadd.f32 v5, v8;
	v8 =	vmovc v12  }
0x1be: {  	v7 =	vsel vm7, v13, v7;
	v12 =	vadd.f32 $1.000000010e-01, v9  }
.Ltmp12:
0x1bf: {  	s1 =	sadd.s32 $0x100, s1;
	v6 =	vsel vm7, v18, v6;
	v4 =	vsel vm7, v17, v4;
	v13 =	vld [tilespmem:s0+$0x0];
	v5 =	vsel vm7, v16, v5;
	v11 =	vmovc v15;
	(pc) =	sbr.rel @p0 .LBB2_27-.Ltmp12, $4  }
0x1c0: {  	s4 =	sand.u32 $0xC00, s1;
	s0 =	sand.u32 $0x60, s3;
	vm7 =	vgt.f32 v8, $2.000000030e-01;
	v12 =	vmax.f32 v12, v10;
	v15 =	vadd.f32 $1.000000010e-01, v11  }
0x1c1: {  	s4 =	sadd.s32 s29, s4;
	s5 =	sor.u32 s31, s0;
	vm9 =	vgt.f32 v10, $2.000000030e-01;
	vm8 =	vgt.f32 v11, $2.800000010e-01;
	v12 =	vmax.f32 v12, $4.000000060e-01  }
0x1c2: {  	vm11 =	vgt.f32 v9, $2.800000010e-01;
	s6 =	sor.u32 s30, s0;
	s0 =	sor.u32 s4, s5;
	vm10 =	vgt.f32 v14, v12;
	v15 =	vmax.f32 v15, v8  }
0x1c3: {  	s3 =	sadd.s32 $0x20, s3;
	s4 =	sor.u32 s4, s6;
	v14 =	vadd.f32 v14, v7;
	v12 =	vld [tilespmem:s0+$0x4800];
	vm10 =	vmand vm11, vm10;
	v15 =	vmax.f32 v15, $4.000000060e-01  }
0x1c4: {  	v16 =	vld [tilespmem:s4+$0x2400];
	vm9 =	vmand vm9, vm10;
	v9 =	vadd.f32 v9, v6;
	vm12 =	vgt.f32 v13, v15  }
0x1c5: {  	v50 =	vld [tilespmem:s0+$0x2400];
	v10 =	vadd.f32 v10, v5;
	v51 =	vadd.f32 $1.000000000e+00, v4;
	v7 =	vsel vm9, v14, v7  }
0x1c6: {  	v17 =	vld [tilespmem:s4+$0x4800];
	vm8 =	vmand vm8, vm12;
	v6 =	vsel vm9, v9, v6;
	v52 =	vadd.f32 v7, v13  }
0x1c7: {  	v5 =	vsel vm9, v10, v5;
	v4 =	vsel vm9, v51, v4;
	v53 =	vadd.f32 v6, v11  }
0x1c8: {  	v54 =	vld [tilespmem:s4+$0x0];
	vm7 =	vmand vm7, vm8;
	v8 =	vadd.f32 v5, v8;
	v55 =	vadd.f32 $1.000000000e+00, v4  }
0x1c9: {  	v7 =	vsel vm7, v52, v7;
	v56 =	vadd.f32 $1.000000010e-01, v16  }
0x1ca: {  	v6 =	vsel vm7, v53, v6;
	v5 =	vsel vm7, v8, v5;
	v4 =	vsel vm7, v55, v4  }
0x1cb: {  	v57 =	vld [tilespmem:s0+$0x0];
	v58 =	vadd.f32 $1.000000010e-01, v50;
	vm7 =	vgt.f32 v12, $2.000000030e-01;
	v8 =	vmax.f32 v56, v17  }
0x1cc: {  	vm8 =	vgt.f32 v17, $2.000000030e-01;
	vm13 =	vgt.f32 v50, $2.800000010e-01;
	v8 =	vmax.f32 v8, $4.000000060e-01  }
0x1cd: {  	vm11 =	vgt.f32 v16, $2.800000010e-01;
	v59 =	vadd.f32 v54, v7;
	vm14 =	vgt.f32 v54, v8  }
0x1ce: {  	v60 =	vadd.f32 v16, v6;
	v8 =	vmax.f32 v58, v12;
	vm10 =	vmand vm11, vm14  }
0x1cf: {  	s28 =	sadd.s32 $0x1, s28;
	v61 =	vadd.f32 $1.000000000e+00, v4;
	v8 =	vmax.f32 v8, $4.000000060e-01;
	vm8 =	vmand vm8, vm10  }
0x1d0: {  	p0 =	sne.s32 s28, $0x18;
	vm15 =	vgt.f32 v57, v8;
	v8 =	vadd.f32 v17, v5;
	v7 =	vsel vm8, v59, v7  }
.Ltmp13:
0x1d1: {  	v6 =	vsel vm8, v60, v6;
	vm9 =	vmand vm13, vm15;
	v4 =	vsel vm8, v61, v4;
	(pc) =	sbr.rel @p0 .LBB2_26-.Ltmp13, $4  }
0x1d2: {  	v9 =	vadd.f32 v7, v57;
	v5 =	vsel vm8, v8, v5;
	v8 =	vadd.f32 v6, v50  }
0x1d3: {  	vm7 =	vmand vm7, vm9;
	v63 =	vadd.f32 $1.000000000e+00, v4;
	v62 =	vadd.f32 v5, v12  }
0x1d4: {  	v7 =	vsel vm7, v9, v7  }
0x1d5: {  	v6 =	vsel vm7, v8, v6;
	v4 =	vsel vm7, v63, v4;
	v5 =	vsel vm7, v62, v5  }
0x1d6: {  	s26 =	simm.s32 $0x0;
	s0 =	rddreg [dreg:$0x1c]  }
0x1d7: {  	v8 =	vperm.xlane v7, v0;
	v9 =	vperm.xlane v6, v0;
	[tilespmem:s26], [sflag:$0x1] =	stream.linear.gather [hbm4b:s0+s26], $0x2400, $0x38;
	[tilespmem:$0xD880] =	vst v63  }
0x1d8: {  	v10 =	vperm.xlane v5, v0;
	v11 =	vperm.xlane v4, v0;
	s30 =	rddreg [dreg:$0x1d]  }
0x1d9: {  	v7 =	vadd.f32 v8, v7;
	v6 =	vadd.f32 v9, v6;
	[tilespmem:s17], [sflag:$0x1] =	stream.linear.gather [hbm4b:s30+s26], $0x2400, $0x38;
	[tilespmem:$0xD880] =	vst v63  }
0x1da: {  	s31 =	rddreg [dreg:$0x1e];
	v5 =	vadd.f32 v10, v5;
	v4 =	vadd.f32 v11, v4  }
0x1db: {  	v8 =	vperm.xlane v7, v1;
	v9 =	vperm.xlane v6, v1;
	[tilespmem:s18], [sflag:$0x1] =	stream.linear.gather [hbm4b:s31+s26], $0x2400, $0x38;
	[tilespmem:$0xD880] =	vst v63  }
0x1dc: {  	v10 =	vperm.xlane v5, v1;
	v11 =	vperm.xlane v4, v1;
	_ =	swait.ge [sflag:s23], $0x2400  }
0x1dd: {  	v7 =	vadd.f32 v8, v7;
	v6 =	vadd.f32 v9, v6;
	[sflag:s23] =	ssyncset.done $0x0  }
0x1de: {  	v5 =	vadd.f32 v10, v5;
	v4 =	vadd.f32 v11, v4;
	[sflag:s23] =	ssyncadd.s32 $0xFFFFDC00  }
0x1df: {  	v8 =	vperm.xlane v7, v2;
	v9 =	vperm.xlane v6, v2;
	_ =	swait.ge [sflag:s23], $0x2400  }
0x1e0: {  	v10 =	vperm.xlane v5, v2;
	v11 =	vperm.xlane v4, v2;
	[sflag:s23] =	ssyncset.done $0x0  }
0x1e1: {  	v12 =	vimm.f32 $0.0e+00;
	v7 =	vadd.f32 v8, v7;
	v6 =	vadd.f32 v9, v6;
	[sflag:s23] =	ssyncadd.s32 $0xFFFFDC00  }
0x1e2: {  	v13 =	vimm.f32 $0.0e+00;
	v5 =	vadd.f32 v10, v5;
	v4 =	vadd.f32 v11, v4;
	_ =	swait.ge [sflag:s23], $0x2400  }
0x1e3: {  	v14 =	vimm.f32 $0.0e+00;
	v11 =	vperm.xlane v7, v3;
	v10 =	vperm.xlane v6, v3;
	[sflag:s23] =	ssyncset.done $0x0  }
0x1e4: {  	v15 =	vimm.f32 $0.0e+00;
	s28 =	simm.s32 $0x0;
	v9 =	vperm.xlane v5, v3;
	v8 =	vperm.xlane v4, v3;
	[sflag:s23] =	ssyncadd.s32 $0xFFFFDC00  }
.LBB2_30:
0x1e5: {  	s0 =	sshrl.u32 s28, $0x3;
	s1 =	sshll.u32 s28, $0x7  }
0x1e6: {  	s29 =	smul.u32 $0xC00, s0;
	s30 =	sand.u32 $0x380, s1  }
0x1e7: {  	s6 =	sand.u32 $0x60, s26;
	s4 =	sand.u32 $0xC00, s26;
	s31 =	sor.u32 $0x10, s30  }
0x1e8: {  	s1 =	sadd.s32 s29, s4;
	s3 =	sor.u32 s31, s6  }
0x1e9: {  	s0 =	sor.u32 s30, s6;
	s3 =	sor.u32 s1, s3  }
0x1ea: {  	s0 =	sor.u32 s1, s0;
	v16 =	vld [tilespmem:s3+$0xB400]  }
0x1eb: {  	v17 =	vld [tilespmem:s0+$0x9000]  }
0x1ec: {  	v19 =	vld [tilespmem:s3+$0x9000]  }
0x1ed: {  	v18 =	vld [tilespmem:s0+$0xB400];
	_ =	sdelay $0x1  }
0x1ee: {  	v22 =	vld [tilespmem:s0+$0x6C00]  }
0x1ef: {  	v20 =	vadd.f32 $1.000000010e-01, v17  }
0x1f0: {  	s5 =	simm.s32 $0x20;
	s1 =	simm.s32 $0x100;
	v21 =	vld [tilespmem:s3+$0x6C00]  }
0x1f1: {  	s0 =	sand.u32 $0x60, s5;
	s4 =	sand.u32 $0xC00, s1;
	v23 =	vadd.f32 $1.000000010e-01, v19;
	vm7 =	vgt.f32 v16, $2.000000030e-01;
	v20 =	vmax.f32 v20, v18  }
0x1f2: {  	s4 =	sadd.s32 s29, s4;
	s5 =	sor.u32 s31, s0;
	vm9 =	vgt.f32 v18, $2.000000030e-01;
	vm8 =	vgt.f32 v19, $2.800000010e-01;
	v20 =	vmax.f32 v20, $4.000000060e-01  }
0x1f3: {  	s6 =	sor.u32 s30, s0;
	s0 =	sor.u32 s4, s5;
	vm11 =	vgt.f32 v17, $2.800000010e-01;
	v23 =	vmax.f32 v23, v16;
	vm10 =	vgt.f32 v22, v20  }
0x1f4: {  	s3 =	simm.s32 $0x40;
	s4 =	sor.u32 s4, s6;
	v23 =	vmax.f32 v23, $4.000000060e-01;
	v20 =	vld [tilespmem:s0+$0xB400];
	v22 =	vadd.f32 v22, v15;
	vm10 =	vmand vm11, vm10  }
.LBB2_31:
0x1f5: {  	p0 =	sne.s32 s3, $0x160;
	vm9 =	vmand vm9, vm10;
	v24 =	vadd.f32 v17, v14;
	v17 =	vld [tilespmem:s4+$0x9000];
	vm10 =	vgt.f32 v21, v23  }
0x1f6: {  	v25 =	vadd.f32 $1.000000000e+00, v12;
	v23 =	vld [tilespmem:s0+$0x9000];
	v15 =	vsel vm9, v22, v15;
	v22 =	vadd.f32 v18, v13  }
0x1f7: {  	vm8 =	vmand vm8, vm10;
	v18 =	vld [tilespmem:s4+$0xB400];
	v14 =	vsel vm9, v24, v14;
	v21 =	vadd.f32 v15, v21  }
0x1f8: {  	v12 =	vsel vm9, v25, v12;
	v13 =	vsel vm9, v22, v13;
	v26 =	vadd.f32 v14, v19  }
0x1f9: {  	vm7 =	vmand vm7, vm8;
	v25 =	vadd.f32 $1.000000000e+00, v12;
	v22 =	vld [tilespmem:s4+$0x6C00];
	v24 =	vadd.f32 v13, v16;
	v16 =	vmovc v20  }
0x1fa: {  	v15 =	vsel vm7, v21, v15;
	v20 =	vadd.f32 $1.000000010e-01, v17  }
.Ltmp14:
0x1fb: {  	s1 =	sadd.s32 $0x100, s1;
	v14 =	vsel vm7, v26, v14;
	v12 =	vsel vm7, v25, v12;
	v21 =	vld [tilespmem:s0+$0x6C00];
	v13 =	vsel vm7, v24, v13;
	v19 =	vmovc v23;
	(pc) =	sbr.rel @p0 .LBB2_31-.Ltmp14, $4  }
0x1fc: {  	s4 =	sand.u32 $0xC00, s1;
	s0 =	sand.u32 $0x60, s3;
	vm7 =	vgt.f32 v16, $2.000000030e-01;
	v20 =	vmax.f32 v20, v18;
	v23 =	vadd.f32 $1.000000010e-01, v19  }
0x1fd: {  	s4 =	sadd.s32 s29, s4;
	s5 =	sor.u32 s31, s0;
	vm9 =	vgt.f32 v18, $2.000000030e-01;
	vm8 =	vgt.f32 v19, $2.800000010e-01;
	v20 =	vmax.f32 v20, $4.000000060e-01  }
0x1fe: {  	vm11 =	vgt.f32 v17, $2.800000010e-01;
	s6 =	sor.u32 s30, s0;
	s0 =	sor.u32 s4, s5;
	vm10 =	vgt.f32 v22, v20;
	v23 =	vmax.f32 v23, v16  }
0x1ff: {  	s3 =	sadd.s32 $0x20, s3;
	s4 =	sor.u32 s4, s6;
	v22 =	vadd.f32 v22, v15;
	v20 =	vld [tilespmem:s0+$0xB400];
	vm10 =	vmand vm11, vm10;
	v23 =	vmax.f32 v23, $4.000000060e-01  }
0x200: {  	v24 =	vld [tilespmem:s4+$0x9000];
	vm9 =	vmand vm9, vm10;
	v17 =	vadd.f32 v17, v14;
	vm12 =	vgt.f32 v21, v23  }
0x201: {  	v52 =	vld [tilespmem:s0+$0x9000];
	v18 =	vadd.f32 v18, v13;
	v53 =	vadd.f32 $1.000000000e+00, v12;
	v15 =	vsel vm9, v22, v15  }
0x202: {  	v25 =	vld [tilespmem:s4+$0xB400];
	vm8 =	vmand vm8, vm12;
	v14 =	vsel vm9, v17, v14;
	v17 =	vadd.f32 v15, v21  }
0x203: {  	v13 =	vsel vm9, v18, v13;
	v12 =	vsel vm9, v53, v12;
	v54 =	vadd.f32 v14, v19  }
0x204: {  	v55 =	vld [tilespmem:s4+$0x6C00];
	vm7 =	vmand vm7, vm8;
	v16 =	vadd.f32 v13, v16;
	v56 =	vadd.f32 $1.000000000e+00, v12  }
0x205: {  	v15 =	vsel vm7, v17, v15;
	v57 =	vadd.f32 $1.000000010e-01, v24  }
0x206: {  	v14 =	vsel vm7, v54, v14;
	v13 =	vsel vm7, v16, v13;
	v12 =	vsel vm7, v56, v12  }
0x207: {  	v17 =	vld [tilespmem:s0+$0x6C00];
	v58 =	vadd.f32 $1.000000010e-01, v52;
	vm7 =	vgt.f32 v20, $2.000000030e-01;
	v16 =	vmax.f32 v57, v25  }
0x208: {  	vm8 =	vgt.f32 v25, $2.000000030e-01;
	vm13 =	vgt.f32 v52, $2.800000010e-01;
	v16 =	vmax.f32 v16, $4.000000060e-01  }
0x209: {  	vm11 =	vgt.f32 v24, $2.800000010e-01;
	v59 =	vadd.f32 v55, v15;
	vm14 =	vgt.f32 v55, v16  }
0x20a: {  	v60 =	vadd.f32 v24, v14;
	v16 =	vmax.f32 v58, v20;
	vm10 =	vmand vm11, vm14  }
0x20b: {  	s28 =	sadd.s32 $0x1, s28;
	v61 =	vadd.f32 $1.000000000e+00, v12;
	v16 =	vmax.f32 v16, $4.000000060e-01;
	vm8 =	vmand vm8, vm10  }
0x20c: {  	p0 =	sne.s32 s28, $0x18;
	vm15 =	vgt.f32 v17, v16;
	v16 =	vadd.f32 v25, v13;
	v15 =	vsel vm8, v59, v15  }
.Ltmp15:
0x20d: {  	v14 =	vsel vm8, v60, v14;
	vm9 =	vmand vm13, vm15;
	v12 =	vsel vm8, v61, v12;
	(pc) =	sbr.rel @p0 .LBB2_30-.Ltmp15, $4  }
0x20e: {  	v17 =	vadd.f32 v15, v17;
	v13 =	vsel vm8, v16, v13;
	v16 =	vadd.f32 v14, v52  }
0x20f: {  	vm7 =	vmand vm7, vm9;
	v63 =	vadd.f32 $1.000000000e+00, v12;
	v62 =	vadd.f32 v13, v20  }
0x210: {  	v15 =	vsel vm7, v17, v15  }
0x211: {  	v14 =	vsel vm7, v16, v14;
	v12 =	vsel vm7, v63, v12;
	v13 =	vsel vm7, v62, v13  }
0x212: {  	s0 =	rddreg [dreg:$0x1f]  }
0x213: {  	s26 =	simm.s32 $0x0;
	s30 =	sld [smem:$0x7F9]  }
0x214: {  	[tilespmem:s19], [sflag:$0x2] =	stream.linear.gather [hbm4b:s0+s26], $0x2400, $0x38;
	[tilespmem:$0xD880] =	vst v63  }
0x215: {  	s31 =	sld [smem:$0x7FA]  }
0x216: {  	[tilespmem:s20], [sflag:$0x2] =	stream.linear.gather [hbm4b:s30+s26], $0x2400, $0x38;
	[tilespmem:$0xD880] =	vst v63  }
0x217: {  	_ = 	snop  }
0x218: {  	[tilespmem:s21], [sflag:$0x2] =	stream.linear.gather [hbm4b:s31+s26], $0x2400, $0x38;
	[tilespmem:$0xD880] =	vst v63  }
0x219: {  	_ =	swait.ge [sflag:s22], $0x2400  }
0x21a: {  	[sflag:s22] =	ssyncset.done $0x0  }
0x21b: {  	[sflag:s22] =	ssyncadd.s32 $0xFFFFDC00  }
0x21c: {  	_ =	swait.ge [sflag:s22], $0x2400  }
0x21d: {  	[sflag:s22] =	ssyncset.done $0x0  }
0x21e: {  	[sflag:s22] =	ssyncadd.s32 $0xFFFFDC00  }
0x21f: {  	_ =	swait.ge [sflag:s22], $0x2400  }
0x220: {  	[sflag:s22] =	ssyncset.done $0x0  }
0x221: {  	s28 =	simm.s32 $0x0;
	[sflag:s22] =	ssyncadd.s32 $0xFFFFDC00  }
.LBB2_34:
0x222: {  	s0 =	sshrl.u32 s28, $0x3;
	s1 =	sshll.u32 s28, $0x7  }
0x223: {  	s29 =	smul.u32 $0xC00, s0;
	s30 =	sand.u32 $0x380, s1  }
0x224: {  	s6 =	sand.u32 $0x60, s26;
	s4 =	sand.u32 $0xC00, s26;
	s31 =	sor.u32 $0x10, s30  }
0x225: {  	s1 =	sadd.s32 s29, s4;
	s3 =	sor.u32 s31, s6  }
0x226: {  	s0 =	sor.u32 s30, s6;
	s3 =	sor.u32 s1, s3  }
0x227: {  	s0 =	sor.u32 s1, s0;
	v16 =	vld [tilespmem:s3+$0x4800]  }
0x228: {  	v17 =	vld [tilespmem:s0+$0x2400]  }
0x229: {  	v19 =	vld [tilespmem:s3+$0x2400]  }
0x22a: {  	v18 =	vld [tilespmem:s0+$0x4800];
	_ =	sdelay $0x1  }
0x22b: {  	v22 =	vld [tilespmem:s0+$0x0]  }
0x22c: {  	v20 =	vadd.f32 $1.000000010e-01, v17  }
0x22d: {  	s5 =	simm.s32 $0x20;
	s1 =	simm.s32 $0x100;
	v21 =	vld [tilespmem:s3+$0x0]  }
0x22e: {  	s0 =	sand.u32 $0x60, s5;
	s4 =	sand.u32 $0xC00, s1;
	v23 =	vadd.f32 $1.000000010e-01, v19;
	vm7 =	vgt.f32 v16, $2.000000030e-01;
	v20 =	vmax.f32 v20, v18  }
0x22f: {  	s4 =	sadd.s32 s29, s4;
	s5 =	sor.u32 s31, s0;
	vm9 =	vgt.f32 v18, $2.000000030e-01;
	vm8 =	vgt.f32 v19, $2.800000010e-01;
	v20 =	vmax.f32 v20, $4.000000060e-01  }
0x230: {  	s6 =	sor.u32 s30, s0;
	s0 =	sor.u32 s4, s5;
	vm11 =	vgt.f32 v17, $2.800000010e-01;
	v23 =	vmax.f32 v23, v16;
	vm10 =	vgt.f32 v22, v20  }
0x231: {  	s3 =	simm.s32 $0x40;
	s4 =	sor.u32 s4, s6;
	v23 =	vmax.f32 v23, $4.000000060e-01;
	v20 =	vld [tilespmem:s0+$0x4800];
	v22 =	vadd.f32 v22, v15;
	vm10 =	vmand vm11, vm10  }
.LBB2_35:
0x232: {  	p0 =	sne.s32 s3, $0x160;
	vm9 =	vmand vm9, vm10;
	v24 =	vadd.f32 v17, v14;
	v17 =	vld [tilespmem:s4+$0x2400];
	vm10 =	vgt.f32 v21, v23  }
0x233: {  	v25 =	vadd.f32 $1.000000000e+00, v12;
	v23 =	vld [tilespmem:s0+$0x2400];
	v15 =	vsel vm9, v22, v15;
	v22 =	vadd.f32 v18, v13  }
0x234: {  	vm8 =	vmand vm8, vm10;
	v18 =	vld [tilespmem:s4+$0x4800];
	v14 =	vsel vm9, v24, v14;
	v21 =	vadd.f32 v15, v21  }
0x235: {  	v12 =	vsel vm9, v25, v12;
	v13 =	vsel vm9, v22, v13;
	v26 =	vadd.f32 v14, v19  }
0x236: {  	vm7 =	vmand vm7, vm8;
	v25 =	vadd.f32 $1.000000000e+00, v12;
	v22 =	vld [tilespmem:s4+$0x0];
	v24 =	vadd.f32 v13, v16;
	v16 =	vmovc v20  }
0x237: {  	v15 =	vsel vm7, v21, v15;
	v20 =	vadd.f32 $1.000000010e-01, v17  }
.Ltmp16:
0x238: {  	s1 =	sadd.s32 $0x100, s1;
	v14 =	vsel vm7, v26, v14;
	v12 =	vsel vm7, v25, v12;
	v21 =	vld [tilespmem:s0+$0x0];
	v13 =	vsel vm7, v24, v13;
	v19 =	vmovc v23;
	(pc) =	sbr.rel @p0 .LBB2_35-.Ltmp16, $4  }
0x239: {  	s4 =	sand.u32 $0xC00, s1;
	s0 =	sand.u32 $0x60, s3;
	vm7 =	vgt.f32 v16, $2.000000030e-01;
	v20 =	vmax.f32 v20, v18;
	v23 =	vadd.f32 $1.000000010e-01, v19  }
0x23a: {  	s4 =	sadd.s32 s29, s4;
	s5 =	sor.u32 s31, s0;
	vm9 =	vgt.f32 v18, $2.000000030e-01;
	vm8 =	vgt.f32 v19, $2.800000010e-01;
	v20 =	vmax.f32 v20, $4.000000060e-01  }
0x23b: {  	vm11 =	vgt.f32 v17, $2.800000010e-01;
	s6 =	sor.u32 s30, s0;
	s0 =	sor.u32 s4, s5;
	vm10 =	vgt.f32 v22, v20;
	v23 =	vmax.f32 v23, v16  }
0x23c: {  	s3 =	sadd.s32 $0x20, s3;
	s4 =	sor.u32 s4, s6;
	v22 =	vadd.f32 v22, v15;
	v20 =	vld [tilespmem:s0+$0x4800];
	vm10 =	vmand vm11, vm10;
	v23 =	vmax.f32 v23, $4.000000060e-01  }
0x23d: {  	v24 =	vld [tilespmem:s4+$0x2400];
	vm9 =	vmand vm9, vm10;
	v17 =	vadd.f32 v17, v14;
	vm12 =	vgt.f32 v21, v23  }
0x23e: {  	v52 =	vld [tilespmem:s0+$0x2400];
	v18 =	vadd.f32 v18, v13;
	v53 =	vadd.f32 $1.000000000e+00, v12;
	v15 =	vsel vm9, v22, v15  }
0x23f: {  	v25 =	vld [tilespmem:s4+$0x4800];
	vm8 =	vmand vm8, vm12;
	v14 =	vsel vm9, v17, v14;
	v17 =	vadd.f32 v15, v21  }
0x240: {  	v13 =	vsel vm9, v18, v13;
	v12 =	vsel vm9, v53, v12;
	v54 =	vadd.f32 v14, v19  }
0x241: {  	v55 =	vld [tilespmem:s4+$0x0];
	vm7 =	vmand vm7, vm8;
	v16 =	vadd.f32 v13, v16;
	v56 =	vadd.f32 $1.000000000e+00, v12  }
0x242: {  	v15 =	vsel vm7, v17, v15;
	v57 =	vadd.f32 $1.000000010e-01, v24  }
0x243: {  	v14 =	vsel vm7, v54, v14;
	v13 =	vsel vm7, v16, v13;
	v12 =	vsel vm7, v56, v12  }
0x244: {  	v17 =	vld [tilespmem:s0+$0x0];
	v58 =	vadd.f32 $1.000000010e-01, v52;
	vm7 =	vgt.f32 v20, $2.000000030e-01;
	v16 =	vmax.f32 v57, v25  }
0x245: {  	vm8 =	vgt.f32 v25, $2.000000030e-01;
	vm13 =	vgt.f32 v52, $2.800000010e-01;
	v16 =	vmax.f32 v16, $4.000000060e-01  }
0x246: {  	vm11 =	vgt.f32 v24, $2.800000010e-01;
	v59 =	vadd.f32 v55, v15;
	vm14 =	vgt.f32 v55, v16  }
0x247: {  	v60 =	vadd.f32 v24, v14;
	v16 =	vmax.f32 v58, v20;
	vm10 =	vmand vm11, vm14  }
0x248: {  	s28 =	sadd.s32 $0x1, s28;
	v61 =	vadd.f32 $1.000000000e+00, v12;
	v16 =	vmax.f32 v16, $4.000000060e-01;
	vm8 =	vmand vm8, vm10  }
0x249: {  	p0 =	sne.s32 s28, $0x18;
	vm15 =	vgt.f32 v17, v16;
	v16 =	vadd.f32 v25, v13;
	v15 =	vsel vm8, v59, v15  }
.Ltmp17:
0x24a: {  	v14 =	vsel vm8, v60, v14;
	vm9 =	vmand vm13, vm15;
	v12 =	vsel vm8, v61, v12;
	(pc) =	sbr.rel @p0 .LBB2_34-.Ltmp17, $4  }
0x24b: {  	v17 =	vadd.f32 v15, v17;
	v13 =	vsel vm8, v16, v13;
	v16 =	vadd.f32 v14, v52  }
0x24c: {  	vm7 =	vmand vm7, vm9;
	v63 =	vadd.f32 $1.000000000e+00, v12;
	v62 =	vadd.f32 v13, v20  }
0x24d: {  	v15 =	vsel vm7, v17, v15  }
0x24e: {  	v14 =	vsel vm7, v16, v14;
	v12 =	vsel vm7, v63, v12;
	v13 =	vsel vm7, v62, v13  }
0x24f: {  	s0 =	sld [smem:$0x7FB];
	_ =	sdelay $0x1  }
0x250: {  	s26 =	simm.s32 $0x0;
	s30 =	sld [smem:$0x7FC]  }
0x251: {  	[tilespmem:s26], [sflag:$0x1] =	stream.linear.gather [hbm4b:s0+s26], $0x2400, $0x38;
	[tilespmem:$0xD880] =	vst v63  }
0x252: {  	s31 =	sld [smem:$0x7FD]  }
0x253: {  	[tilespmem:s17], [sflag:$0x1] =	stream.linear.gather [hbm4b:s30+s26], $0x2400, $0x38;
	[tilespmem:$0xD880] =	vst v63  }
0x254: {  	_ = 	snop  }
0x255: {  	[tilespmem:s18], [sflag:$0x1] =	stream.linear.gather [hbm4b:s31+s26], $0x2400, $0x38;
	[tilespmem:$0xD880] =	vst v63  }
0x256: {  	_ =	swait.ge [sflag:s23], $0x2400  }
0x257: {  	[sflag:s23] =	ssyncset.done $0x0  }
0x258: {  	[sflag:s23] =	ssyncadd.s32 $0xFFFFDC00  }
0x259: {  	_ =	swait.ge [sflag:s23], $0x2400  }
0x25a: {  	[sflag:s23] =	ssyncset.done $0x0  }
0x25b: {  	[sflag:s23] =	ssyncadd.s32 $0xFFFFDC00  }
0x25c: {  	_ =	swait.ge [sflag:s23], $0x2400  }
0x25d: {  	[sflag:s23] =	ssyncset.done $0x0  }
0x25e: {  	s28 =	simm.s32 $0x0;
	[sflag:s23] =	ssyncadd.s32 $0xFFFFDC00  }
.LBB2_38:
0x25f: {  	s0 =	sshrl.u32 s28, $0x3;
	s1 =	sshll.u32 s28, $0x7  }
0x260: {  	s29 =	smul.u32 $0xC00, s0;
	s30 =	sand.u32 $0x380, s1  }
0x261: {  	s6 =	sand.u32 $0x60, s26;
	s4 =	sand.u32 $0xC00, s26;
	s31 =	sor.u32 $0x10, s30  }
0x262: {  	s1 =	sadd.s32 s29, s4;
	s3 =	sor.u32 s31, s6  }
0x263: {  	s0 =	sor.u32 s30, s6;
	s3 =	sor.u32 s1, s3  }
0x264: {  	s0 =	sor.u32 s1, s0;
	v16 =	vld [tilespmem:s3+$0xB400]  }
0x265: {  	v17 =	vld [tilespmem:s0+$0x9000]  }
0x266: {  	v19 =	vld [tilespmem:s3+$0x9000]  }
0x267: {  	v18 =	vld [tilespmem:s0+$0xB400];
	_ =	sdelay $0x1  }
0x268: {  	v22 =	vld [tilespmem:s0+$0x6C00]  }
0x269: {  	v20 =	vadd.f32 $1.000000010e-01, v17  }
0x26a: {  	s5 =	simm.s32 $0x20;
	s1 =	simm.s32 $0x100;
	v21 =	vld [tilespmem:s3+$0x6C00]  }
0x26b: {  	s0 =	sand.u32 $0x60, s5;
	s4 =	sand.u32 $0xC00, s1;
	v23 =	vadd.f32 $1.000000010e-01, v19;
	vm7 =	vgt.f32 v16, $2.000000030e-01;
	v20 =	vmax.f32 v20, v18  }
0x26c: {  	s4 =	sadd.s32 s29, s4;
	s5 =	sor.u32 s31, s0;
	vm9 =	vgt.f32 v18, $2.000000030e-01;
	vm8 =	vgt.f32 v19, $2.800000010e-01;
	v20 =	vmax.f32 v20, $4.000000060e-01  }
0x26d: {  	s6 =	sor.u32 s30, s0;
	s0 =	sor.u32 s4, s5;
	vm11 =	vgt.f32 v17, $2.800000010e-01;
	v23 =	vmax.f32 v23, v16;
	vm10 =	vgt.f32 v22, v20  }
0x26e: {  	s3 =	simm.s32 $0x40;
	s4 =	sor.u32 s4, s6;
	v23 =	vmax.f32 v23, $4.000000060e-01;
	v20 =	vld [tilespmem:s0+$0xB400];
	v22 =	vadd.f32 v22, v15;
	vm10 =	vmand vm11, vm10  }
.LBB2_39:
0x26f: {  	p0 =	sne.s32 s3, $0x160;
	vm9 =	vmand vm9, vm10;
	v24 =	vadd.f32 v17, v14;
	v17 =	vld [tilespmem:s4+$0x9000];
	vm10 =	vgt.f32 v21, v23  }
0x270: {  	v25 =	vadd.f32 $1.000000000e+00, v12;
	v23 =	vld [tilespmem:s0+$0x9000];
	v15 =	vsel vm9, v22, v15;
	v22 =	vadd.f32 v18, v13  }
0x271: {  	vm8 =	vmand vm8, vm10;
	v18 =	vld [tilespmem:s4+$0xB400];
	v14 =	vsel vm9, v24, v14;
	v21 =	vadd.f32 v15, v21  }
0x272: {  	v12 =	vsel vm9, v25, v12;
	v13 =	vsel vm9, v22, v13;
	v26 =	vadd.f32 v14, v19  }
0x273: {  	vm7 =	vmand vm7, vm8;
	v25 =	vadd.f32 $1.000000000e+00, v12;
	v22 =	vld [tilespmem:s4+$0x6C00];
	v24 =	vadd.f32 v13, v16;
	v16 =	vmovc v20  }
0x274: {  	v15 =	vsel vm7, v21, v15;
	v20 =	vadd.f32 $1.000000010e-01, v17  }
.Ltmp18:
0x275: {  	s1 =	sadd.s32 $0x100, s1;
	v14 =	vsel vm7, v26, v14;
	v12 =	vsel vm7, v25, v12;
	v21 =	vld [tilespmem:s0+$0x6C00];
	v13 =	vsel vm7, v24, v13;
	v19 =	vmovc v23;
	(pc) =	sbr.rel @p0 .LBB2_39-.Ltmp18, $4  }
0x276: {  	s4 =	sand.u32 $0xC00, s1;
	s0 =	sand.u32 $0x60, s3;
	vm7 =	vgt.f32 v16, $2.000000030e-01;
	v20 =	vmax.f32 v20, v18;
	v23 =	vadd.f32 $1.000000010e-01, v19  }
0x277: {  	s4 =	sadd.s32 s29, s4;
	s5 =	sor.u32 s31, s0;
	vm9 =	vgt.f32 v18, $2.000000030e-01;
	vm8 =	vgt.f32 v19, $2.800000010e-01;
	v20 =	vmax.f32 v20, $4.000000060e-01  }
0x278: {  	vm11 =	vgt.f32 v17, $2.800000010e-01;
	s6 =	sor.u32 s30, s0;
	s0 =	sor.u32 s4, s5;
	vm10 =	vgt.f32 v22, v20;
	v23 =	vmax.f32 v23, v16  }
0x279: {  	s3 =	sadd.s32 $0x20, s3;
	s4 =	sor.u32 s4, s6;
	v22 =	vadd.f32 v22, v15;
	v20 =	vld [tilespmem:s0+$0xB400];
	vm10 =	vmand vm11, vm10;
	v23 =	vmax.f32 v23, $4.000000060e-01  }
0x27a: {  	v24 =	vld [tilespmem:s4+$0x9000];
	vm9 =	vmand vm9, vm10;
	v17 =	vadd.f32 v17, v14;
	vm12 =	vgt.f32 v21, v23  }
0x27b: {  	v52 =	vld [tilespmem:s0+$0x9000];
	v18 =	vadd.f32 v18, v13;
	v53 =	vadd.f32 $1.000000000e+00, v12;
	v15 =	vsel vm9, v22, v15  }
0x27c: {  	v25 =	vld [tilespmem:s4+$0xB400];
	vm8 =	vmand vm8, vm12;
	v14 =	vsel vm9, v17, v14;
	v17 =	vadd.f32 v15, v21  }
0x27d: {  	v13 =	vsel vm9, v18, v13;
	v12 =	vsel vm9, v53, v12;
	v54 =	vadd.f32 v14, v19  }
0x27e: {  	v55 =	vld [tilespmem:s4+$0x6C00];
	vm7 =	vmand vm7, vm8;
	v16 =	vadd.f32 v13, v16;
	v56 =	vadd.f32 $1.000000000e+00, v12  }
0x27f: {  	v15 =	vsel vm7, v17, v15;
	v57 =	vadd.f32 $1.000000010e-01, v24  }
0x280: {  	v14 =	vsel vm7, v54, v14;
	v13 =	vsel vm7, v16, v13;
	v12 =	vsel vm7, v56, v12  }
0x281: {  	v17 =	vld [tilespmem:s0+$0x6C00];
	v58 =	vadd.f32 $1.000000010e-01, v52;
	vm7 =	vgt.f32 v20, $2.000000030e-01;
	v16 =	vmax.f32 v57, v25  }
0x282: {  	vm8 =	vgt.f32 v25, $2.000000030e-01;
	vm13 =	vgt.f32 v52, $2.800000010e-01;
	v16 =	vmax.f32 v16, $4.000000060e-01  }
0x283: {  	vm11 =	vgt.f32 v24, $2.800000010e-01;
	v59 =	vadd.f32 v55, v15;
	vm14 =	vgt.f32 v55, v16  }
0x284: {  	v60 =	vadd.f32 v24, v14;
	v16 =	vmax.f32 v58, v20;
	vm10 =	vmand vm11, vm14  }
0x285: {  	s28 =	sadd.s32 $0x1, s28;
	v61 =	vadd.f32 $1.000000000e+00, v12;
	v16 =	vmax.f32 v16, $4.000000060e-01;
	vm8 =	vmand vm8, vm10  }
0x286: {  	p0 =	sne.s32 s28, $0x18;
	vm15 =	vgt.f32 v17, v16;
	v16 =	vadd.f32 v25, v13;
	v15 =	vsel vm8, v59, v15  }
.Ltmp19:
0x287: {  	v14 =	vsel vm8, v60, v14;
	vm9 =	vmand vm13, vm15;
	v12 =	vsel vm8, v61, v12;
	(pc) =	sbr.rel @p0 .LBB2_38-.Ltmp19, $4  }
0x288: {  	v17 =	vadd.f32 v15, v17;
	v13 =	vsel vm8, v16, v13;
	v16 =	vadd.f32 v14, v52  }
0x289: {  	vm7 =	vmand vm7, vm9;
	v63 =	vadd.f32 $1.000000000e+00, v12;
	v62 =	vadd.f32 v13, v20  }
0x28a: {  	v15 =	vsel vm7, v17, v15  }
0x28b: {  	v14 =	vsel vm7, v16, v14;
	v12 =	vsel vm7, v63, v12;
	v13 =	vsel vm7, v62, v13  }
0x28c: {  	s26 =	simm.s32 $0x0  }
0x28d: {  	[tilespmem:s19], [sflag:$0x2] =	stream.linear.gather [hbm4b:s7+s26], $0x2400, $0x38;
	[tilespmem:$0xD880] =	vst v63  }
0x28e: {  	_ = 	snop  }
0x28f: {  	[tilespmem:s20], [sflag:$0x2] =	stream.linear.gather [hbm4b:s8+s26], $0x2400, $0x38;
	[tilespmem:$0xD880] =	vst v63  }
0x290: {  	_ = 	snop  }
0x291: {  	[tilespmem:s21], [sflag:$0x2] =	stream.linear.gather [hbm4b:s9+s26], $0x2400, $0x38;
	[tilespmem:$0xD880] =	vst v63  }
0x292: {  	_ =	swait.ge [sflag:s22], $0x2400  }
0x293: {  	[sflag:s22] =	ssyncset.done $0x0  }
0x294: {  	[sflag:s22] =	ssyncadd.s32 $0xFFFFDC00  }
0x295: {  	_ =	swait.ge [sflag:s22], $0x2400  }
0x296: {  	[sflag:s22] =	ssyncset.done $0x0  }
0x297: {  	[sflag:s22] =	ssyncadd.s32 $0xFFFFDC00  }
0x298: {  	_ =	swait.ge [sflag:s22], $0x2400  }
0x299: {  	[sflag:s22] =	ssyncset.done $0x0  }
0x29a: {  	s28 =	simm.s32 $0x0;
	[sflag:s22] =	ssyncadd.s32 $0xFFFFDC00  }
.LBB2_42:
0x29b: {  	s0 =	sshrl.u32 s28, $0x3;
	s1 =	sshll.u32 s28, $0x7  }
0x29c: {  	s29 =	smul.u32 $0xC00, s0;
	s30 =	sand.u32 $0x380, s1  }
0x29d: {  	s6 =	sand.u32 $0x60, s26;
	s4 =	sand.u32 $0xC00, s26;
	s31 =	sor.u32 $0x10, s30  }
0x29e: {  	s1 =	sadd.s32 s29, s4;
	s3 =	sor.u32 s31, s6  }
0x29f: {  	s0 =	sor.u32 s30, s6;
	s3 =	sor.u32 s1, s3  }
0x2a0: {  	s0 =	sor.u32 s1, s0;
	v16 =	vld [tilespmem:s3+$0x4800]  }
0x2a1: {  	v17 =	vld [tilespmem:s0+$0x2400]  }
0x2a2: {  	v19 =	vld [tilespmem:s3+$0x2400]  }
0x2a3: {  	v18 =	vld [tilespmem:s0+$0x4800];
	_ =	sdelay $0x1  }
0x2a4: {  	v22 =	vld [tilespmem:s0+$0x0]  }
0x2a5: {  	v20 =	vadd.f32 $1.000000010e-01, v17  }
0x2a6: {  	s5 =	simm.s32 $0x20;
	s1 =	simm.s32 $0x100;
	v21 =	vld [tilespmem:s3+$0x0]  }
0x2a7: {  	s0 =	sand.u32 $0x60, s5;
	s4 =	sand.u32 $0xC00, s1;
	v23 =	vadd.f32 $1.000000010e-01, v19;
	vm7 =	vgt.f32 v16, $2.000000030e-01;
	v20 =	vmax.f32 v20, v18  }
0x2a8: {  	s4 =	sadd.s32 s29, s4;
	s5 =	sor.u32 s31, s0;
	vm9 =	vgt.f32 v18, $2.000000030e-01;
	vm8 =	vgt.f32 v19, $2.800000010e-01;
	v20 =	vmax.f32 v20, $4.000000060e-01  }
0x2a9: {  	s6 =	sor.u32 s30, s0;
	s0 =	sor.u32 s4, s5;
	vm11 =	vgt.f32 v17, $2.800000010e-01;
	v23 =	vmax.f32 v23, v16;
	vm10 =	vgt.f32 v22, v20  }
0x2aa: {  	s3 =	simm.s32 $0x40;
	s4 =	sor.u32 s4, s6;
	v23 =	vmax.f32 v23, $4.000000060e-01;
	v20 =	vld [tilespmem:s0+$0x4800];
	v22 =	vadd.f32 v22, v15;
	vm10 =	vmand vm11, vm10  }
.LBB2_43:
0x2ab: {  	p0 =	sne.s32 s3, $0x160;
	vm9 =	vmand vm9, vm10;
	v24 =	vadd.f32 v17, v14;
	v17 =	vld [tilespmem:s4+$0x2400];
	vm10 =	vgt.f32 v21, v23  }
0x2ac: {  	v25 =	vadd.f32 $1.000000000e+00, v12;
	v23 =	vld [tilespmem:s0+$0x2400];
	v15 =	vsel vm9, v22, v15;
	v22 =	vadd.f32 v18, v13  }
0x2ad: {  	vm8 =	vmand vm8, vm10;
	v18 =	vld [tilespmem:s4+$0x4800];
	v14 =	vsel vm9, v24, v14;
	v21 =	vadd.f32 v15, v21  }
0x2ae: {  	v12 =	vsel vm9, v25, v12;
	v13 =	vsel vm9, v22, v13;
	v26 =	vadd.f32 v14, v19  }
0x2af: {  	vm7 =	vmand vm7, vm8;
	v25 =	vadd.f32 $1.000000000e+00, v12;
	v22 =	vld [tilespmem:s4+$0x0];
	v24 =	vadd.f32 v13, v16;
	v16 =	vmovc v20  }
0x2b0: {  	v15 =	vsel vm7, v21, v15;
	v20 =	vadd.f32 $1.000000010e-01, v17  }
.Ltmp20:
0x2b1: {  	s1 =	sadd.s32 $0x100, s1;
	v14 =	vsel vm7, v26, v14;
	v12 =	vsel vm7, v25, v12;
	v21 =	vld [tilespmem:s0+$0x0];
	v13 =	vsel vm7, v24, v13;
	v19 =	vmovc v23;
	(pc) =	sbr.rel @p0 .LBB2_43-.Ltmp20, $4  }
0x2b2: {  	s4 =	sand.u32 $0xC00, s1;
	s0 =	sand.u32 $0x60, s3;
	vm7 =	vgt.f32 v16, $2.000000030e-01;
	v20 =	vmax.f32 v20, v18;
	v23 =	vadd.f32 $1.000000010e-01, v19  }
0x2b3: {  	s4 =	sadd.s32 s29, s4;
	s5 =	sor.u32 s31, s0;
	vm9 =	vgt.f32 v18, $2.000000030e-01;
	vm8 =	vgt.f32 v19, $2.800000010e-01;
	v20 =	vmax.f32 v20, $4.000000060e-01  }
0x2b4: {  	vm11 =	vgt.f32 v17, $2.800000010e-01;
	s6 =	sor.u32 s30, s0;
	s0 =	sor.u32 s4, s5;
	vm10 =	vgt.f32 v22, v20;
	v23 =	vmax.f32 v23, v16  }
0x2b5: {  	s3 =	sadd.s32 $0x20, s3;
	s4 =	sor.u32 s4, s6;
	v22 =	vadd.f32 v22, v15;
	v20 =	vld [tilespmem:s0+$0x4800];
	vm10 =	vmand vm11, vm10;
	v23 =	vmax.f32 v23, $4.000000060e-01  }
0x2b6: {  	v24 =	vld [tilespmem:s4+$0x2400];
	vm9 =	vmand vm9, vm10;
	v17 =	vadd.f32 v17, v14;
	vm12 =	vgt.f32 v21, v23  }
0x2b7: {  	v52 =	vld [tilespmem:s0+$0x2400];
	v18 =	vadd.f32 v18, v13;
	v53 =	vadd.f32 $1.000000000e+00, v12;
	v15 =	vsel vm9, v22, v15  }
0x2b8: {  	v25 =	vld [tilespmem:s4+$0x4800];
	vm8 =	vmand vm8, vm12;
	v14 =	vsel vm9, v17, v14;
	v17 =	vadd.f32 v15, v21  }
0x2b9: {  	v13 =	vsel vm9, v18, v13;
	v12 =	vsel vm9, v53, v12;
	v54 =	vadd.f32 v14, v19  }
0x2ba: {  	v55 =	vld [tilespmem:s4+$0x0];
	vm7 =	vmand vm7, vm8;
	v16 =	vadd.f32 v13, v16;
	v56 =	vadd.f32 $1.000000000e+00, v12  }
0x2bb: {  	v15 =	vsel vm7, v17, v15;
	v57 =	vadd.f32 $1.000000010e-01, v24  }
0x2bc: {  	v14 =	vsel vm7, v54, v14;
	v13 =	vsel vm7, v16, v13;
	v12 =	vsel vm7, v56, v12  }
0x2bd: {  	v17 =	vld [tilespmem:s0+$0x0];
	v58 =	vadd.f32 $1.000000010e-01, v52;
	vm7 =	vgt.f32 v20, $2.000000030e-01;
	v16 =	vmax.f32 v57, v25  }
0x2be: {  	vm8 =	vgt.f32 v25, $2.000000030e-01;
	vm13 =	vgt.f32 v52, $2.800000010e-01;
	v16 =	vmax.f32 v16, $4.000000060e-01  }
0x2bf: {  	vm11 =	vgt.f32 v24, $2.800000010e-01;
	v59 =	vadd.f32 v55, v15;
	vm14 =	vgt.f32 v55, v16  }
0x2c0: {  	v60 =	vadd.f32 v24, v14;
	v16 =	vmax.f32 v58, v20;
	vm10 =	vmand vm11, vm14  }
0x2c1: {  	s28 =	sadd.s32 $0x1, s28;
	v61 =	vadd.f32 $1.000000000e+00, v12;
	v16 =	vmax.f32 v16, $4.000000060e-01;
	vm8 =	vmand vm8, vm10  }
0x2c2: {  	p0 =	sne.s32 s28, $0x18;
	vm15 =	vgt.f32 v17, v16;
	v16 =	vadd.f32 v25, v13;
	v15 =	vsel vm8, v59, v15  }
.Ltmp21:
0x2c3: {  	v14 =	vsel vm8, v60, v14;
	vm9 =	vmand vm13, vm15;
	v12 =	vsel vm8, v61, v12;
	(pc) =	sbr.rel @p0 .LBB2_42-.Ltmp21, $4  }
0x2c4: {  	v17 =	vadd.f32 v15, v17;
	v13 =	vsel vm8, v16, v13;
	v16 =	vadd.f32 v14, v52  }
0x2c5: {  	vm7 =	vmand vm7, vm9;
	v63 =	vadd.f32 $1.000000000e+00, v12;
	v62 =	vadd.f32 v13, v20  }
0x2c6: {  	v15 =	vsel vm7, v17, v15  }
0x2c7: {  	v14 =	vsel vm7, v16, v14;
	v12 =	vsel vm7, v63, v12;
	v13 =	vsel vm7, v62, v13  }
0x2c8: {  	s26 =	simm.s32 $0x0  }
0x2c9: {  	[tilespmem:s26], [sflag:$0x1] =	stream.linear.gather [hbm4b:s10+s26], $0x2400, $0x38;
	[tilespmem:$0xD880] =	vst v63  }
0x2ca: {  	_ = 	snop  }
0x2cb: {  	[tilespmem:s17], [sflag:$0x1] =	stream.linear.gather [hbm4b:s11+s26], $0x2400, $0x38;
	[tilespmem:$0xD880] =	vst v63  }
0x2cc: {  	_ = 	snop  }
0x2cd: {  	[tilespmem:s18], [sflag:$0x1] =	stream.linear.gather [hbm4b:s12+s26], $0x2400, $0x38;
	[tilespmem:$0xD880] =	vst v63  }
0x2ce: {  	_ =	swait.ge [sflag:s23], $0x2400  }
0x2cf: {  	[sflag:s23] =	ssyncset.done $0x0  }
0x2d0: {  	[sflag:s23] =	ssyncadd.s32 $0xFFFFDC00  }
0x2d1: {  	_ =	swait.ge [sflag:s23], $0x2400  }
0x2d2: {  	[sflag:s23] =	ssyncset.done $0x0  }
0x2d3: {  	[sflag:s23] =	ssyncadd.s32 $0xFFFFDC00  }
0x2d4: {  	_ =	swait.ge [sflag:s23], $0x2400  }
0x2d5: {  	[sflag:s23] =	ssyncset.done $0x0  }
0x2d6: {  	s28 =	simm.s32 $0x0;
	[sflag:s23] =	ssyncadd.s32 $0xFFFFDC00  }
.LBB2_46:
0x2d7: {  	s0 =	sshrl.u32 s28, $0x3;
	s1 =	sshll.u32 s28, $0x7  }
0x2d8: {  	s29 =	smul.u32 $0xC00, s0;
	s30 =	sand.u32 $0x380, s1  }
0x2d9: {  	s6 =	sand.u32 $0x60, s26;
	s4 =	sand.u32 $0xC00, s26;
	s31 =	sor.u32 $0x10, s30  }
0x2da: {  	s1 =	sadd.s32 s29, s4;
	s3 =	sor.u32 s31, s6  }
0x2db: {  	s0 =	sor.u32 s30, s6;
	s3 =	sor.u32 s1, s3  }
0x2dc: {  	s0 =	sor.u32 s1, s0;
	v16 =	vld [tilespmem:s3+$0xB400]  }
0x2dd: {  	v17 =	vld [tilespmem:s0+$0x9000]  }
0x2de: {  	v19 =	vld [tilespmem:s3+$0x9000]  }
0x2df: {  	v18 =	vld [tilespmem:s0+$0xB400];
	_ =	sdelay $0x1  }
0x2e0: {  	v22 =	vld [tilespmem:s0+$0x6C00]  }
0x2e1: {  	v20 =	vadd.f32 $1.000000010e-01, v17  }
0x2e2: {  	s5 =	simm.s32 $0x20;
	s1 =	simm.s32 $0x100;
	v21 =	vld [tilespmem:s3+$0x6C00]  }
0x2e3: {  	s0 =	sand.u32 $0x60, s5;
	s4 =	sand.u32 $0xC00, s1;
	v23 =	vadd.f32 $1.000000010e-01, v19;
	vm7 =	vgt.f32 v16, $2.000000030e-01;
	v20 =	vmax.f32 v20, v18  }
0x2e4: {  	s4 =	sadd.s32 s29, s4;
	s5 =	sor.u32 s31, s0;
	vm9 =	vgt.f32 v18, $2.000000030e-01;
	vm8 =	vgt.f32 v19, $2.800000010e-01;
	v20 =	vmax.f32 v20, $4.000000060e-01  }
0x2e5: {  	s6 =	sor.u32 s30, s0;
	s0 =	sor.u32 s4, s5;
	vm11 =	vgt.f32 v17, $2.800000010e-01;
	v23 =	vmax.f32 v23, v16;
	vm10 =	vgt.f32 v22, v20  }
0x2e6: {  	s3 =	simm.s32 $0x40;
	s4 =	sor.u32 s4, s6;
	v23 =	vmax.f32 v23, $4.000000060e-01;
	v20 =	vld [tilespmem:s0+$0xB400];
	v22 =	vadd.f32 v22, v15;
	vm10 =	vmand vm11, vm10  }
.LBB2_47:
0x2e7: {  	p0 =	sne.s32 s3, $0x160;
	vm9 =	vmand vm9, vm10;
	v24 =	vadd.f32 v17, v14;
	v17 =	vld [tilespmem:s4+$0x9000];
	vm10 =	vgt.f32 v21, v23  }
0x2e8: {  	v25 =	vadd.f32 $1.000000000e+00, v12;
	v23 =	vld [tilespmem:s0+$0x9000];
	v15 =	vsel vm9, v22, v15;
	v22 =	vadd.f32 v18, v13  }
0x2e9: {  	vm8 =	vmand vm8, vm10;
	v18 =	vld [tilespmem:s4+$0xB400];
	v14 =	vsel vm9, v24, v14;
	v21 =	vadd.f32 v15, v21  }
0x2ea: {  	v12 =	vsel vm9, v25, v12;
	v13 =	vsel vm9, v22, v13;
	v26 =	vadd.f32 v14, v19  }
0x2eb: {  	vm7 =	vmand vm7, vm8;
	v25 =	vadd.f32 $1.000000000e+00, v12;
	v22 =	vld [tilespmem:s4+$0x6C00];
	v24 =	vadd.f32 v13, v16;
	v16 =	vmovc v20  }
0x2ec: {  	v15 =	vsel vm7, v21, v15;
	v20 =	vadd.f32 $1.000000010e-01, v17  }
.Ltmp22:
0x2ed: {  	s1 =	sadd.s32 $0x100, s1;
	v14 =	vsel vm7, v26, v14;
	v12 =	vsel vm7, v25, v12;
	v21 =	vld [tilespmem:s0+$0x6C00];
	v13 =	vsel vm7, v24, v13;
	v19 =	vmovc v23;
	(pc) =	sbr.rel @p0 .LBB2_47-.Ltmp22, $4  }
0x2ee: {  	s4 =	sand.u32 $0xC00, s1;
	s0 =	sand.u32 $0x60, s3;
	vm7 =	vgt.f32 v16, $2.000000030e-01;
	v20 =	vmax.f32 v20, v18;
	v23 =	vadd.f32 $1.000000010e-01, v19  }
0x2ef: {  	s4 =	sadd.s32 s29, s4;
	s5 =	sor.u32 s31, s0;
	vm9 =	vgt.f32 v18, $2.000000030e-01;
	vm8 =	vgt.f32 v19, $2.800000010e-01;
	v20 =	vmax.f32 v20, $4.000000060e-01  }
0x2f0: {  	vm11 =	vgt.f32 v17, $2.800000010e-01;
	s6 =	sor.u32 s30, s0;
	s0 =	sor.u32 s4, s5;
	vm10 =	vgt.f32 v22, v20;
	v23 =	vmax.f32 v23, v16  }
0x2f1: {  	s3 =	sadd.s32 $0x20, s3;
	s4 =	sor.u32 s4, s6;
	v22 =	vadd.f32 v22, v15;
	v20 =	vld [tilespmem:s0+$0xB400];
	vm10 =	vmand vm11, vm10;
	v23 =	vmax.f32 v23, $4.000000060e-01  }
0x2f2: {  	v24 =	vld [tilespmem:s4+$0x9000];
	vm9 =	vmand vm9, vm10;
	v17 =	vadd.f32 v17, v14;
	vm12 =	vgt.f32 v21, v23  }
0x2f3: {  	v52 =	vld [tilespmem:s0+$0x9000];
	v18 =	vadd.f32 v18, v13;
	v53 =	vadd.f32 $1.000000000e+00, v12;
	v15 =	vsel vm9, v22, v15  }
0x2f4: {  	v25 =	vld [tilespmem:s4+$0xB400];
	vm8 =	vmand vm8, vm12;
	v14 =	vsel vm9, v17, v14;
	v17 =	vadd.f32 v15, v21  }
0x2f5: {  	v13 =	vsel vm9, v18, v13;
	v12 =	vsel vm9, v53, v12;
	v54 =	vadd.f32 v14, v19  }
0x2f6: {  	v55 =	vld [tilespmem:s4+$0x6C00];
	vm7 =	vmand vm7, vm8;
	v16 =	vadd.f32 v13, v16;
	v56 =	vadd.f32 $1.000000000e+00, v12  }
0x2f7: {  	v15 =	vsel vm7, v17, v15;
	v57 =	vadd.f32 $1.000000010e-01, v24  }
0x2f8: {  	v14 =	vsel vm7, v54, v14;
	v13 =	vsel vm7, v16, v13;
	v12 =	vsel vm7, v56, v12  }
0x2f9: {  	v17 =	vld [tilespmem:s0+$0x6C00];
	v58 =	vadd.f32 $1.000000010e-01, v52;
	vm7 =	vgt.f32 v20, $2.000000030e-01;
	v16 =	vmax.f32 v57, v25  }
0x2fa: {  	vm8 =	vgt.f32 v25, $2.000000030e-01;
	vm13 =	vgt.f32 v52, $2.800000010e-01;
	v16 =	vmax.f32 v16, $4.000000060e-01  }
0x2fb: {  	vm11 =	vgt.f32 v24, $2.800000010e-01;
	v59 =	vadd.f32 v55, v15;
	vm14 =	vgt.f32 v55, v16  }
0x2fc: {  	v60 =	vadd.f32 v24, v14;
	v16 =	vmax.f32 v58, v20;
	vm10 =	vmand vm11, vm14  }
0x2fd: {  	s28 =	sadd.s32 $0x1, s28;
	v61 =	vadd.f32 $1.000000000e+00, v12;
	v16 =	vmax.f32 v16, $4.000000060e-01;
	vm8 =	vmand vm8, vm10  }
0x2fe: {  	p0 =	sne.s32 s28, $0x18;
	vm15 =	vgt.f32 v17, v16;
	v16 =	vadd.f32 v25, v13;
	v15 =	vsel vm8, v59, v15  }
.Ltmp23:
0x2ff: {  	v14 =	vsel vm8, v60, v14;
	vm9 =	vmand vm13, vm15;
	v12 =	vsel vm8, v61, v12;
	(pc) =	sbr.rel @p0 .LBB2_46-.Ltmp23, $4  }
0x300: {  	v17 =	vadd.f32 v15, v17;
	v13 =	vsel vm8, v16, v13;
	v16 =	vadd.f32 v14, v52  }
0x301: {  	vm7 =	vmand vm7, vm9;
	v63 =	vadd.f32 $1.000000000e+00, v12;
	v62 =	vadd.f32 v13, v20  }
0x302: {  	v15 =	vsel vm7, v17, v15  }
0x303: {  	v14 =	vsel vm7, v16, v14;
	v12 =	vsel vm7, v63, v12;
	v13 =	vsel vm7, v62, v13  }
0x304: {  	s26 =	simm.s32 $0x0  }
0x305: {  	[tilespmem:s19], [sflag:$0x2] =	stream.linear.gather [hbm4b:s13+s26], $0x2400, $0x38;
	[tilespmem:$0xD880] =	vst v63  }
0x306: {  	_ = 	snop  }
0x307: {  	[tilespmem:s20], [sflag:$0x2] =	stream.linear.gather [hbm4b:s14+s26], $0x2400, $0x38;
	[tilespmem:$0xD880] =	vst v63  }
0x308: {  	_ = 	snop  }
0x309: {  	[tilespmem:s21], [sflag:$0x2] =	stream.linear.gather [hbm4b:s15+s26], $0x2400, $0x38;
	[tilespmem:$0xD880] =	vst v63  }
0x30a: {  	_ =	swait.ge [sflag:s22], $0x2400  }
0x30b: {  	[sflag:s22] =	ssyncset.done $0x0  }
0x30c: {  	[sflag:s22] =	ssyncadd.s32 $0xFFFFDC00  }
0x30d: {  	_ =	swait.ge [sflag:s22], $0x2400  }
0x30e: {  	[sflag:s22] =	ssyncset.done $0x0  }
0x30f: {  	[sflag:s22] =	ssyncadd.s32 $0xFFFFDC00  }
0x310: {  	_ =	swait.ge [sflag:s22], $0x2400  }
0x311: {  	[sflag:s22] =	ssyncset.done $0x0  }
0x312: {  	s28 =	simm.s32 $0x0;
	[sflag:s22] =	ssyncadd.s32 $0xFFFFDC00  }
.LBB2_50:
0x313: {  	s0 =	sshrl.u32 s28, $0x3;
	s1 =	sshll.u32 s28, $0x7  }
0x314: {  	s29 =	smul.u32 $0xC00, s0;
	s30 =	sand.u32 $0x380, s1  }
0x315: {  	s6 =	sand.u32 $0x60, s26;
	s4 =	sand.u32 $0xC00, s26;
	s31 =	sor.u32 $0x10, s30  }
0x316: {  	s1 =	sadd.s32 s29, s4;
	s3 =	sor.u32 s31, s6  }
0x317: {  	s0 =	sor.u32 s30, s6;
	s3 =	sor.u32 s1, s3  }
0x318: {  	s0 =	sor.u32 s1, s0;
	v16 =	vld [tilespmem:s3+$0x4800]  }
0x319: {  	v17 =	vld [tilespmem:s0+$0x2400]  }
0x31a: {  	v19 =	vld [tilespmem:s3+$0x2400]  }
0x31b: {  	v18 =	vld [tilespmem:s0+$0x4800];
	_ =	sdelay $0x1  }
0x31c: {  	v22 =	vld [tilespmem:s0+$0x0]  }
0x31d: {  	v20 =	vadd.f32 $1.000000010e-01, v17  }
0x31e: {  	s5 =	simm.s32 $0x20;
	s1 =	simm.s32 $0x100;
	v21 =	vld [tilespmem:s3+$0x0]  }
0x31f: {  	s0 =	sand.u32 $0x60, s5;
	s4 =	sand.u32 $0xC00, s1;
	v23 =	vadd.f32 $1.000000010e-01, v19;
	vm7 =	vgt.f32 v16, $2.000000030e-01;
	v20 =	vmax.f32 v20, v18  }
0x320: {  	s4 =	sadd.s32 s29, s4;
	s5 =	sor.u32 s31, s0;
	vm9 =	vgt.f32 v18, $2.000000030e-01;
	vm8 =	vgt.f32 v19, $2.800000010e-01;
	v20 =	vmax.f32 v20, $4.000000060e-01  }
0x321: {  	s6 =	sor.u32 s30, s0;
	s0 =	sor.u32 s4, s5;
	vm11 =	vgt.f32 v17, $2.800000010e-01;
	v23 =	vmax.f32 v23, v16;
	vm10 =	vgt.f32 v22, v20  }
0x322: {  	s3 =	simm.s32 $0x40;
	s4 =	sor.u32 s4, s6;
	v23 =	vmax.f32 v23, $4.000000060e-01;
	v20 =	vld [tilespmem:s0+$0x4800];
	v22 =	vadd.f32 v22, v15;
	vm10 =	vmand vm11, vm10  }
.LBB2_51:
0x323: {  	p0 =	sne.s32 s3, $0x160;
	vm9 =	vmand vm9, vm10;
	v24 =	vadd.f32 v17, v14;
	v17 =	vld [tilespmem:s4+$0x2400];
	vm10 =	vgt.f32 v21, v23  }
0x324: {  	v25 =	vadd.f32 $1.000000000e+00, v12;
	v23 =	vld [tilespmem:s0+$0x2400];
	v15 =	vsel vm9, v22, v15;
	v22 =	vadd.f32 v18, v13  }
0x325: {  	vm8 =	vmand vm8, vm10;
	v18 =	vld [tilespmem:s4+$0x4800];
	v14 =	vsel vm9, v24, v14;
	v21 =	vadd.f32 v15, v21  }
0x326: {  	v12 =	vsel vm9, v25, v12;
	v13 =	vsel vm9, v22, v13;
	v26 =	vadd.f32 v14, v19  }
0x327: {  	vm7 =	vmand vm7, vm8;
	v25 =	vadd.f32 $1.000000000e+00, v12;
	v22 =	vld [tilespmem:s4+$0x0];
	v24 =	vadd.f32 v13, v16;
	v16 =	vmovc v20  }
0x328: {  	v15 =	vsel vm7, v21, v15;
	v20 =	vadd.f32 $1.000000010e-01, v17  }
.Ltmp24:
0x329: {  	s1 =	sadd.s32 $0x100, s1;
	v14 =	vsel vm7, v26, v14;
	v12 =	vsel vm7, v25, v12;
	v21 =	vld [tilespmem:s0+$0x0];
	v13 =	vsel vm7, v24, v13;
	v19 =	vmovc v23;
	(pc) =	sbr.rel @p0 .LBB2_51-.Ltmp24, $4  }
0x32a: {  	s4 =	sand.u32 $0xC00, s1;
	s0 =	sand.u32 $0x60, s3;
	vm7 =	vgt.f32 v16, $2.000000030e-01;
	v20 =	vmax.f32 v20, v18;
	v23 =	vadd.f32 $1.000000010e-01, v19  }
0x32b: {  	s4 =	sadd.s32 s29, s4;
	s5 =	sor.u32 s31, s0;
	vm9 =	vgt.f32 v18, $2.000000030e-01;
	vm8 =	vgt.f32 v19, $2.800000010e-01;
	v20 =	vmax.f32 v20, $4.000000060e-01  }
0x32c: {  	vm11 =	vgt.f32 v17, $2.800000010e-01;
	s6 =	sor.u32 s30, s0;
	s0 =	sor.u32 s4, s5;
	vm10 =	vgt.f32 v22, v20;
	v23 =	vmax.f32 v23, v16  }
0x32d: {  	s3 =	sadd.s32 $0x20, s3;
	s4 =	sor.u32 s4, s6;
	v22 =	vadd.f32 v22, v15;
	v20 =	vld [tilespmem:s0+$0x4800];
	vm10 =	vmand vm11, vm10;
	v23 =	vmax.f32 v23, $4.000000060e-01  }
0x32e: {  	v24 =	vld [tilespmem:s4+$0x2400];
	vm9 =	vmand vm9, vm10;
	v17 =	vadd.f32 v17, v14;
	vm12 =	vgt.f32 v21, v23  }
0x32f: {  	v52 =	vld [tilespmem:s0+$0x2400];
	v18 =	vadd.f32 v18, v13;
	v53 =	vadd.f32 $1.000000000e+00, v12;
	v15 =	vsel vm9, v22, v15  }
0x330: {  	v25 =	vld [tilespmem:s4+$0x4800];
	vm8 =	vmand vm8, vm12;
	v14 =	vsel vm9, v17, v14;
	v17 =	vadd.f32 v15, v21  }
0x331: {  	v13 =	vsel vm9, v18, v13;
	v12 =	vsel vm9, v53, v12;
	v54 =	vadd.f32 v14, v19  }
0x332: {  	v55 =	vld [tilespmem:s4+$0x0];
	vm7 =	vmand vm7, vm8;
	v16 =	vadd.f32 v13, v16;
	v56 =	vadd.f32 $1.000000000e+00, v12  }
0x333: {  	v15 =	vsel vm7, v17, v15;
	v57 =	vadd.f32 $1.000000010e-01, v24  }
0x334: {  	v14 =	vsel vm7, v54, v14;
	v13 =	vsel vm7, v16, v13;
	v12 =	vsel vm7, v56, v12  }
0x335: {  	v17 =	vld [tilespmem:s0+$0x0];
	v58 =	vadd.f32 $1.000000010e-01, v52;
	vm7 =	vgt.f32 v20, $2.000000030e-01;
	v16 =	vmax.f32 v57, v25  }
0x336: {  	vm8 =	vgt.f32 v25, $2.000000030e-01;
	vm13 =	vgt.f32 v52, $2.800000010e-01;
	v16 =	vmax.f32 v16, $4.000000060e-01  }
0x337: {  	vm11 =	vgt.f32 v24, $2.800000010e-01;
	v59 =	vadd.f32 v55, v15;
	vm14 =	vgt.f32 v55, v16  }
0x338: {  	v60 =	vadd.f32 v24, v14;
	v16 =	vmax.f32 v58, v20;
	vm10 =	vmand vm11, vm14  }
0x339: {  	s28 =	sadd.s32 $0x1, s28;
	v61 =	vadd.f32 $1.000000000e+00, v12;
	v16 =	vmax.f32 v16, $4.000000060e-01;
	vm8 =	vmand vm8, vm10  }
0x33a: {  	p0 =	sne.s32 s28, $0x18;
	vm15 =	vgt.f32 v17, v16;
	v16 =	vadd.f32 v25, v13;
	v15 =	vsel vm8, v59, v15  }
.Ltmp25:
0x33b: {  	v14 =	vsel vm8, v60, v14;
	vm9 =	vmand vm13, vm15;
	v12 =	vsel vm8, v61, v12;
	(pc) =	sbr.rel @p0 .LBB2_50-.Ltmp25, $4  }
0x33c: {  	v17 =	vadd.f32 v15, v17;
	v13 =	vsel vm8, v16, v13;
	v16 =	vadd.f32 v14, v52  }
0x33d: {  	vm7 =	vmand vm7, vm9;
	v63 =	vadd.f32 $1.000000000e+00, v12;
	v62 =	vadd.f32 v13, v20  }
0x33e: {  	v15 =	vsel vm7, v17, v15  }
0x33f: {  	v14 =	vsel vm7, v16, v14;
	v12 =	vsel vm7, v63, v12;
	v13 =	vsel vm7, v62, v13  }
0x340: {  	_ =	swait.ge [sflag:s23], $0x2400  }
0x341: {  	[sflag:s23] =	ssyncset.done $0x0  }
0x342: {  	[sflag:s23] =	ssyncadd.s32 $0xFFFFDC00  }
0x343: {  	_ =	swait.ge [sflag:s23], $0x2400  }
0x344: {  	[sflag:s23] =	ssyncset.done $0x0  }
0x345: {  	[sflag:s23] =	ssyncadd.s32 $0xFFFFDC00  }
0x346: {  	_ =	swait.ge [sflag:s23], $0x2400  }
0x347: {  	[sflag:s23] =	ssyncset.done $0x0  }
0x348: {  	s26 =	simm.s32 $0x0;
	s28 =	simm.s32 $0x0;
	[sflag:s23] =	ssyncadd.s32 $0xFFFFDC00  }
.LBB2_54:
0x349: {  	s0 =	sshrl.u32 s28, $0x3;
	s1 =	sshll.u32 s28, $0x7  }
0x34a: {  	s29 =	smul.u32 $0xC00, s0;
	s30 =	sand.u32 $0x380, s1  }
0x34b: {  	s6 =	sand.u32 $0x60, s26;
	s4 =	sand.u32 $0xC00, s26;
	s31 =	sor.u32 $0x10, s30  }
0x34c: {  	s1 =	sadd.s32 s29, s4;
	s3 =	sor.u32 s31, s6  }
0x34d: {  	s0 =	sor.u32 s30, s6;
	s3 =	sor.u32 s1, s3  }
0x34e: {  	s0 =	sor.u32 s1, s0;
	v16 =	vld [tilespmem:s3+$0xB400]  }
0x34f: {  	v17 =	vld [tilespmem:s0+$0x9000]  }
0x350: {  	v19 =	vld [tilespmem:s3+$0x9000]  }
0x351: {  	v18 =	vld [tilespmem:s0+$0xB400];
	_ =	sdelay $0x1  }
0x352: {  	v22 =	vld [tilespmem:s0+$0x6C00]  }
0x353: {  	v20 =	vadd.f32 $1.000000010e-01, v17  }
0x354: {  	s5 =	simm.s32 $0x20;
	s1 =	simm.s32 $0x100;
	v21 =	vld [tilespmem:s3+$0x6C00]  }
0x355: {  	s0 =	sand.u32 $0x60, s5;
	s4 =	sand.u32 $0xC00, s1;
	v23 =	vadd.f32 $1.000000010e-01, v19;
	vm7 =	vgt.f32 v16, $2.000000030e-01;
	v20 =	vmax.f32 v20, v18  }
0x356: {  	s4 =	sadd.s32 s29, s4;
	s5 =	sor.u32 s31, s0;
	vm9 =	vgt.f32 v18, $2.000000030e-01;
	vm8 =	vgt.f32 v19, $2.800000010e-01;
	v20 =	vmax.f32 v20, $4.000000060e-01  }
0x357: {  	s6 =	sor.u32 s30, s0;
	s0 =	sor.u32 s4, s5;
	vm11 =	vgt.f32 v17, $2.800000010e-01;
	v23 =	vmax.f32 v23, v16;
	vm10 =	vgt.f32 v22, v20  }
0x358: {  	s3 =	simm.s32 $0x40;
	s4 =	sor.u32 s4, s6;
	v23 =	vmax.f32 v23, $4.000000060e-01;
	v20 =	vld [tilespmem:s0+$0xB400];
	v22 =	vadd.f32 v22, v15;
	vm10 =	vmand vm11, vm10  }
.LBB2_55:
0x359: {  	p0 =	sne.s32 s3, $0x160;
	vm9 =	vmand vm9, vm10;
	v24 =	vadd.f32 v17, v14;
	v17 =	vld [tilespmem:s4+$0x9000];
	vm10 =	vgt.f32 v21, v23  }
0x35a: {  	v25 =	vadd.f32 $1.000000000e+00, v12;
	v23 =	vld [tilespmem:s0+$0x9000];
	v15 =	vsel vm9, v22, v15;
	v22 =	vadd.f32 v18, v13  }
0x35b: {  	vm8 =	vmand vm8, vm10;
	v18 =	vld [tilespmem:s4+$0xB400];
	v14 =	vsel vm9, v24, v14;
	v21 =	vadd.f32 v15, v21  }
0x35c: {  	v12 =	vsel vm9, v25, v12;
	v13 =	vsel vm9, v22, v13;
	v26 =	vadd.f32 v14, v19  }
0x35d: {  	vm7 =	vmand vm7, vm8;
	v25 =	vadd.f32 $1.000000000e+00, v12;
	v22 =	vld [tilespmem:s4+$0x6C00];
	v24 =	vadd.f32 v13, v16;
	v16 =	vmovc v20  }
0x35e: {  	v15 =	vsel vm7, v21, v15;
	v20 =	vadd.f32 $1.000000010e-01, v17  }
.Ltmp26:
0x35f: {  	s1 =	sadd.s32 $0x100, s1;
	v14 =	vsel vm7, v26, v14;
	v12 =	vsel vm7, v25, v12;
	v21 =	vld [tilespmem:s0+$0x6C00];
	v13 =	vsel vm7, v24, v13;
	v19 =	vmovc v23;
	(pc) =	sbr.rel @p0 .LBB2_55-.Ltmp26, $4  }
0x360: {  	s4 =	sand.u32 $0xC00, s1;
	s0 =	sand.u32 $0x60, s3;
	vm7 =	vgt.f32 v16, $2.000000030e-01;
	v20 =	vmax.f32 v20, v18;
	v23 =	vadd.f32 $1.000000010e-01, v19  }
0x361: {  	s4 =	sadd.s32 s29, s4;
	s5 =	sor.u32 s31, s0;
	vm9 =	vgt.f32 v18, $2.000000030e-01;
	vm8 =	vgt.f32 v19, $2.800000010e-01;
	v20 =	vmax.f32 v20, $4.000000060e-01  }
0x362: {  	vm11 =	vgt.f32 v17, $2.800000010e-01;
	s6 =	sor.u32 s30, s0;
	s0 =	sor.u32 s4, s5;
	vm10 =	vgt.f32 v22, v20;
	v23 =	vmax.f32 v23, v16  }
0x363: {  	s3 =	sadd.s32 $0x20, s3;
	s4 =	sor.u32 s4, s6;
	v22 =	vadd.f32 v22, v15;
	v20 =	vld [tilespmem:s0+$0xB400];
	vm10 =	vmand vm11, vm10;
	v23 =	vmax.f32 v23, $4.000000060e-01  }
0x364: {  	v24 =	vld [tilespmem:s4+$0x9000];
	vm9 =	vmand vm9, vm10;
	v17 =	vadd.f32 v17, v14;
	vm12 =	vgt.f32 v21, v23  }
0x365: {  	v52 =	vld [tilespmem:s0+$0x9000];
	v18 =	vadd.f32 v18, v13;
	v53 =	vadd.f32 $1.000000000e+00, v12;
	v15 =	vsel vm9, v22, v15  }
0x366: {  	v25 =	vld [tilespmem:s4+$0xB400];
	vm8 =	vmand vm8, vm12;
	v14 =	vsel vm9, v17, v14;
	v17 =	vadd.f32 v15, v21  }
0x367: {  	v13 =	vsel vm9, v18, v13;
	v12 =	vsel vm9, v53, v12;
	v54 =	vadd.f32 v14, v19  }
0x368: {  	v55 =	vld [tilespmem:s4+$0x6C00];
	vm7 =	vmand vm7, vm8;
	v16 =	vadd.f32 v13, v16;
	v56 =	vadd.f32 $1.000000000e+00, v12  }
0x369: {  	v15 =	vsel vm7, v17, v15;
	v57 =	vadd.f32 $1.000000010e-01, v24  }
0x36a: {  	v14 =	vsel vm7, v54, v14;
	v13 =	vsel vm7, v16, v13;
	v12 =	vsel vm7, v56, v12  }
0x36b: {  	v17 =	vld [tilespmem:s0+$0x6C00];
	v58 =	vadd.f32 $1.000000010e-01, v52;
	vm7 =	vgt.f32 v20, $2.000000030e-01;
	v16 =	vmax.f32 v57, v25  }
0x36c: {  	vm8 =	vgt.f32 v25, $2.000000030e-01;
	vm13 =	vgt.f32 v52, $2.800000010e-01;
	v16 =	vmax.f32 v16, $4.000000060e-01  }
0x36d: {  	vm11 =	vgt.f32 v24, $2.800000010e-01;
	v59 =	vadd.f32 v55, v15;
	vm14 =	vgt.f32 v55, v16  }
0x36e: {  	v60 =	vadd.f32 v24, v14;
	v16 =	vmax.f32 v58, v20;
	vm10 =	vmand vm11, vm14  }
0x36f: {  	s28 =	sadd.s32 $0x1, s28;
	v61 =	vadd.f32 $1.000000000e+00, v12;
	v16 =	vmax.f32 v16, $4.000000060e-01;
	vm8 =	vmand vm8, vm10  }
0x370: {  	p0 =	sne.s32 s28, $0x18;
	vm15 =	vgt.f32 v17, v16;
	v16 =	vadd.f32 v25, v13;
	v15 =	vsel vm8, v59, v15  }
.Ltmp27:
0x371: {  	v14 =	vsel vm8, v60, v14;
	vm9 =	vmand vm13, vm15;
	v12 =	vsel vm8, v61, v12;
	(pc) =	sbr.rel @p0 .LBB2_54-.Ltmp27, $4  }
0x372: {  	v17 =	vadd.f32 v15, v17;
	v13 =	vsel vm8, v16, v13;
	v16 =	vadd.f32 v14, v52  }
0x373: {  	vm7 =	vmand vm7, vm9;
	v63 =	vadd.f32 $1.000000000e+00, v12;
	v62 =	vadd.f32 v13, v20  }
0x374: {  	v15 =	vsel vm7, v17, v15  }
0x375: {  	v14 =	vsel vm7, v16, v14;
	v12 =	vsel vm7, v63, v12;
	v13 =	vsel vm7, v62, v13  }
0x376: {  	v16 =	vperm.xlane v15, v0  }
0x377: {  	v17 =	vperm.xlane v14, v0  }
0x378: {  	v44 =	vperm.xlane v13, v0;
	v15 =	vadd.f32 v16, v15  }
0x379: {  	v45 =	vperm.xlane v12, v0;
	v14 =	vadd.f32 v17, v14  }
0x37a: {  	v13 =	vadd.f32 v44, v13;
	v46 =	vperm.xlane v15, v1  }
0x37b: {  	v12 =	vadd.f32 v45, v12;
	v47 =	vperm.xlane v14, v1  }
0x37c: {  	v48 =	vperm.xlane v13, v1;
	v15 =	vadd.f32 v46, v15  }
0x37d: {  	v7 =	vadd.f32 v11, v7;
	v50 =	vperm.xlane v12, v1;
	v49 =	vadd.f32 v47, v14  }
0x37e: {  	v6 =	vadd.f32 v10, v6;
	v51 =	vadd.f32 v48, v13;
	v52 =	vperm.xlane v15, v2  }
0x37f: {  	v5 =	vadd.f32 v9, v5;
	v12 =	vadd.f32 v50, v12;
	v53 =	vperm.xlane v49, v2  }
0x380: {  	v4 =	vadd.f32 v8, v4;
	v55 =	vperm.xlane v51, v2;
	v54 =	vadd.f32 v52, v15  }
0x381: {  	vm7 =	vmmov $0x1;
	v56 =	vperm.xlane v12, v2;
	v9 =	vadd.f32 v53, v49  }
0x382: {  	v7 =	vnsel vm7, $0x0, v7;
	v10 =	vadd.f32 v55, v51;
	v57 =	vperm.xlane v54, v3  }
0x383: {  	v6 =	vsel vm0, v7, v6;
	v11 =	vadd.f32 v56, v12;
	v58 =	vperm.xlane v9, v3  }
0x384: {  	v5 =	vsel vm1, v6, v5;
	v60 =	vperm.xlane v10, v3;
	v59 =	vadd.f32 v57, v54  }
0x385: {  	v4 =	vsel vm2, v5, v4;
	v62 =	vperm.xlane v11, v3;
	v61 =	vadd.f32 v58, v9  }
0x386: {  	v5 =	vadd.f32 v60, v10;
	v4 =	vsel vm3, v4, v59  }
0x387: {  	v63 =	vadd.f32 v62, v11;
	v4 =	vsel vm4, v4, v61  }
0x388: {  	s25 =	sadd.s32 $0x1, s25;
	v4 =	vsel vm5, v4, v5  }
0x389: {  	p0 =	sne.s32 s25, s16;
	v4 =	vsel vm6, v4, v63  }
.Ltmp28:
0x38a: {  	s0 =	rddreg [dreg:$0x17];
	s1 =	simm.s32 $0xD800;
	[tilespmem:$0xD800] =	vst v4;
	(pc) =	sbr.rel @p0 .LBB2_1-.Ltmp28, $4  }
0x38b: {  	[hbm4b:s0+s2] =	stream.linear.scatter [tilespmem:s1], [sflag:$0x3], $0x10, $0x38;
	[tilespmem:$0xD880] =	vst v63  }
0x38c: {  	_ =	swait.ge [sflag:s24], $0x10  }
0x38d: {  	[sflag:s24] =	ssyncset.done $0x0  }
0x38e: {  	[sflag:s24] =	ssyncadd.s32 $0xFFFFFFF0  }
0x38f: {  	_ =	sfence.sel $0x180000  }
0x390: {  	[bflag:$0x0] =	sbarrier.arrive $0xFFFF  }
0x391: {  	_ =	strace $0x90000047  }
0x392: {  	s0 =	stileid.u32;
	[bflag:$0x2] =	sbarrier.arrive $0xFFFF  }
0x393: {  	p0 =	sne.s32 s0, $0x0;
	s0 =	rddreg [dreg:$0x2]  }
0x394: {  	s0 =	sadd.s32 @!p0 $0x100000, s0  }
0x395: {  	[sflag:s0] =	ssyncadd.tile.s32 @!p0 $0x1;
	_ =	shalt  }
.Lfunc_end2:
_tile_overlayer_lowered:
.L_overlay_start_2:
0x396: {  	(tag) =	ssettag $0x2  }
0x397: {  	s0 =	rddreg [dreg:$0x0];
	s2 =	stileid.u32  }
0x398: {  	s1 =	rddreg [dreg:$0x1];
	p0 =	sne.s32 s2, $0x0  }
0x399: {  	s3 =	rddreg [dreg:$0x2];
	[bflag:$0x3] =	sbarrier.arrive $0xFFFF;
	s2 =	simm.s32 @!p0 $0x1C03  }
0x39a: {  	[timem:s3], [sflag:s2] =	dma.local @!p0 [hbm:s0], s1  }
0x39b: {  	s0 =	simm.s32 @!p0 $0x3  }
0x39c: {  	_ =	swait.ge @!p0 [sflag:s0], s1  }
0x39d: {  	s1 =	ssub.s32 @!p0 $0x0, s1;
	[sflag:s0] =	ssyncset.done @!p0 $0x0  }
0x39e: {  	[sflag:s0] =	ssyncadd.s32 @!p0 s1  }
0x39f: {  	[bflag:$0x3] =	sbarrier.arrive $0xFFFF  }
0x3a0: {  	_ =	shalt  }

</sc_bundles>
